<compile_context>
chip_gen: v7x
topology: tpu7x:2x2x1
jax: 0.10.2.dev20260603
libtpu: 0.0.44.dev20260713+nightly
codegen_flags: <defaults>
</compile_context>

<pallas_src>
import math

import jax
import jax.numpy as jnp
from jax import lax
from jax.experimental import pallas as pl
from jax.experimental.pallas import tpu as pltpu
from jax.experimental.pallas import tpu_sc as plsc

_HIDDEN = 64
_SCALE = math.sqrt(float(_HIDDEN))
_SEQ = 200
_BATCH = 4096
_NC, _NS = 2, 16
_NW = _NC * _NS
_BPW = _BATCH // _NW
_CR = 2
_G = _SEQ // _CR
_NB = 3
_L = 16
_CH = _HIDDEN // 8


def _emb_body(xt_hbm, table_hbm, out_hbm, idx_v, rows_v, tout_v,
              gs0, gs1, gs2, ss0, ss1, ss2):
    gsems = (gs0, gs1, gs2)
    ssems = (ss0, ss1, ss2)
    wid = lax.axis_index("s") * _NC + lax.axis_index("c")

    lane = lax.iota(jnp.int32, _L)
    zero16 = jnp.zeros((_L,), jnp.int32)
    ch_idx = [lane // 8 + 2 * k for k in range(_HIDDEN // _L)]
    cl_idx = [lane % 8 for _ in range(_HIDDEN // _L)]

    def fire_gather(g, b):
        pltpu.sync_copy(xt_hbm.at[wid, pl.ds(g * _CR, _CR)], idx_v.at[b])
        for j in range(_CR):
            pltpu.async_copy(table_hbm.at[idx_v.at[b, j]], rows_v.at[b, j],
                             gsems[b])

    def drain_gather(b):
        for j in range(_CR):
            pltpu.make_async_copy(table_hbm.at[idx_v.at[b, j]],
                                  rows_v.at[b, j], gsems[b]).wait()

    def transpose_scale(b):
        for j in range(_CR):
            @pl.loop(0, _BPW, unroll=4)
            def _(bl):
                bls = zero16 + bl
                for k in range(_HIDDEN // _L):
                    v = rows_v[b, j, bl, pl.ds(k * _L, _L)] * _SCALE
                    plsc.store_scatter(tout_v.at[b, j],
                                       [ch_idx[k], zero16, cl_idx[k], bls],
                                       v)

    def fire_scatter(g, b):
        for j in range(_CR):
            pltpu.async_copy(
                tout_v.at[b, j, pl.ds(0, _CH), pl.ds(0, 1), pl.ds(0, 8),
                          pl.ds(0, _BPW)],
                out_hbm.at[pl.ds((g * _CR + j) * _CH, _CH), pl.ds(wid, 1)],
                ssems[b])

    def drain_scatter(g, b):
        for j in range(_CR):
            pltpu.make_async_copy(
                tout_v.at[b, j, pl.ds(0, _CH), pl.ds(0, 1), pl.ds(0, 8),
                          pl.ds(0, _BPW)],
                out_hbm.at[pl.ds((g * _CR + j) * _CH, _CH), pl.ds(wid, 1)],
                ssems[b]).wait()

    fire_gather(0, 0)

    @pl.loop(0, _G + (-_G % _NB), step=_NB)
    def _(g0):
        for b in range(_NB):
            g = g0 + b
            nb = (b + 1) % _NB

            @pl.when(g < _G)
            def _():
                @pl.when(g + 1 < _G)
                def _():
                    @pl.when(g >= 2)
                    def _():
                        drain_scatter(g - 2, nb)
                    fire_gather(g + 1, nb)

                drain_gather(b)
                transpose_scale(b)
                fire_scatter(g, b)

    for g in range(_G - _NB, _G):
        drain_scatter(g, g % _NB)


@jax.jit
def kernel(x, table):
    xt = x.T.reshape(_SEQ, _NW, _BPW).transpose(1, 0, 2)
    mesh = plsc.VectorSubcoreMesh(core_axis_name="c", subcore_axis_name="s")
    out = pl.kernel(
        _emb_body,
        out_type=jax.ShapeDtypeStruct((_SEQ * _CH, _NW, 8, _BPW),
                                      jnp.float32),
        mesh=mesh,
        compiler_params=pltpu.CompilerParams(use_tc_tiling_on_sc=False,
                                             needs_layout_passes=False),
        scratch_types=[
            pltpu.VMEM((_NB, _CR, _BPW), jnp.int32),
            pltpu.VMEM((_NB, _CR, _BPW, _HIDDEN), jnp.float32),
            pltpu.VMEM((_NB, _CR, _CH, 1, 8, _BPW + 1), jnp.float32),
            pltpu.SemaphoreType.DMA,
            pltpu.SemaphoreType.DMA,
            pltpu.SemaphoreType.DMA,
            pltpu.SemaphoreType.DMA,
            pltpu.SemaphoreType.DMA,
            pltpu.SemaphoreType.DMA,
        ],
    )(xt, table)
    out5 = out.reshape(_SEQ, _CH, _NW, 8, _BPW)
    return out5.transpose(2, 4, 0, 1, 3).reshape(_BATCH, _SEQ, _HIDDEN)

# --- scband reference (transcript-rebuilt; emitter-appended) ---
"""Pipeline reference for scband-transformer-embedding-25589415149916 (READ-ONLY COPY).

The authoritative reference and input builder live on the scoring server;
editing this copy changes nothing except your own understanding.
"""

import jax, jax.numpy as jnp
import numpy as np
import math

VOCAB = 1000000
HIDDEN = 64
PADDING_ID = 0


def setup_inputs(seed: int = 0) -> dict:
    key = jax.random.key(seed)
    k1, k2 = jax.random.split(key)
    x = jax.random.randint(k1, (4096, 200), 0, VOCAB, dtype=jnp.int32)
    table = jax.random.normal(k2, (VOCAB, HIDDEN), dtype=jnp.float32)
    # nn.Embedding with padding_idx zeroes that row
    table = table.at[PADDING_ID].set(0.0)
    return {"x": x, "table": table}


def reference(x, table):
    # TransformerEmbedding.forward: embedding(x) * sqrt(hidden_size)
    emb = jnp.take(table, x, axis=0)
    return emb * math.sqrt(float(HIDDEN))

if __name__ == "__main__":
    import jax
    _d = setup_inputs()
    print(jax.jit(kernel)(*tuple(_d.values())))

</pallas_src>

<mosaic_0001>
#map = affine_map<(d0, d1) -> (0, 0, 0)>
#map1 = affine_map<(d0, d1) -> (0, 0)>
#map2 = affine_map<(d0, d1) -> (0, 0, 0, 0)>
module attributes {stable_mosaic.version = 14 : i64} {
  func.func @_emb_body(%arg0: i32, %arg1: i32, %arg2: memref<32x200x128xi32, #tpu.memory_space<hbm>>, %arg3: memref<1000000x64xf32, #tpu.memory_space<hbm>>, %arg4: memref<1600x32x8x128xf32, #tpu.memory_space<hbm>>, %arg5: memref<3x2x128xi32, #tpu.memory_space<vmem>>, %arg6: memref<3x2x128x64xf32, #tpu.memory_space<vmem>>, %arg7: memref<3x2x8x1x8x129xf32, #tpu.memory_space<vmem>>, %arg8: memref<!tpu.dma_semaphore, #tpu.memory_space<semaphore_mem>>, %arg9: memref<!tpu.dma_semaphore, #tpu.memory_space<semaphore_mem>>, %arg10: memref<!tpu.dma_semaphore, #tpu.memory_space<semaphore_mem>>, %arg11: memref<!tpu.dma_semaphore, #tpu.memory_space<semaphore_mem>>, %arg12: memref<!tpu.dma_semaphore, #tpu.memory_space<semaphore_mem>>, %arg13: memref<!tpu.dma_semaphore, #tpu.memory_space<semaphore_mem>>) attributes {dimension_semantics = [#tpu.dimension_semantics<core_parallel>, #tpu.dimension_semantics<subcore_parallel>], iteration_bounds = array<i64: 2, 16>, scalar_prefetch = 0 : i64, scratch_operands = 9 : i64, tpu.core_type = #tpu.core_type<sc_vector_subcore>, window_params = [{transform_indices = #map}, {transform_indices = #map1}, {transform_indices = #map2}]} {
    %mul3A = arith.constant 2 : i32
    %mul3A_0 = arith.muli %arg1, %mul3A : i32
    %add3A = arith.addi %mul3A_0, %arg0 : i32
    %iota3A = tpu.iota {dimensions = array<i32: 0>} : vector<16xi32>
    %broadcast_in_dim3A = arith.constant 0 : i32
    %broadcast_in_dim3A_1 = vector.broadcast %broadcast_in_dim3A : i32 to vector<16xi32>
    %jit3A = arith.constant 8 : i32
    %div3A = vector.broadcast %jit3A : i32 to vector<16xi32>
    %div3A_2 = arith.divsi %iota3A, %div3A : vector<16xi32>
    %sign3A = arith.constant 0 : i32
    %sign3A_3 = vector.broadcast %sign3A : i32 to vector<16xi32>
    %sign3A_4 = arith.cmpi sgt, %iota3A, %sign3A_3 : vector<16xi32>
    %sign3A_5 = arith.extui %sign3A_4 : vector<16xi1> to vector<16xi32>
    %sign3A_6 = arith.constant 0 : i32
    %sign3A_7 = vector.broadcast %sign3A_6 : i32 to vector<16xi32>
    %sign3A_8 = arith.cmpi slt, %iota3A, %sign3A_7 : vector<16xi32>
    %sign3A_9 = arith.extui %sign3A_8 : vector<16xi1> to vector<16xi32>
    %sign3A_10 = arith.subi %sign3A_5, %sign3A_9 : vector<16xi32>
    %sign3A_11 = arith.constant 0 : i32
    %sign3A_12 = arith.cmpi sgt, %jit3A, %sign3A_11 : i32
    %sign3A_13 = arith.extui %sign3A_12 : i1 to i32
    %sign3A_14 = arith.constant 0 : i32
    %sign3A_15 = arith.cmpi slt, %jit3A, %sign3A_14 : i32
    %sign3A_16 = arith.extui %sign3A_15 : i1 to i32
    %sign3A_17 = arith.subi %sign3A_13, %sign3A_16 : i32
    %ne3A = vector.broadcast %sign3A_17 : i32 to vector<16xi32>
    %ne3A_18 = arith.cmpi ne, %sign3A_10, %ne3A : vector<16xi32>
    %rem3A = vector.broadcast %jit3A : i32 to vector<16xi32>
    %rem3A_19 = arith.remsi %iota3A, %rem3A : vector<16xi32>
    %ne3A_20 = arith.constant 0 : i32
    %ne3A_21 = vector.broadcast %ne3A_20 : i32 to vector<16xi32>
    %ne3A_22 = arith.cmpi ne, %rem3A_19, %ne3A_21 : vector<16xi32>
    %and3A = arith.andi %ne3A_18, %ne3A_22 : vector<16xi1>
    %sub3A = arith.constant 1 : i32
    %sub3A_23 = vector.broadcast %sub3A : i32 to vector<16xi32>
    %sub3A_24 = arith.subi %div3A_2, %sub3A_23 : vector<16xi32>
    %select_n3A = arith.select %and3A, %sub3A_24, %div3A_2 : vector<16xi1>, vector<16xi32>
    %add3A_25 = arith.constant 0 : i32
    %add3A_26 = vector.broadcast %add3A_25 : i32 to vector<16xi32>
    %add3A_27 = arith.addi %select_n3A, %add3A_26 : vector<16xi32>
    %jit3A_28 = arith.constant 8 : i32
    %div3A_29 = vector.broadcast %jit3A_28 : i32 to vector<16xi32>
    %div3A_30 = arith.divsi %iota3A, %div3A_29 : vector<16xi32>
    %sign3A_31 = arith.constant 0 : i32
    %sign3A_32 = vector.broadcast %sign3A_31 : i32 to vector<16xi32>
    %sign3A_33 = arith.cmpi sgt, %iota3A, %sign3A_32 : vector<16xi32>
    %sign3A_34 = arith.extui %sign3A_33 : vector<16xi1> to vector<16xi32>
    %sign3A_35 = arith.constant 0 : i32
    %sign3A_36 = vector.broadcast %sign3A_35 : i32 to vector<16xi32>
    %sign3A_37 = arith.cmpi slt, %iota3A, %sign3A_36 : vector<16xi32>
    %sign3A_38 = arith.extui %sign3A_37 : vector<16xi1> to vector<16xi32>
    %sign3A_39 = arith.subi %sign3A_34, %sign3A_38 : vector<16xi32>
    %sign3A_40 = arith.constant 0 : i32
    %sign3A_41 = arith.cmpi sgt, %jit3A_28, %sign3A_40 : i32
    %sign3A_42 = arith.extui %sign3A_41 : i1 to i32
    %sign3A_43 = arith.constant 0 : i32
    %sign3A_44 = arith.cmpi slt, %jit3A_28, %sign3A_43 : i32
    %sign3A_45 = arith.extui %sign3A_44 : i1 to i32
    %sign3A_46 = arith.subi %sign3A_42, %sign3A_45 : i32
    %ne3A_47 = vector.broadcast %sign3A_46 : i32 to vector<16xi32>
    %ne3A_48 = arith.cmpi ne, %sign3A_39, %ne3A_47 : vector<16xi32>
    %rem3A_49 = vector.broadcast %jit3A_28 : i32 to vector<16xi32>
    %rem3A_50 = arith.remsi %iota3A, %rem3A_49 : vector<16xi32>
    %ne3A_51 = arith.constant 0 : i32
    %ne3A_52 = vector.broadcast %ne3A_51 : i32 to vector<16xi32>
    %ne3A_53 = arith.cmpi ne, %rem3A_50, %ne3A_52 : vector<16xi32>
    %and3A_54 = arith.andi %ne3A_48, %ne3A_53 : vector<16xi1>
    %sub3A_55 = arith.constant 1 : i32
    %sub3A_56 = vector.broadcast %sub3A_55 : i32 to vector<16xi32>
    %sub3A_57 = arith.subi %div3A_30, %sub3A_56 : vector<16xi32>
    %select_n3A_58 = arith.select %and3A_54, %sub3A_57, %div3A_30 : vector<16xi1>, vector<16xi32>
    %add3A_59 = arith.constant 2 : i32
    %add3A_60 = vector.broadcast %add3A_59 : i32 to vector<16xi32>
    %add3A_61 = arith.addi %select_n3A_58, %add3A_60 : vector<16xi32>
    %jit3A_62 = arith.constant 8 : i32
    %div3A_63 = vector.broadcast %jit3A_62 : i32 to vector<16xi32>
    %div3A_64 = arith.divsi %iota3A, %div3A_63 : vector<16xi32>
    %sign3A_65 = arith.constant 0 : i32
    %sign3A_66 = vector.broadcast %sign3A_65 : i32 to vector<16xi32>
    %sign3A_67 = arith.cmpi sgt, %iota3A, %sign3A_66 : vector<16xi32>
    %sign3A_68 = arith.extui %sign3A_67 : vector<16xi1> to vector<16xi32>
    %sign3A_69 = arith.constant 0 : i32
    %sign3A_70 = vector.broadcast %sign3A_69 : i32 to vector<16xi32>
    %sign3A_71 = arith.cmpi slt, %iota3A, %sign3A_70 : vector<16xi32>
    %sign3A_72 = arith.extui %sign3A_71 : vector<16xi1> to vector<16xi32>
    %sign3A_73 = arith.subi %sign3A_68, %sign3A_72 : vector<16xi32>
    %sign3A_74 = arith.constant 0 : i32
    %sign3A_75 = arith.cmpi sgt, %jit3A_62, %sign3A_74 : i32
    %sign3A_76 = arith.extui %sign3A_75 : i1 to i32
    %sign3A_77 = arith.constant 0 : i32
    %sign3A_78 = arith.cmpi slt, %jit3A_62, %sign3A_77 : i32
    %sign3A_79 = arith.extui %sign3A_78 : i1 to i32
    %sign3A_80 = arith.subi %sign3A_76, %sign3A_79 : i32
    %ne3A_81 = vector.broadcast %sign3A_80 : i32 to vector<16xi32>
    %ne3A_82 = arith.cmpi ne, %sign3A_73, %ne3A_81 : vector<16xi32>
    %rem3A_83 = vector.broadcast %jit3A_62 : i32 to vector<16xi32>
    %rem3A_84 = arith.remsi %iota3A, %rem3A_83 : vector<16xi32>
    %ne3A_85 = arith.constant 0 : i32
    %ne3A_86 = vector.broadcast %ne3A_85 : i32 to vector<16xi32>
    %ne3A_87 = arith.cmpi ne, %rem3A_84, %ne3A_86 : vector<16xi32>
    %and3A_88 = arith.andi %ne3A_82, %ne3A_87 : vector<16xi1>
    %sub3A_89 = arith.constant 1 : i32
    %sub3A_90 = vector.broadcast %sub3A_89 : i32 to vector<16xi32>
    %sub3A_91 = arith.subi %div3A_64, %sub3A_90 : vector<16xi32>
    %select_n3A_92 = arith.select %and3A_88, %sub3A_91, %div3A_64 : vector<16xi1>, vector<16xi32>
    %add3A_93 = arith.constant 4 : i32
    %add3A_94 = vector.broadcast %add3A_93 : i32 to vector<16xi32>
    %add3A_95 = arith.addi %select_n3A_92, %add3A_94 : vector<16xi32>
    %jit3A_96 = arith.constant 8 : i32
    %div3A_97 = vector.broadcast %jit3A_96 : i32 to vector<16xi32>
    %div3A_98 = arith.divsi %iota3A, %div3A_97 : vector<16xi32>
    %sign3A_99 = arith.constant 0 : i32
    %sign3A_100 = vector.broadcast %sign3A_99 : i32 to vector<16xi32>
    %sign3A_101 = arith.cmpi sgt, %iota3A, %sign3A_100 : vector<16xi32>
    %sign3A_102 = arith.extui %sign3A_101 : vector<16xi1> to vector<16xi32>
    %sign3A_103 = arith.constant 0 : i32
    %sign3A_104 = vector.broadcast %sign3A_103 : i32 to vector<16xi32>
    %sign3A_105 = arith.cmpi slt, %iota3A, %sign3A_104 : vector<16xi32>
    %sign3A_106 = arith.extui %sign3A_105 : vector<16xi1> to vector<16xi32>
    %sign3A_107 = arith.subi %sign3A_102, %sign3A_106 : vector<16xi32>
    %sign3A_108 = arith.constant 0 : i32
    %sign3A_109 = arith.cmpi sgt, %jit3A_96, %sign3A_108 : i32
    %sign3A_110 = arith.extui %sign3A_109 : i1 to i32
    %sign3A_111 = arith.constant 0 : i32
    %sign3A_112 = arith.cmpi slt, %jit3A_96, %sign3A_111 : i32
    %sign3A_113 = arith.extui %sign3A_112 : i1 to i32
    %sign3A_114 = arith.subi %sign3A_110, %sign3A_113 : i32
    %ne3A_115 = vector.broadcast %sign3A_114 : i32 to vector<16xi32>
    %ne3A_116 = arith.cmpi ne, %sign3A_107, %ne3A_115 : vector<16xi32>
    %rem3A_117 = vector.broadcast %jit3A_96 : i32 to vector<16xi32>
    %rem3A_118 = arith.remsi %iota3A, %rem3A_117 : vector<16xi32>
    %ne3A_119 = arith.constant 0 : i32
    %ne3A_120 = vector.broadcast %ne3A_119 : i32 to vector<16xi32>
    %ne3A_121 = arith.cmpi ne, %rem3A_118, %ne3A_120 : vector<16xi32>
    %and3A_122 = arith.andi %ne3A_116, %ne3A_121 : vector<16xi1>
    %sub3A_123 = arith.constant 1 : i32
    %sub3A_124 = vector.broadcast %sub3A_123 : i32 to vector<16xi32>
    %sub3A_125 = arith.subi %div3A_98, %sub3A_124 : vector<16xi32>
    %select_n3A_126 = arith.select %and3A_122, %sub3A_125, %div3A_98 : vector<16xi1>, vector<16xi32>
    %add3A_127 = arith.constant 6 : i32
    %add3A_128 = vector.broadcast %add3A_127 : i32 to vector<16xi32>
    %add3A_129 = arith.addi %select_n3A_126, %add3A_128 : vector<16xi32>
    %jit3A_130 = arith.constant 8 : i32
    %eq3A = arith.constant 0 : i32
    %eq3A_131 = arith.cmpi eq, %jit3A_130, %eq3A : i32
    %jit3A_132 = arith.constant 1 : i32
    %select_n3A_133 = arith.select %eq3A_131, %jit3A_132, %jit3A_130 : i32
    %rem3A_134 = vector.broadcast %select_n3A_133 : i32 to vector<16xi32>
    %rem3A_135 = arith.remsi %iota3A, %rem3A_134 : vector<16xi32>
    %ne3A_136 = arith.constant 0 : i32
    %ne3A_137 = vector.broadcast %ne3A_136 : i32 to vector<16xi32>
    %ne3A_138 = arith.cmpi ne, %rem3A_135, %ne3A_137 : vector<16xi32>
    %lt3A = arith.constant 0 : i32
    %lt3A_139 = vector.broadcast %lt3A : i32 to vector<16xi32>
    %lt3A_140 = arith.cmpi slt, %rem3A_135, %lt3A_139 : vector<16xi32>
    %lt3A_141 = arith.constant 0 : i32
    %lt3A_142 = arith.cmpi slt, %select_n3A_133, %lt3A_141 : i32
    %ne3A_143 = vector.broadcast %lt3A_142 : i1 to vector<16xi1>
    %ne3A_144 = vector.broadcast %ne3A_143 : vector<16xi1> to vector<16xi1>
    %ne3A_145 = arith.xori %lt3A_140, %ne3A_144 : vector<16xi1>
    %and3A_146 = arith.andi %ne3A_145, %ne3A_138 : vector<16xi1>
    %add3A_147 = vector.broadcast %select_n3A_133 : i32 to vector<16xi32>
    %add3A_148 = arith.addi %rem3A_135, %add3A_147 : vector<16xi32>
    %select_n3A_149 = arith.select %and3A_146, %add3A_148, %rem3A_135 : vector<16xi1>, vector<16xi32>
    %jit3A_150 = arith.constant 8 : i32
    %eq3A_151 = arith.constant 0 : i32
    %eq3A_152 = arith.cmpi eq, %jit3A_150, %eq3A_151 : i32
    %jit3A_153 = arith.constant 1 : i32
    %select_n3A_154 = arith.select %eq3A_152, %jit3A_153, %jit3A_150 : i32
    %rem3A_155 = vector.broadcast %select_n3A_154 : i32 to vector<16xi32>
    %rem3A_156 = arith.remsi %iota3A, %rem3A_155 : vector<16xi32>
    %ne3A_157 = arith.constant 0 : i32
    %ne3A_158 = vector.broadcast %ne3A_157 : i32 to vector<16xi32>
    %ne3A_159 = arith.cmpi ne, %rem3A_156, %ne3A_158 : vector<16xi32>
    %lt3A_160 = arith.constant 0 : i32
    %lt3A_161 = vector.broadcast %lt3A_160 : i32 to vector<16xi32>
    %lt3A_162 = arith.cmpi slt, %rem3A_156, %lt3A_161 : vector<16xi32>
    %lt3A_163 = arith.constant 0 : i32
    %lt3A_164 = arith.cmpi slt, %select_n3A_154, %lt3A_163 : i32
    %ne3A_165 = vector.broadcast %lt3A_164 : i1 to vector<16xi1>
    %ne3A_166 = vector.broadcast %ne3A_165 : vector<16xi1> to vector<16xi1>
    %ne3A_167 = arith.xori %lt3A_162, %ne3A_166 : vector<16xi1>
    %and3A_168 = arith.andi %ne3A_167, %ne3A_159 : vector<16xi1>
    %add3A_169 = vector.broadcast %select_n3A_154 : i32 to vector<16xi32>
    %add3A_170 = arith.addi %rem3A_156, %add3A_169 : vector<16xi32>
    %select_n3A_171 = arith.select %and3A_168, %add3A_170, %rem3A_156 : vector<16xi1>, vector<16xi32>
    %jit3A_172 = arith.constant 8 : i32
    %eq3A_173 = arith.constant 0 : i32
    %eq3A_174 = arith.cmpi eq, %jit3A_172, %eq3A_173 : i32
    %jit3A_175 = arith.constant 1 : i32
    %select_n3A_176 = arith.select %eq3A_174, %jit3A_175, %jit3A_172 : i32
    %rem3A_177 = vector.broadcast %select_n3A_176 : i32 to vector<16xi32>
    %rem3A_178 = arith.remsi %iota3A, %rem3A_177 : vector<16xi32>
    %ne3A_179 = arith.constant 0 : i32
    %ne3A_180 = vector.broadcast %ne3A_179 : i32 to vector<16xi32>
    %ne3A_181 = arith.cmpi ne, %rem3A_178, %ne3A_180 : vector<16xi32>
    %lt3A_182 = arith.constant 0 : i32
    %lt3A_183 = vector.broadcast %lt3A_182 : i32 to vector<16xi32>
    %lt3A_184 = arith.cmpi slt, %rem3A_178, %lt3A_183 : vector<16xi32>
    %lt3A_185 = arith.constant 0 : i32
    %lt3A_186 = arith.cmpi slt, %select_n3A_176, %lt3A_185 : i32
    %ne3A_187 = vector.broadcast %lt3A_186 : i1 to vector<16xi1>
    %ne3A_188 = vector.broadcast %ne3A_187 : vector<16xi1> to vector<16xi1>
    %ne3A_189 = arith.xori %lt3A_184, %ne3A_188 : vector<16xi1>
    %and3A_190 = arith.andi %ne3A_189, %ne3A_181 : vector<16xi1>
    %add3A_191 = vector.broadcast %select_n3A_176 : i32 to vector<16xi32>
    %add3A_192 = arith.addi %rem3A_178, %add3A_191 : vector<16xi32>
    %select_n3A_193 = arith.select %and3A_190, %add3A_192, %rem3A_178 : vector<16xi1>, vector<16xi32>
    %jit3A_194 = arith.constant 8 : i32
    %eq3A_195 = arith.constant 0 : i32
    %eq3A_196 = arith.cmpi eq, %jit3A_194, %eq3A_195 : i32
    %jit3A_197 = arith.constant 1 : i32
    %select_n3A_198 = arith.select %eq3A_196, %jit3A_197, %jit3A_194 : i32
    %rem3A_199 = vector.broadcast %select_n3A_198 : i32 to vector<16xi32>
    %rem3A_200 = arith.remsi %iota3A, %rem3A_199 : vector<16xi32>
    %ne3A_201 = arith.constant 0 : i32
    %ne3A_202 = vector.broadcast %ne3A_201 : i32 to vector<16xi32>
    %ne3A_203 = arith.cmpi ne, %rem3A_200, %ne3A_202 : vector<16xi32>
    %lt3A_204 = arith.constant 0 : i32
    %lt3A_205 = vector.broadcast %lt3A_204 : i32 to vector<16xi32>
    %lt3A_206 = arith.cmpi slt, %rem3A_200, %lt3A_205 : vector<16xi32>
    %lt3A_207 = arith.constant 0 : i32
    %lt3A_208 = arith.cmpi slt, %select_n3A_198, %lt3A_207 : i32
    %ne3A_209 = vector.broadcast %lt3A_208 : i1 to vector<16xi1>
    %ne3A_210 = vector.broadcast %ne3A_209 : vector<16xi1> to vector<16xi1>
    %ne3A_211 = arith.xori %lt3A_206, %ne3A_210 : vector<16xi1>
    %and3A_212 = arith.andi %ne3A_211, %ne3A_203 : vector<16xi1>
    %add3A_213 = vector.broadcast %select_n3A_198 : i32 to vector<16xi32>
    %add3A_214 = arith.addi %rem3A_200, %add3A_213 : vector<16xi32>
    %select_n3A_215 = arith.select %and3A_212, %add3A_214, %rem3A_200 : vector<16xi1>, vector<16xi32>
    %run_scoped3A = arith.constant 0 : i32
    "tpu.region"() ({
      %run_scoped3A_378 = tpu.sem_alloc : memref<!tpu.dma_semaphore, #tpu.memory_space<semaphore_mem>>
      %dma_start3A_379 = arith.constant 0 : i32
      %dma_start3A_380 = arith.constant 0 : i32
      %dma_start3A_381 = tpu.memref_slice %arg5[%run_scoped3A, %dma_start3A_379, %dma_start3A_380] : memref<3x2x128xi32, #tpu.memory_space<vmem>> -> memref<1x2x128xi32, #tpu.memory_space<vmem>>
      %dma_start3A_382 = tpu.memref_squeeze %dma_start3A_381 : memref<1x2x128xi32, #tpu.memory_space<vmem>> -> memref<2x128xi32, #tpu.memory_space<vmem>>
      %dma_start3A_383 = arith.constant 0 : i32
      %dma_start3A_384 = arith.constant 0 : i32
      %dma_start3A_385 = tpu.memref_slice %arg2[%add3A, %dma_start3A_383, %dma_start3A_384] : memref<32x200x128xi32, #tpu.memory_space<hbm>> -> memref<1x2x128xi32, #tpu.memory_space<hbm>>
      %dma_start3A_386 = tpu.memref_squeeze %dma_start3A_385 : memref<1x2x128xi32, #tpu.memory_space<hbm>> -> memref<2x128xi32, #tpu.memory_space<hbm>>
      %dma_start3A_387 = arith.constant 0 : i32
      %dma_start3A_388 = arith.constant 0 : i32
      %dma_start3A_389 = tpu.memref_slice %arg5[%run_scoped3A, %dma_start3A_387, %dma_start3A_388] : memref<3x2x128xi32, #tpu.memory_space<vmem>> -> memref<1x2x128xi32, #tpu.memory_space<vmem>>
      %dma_start3A_390 = tpu.memref_squeeze %dma_start3A_389 : memref<1x2x128xi32, #tpu.memory_space<vmem>> -> memref<2x128xi32, #tpu.memory_space<vmem>>
      %dma_start3A_391 = arith.constant 0 : i32
      %dma_start3A_392 = arith.constant 0 : i32
      %dma_start3A_393 = tpu.memref_slice %arg2[%add3A, %dma_start3A_391, %dma_start3A_392] : memref<32x200x128xi32, #tpu.memory_space<hbm>> -> memref<1x2x128xi32, #tpu.memory_space<hbm>>
      %dma_start3A_394 = tpu.memref_squeeze %dma_start3A_393 : memref<1x2x128xi32, #tpu.memory_space<hbm>> -> memref<2x128xi32, #tpu.memory_space<hbm>>
      tpu.enqueue_dma source(%dma_start3A_394 : memref<2x128xi32, #tpu.memory_space<hbm>>) target(%dma_start3A_390 : memref<2x128xi32, #tpu.memory_space<vmem>>) target_semaphore(%run_scoped3A_378 : memref<!tpu.dma_semaphore, #tpu.memory_space<semaphore_mem>>)
      %dma_wait3A_395 = arith.constant 0 : i32
      %dma_wait3A_396 = arith.constant 0 : i32
      %dma_wait3A_397 = tpu.memref_slice %arg5[%run_scoped3A, %dma_wait3A_395, %dma_wait3A_396] : memref<3x2x128xi32, #tpu.memory_space<vmem>> -> memref<1x2x128xi32, #tpu.memory_space<vmem>>
      %dma_wait3A_398 = tpu.memref_squeeze %dma_wait3A_397 : memref<1x2x128xi32, #tpu.memory_space<vmem>> -> memref<2x128xi32, #tpu.memory_space<vmem>>
      %dma_wait3A_399 = arith.constant 0 : i32
      %dma_wait3A_400 = arith.constant 0 : i32
      %dma_wait3A_401 = tpu.memref_slice %arg2[%add3A, %dma_wait3A_399, %dma_wait3A_400] : memref<32x200x128xi32, #tpu.memory_space<hbm>> -> memref<1x2x128xi32, #tpu.memory_space<hbm>>
      %dma_wait3A_402 = tpu.memref_squeeze %dma_wait3A_401 : memref<1x2x128xi32, #tpu.memory_space<hbm>> -> memref<2x128xi32, #tpu.memory_space<hbm>>
      %dma_wait3A_403 = arith.constant 0 : i32
      %dma_wait3A_404 = arith.constant 0 : i32
      %dma_wait3A_405 = tpu.memref_slice %arg5[%run_scoped3A, %dma_wait3A_403, %dma_wait3A_404] : memref<3x2x128xi32, #tpu.memory_space<vmem>> -> memref<1x2x128xi32, #tpu.memory_space<vmem>>
      %dma_wait3A_406 = tpu.memref_squeeze %dma_wait3A_405 : memref<1x2x128xi32, #tpu.memory_space<vmem>> -> memref<2x128xi32, #tpu.memory_space<vmem>>
      %dma_wait3A_407 = arith.constant 0 : i32
      %dma_wait3A_408 = arith.constant 0 : i32
      %dma_wait3A_409 = tpu.memref_slice %arg2[%add3A, %dma_wait3A_407, %dma_wait3A_408] : memref<32x200x128xi32, #tpu.memory_space<hbm>> -> memref<1x2x128xi32, #tpu.memory_space<hbm>>
      %dma_wait3A_410 = tpu.memref_squeeze %dma_wait3A_409 : memref<1x2x128xi32, #tpu.memory_space<hbm>> -> memref<2x128xi32, #tpu.memory_space<hbm>>
      tpu.wait_dma2 semaphore(%run_scoped3A_378 : memref<!tpu.dma_semaphore, #tpu.memory_space<semaphore_mem>>) src(%dma_wait3A_410 : memref<2x128xi32, #tpu.memory_space<hbm>>) dst(%dma_wait3A_406 : memref<2x128xi32, #tpu.memory_space<vmem>>)
      tpu.yield
    }) : () -> ()
    %dma_start3A = arith.constant 0 : i32
    %dma_start3A_216 = arith.constant 0 : i32
    %dma_start3A_217 = arith.constant 0 : i32
    %dma_start3A_218 = arith.constant 0 : i32
    %dma_start3A_219 = arith.constant 0 : i32
    %dma_start3A_220 = arith.constant 0 : i32
    %dma_start3A_221 = tpu.memref_slice %arg6[%dma_start3A_217, %dma_start3A_218, %dma_start3A_219, %dma_start3A_220] : memref<3x2x128x64xf32, #tpu.memory_space<vmem>> -> memref<1x1x128x64xf32, #tpu.memory_space<vmem>>
    %dma_start3A_222 = tpu.memref_squeeze %dma_start3A_221 : memref<1x1x128x64xf32, #tpu.memory_space<vmem>> -> memref<128x64xf32, #tpu.memory_space<vmem>>
    %dma_start3A_223 = arith.constant 0 : i32
    %dma_start3A_224 = tpu.memref_slice %arg5[%dma_start3A, %dma_start3A_216, %dma_start3A_223] : memref<3x2x128xi32, #tpu.memory_space<vmem>> -> memref<1x1x128xi32, #tpu.memory_space<vmem>>
    %dma_start3A_225 = tpu.memref_squeeze %dma_start3A_224 : memref<1x1x128xi32, #tpu.memory_space<vmem>> -> memref<128xi32, #tpu.memory_space<vmem>>
    %dma_start3A_226 = arith.constant 0 : i32
    %dma_start3A_227 = arith.constant 0 : i32
    %dma_start3A_228 = tpu.memref_slice %arg3[%dma_start3A_226, %dma_start3A_227] : memref<1000000x64xf32, #tpu.memory_space<hbm>> -> memref<1000000x64xf32, #tpu.memory_space<hbm>>
    tpu.enqueue_indirect_dma source(%dma_start3A_228 : memref<1000000x64xf32, #tpu.memory_space<hbm>>) target(%dma_start3A_222 : memref<128x64xf32, #tpu.memory_space<vmem>>) offsets(%dma_start3A_225 : memref<128xi32, #tpu.memory_space<vmem>>) semaphore(%arg8 : memref<!tpu.dma_semaphore, #tpu.memory_space<semaphore_mem>>)
    %dma_start3A_229 = arith.constant 0 : i32
    %dma_start3A_230 = arith.constant 1 : i32
    %dma_start3A_231 = arith.constant 0 : i32
    %dma_start3A_232 = arith.constant 1 : i32
    %dma_start3A_233 = arith.constant 0 : i32
    %dma_start3A_234 = arith.constant 0 : i32
    %dma_start3A_235 = tpu.memref_slice %arg6[%dma_start3A_231, %dma_start3A_232, %dma_start3A_233, %dma_start3A_234] : memref<3x2x128x64xf32, #tpu.memory_space<vmem>> -> memref<1x1x128x64xf32, #tpu.memory_space<vmem>>
    %dma_start3A_236 = tpu.memref_squeeze %dma_start3A_235 : memref<1x1x128x64xf32, #tpu.memory_space<vmem>> -> memref<128x64xf32, #tpu.memory_space<vmem>>
    %dma_start3A_237 = arith.constant 0 : i32
    %dma_start3A_238 = tpu.memref_slice %arg5[%dma_start3A_229, %dma_start3A_230, %dma_start3A_237] : memref<3x2x128xi32, #tpu.memory_space<vmem>> -> memref<1x1x128xi32, #tpu.memory_space<vmem>>
    %dma_start3A_239 = tpu.memref_squeeze %dma_start3A_238 : memref<1x1x128xi32, #tpu.memory_space<vmem>> -> memref<128xi32, #tpu.memory_space<vmem>>
    %dma_start3A_240 = arith.constant 0 : i32
    %dma_start3A_241 = arith.constant 0 : i32
    %dma_start3A_242 = tpu.memref_slice %arg3[%dma_start3A_240, %dma_start3A_241] : memref<1000000x64xf32, #tpu.memory_space<hbm>> -> memref<1000000x64xf32, #tpu.memory_space<hbm>>
    tpu.enqueue_indirect_dma source(%dma_start3A_242 : memref<1000000x64xf32, #tpu.memory_space<hbm>>) target(%dma_start3A_236 : memref<128x64xf32, #tpu.memory_space<vmem>>) offsets(%dma_start3A_239 : memref<128xi32, #tpu.memory_space<vmem>>) semaphore(%arg8 : memref<!tpu.dma_semaphore, #tpu.memory_space<semaphore_mem>>)
    %scan3A = arith.constant 0 : i32
    %scan3A_243 = arith.constant 34 : i32
    %scan3A_244 = arith.addi %scan3A, %scan3A_243 : i32
    %scan3A_245 = arith.constant 1 : i32
    scf.for %scan3A_378 = %scan3A to %scan3A_244 step %scan3A_245  : i32 {
      %mul3A_379 = arith.constant 3 : i32
      %mul3A_380 = arith.muli %scan3A_378, %mul3A_379 : i32
      %add3A_381 = arith.constant 0 : i32
      %add3A_382 = arith.addi %add3A_381, %mul3A_380 : i32
      %add3A_383 = arith.constant 0 : i32
      %add3A_384 = arith.addi %add3A_382, %add3A_383 : i32
      %lt3A_385 = arith.constant 100 : i32
      %lt3A_386 = arith.cmpi slt, %add3A_384, %lt3A_385 : i32
      %convert_element_type3A = arith.extui %lt3A_386 : i1 to i32
      %cond3A = arith.constant 0 : i32
      %cond3A_387 = arith.cmpi ne, %convert_element_type3A, %cond3A : i32
      scf.if %cond3A_387 {
        %add3A_402 = arith.constant 1 : i32
        %add3A_403 = arith.addi %add3A_384, %add3A_402 : i32
        %lt3A_404 = arith.constant 100 : i32
        %lt3A_405 = arith.cmpi slt, %add3A_403, %lt3A_404 : i32
        %convert_element_type3A_406 = arith.extui %lt3A_405 : i1 to i32
        %cond3A_407 = arith.constant 0 : i32
        %cond3A_408 = arith.cmpi ne, %convert_element_type3A_406, %cond3A_407 : i32
        scf.if %cond3A_408 {
          %ge3A = arith.constant 2 : i32
          %ge3A_499 = arith.cmpi sge, %add3A_384, %ge3A : i32
          %convert_element_type3A_500 = arith.extui %ge3A_499 : i1 to i32
          %cond3A_501 = arith.constant 0 : i32
          %cond3A_502 = arith.cmpi ne, %convert_element_type3A_500, %cond3A_501 : i32
          scf.if %cond3A_502 {
            %sub3A_536 = arith.constant 2 : i32
            %sub3A_537 = arith.subi %add3A_384, %sub3A_536 : i32
            %mul3A_538 = arith.constant 2 : i32
            %mul3A_539 = arith.muli %sub3A_537, %mul3A_538 : i32
            %add3A_540 = arith.constant 0 : i32
            %add3A_541 = arith.addi %mul3A_539, %add3A_540 : i32
            %mul3A_542 = arith.constant 8 : i32
            %mul3A_543 = arith.muli %add3A_541, %mul3A_542 : i32
            %dma_wait3A_544 = arith.constant 1 : i32
            %dma_wait3A_545 = arith.constant 0 : i32
            %dma_wait3A_546 = arith.constant 0 : i32
            %dma_wait3A_547 = arith.constant 0 : i32
            %dma_wait3A_548 = arith.constant 0 : i32
            %dma_wait3A_549 = arith.constant 0 : i32
            %dma_wait3A_550 = tpu.memref_slice %arg7[%dma_wait3A_544, %dma_wait3A_545, %dma_wait3A_546, %dma_wait3A_547, %dma_wait3A_548, %dma_wait3A_549] : memref<3x2x8x1x8x129xf32, #tpu.memory_space<vmem>> -> memref<1x1x8x1x8x128xf32, #tpu.memory_space<vmem>>
            %dma_wait3A_551 = tpu.memref_squeeze %dma_wait3A_550 : memref<1x1x8x1x8x128xf32, #tpu.memory_space<vmem>> -> memref<8x1x8x128xf32, #tpu.memory_space<vmem>>
            %dma_wait3A_552 = arith.constant 0 : i32
            %dma_wait3A_553 = arith.constant 0 : i32
            %dma_wait3A_554 = tpu.memref_slice %arg4[%mul3A_543, %add3A, %dma_wait3A_552, %dma_wait3A_553] : memref<1600x32x8x128xf32, #tpu.memory_space<hbm>> -> memref<8x1x8x128xf32, #tpu.memory_space<hbm>>
            %dma_wait3A_555 = arith.constant 0 : i32
            %dma_wait3A_556 = arith.constant 0 : i32
            %dma_wait3A_557 = tpu.memref_slice %arg4[%mul3A_543, %add3A, %dma_wait3A_555, %dma_wait3A_556] : memref<1600x32x8x128xf32, #tpu.memory_space<hbm>> -> memref<8x1x8x128xf32, #tpu.memory_space<hbm>>
            %dma_wait3A_558 = arith.constant 0 : i32
            %dma_wait3A_559 = arith.constant 0 : i32
            %dma_wait3A_560 = arith.constant 0 : i32
            %dma_wait3A_561 = arith.constant 0 : i32
            %dma_wait3A_562 = tpu.memref_slice %arg7[%dma_wait3A_544, %dma_wait3A_545, %dma_wait3A_558, %dma_wait3A_559, %dma_wait3A_560, %dma_wait3A_561] : memref<3x2x8x1x8x129xf32, #tpu.memory_space<vmem>> -> memref<1x1x8x1x8x128xf32, #tpu.memory_space<vmem>>
            %dma_wait3A_563 = tpu.memref_squeeze %dma_wait3A_562 : memref<1x1x8x1x8x128xf32, #tpu.memory_space<vmem>> -> memref<8x1x8x128xf32, #tpu.memory_space<vmem>>
            tpu.wait_dma2 semaphore(%arg12 : memref<!tpu.dma_semaphore, #tpu.memory_space<semaphore_mem>>) src(%dma_wait3A_563 : memref<8x1x8x128xf32, #tpu.memory_space<vmem>>) dst(%dma_wait3A_557 : memref<8x1x8x128xf32, #tpu.memory_space<hbm>>)
            %mul3A_564 = arith.constant 2 : i32
            %mul3A_565 = arith.muli %sub3A_537, %mul3A_564 : i32
            %add3A_566 = arith.constant 1 : i32
            %add3A_567 = arith.addi %mul3A_565, %add3A_566 : i32
            %mul3A_568 = arith.constant 8 : i32
            %mul3A_569 = arith.muli %add3A_567, %mul3A_568 : i32
            %dma_wait3A_570 = arith.constant 1 : i32
            %dma_wait3A_571 = arith.constant 1 : i32
            %dma_wait3A_572 = arith.constant 0 : i32
            %dma_wait3A_573 = arith.constant 0 : i32
            %dma_wait3A_574 = arith.constant 0 : i32
            %dma_wait3A_575 = arith.constant 0 : i32
            %dma_wait3A_576 = tpu.memref_slice %arg7[%dma_wait3A_570, %dma_wait3A_571, %dma_wait3A_572, %dma_wait3A_573, %dma_wait3A_574, %dma_wait3A_575] : memref<3x2x8x1x8x129xf32, #tpu.memory_space<vmem>> -> memref<1x1x8x1x8x128xf32, #tpu.memory_space<vmem>>
            %dma_wait3A_577 = tpu.memref_squeeze %dma_wait3A_576 : memref<1x1x8x1x8x128xf32, #tpu.memory_space<vmem>> -> memref<8x1x8x128xf32, #tpu.memory_space<vmem>>
            %dma_wait3A_578 = arith.constant 0 : i32
            %dma_wait3A_579 = arith.constant 0 : i32
            %dma_wait3A_580 = tpu.memref_slice %arg4[%mul3A_569, %add3A, %dma_wait3A_578, %dma_wait3A_579] : memref<1600x32x8x128xf32, #tpu.memory_space<hbm>> -> memref<8x1x8x128xf32, #tpu.memory_space<hbm>>
            %dma_wait3A_581 = arith.constant 0 : i32
            %dma_wait3A_582 = arith.constant 0 : i32
            %dma_wait3A_583 = tpu.memref_slice %arg4[%mul3A_569, %add3A, %dma_wait3A_581, %dma_wait3A_582] : memref<1600x32x8x128xf32, #tpu.memory_space<hbm>> -> memref<8x1x8x128xf32, #tpu.memory_space<hbm>>
            %dma_wait3A_584 = arith.constant 0 : i32
            %dma_wait3A_585 = arith.constant 0 : i32
            %dma_wait3A_586 = arith.constant 0 : i32
            %dma_wait3A_587 = arith.constant 0 : i32
            %dma_wait3A_588 = tpu.memref_slice %arg7[%dma_wait3A_570, %dma_wait3A_571, %dma_wait3A_584, %dma_wait3A_585, %dma_wait3A_586, %dma_wait3A_587] : memref<3x2x8x1x8x129xf32, #tpu.memory_space<vmem>> -> memref<1x1x8x1x8x128xf32, #tpu.memory_space<vmem>>
            %dma_wait3A_589 = tpu.memref_squeeze %dma_wait3A_588 : memref<1x1x8x1x8x128xf32, #tpu.memory_space<vmem>> -> memref<8x1x8x128xf32, #tpu.memory_space<vmem>>
            tpu.wait_dma2 semaphore(%arg12 : memref<!tpu.dma_semaphore, #tpu.memory_space<semaphore_mem>>) src(%dma_wait3A_589 : memref<8x1x8x128xf32, #tpu.memory_space<vmem>>) dst(%dma_wait3A_583 : memref<8x1x8x128xf32, #tpu.memory_space<hbm>>)
          } else {
          }
          %add3A_503 = arith.constant 1 : i32
          %add3A_504 = arith.addi %add3A_384, %add3A_503 : i32
          %mul3A_505 = arith.constant 2 : i32
          %mul3A_506 = arith.muli %add3A_504, %mul3A_505 : i32
          %run_scoped3A_507 = arith.constant 1 : i32
          "tpu.region"() ({
            %run_scoped3A_536 = tpu.sem_alloc : memref<!tpu.dma_semaphore, #tpu.memory_space<semaphore_mem>>
            %dma_start3A_537 = arith.constant 0 : i32
            %dma_start3A_538 = arith.constant 0 : i32
            %dma_start3A_539 = tpu.memref_slice %arg5[%run_scoped3A_507, %dma_start3A_537, %dma_start3A_538] : memref<3x2x128xi32, #tpu.memory_space<vmem>> -> memref<1x2x128xi32, #tpu.memory_space<vmem>>
            %dma_start3A_540 = tpu.memref_squeeze %dma_start3A_539 : memref<1x2x128xi32, #tpu.memory_space<vmem>> -> memref<2x128xi32, #tpu.memory_space<vmem>>
            %dma_start3A_541 = arith.constant 0 : i32
            %dma_start3A_542 = tpu.memref_slice %arg2[%add3A, %mul3A_506, %dma_start3A_541] : memref<32x200x128xi32, #tpu.memory_space<hbm>> -> memref<1x2x128xi32, #tpu.memory_space<hbm>>
            %dma_start3A_543 = tpu.memref_squeeze %dma_start3A_542 : memref<1x2x128xi32, #tpu.memory_space<hbm>> -> memref<2x128xi32, #tpu.memory_space<hbm>>
            %dma_start3A_544 = arith.constant 0 : i32
            %dma_start3A_545 = arith.constant 0 : i32
            %dma_start3A_546 = tpu.memref_slice %arg5[%run_scoped3A_507, %dma_start3A_544, %dma_start3A_545] : memref<3x2x128xi32, #tpu.memory_space<vmem>> -> memref<1x2x128xi32, #tpu.memory_space<vmem>>
            %dma_start3A_547 = tpu.memref_squeeze %dma_start3A_546 : memref<1x2x128xi32, #tpu.memory_space<vmem>> -> memref<2x128xi32, #tpu.memory_space<vmem>>
            %dma_start3A_548 = arith.constant 0 : i32
            %dma_start3A_549 = tpu.memref_slice %arg2[%add3A, %mul3A_506, %dma_start3A_548] : memref<32x200x128xi32, #tpu.memory_space<hbm>> -> memref<1x2x128xi32, #tpu.memory_space<hbm>>
            %dma_start3A_550 = tpu.memref_squeeze %dma_start3A_549 : memref<1x2x128xi32, #tpu.memory_space<hbm>> -> memref<2x128xi32, #tpu.memory_space<hbm>>
            tpu.enqueue_dma source(%dma_start3A_550 : memref<2x128xi32, #tpu.memory_space<hbm>>) target(%dma_start3A_547 : memref<2x128xi32, #tpu.memory_space<vmem>>) target_semaphore(%run_scoped3A_536 : memref<!tpu.dma_semaphore, #tpu.memory_space<semaphore_mem>>)
            %dma_wait3A_551 = arith.constant 0 : i32
            %dma_wait3A_552 = arith.constant 0 : i32
            %dma_wait3A_553 = tpu.memref_slice %arg5[%run_scoped3A_507, %dma_wait3A_551, %dma_wait3A_552] : memref<3x2x128xi32, #tpu.memory_space<vmem>> -> memref<1x2x128xi32, #tpu.memory_space<vmem>>
            %dma_wait3A_554 = tpu.memref_squeeze %dma_wait3A_553 : memref<1x2x128xi32, #tpu.memory_space<vmem>> -> memref<2x128xi32, #tpu.memory_space<vmem>>
            %dma_wait3A_555 = arith.constant 0 : i32
            %dma_wait3A_556 = tpu.memref_slice %arg2[%add3A, %mul3A_506, %dma_wait3A_555] : memref<32x200x128xi32, #tpu.memory_space<hbm>> -> memref<1x2x128xi32, #tpu.memory_space<hbm>>
            %dma_wait3A_557 = tpu.memref_squeeze %dma_wait3A_556 : memref<1x2x128xi32, #tpu.memory_space<hbm>> -> memref<2x128xi32, #tpu.memory_space<hbm>>
            %dma_wait3A_558 = arith.constant 0 : i32
            %dma_wait3A_559 = arith.constant 0 : i32
            %dma_wait3A_560 = tpu.memref_slice %arg5[%run_scoped3A_507, %dma_wait3A_558, %dma_wait3A_559] : memref<3x2x128xi32, #tpu.memory_space<vmem>> -> memref<1x2x128xi32, #tpu.memory_space<vmem>>
            %dma_wait3A_561 = tpu.memref_squeeze %dma_wait3A_560 : memref<1x2x128xi32, #tpu.memory_space<vmem>> -> memref<2x128xi32, #tpu.memory_space<vmem>>
            %dma_wait3A_562 = arith.constant 0 : i32
            %dma_wait3A_563 = tpu.memref_slice %arg2[%add3A, %mul3A_506, %dma_wait3A_562] : memref<32x200x128xi32, #tpu.memory_space<hbm>> -> memref<1x2x128xi32, #tpu.memory_space<hbm>>
            %dma_wait3A_564 = tpu.memref_squeeze %dma_wait3A_563 : memref<1x2x128xi32, #tpu.memory_space<hbm>> -> memref<2x128xi32, #tpu.memory_space<hbm>>
            tpu.wait_dma2 semaphore(%run_scoped3A_536 : memref<!tpu.dma_semaphore, #tpu.memory_space<semaphore_mem>>) src(%dma_wait3A_564 : memref<2x128xi32, #tpu.memory_space<hbm>>) dst(%dma_wait3A_561 : memref<2x128xi32, #tpu.memory_space<vmem>>)
            tpu.yield
          }) : () -> ()
          %dma_start3A_508 = arith.constant 1 : i32
          %dma_start3A_509 = arith.constant 0 : i32
          %dma_start3A_510 = arith.constant 1 : i32
          %dma_start3A_511 = arith.constant 0 : i32
          %dma_start3A_512 = arith.constant 0 : i32
          %dma_start3A_513 = arith.constant 0 : i32
          %dma_start3A_514 = tpu.memref_slice %arg6[%dma_start3A_510, %dma_start3A_511, %dma_start3A_512, %dma_start3A_513] : memref<3x2x128x64xf32, #tpu.memory_space<vmem>> -> memref<1x1x128x64xf32, #tpu.memory_space<vmem>>
          %dma_start3A_515 = tpu.memref_squeeze %dma_start3A_514 : memref<1x1x128x64xf32, #tpu.memory_space<vmem>> -> memref<128x64xf32, #tpu.memory_space<vmem>>
          %dma_start3A_516 = arith.constant 0 : i32
          %dma_start3A_517 = tpu.memref_slice %arg5[%dma_start3A_508, %dma_start3A_509, %dma_start3A_516] : memref<3x2x128xi32, #tpu.memory_space<vmem>> -> memref<1x1x128xi32, #tpu.memory_space<vmem>>
          %dma_start3A_518 = tpu.memref_squeeze %dma_start3A_517 : memref<1x1x128xi32, #tpu.memory_space<vmem>> -> memref<128xi32, #tpu.memory_space<vmem>>
          %dma_start3A_519 = arith.constant 0 : i32
          %dma_start3A_520 = arith.constant 0 : i32
          %dma_start3A_521 = tpu.memref_slice %arg3[%dma_start3A_519, %dma_start3A_520] : memref<1000000x64xf32, #tpu.memory_space<hbm>> -> memref<1000000x64xf32, #tpu.memory_space<hbm>>
          tpu.enqueue_indirect_dma source(%dma_start3A_521 : memref<1000000x64xf32, #tpu.memory_space<hbm>>) target(%dma_start3A_515 : memref<128x64xf32, #tpu.memory_space<vmem>>) offsets(%dma_start3A_518 : memref<128xi32, #tpu.memory_space<vmem>>) semaphore(%arg9 : memref<!tpu.dma_semaphore, #tpu.memory_space<semaphore_mem>>)
          %dma_start3A_522 = arith.constant 1 : i32
          %dma_start3A_523 = arith.constant 1 : i32
          %dma_start3A_524 = arith.constant 1 : i32
          %dma_start3A_525 = arith.constant 1 : i32
          %dma_start3A_526 = arith.constant 0 : i32
          %dma_start3A_527 = arith.constant 0 : i32
          %dma_start3A_528 = tpu.memref_slice %arg6[%dma_start3A_524, %dma_start3A_525, %dma_start3A_526, %dma_start3A_527] : memref<3x2x128x64xf32, #tpu.memory_space<vmem>> -> memref<1x1x128x64xf32, #tpu.memory_space<vmem>>
          %dma_start3A_529 = tpu.memref_squeeze %dma_start3A_528 : memref<1x1x128x64xf32, #tpu.memory_space<vmem>> -> memref<128x64xf32, #tpu.memory_space<vmem>>
          %dma_start3A_530 = arith.constant 0 : i32
          %dma_start3A_531 = tpu.memref_slice %arg5[%dma_start3A_522, %dma_start3A_523, %dma_start3A_530] : memref<3x2x128xi32, #tpu.memory_space<vmem>> -> memref<1x1x128xi32, #tpu.memory_space<vmem>>
          %dma_start3A_532 = tpu.memref_squeeze %dma_start3A_531 : memref<1x1x128xi32, #tpu.memory_space<vmem>> -> memref<128xi32, #tpu.memory_space<vmem>>
          %dma_start3A_533 = arith.constant 0 : i32
          %dma_start3A_534 = arith.constant 0 : i32
          %dma_start3A_535 = tpu.memref_slice %arg3[%dma_start3A_533, %dma_start3A_534] : memref<1000000x64xf32, #tpu.memory_space<hbm>> -> memref<1000000x64xf32, #tpu.memory_space<hbm>>
          tpu.enqueue_indirect_dma source(%dma_start3A_535 : memref<1000000x64xf32, #tpu.memory_space<hbm>>) target(%dma_start3A_529 : memref<128x64xf32, #tpu.memory_space<vmem>>) offsets(%dma_start3A_532 : memref<128xi32, #tpu.memory_space<vmem>>) semaphore(%arg9 : memref<!tpu.dma_semaphore, #tpu.memory_space<semaphore_mem>>)
        } else {
        }
        %dma_wait3A_409 = arith.constant 0 : i32
        %dma_wait3A_410 = arith.constant 0 : i32
        %dma_wait3A_411 = arith.constant 0 : i32
        %dma_wait3A_412 = arith.constant 0 : i32
        %dma_wait3A_413 = arith.constant 0 : i32
        %dma_wait3A_414 = arith.constant 0 : i32
        %dma_wait3A_415 = tpu.memref_slice %arg6[%dma_wait3A_411, %dma_wait3A_412, %dma_wait3A_413, %dma_wait3A_414] : memref<3x2x128x64xf32, #tpu.memory_space<vmem>> -> memref<1x1x128x64xf32, #tpu.memory_space<vmem>>
        %dma_wait3A_416 = tpu.memref_squeeze %dma_wait3A_415 : memref<1x1x128x64xf32, #tpu.memory_space<vmem>> -> memref<128x64xf32, #tpu.memory_space<vmem>>
        %dma_wait3A_417 = arith.constant 0 : i32
        %dma_wait3A_418 = tpu.memref_slice %arg5[%dma_wait3A_409, %dma_wait3A_410, %dma_wait3A_417] : memref<3x2x128xi32, #tpu.memory_space<vmem>> -> memref<1x1x128xi32, #tpu.memory_space<vmem>>
        %dma_wait3A_419 = tpu.memref_squeeze %dma_wait3A_418 : memref<1x1x128xi32, #tpu.memory_space<vmem>> -> memref<128xi32, #tpu.memory_space<vmem>>
        %dma_wait3A_420 = arith.constant 0 : i32
        %dma_wait3A_421 = arith.constant 0 : i32
        %dma_wait3A_422 = tpu.memref_slice %arg3[%dma_wait3A_420, %dma_wait3A_421] : memref<1000000x64xf32, #tpu.memory_space<hbm>> -> memref<1000000x64xf32, #tpu.memory_space<hbm>>
        tpu.wait_indirect_dma semaphore(%arg8 : memref<!tpu.dma_semaphore, #tpu.memory_space<semaphore_mem>>) src(%dma_wait3A_422 : memref<1000000x64xf32, #tpu.memory_space<hbm>>) dst(%dma_wait3A_416 : memref<128x64xf32, #tpu.memory_space<vmem>>)
        %dma_wait3A_423 = arith.constant 0 : i32
        %dma_wait3A_424 = arith.constant 1 : i32
        %dma_wait3A_425 = arith.constant 0 : i32
        %dma_wait3A_426 = arith.constant 1 : i32
        %dma_wait3A_427 = arith.constant 0 : i32
        %dma_wait3A_428 = arith.constant 0 : i32
        %dma_wait3A_429 = tpu.memref_slice %arg6[%dma_wait3A_425, %dma_wait3A_426, %dma_wait3A_427, %dma_wait3A_428] : memref<3x2x128x64xf32, #tpu.memory_space<vmem>> -> memref<1x1x128x64xf32, #tpu.memory_space<vmem>>
        %dma_wait3A_430 = tpu.memref_squeeze %dma_wait3A_429 : memref<1x1x128x64xf32, #tpu.memory_space<vmem>> -> memref<128x64xf32, #tpu.memory_space<vmem>>
        %dma_wait3A_431 = arith.constant 0 : i32
        %dma_wait3A_432 = tpu.memref_slice %arg5[%dma_wait3A_423, %dma_wait3A_424, %dma_wait3A_431] : memref<3x2x128xi32, #tpu.memory_space<vmem>> -> memref<1x1x128xi32, #tpu.memory_space<vmem>>
        %dma_wait3A_433 = tpu.memref_squeeze %dma_wait3A_432 : memref<1x1x128xi32, #tpu.memory_space<vmem>> -> memref<128xi32, #tpu.memory_space<vmem>>
        %dma_wait3A_434 = arith.constant 0 : i32
        %dma_wait3A_435 = arith.constant 0 : i32
        %dma_wait3A_436 = tpu.memref_slice %arg3[%dma_wait3A_434, %dma_wait3A_435] : memref<1000000x64xf32, #tpu.memory_space<hbm>> -> memref<1000000x64xf32, #tpu.memory_space<hbm>>
        tpu.wait_indirect_dma semaphore(%arg8 : memref<!tpu.dma_semaphore, #tpu.memory_space<semaphore_mem>>) src(%dma_wait3A_436 : memref<1000000x64xf32, #tpu.memory_space<hbm>>) dst(%dma_wait3A_430 : memref<128x64xf32, #tpu.memory_space<vmem>>)
        %scan3A_437 = arith.constant 0 : i32
        %scan3A_438 = arith.constant 128 : i32
        %scan3A_439 = arith.addi %scan3A_437, %scan3A_438 : i32
        %scan3A_440 = arith.constant 4 : i32
        scf.for %scan3A_499 = %scan3A_437 to %scan3A_439 step %scan3A_440  : i32 {
          %mul3A_500 = arith.constant 1 : i32
          %mul3A_501 = arith.muli %scan3A_499, %mul3A_500 : i32
          %add3A_502 = arith.constant 0 : i32
          %add3A_503 = arith.addi %add3A_502, %mul3A_501 : i32
          %add3A_504 = vector.broadcast %add3A_503 : i32 to vector<16xi32>
          %add3A_505 = arith.addi %broadcast_in_dim3A_1, %add3A_504 : vector<16xi32>
          %get3A = arith.constant 0 : i32
          %get3A_506 = arith.constant 0 : i32
          %get3A_507 = arith.index_cast %get3A : i32 to index
          %get3A_508 = arith.index_cast %get3A_506 : i32 to index
          %get3A_509 = arith.index_cast %add3A_503 : i32 to index
          %get3A_510 = arith.constant 0 : index
          %get3A_511 = tpu.vector_load %arg6[%get3A_507, %get3A_508, %get3A_509, %get3A_510] {strides = array<i32>} : memref<3x2x128x64xf32, #tpu.memory_space<vmem>>, vector<16xf32>,
          %mul3A_512 = arith.constant 8.000000e+00 : f32
          %mul3A_513 = vector.broadcast %mul3A_512 : f32 to vector<16xf32>
          %mul3A_514 = arith.mulf %get3A_511, %mul3A_513 : vector<16xf32>
          %scatter3A = arith.constant 0 : i32
          %scatter3A_515 = arith.constant 0 : i32
          %scatter3A_516 = arith.constant 0 : i32
          %scatter3A_517 = arith.constant 0 : i32
          %scatter3A_518 = arith.constant 0 : i32
          %scatter3A_519 = arith.constant 0 : i32
          %scatter3A_520 = tpu.memref_slice %arg7[%scatter3A, %scatter3A_515, %scatter3A_516, %scatter3A_517, %scatter3A_518, %scatter3A_519] : memref<3x2x8x1x8x129xf32, #tpu.memory_space<vmem>> -> memref<1x1x8x1x8x129xf32, #tpu.memory_space<vmem>>
          %scatter3A_521 = tpu.memref_squeeze %scatter3A_520 : memref<1x1x8x1x8x129xf32, #tpu.memory_space<vmem>> -> memref<8x1x8x129xf32, #tpu.memory_space<vmem>>
          tpu.vector_store_idx %scatter3A_521[%add3A_27, %broadcast_in_dim3A_1, %select_n3A_149, %add3A_505], %mul3A_514 : memref<8x1x8x129xf32, #tpu.memory_space<vmem>>[vector<16xi32>, vector<16xi32>, vector<16xi32>, vector<16xi32>], vector<16xf32>,
          %get3A_522 = arith.constant 0 : i32
          %get3A_523 = arith.constant 0 : i32
          %get3A_524 = arith.index_cast %get3A_522 : i32 to index
          %get3A_525 = arith.index_cast %get3A_523 : i32 to index
          %get3A_526 = arith.index_cast %add3A_503 : i32 to index
          %get3A_527 = arith.constant 16 : index
          %get3A_528 = tpu.vector_load %arg6[%get3A_524, %get3A_525, %get3A_526, %get3A_527] {strides = array<i32>} : memref<3x2x128x64xf32, #tpu.memory_space<vmem>>, vector<16xf32>,
          %mul3A_529 = arith.constant 8.000000e+00 : f32
          %mul3A_530 = vector.broadcast %mul3A_529 : f32 to vector<16xf32>
          %mul3A_531 = arith.mulf %get3A_528, %mul3A_530 : vector<16xf32>
          %scatter3A_532 = arith.constant 0 : i32
          %scatter3A_533 = arith.constant 0 : i32
          %scatter3A_534 = arith.constant 0 : i32
          %scatter3A_535 = arith.constant 0 : i32
          %scatter3A_536 = arith.constant 0 : i32
          %scatter3A_537 = arith.constant 0 : i32
          %scatter3A_538 = tpu.memref_slice %arg7[%scatter3A_532, %scatter3A_533, %scatter3A_534, %scatter3A_535, %scatter3A_536, %scatter3A_537] : memref<3x2x8x1x8x129xf32, #tpu.memory_space<vmem>> -> memref<1x1x8x1x8x129xf32, #tpu.memory_space<vmem>>
          %scatter3A_539 = tpu.memref_squeeze %scatter3A_538 : memref<1x1x8x1x8x129xf32, #tpu.memory_space<vmem>> -> memref<8x1x8x129xf32, #tpu.memory_space<vmem>>
          tpu.vector_store_idx %scatter3A_539[%add3A_61, %broadcast_in_dim3A_1, %select_n3A_171, %add3A_505], %mul3A_531 : memref<8x1x8x129xf32, #tpu.memory_space<vmem>>[vector<16xi32>, vector<16xi32>, vector<16xi32>, vector<16xi32>], vector<16xf32>,
          %get3A_540 = arith.constant 0 : i32
          %get3A_541 = arith.constant 0 : i32
          %get3A_542 = arith.index_cast %get3A_540 : i32 to index
          %get3A_543 = arith.index_cast %get3A_541 : i32 to index
          %get3A_544 = arith.index_cast %add3A_503 : i32 to index
          %get3A_545 = arith.constant 32 : index
          %get3A_546 = tpu.vector_load %arg6[%get3A_542, %get3A_543, %get3A_544, %get3A_545] {strides = array<i32>} : memref<3x2x128x64xf32, #tpu.memory_space<vmem>>, vector<16xf32>,
          %mul3A_547 = arith.constant 8.000000e+00 : f32
          %mul3A_548 = vector.broadcast %mul3A_547 : f32 to vector<16xf32>
          %mul3A_549 = arith.mulf %get3A_546, %mul3A_548 : vector<16xf32>
          %scatter3A_550 = arith.constant 0 : i32
          %scatter3A_551 = arith.constant 0 : i32
          %scatter3A_552 = arith.constant 0 : i32
          %scatter3A_553 = arith.constant 0 : i32
          %scatter3A_554 = arith.constant 0 : i32
          %scatter3A_555 = arith.constant 0 : i32
          %scatter3A_556 = tpu.memref_slice %arg7[%scatter3A_550, %scatter3A_551, %scatter3A_552, %scatter3A_553, %scatter3A_554, %scatter3A_555] : memref<3x2x8x1x8x129xf32, #tpu.memory_space<vmem>> -> memref<1x1x8x1x8x129xf32, #tpu.memory_space<vmem>>
          %scatter3A_557 = tpu.memref_squeeze %scatter3A_556 : memref<1x1x8x1x8x129xf32, #tpu.memory_space<vmem>> -> memref<8x1x8x129xf32, #tpu.memory_space<vmem>>
          tpu.vector_store_idx %scatter3A_557[%add3A_95, %broadcast_in_dim3A_1, %select_n3A_193, %add3A_505], %mul3A_549 : memref<8x1x8x129xf32, #tpu.memory_space<vmem>>[vector<16xi32>, vector<16xi32>, vector<16xi32>, vector<16xi32>], vector<16xf32>,
          %get3A_558 = arith.constant 0 : i32
          %get3A_559 = arith.constant 0 : i32
          %get3A_560 = arith.index_cast %get3A_558 : i32 to index
          %get3A_561 = arith.index_cast %get3A_559 : i32 to index
          %get3A_562 = arith.index_cast %add3A_503 : i32 to index
          %get3A_563 = arith.constant 48 : index
          %get3A_564 = tpu.vector_load %arg6[%get3A_560, %get3A_561, %get3A_562, %get3A_563] {strides = array<i32>} : memref<3x2x128x64xf32, #tpu.memory_space<vmem>>, vector<16xf32>,
          %mul3A_565 = arith.constant 8.000000e+00 : f32
          %mul3A_566 = vector.broadcast %mul3A_565 : f32 to vector<16xf32>
          %mul3A_567 = arith.mulf %get3A_564, %mul3A_566 : vector<16xf32>
          %scatter3A_568 = arith.constant 0 : i32
          %scatter3A_569 = arith.constant 0 : i32
          %scatter3A_570 = arith.constant 0 : i32
          %scatter3A_571 = arith.constant 0 : i32
          %scatter3A_572 = arith.constant 0 : i32
          %scatter3A_573 = arith.constant 0 : i32
          %scatter3A_574 = tpu.memref_slice %arg7[%scatter3A_568, %scatter3A_569, %scatter3A_570, %scatter3A_571, %scatter3A_572, %scatter3A_573] : memref<3x2x8x1x8x129xf32, #tpu.memory_space<vmem>> -> memref<1x1x8x1x8x129xf32, #tpu.memory_space<vmem>>
          %scatter3A_575 = tpu.memref_squeeze %scatter3A_574 : memref<1x1x8x1x8x129xf32, #tpu.memory_space<vmem>> -> memref<8x1x8x129xf32, #tpu.memory_space<vmem>>
          tpu.vector_store_idx %scatter3A_575[%add3A_129, %broadcast_in_dim3A_1, %select_n3A_215, %add3A_505], %mul3A_567 : memref<8x1x8x129xf32, #tpu.memory_space<vmem>>[vector<16xi32>, vector<16xi32>, vector<16xi32>, vector<16xi32>], vector<16xf32>,
          %scan3A_576 = arith.constant 1 : i32
          %scan3A_577 = arith.addi %scan3A_499, %scan3A_576 : i32
          %mul3A_578 = arith.constant 1 : i32
          %mul3A_579 = arith.muli %scan3A_577, %mul3A_578 : i32
          %add3A_580 = arith.constant 0 : i32
          %add3A_581 = arith.addi %add3A_580, %mul3A_579 : i32
          %add3A_582 = vector.broadcast %add3A_581 : i32 to vector<16xi32>
          %add3A_583 = arith.addi %broadcast_in_dim3A_1, %add3A_582 : vector<16xi32>
          %get3A_584 = arith.constant 0 : i32
          %get3A_585 = arith.constant 0 : i32
          %get3A_586 = arith.index_cast %get3A_584 : i32 to index
          %get3A_587 = arith.index_cast %get3A_585 : i32 to index
          %get3A_588 = arith.index_cast %add3A_581 : i32 to index
          %get3A_589 = arith.constant 0 : index
          %get3A_590 = tpu.vector_load %arg6[%get3A_586, %get3A_587, %get3A_588, %get3A_589] {strides = array<i32>} : memref<3x2x128x64xf32, #tpu.memory_space<vmem>>, vector<16xf32>,
          %mul3A_591 = arith.constant 8.000000e+00 : f32
          %mul3A_592 = vector.broadcast %mul3A_591 : f32 to vector<16xf32>
          %mul3A_593 = arith.mulf %get3A_590, %mul3A_592 : vector<16xf32>
          %scatter3A_594 = arith.constant 0 : i32
          %scatter3A_595 = arith.constant 0 : i32
          %scatter3A_596 = arith.constant 0 : i32
          %scatter3A_597 = arith.constant 0 : i32
          %scatter3A_598 = arith.constant 0 : i32
          %scatter3A_599 = arith.constant 0 : i32
          %scatter3A_600 = tpu.memref_slice %arg7[%scatter3A_594, %scatter3A_595, %scatter3A_596, %scatter3A_597, %scatter3A_598, %scatter3A_599] : memref<3x2x8x1x8x129xf32, #tpu.memory_space<vmem>> -> memref<1x1x8x1x8x129xf32, #tpu.memory_space<vmem>>
          %scatter3A_601 = tpu.memref_squeeze %scatter3A_600 : memref<1x1x8x1x8x129xf32, #tpu.memory_space<vmem>> -> memref<8x1x8x129xf32, #tpu.memory_space<vmem>>
          tpu.vector_store_idx %scatter3A_601[%add3A_27, %broadcast_in_dim3A_1, %select_n3A_149, %add3A_583], %mul3A_593 : memref<8x1x8x129xf32, #tpu.memory_space<vmem>>[vector<16xi32>, vector<16xi32>, vector<16xi32>, vector<16xi32>], vector<16xf32>,
          %get3A_602 = arith.constant 0 : i32
          %get3A_603 = arith.constant 0 : i32
          %get3A_604 = arith.index_cast %get3A_602 : i32 to index
          %get3A_605 = arith.index_cast %get3A_603 : i32 to index
          %get3A_606 = arith.index_cast %add3A_581 : i32 to index
          %get3A_607 = arith.constant 16 : index
          %get3A_608 = tpu.vector_load %arg6[%get3A_604, %get3A_605, %get3A_606, %get3A_607] {strides = array<i32>} : memref<3x2x128x64xf32, #tpu.memory_space<vmem>>, vector<16xf32>,
          %mul3A_609 = arith.constant 8.000000e+00 : f32
          %mul3A_610 = vector.broadcast %mul3A_609 : f32 to vector<16xf32>
          %mul3A_611 = arith.mulf %get3A_608, %mul3A_610 : vector<16xf32>
          %scatter3A_612 = arith.constant 0 : i32
          %scatter3A_613 = arith.constant 0 : i32
          %scatter3A_614 = arith.constant 0 : i32
          %scatter3A_615 = arith.constant 0 : i32
          %scatter3A_616 = arith.constant 0 : i32
          %scatter3A_617 = arith.constant 0 : i32
          %scatter3A_618 = tpu.memref_slice %arg7[%scatter3A_612, %scatter3A_613, %scatter3A_614, %scatter3A_615, %scatter3A_616, %scatter3A_617] : memref<3x2x8x1x8x129xf32, #tpu.memory_space<vmem>> -> memref<1x1x8x1x8x129xf32, #tpu.memory_space<vmem>>
          %scatter3A_619 = tpu.memref_squeeze %scatter3A_618 : memref<1x1x8x1x8x129xf32, #tpu.memory_space<vmem>> -> memref<8x1x8x129xf32, #tpu.memory_space<vmem>>
          tpu.vector_store_idx %scatter3A_619[%add3A_61, %broadcast_in_dim3A_1, %select_n3A_171, %add3A_583], %mul3A_611 : memref<8x1x8x129xf32, #tpu.memory_space<vmem>>[vector<16xi32>, vector<16xi32>, vector<16xi32>, vector<16xi32>], vector<16xf32>,
          %get3A_620 = arith.constant 0 : i32
          %get3A_621 = arith.constant 0 : i32
          %get3A_622 = arith.index_cast %get3A_620 : i32 to index
          %get3A_623 = arith.index_cast %get3A_621 : i32 to index
          %get3A_624 = arith.index_cast %add3A_581 : i32 to index
          %get3A_625 = arith.constant 32 : index
          %get3A_626 = tpu.vector_load %arg6[%get3A_622, %get3A_623, %get3A_624, %get3A_625] {strides = array<i32>} : memref<3x2x128x64xf32, #tpu.memory_space<vmem>>, vector<16xf32>,
          %mul3A_627 = arith.constant 8.000000e+00 : f32
          %mul3A_628 = vector.broadcast %mul3A_627 : f32 to vector<16xf32>
          %mul3A_629 = arith.mulf %get3A_626, %mul3A_628 : vector<16xf32>
          %scatter3A_630 = arith.constant 0 : i32
          %scatter3A_631 = arith.constant 0 : i32
          %scatter3A_632 = arith.constant 0 : i32
          %scatter3A_633 = arith.constant 0 : i32
          %scatter3A_634 = arith.constant 0 : i32
          %scatter3A_635 = arith.constant 0 : i32
          %scatter3A_636 = tpu.memref_slice %arg7[%scatter3A_630, %scatter3A_631, %scatter3A_632, %scatter3A_633, %scatter3A_634, %scatter3A_635] : memref<3x2x8x1x8x129xf32, #tpu.memory_space<vmem>> -> memref<1x1x8x1x8x129xf32, #tpu.memory_space<vmem>>
          %scatter3A_637 = tpu.memref_squeeze %scatter3A_636 : memref<1x1x8x1x8x129xf32, #tpu.memory_space<vmem>> -> memref<8x1x8x129xf32, #tpu.memory_space<vmem>>
          tpu.vector_store_idx %scatter3A_637[%add3A_95, %broadcast_in_dim3A_1, %select_n3A_193, %add3A_583], %mul3A_629 : memref<8x1x8x129xf32, #tpu.memory_space<vmem>>[vector<16xi32>, vector<16xi32>, vector<16xi32>, vector<16xi32>], vector<16xf32>,
          %get3A_638 = arith.constant 0 : i32
          %get3A_639 = arith.constant 0 : i32
          %get3A_640 = arith.index_cast %get3A_638 : i32 to index
          %get3A_641 = arith.index_cast %get3A_639 : i32 to index
          %get3A_642 = arith.index_cast %add3A_581 : i32 to index
          %get3A_643 = arith.constant 48 : index
          %get3A_644 = tpu.vector_load %arg6[%get3A_640, %get3A_641, %get3A_642, %get3A_643] {strides = array<i32>} : memref<3x2x128x64xf32, #tpu.memory_space<vmem>>, vector<16xf32>,
          %mul3A_645 = arith.constant 8.000000e+00 : f32
          %mul3A_646 = vector.broadcast %mul3A_645 : f32 to vector<16xf32>
          %mul3A_647 = arith.mulf %get3A_644, %mul3A_646 : vector<16xf32>
          %scatter3A_648 = arith.constant 0 : i32
          %scatter3A_649 = arith.constant 0 : i32
          %scatter3A_650 = arith.constant 0 : i32
          %scatter3A_651 = arith.constant 0 : i32
          %scatter3A_652 = arith.constant 0 : i32
          %scatter3A_653 = arith.constant 0 : i32
          %scatter3A_654 = tpu.memref_slice %arg7[%scatter3A_648, %scatter3A_649, %scatter3A_650, %scatter3A_651, %scatter3A_652, %scatter3A_653] : memref<3x2x8x1x8x129xf32, #tpu.memory_space<vmem>> -> memref<1x1x8x1x8x129xf32, #tpu.memory_space<vmem>>
          %scatter3A_655 = tpu.memref_squeeze %scatter3A_654 : memref<1x1x8x1x8x129xf32, #tpu.memory_space<vmem>> -> memref<8x1x8x129xf32, #tpu.memory_space<vmem>>
          tpu.vector_store_idx %scatter3A_655[%add3A_129, %broadcast_in_dim3A_1, %select_n3A_215, %add3A_583], %mul3A_647 : memref<8x1x8x129xf32, #tpu.memory_space<vmem>>[vector<16xi32>, vector<16xi32>, vector<16xi32>, vector<16xi32>], vector<16xf32>,
          %scan3A_656 = arith.constant 2 : i32
          %scan3A_657 = arith.addi %scan3A_499, %scan3A_656 : i32
          %mul3A_658 = arith.constant 1 : i32
          %mul3A_659 = arith.muli %scan3A_657, %mul3A_658 : i32
          %add3A_660 = arith.constant 0 : i32
          %add3A_661 = arith.addi %add3A_660, %mul3A_659 : i32
          %add3A_662 = vector.broadcast %add3A_661 : i32 to vector<16xi32>
          %add3A_663 = arith.addi %broadcast_in_dim3A_1, %add3A_662 : vector<16xi32>
          %get3A_664 = arith.constant 0 : i32
          %get3A_665 = arith.constant 0 : i32
          %get3A_666 = arith.index_cast %get3A_664 : i32 to index
          %get3A_667 = arith.index_cast %get3A_665 : i32 to index
          %get3A_668 = arith.index_cast %add3A_661 : i32 to index
          %get3A_669 = arith.constant 0 : index
          %get3A_670 = tpu.vector_load %arg6[%get3A_666, %get3A_667, %get3A_668, %get3A_669] {strides = array<i32>} : memref<3x2x128x64xf32, #tpu.memory_space<vmem>>, vector<16xf32>,
          %mul3A_671 = arith.constant 8.000000e+00 : f32
          %mul3A_672 = vector.broadcast %mul3A_671 : f32 to vector<16xf32>
          %mul3A_673 = arith.mulf %get3A_670, %mul3A_672 : vector<16xf32>
          %scatter3A_674 = arith.constant 0 : i32
          %scatter3A_675 = arith.constant 0 : i32
          %scatter3A_676 = arith.constant 0 : i32
          %scatter3A_677 = arith.constant 0 : i32
          %scatter3A_678 = arith.constant 0 : i32
          %scatter3A_679 = arith.constant 0 : i32
          %scatter3A_680 = tpu.memref_slice %arg7[%scatter3A_674, %scatter3A_675, %scatter3A_676, %scatter3A_677, %scatter3A_678, %scatter3A_679] : memref<3x2x8x1x8x129xf32, #tpu.memory_space<vmem>> -> memref<1x1x8x1x8x129xf32, #tpu.memory_space<vmem>>
          %scatter3A_681 = tpu.memref_squeeze %scatter3A_680 : memref<1x1x8x1x8x129xf32, #tpu.memory_space<vmem>> -> memref<8x1x8x129xf32, #tpu.memory_space<vmem>>
          tpu.vector_store_idx %scatter3A_681[%add3A_27, %broadcast_in_dim3A_1, %select_n3A_149, %add3A_663], %mul3A_673 : memref<8x1x8x129xf32, #tpu.memory_space<vmem>>[vector<16xi32>, vector<16xi32>, vector<16xi32>, vector<16xi32>], vector<16xf32>,
          %get3A_682 = arith.constant 0 : i32
          %get3A_683 = arith.constant 0 : i32
          %get3A_684 = arith.index_cast %get3A_682 : i32 to index
          %get3A_685 = arith.index_cast %get3A_683 : i32 to index
          %get3A_686 = arith.index_cast %add3A_661 : i32 to index
          %get3A_687 = arith.constant 16 : index
          %get3A_688 = tpu.vector_load %arg6[%get3A_684, %get3A_685, %get3A_686, %get3A_687] {strides = array<i32>} : memref<3x2x128x64xf32, #tpu.memory_space<vmem>>, vector<16xf32>,
          %mul3A_689 = arith.constant 8.000000e+00 : f32
          %mul3A_690 = vector.broadcast %mul3A_689 : f32 to vector<16xf32>
          %mul3A_691 = arith.mulf %get3A_688, %mul3A_690 : vector<16xf32>
          %scatter3A_692 = arith.constant 0 : i32
          %scatter3A_693 = arith.constant 0 : i32
          %scatter3A_694 = arith.constant 0 : i32
          %scatter3A_695 = arith.constant 0 : i32
          %scatter3A_696 = arith.constant 0 : i32
          %scatter3A_697 = arith.constant 0 : i32
          %scatter3A_698 = tpu.memref_slice %arg7[%scatter3A_692, %scatter3A_693, %scatter3A_694, %scatter3A_695, %scatter3A_696, %scatter3A_697] : memref<3x2x8x1x8x129xf32, #tpu.memory_space<vmem>> -> memref<1x1x8x1x8x129xf32, #tpu.memory_space<vmem>>
          %scatter3A_699 = tpu.memref_squeeze %scatter3A_698 : memref<1x1x8x1x8x129xf32, #tpu.memory_space<vmem>> -> memref<8x1x8x129xf32, #tpu.memory_space<vmem>>
          tpu.vector_store_idx %scatter3A_699[%add3A_61, %broadcast_in_dim3A_1, %select_n3A_171, %add3A_663], %mul3A_691 : memref<8x1x8x129xf32, #tpu.memory_space<vmem>>[vector<16xi32>, vector<16xi32>, vector<16xi32>, vector<16xi32>], vector<16xf32>,
          %get3A_700 = arith.constant 0 : i32
          %get3A_701 = arith.constant 0 : i32
          %get3A_702 = arith.index_cast %get3A_700 : i32 to index
          %get3A_703 = arith.index_cast %get3A_701 : i32 to index
          %get3A_704 = arith.index_cast %add3A_661 : i32 to index
          %get3A_705 = arith.constant 32 : index
          %get3A_706 = tpu.vector_load %arg6[%get3A_702, %get3A_703, %get3A_704, %get3A_705] {strides = array<i32>} : memref<3x2x128x64xf32, #tpu.memory_space<vmem>>, vector<16xf32>,
          %mul3A_707 = arith.constant 8.000000e+00 : f32
          %mul3A_708 = vector.broadcast %mul3A_707 : f32 to vector<16xf32>
          %mul3A_709 = arith.mulf %get3A_706, %mul3A_708 : vector<16xf32>
          %scatter3A_710 = arith.constant 0 : i32
          %scatter3A_711 = arith.constant 0 : i32
          %scatter3A_712 = arith.constant 0 : i32
          %scatter3A_713 = arith.constant 0 : i32
          %scatter3A_714 = arith.constant 0 : i32
          %scatter3A_715 = arith.constant 0 : i32
          %scatter3A_716 = tpu.memref_slice %arg7[%scatter3A_710, %scatter3A_711, %scatter3A_712, %scatter3A_713, %scatter3A_714, %scatter3A_715] : memref<3x2x8x1x8x129xf32, #tpu.memory_space<vmem>> -> memref<1x1x8x1x8x129xf32, #tpu.memory_space<vmem>>
          %scatter3A_717 = tpu.memref_squeeze %scatter3A_716 : memref<1x1x8x1x8x129xf32, #tpu.memory_space<vmem>> -> memref<8x1x8x129xf32, #tpu.memory_space<vmem>>
          tpu.vector_store_idx %scatter3A_717[%add3A_95, %broadcast_in_dim3A_1, %select_n3A_193, %add3A_663], %mul3A_709 : memref<8x1x8x129xf32, #tpu.memory_space<vmem>>[vector<16xi32>, vector<16xi32>, vector<16xi32>, vector<16xi32>], vector<16xf32>,
          %get3A_718 = arith.constant 0 : i32
          %get3A_719 = arith.constant 0 : i32
          %get3A_720 = arith.index_cast %get3A_718 : i32 to index
          %get3A_721 = arith.index_cast %get3A_719 : i32 to index
          %get3A_722 = arith.index_cast %add3A_661 : i32 to index
          %get3A_723 = arith.constant 48 : index
          %get3A_724 = tpu.vector_load %arg6[%get3A_720, %get3A_721, %get3A_722, %get3A_723] {strides = array<i32>} : memref<3x2x128x64xf32, #tpu.memory_space<vmem>>, vector<16xf32>,
          %mul3A_725 = arith.constant 8.000000e+00 : f32
          %mul3A_726 = vector.broadcast %mul3A_725 : f32 to vector<16xf32>
          %mul3A_727 = arith.mulf %get3A_724, %mul3A_726 : vector<16xf32>
          %scatter3A_728 = arith.constant 0 : i32
          %scatter3A_729 = arith.constant 0 : i32
          %scatter3A_730 = arith.constant 0 : i32
          %scatter3A_731 = arith.constant 0 : i32
          %scatter3A_732 = arith.constant 0 : i32
          %scatter3A_733 = arith.constant 0 : i32
          %scatter3A_734 = tpu.memref_slice %arg7[%scatter3A_728, %scatter3A_729, %scatter3A_730, %scatter3A_731, %scatter3A_732, %scatter3A_733] : memref<3x2x8x1x8x129xf32, #tpu.memory_space<vmem>> -> memref<1x1x8x1x8x129xf32, #tpu.memory_space<vmem>>
          %scatter3A_735 = tpu.memref_squeeze %scatter3A_734 : memref<1x1x8x1x8x129xf32, #tpu.memory_space<vmem>> -> memref<8x1x8x129xf32, #tpu.memory_space<vmem>>
          tpu.vector_store_idx %scatter3A_735[%add3A_129, %broadcast_in_dim3A_1, %select_n3A_215, %add3A_663], %mul3A_727 : memref<8x1x8x129xf32, #tpu.memory_space<vmem>>[vector<16xi32>, vector<16xi32>, vector<16xi32>, vector<16xi32>], vector<16xf32>,
          %scan3A_736 = arith.constant 3 : i32
          %scan3A_737 = arith.addi %scan3A_499, %scan3A_736 : i32
          %mul3A_738 = arith.constant 1 : i32
          %mul3A_739 = arith.muli %scan3A_737, %mul3A_738 : i32
          %add3A_740 = arith.constant 0 : i32
          %add3A_741 = arith.addi %add3A_740, %mul3A_739 : i32
          %add3A_742 = vector.broadcast %add3A_741 : i32 to vector<16xi32>
          %add3A_743 = arith.addi %broadcast_in_dim3A_1, %add3A_742 : vector<16xi32>
          %get3A_744 = arith.constant 0 : i32
          %get3A_745 = arith.constant 0 : i32
          %get3A_746 = arith.index_cast %get3A_744 : i32 to index
          %get3A_747 = arith.index_cast %get3A_745 : i32 to index
          %get3A_748 = arith.index_cast %add3A_741 : i32 to index
          %get3A_749 = arith.constant 0 : index
          %get3A_750 = tpu.vector_load %arg6[%get3A_746, %get3A_747, %get3A_748, %get3A_749] {strides = array<i32>} : memref<3x2x128x64xf32, #tpu.memory_space<vmem>>, vector<16xf32>,
          %mul3A_751 = arith.constant 8.000000e+00 : f32
          %mul3A_752 = vector.broadcast %mul3A_751 : f32 to vector<16xf32>
          %mul3A_753 = arith.mulf %get3A_750, %mul3A_752 : vector<16xf32>
          %scatter3A_754 = arith.constant 0 : i32
          %scatter3A_755 = arith.constant 0 : i32
          %scatter3A_756 = arith.constant 0 : i32
          %scatter3A_757 = arith.constant 0 : i32
          %scatter3A_758 = arith.constant 0 : i32
          %scatter3A_759 = arith.constant 0 : i32
          %scatter3A_760 = tpu.memref_slice %arg7[%scatter3A_754, %scatter3A_755, %scatter3A_756, %scatter3A_757, %scatter3A_758, %scatter3A_759] : memref<3x2x8x1x8x129xf32, #tpu.memory_space<vmem>> -> memref<1x1x8x1x8x129xf32, #tpu.memory_space<vmem>>
          %scatter3A_761 = tpu.memref_squeeze %scatter3A_760 : memref<1x1x8x1x8x129xf32, #tpu.memory_space<vmem>> -> memref<8x1x8x129xf32, #tpu.memory_space<vmem>>
          tpu.vector_store_idx %scatter3A_761[%add3A_27, %broadcast_in_dim3A_1, %select_n3A_149, %add3A_743], %mul3A_753 : memref<8x1x8x129xf32, #tpu.memory_space<vmem>>[vector<16xi32>, vector<16xi32>, vector<16xi32>, vector<16xi32>], vector<16xf32>,
          %get3A_762 = arith.constant 0 : i32
          %get3A_763 = arith.constant 0 : i32
          %get3A_764 = arith.index_cast %get3A_762 : i32 to index
          %get3A_765 = arith.index_cast %get3A_763 : i32 to index
          %get3A_766 = arith.index_cast %add3A_741 : i32 to index
          %get3A_767 = arith.constant 16 : index
          %get3A_768 = tpu.vector_load %arg6[%get3A_764, %get3A_765, %get3A_766, %get3A_767] {strides = array<i32>} : memref<3x2x128x64xf32, #tpu.memory_space<vmem>>, vector<16xf32>,
          %mul3A_769 = arith.constant 8.000000e+00 : f32
          %mul3A_770 = vector.broadcast %mul3A_769 : f32 to vector<16xf32>
          %mul3A_771 = arith.mulf %get3A_768, %mul3A_770 : vector<16xf32>
          %scatter3A_772 = arith.constant 0 : i32
          %scatter3A_773 = arith.constant 0 : i32
          %scatter3A_774 = arith.constant 0 : i32
          %scatter3A_775 = arith.constant 0 : i32
          %scatter3A_776 = arith.constant 0 : i32
          %scatter3A_777 = arith.constant 0 : i32
          %scatter3A_778 = tpu.memref_slice %arg7[%scatter3A_772, %scatter3A_773, %scatter3A_774, %scatter3A_775, %scatter3A_776, %scatter3A_777] : memref<3x2x8x1x8x129xf32, #tpu.memory_space<vmem>> -> memref<1x1x8x1x8x129xf32, #tpu.memory_space<vmem>>
          %scatter3A_779 = tpu.memref_squeeze %scatter3A_778 : memref<1x1x8x1x8x129xf32, #tpu.memory_space<vmem>> -> memref<8x1x8x129xf32, #tpu.memory_space<vmem>>
          tpu.vector_store_idx %scatter3A_779[%add3A_61, %broadcast_in_dim3A_1, %select_n3A_171, %add3A_743], %mul3A_771 : memref<8x1x8x129xf32, #tpu.memory_space<vmem>>[vector<16xi32>, vector<16xi32>, vector<16xi32>, vector<16xi32>], vector<16xf32>,
          %get3A_780 = arith.constant 0 : i32
          %get3A_781 = arith.constant 0 : i32
          %get3A_782 = arith.index_cast %get3A_780 : i32 to index
          %get3A_783 = arith.index_cast %get3A_781 : i32 to index
          %get3A_784 = arith.index_cast %add3A_741 : i32 to index
          %get3A_785 = arith.constant 32 : index
          %get3A_786 = tpu.vector_load %arg6[%get3A_782, %get3A_783, %get3A_784, %get3A_785] {strides = array<i32>} : memref<3x2x128x64xf32, #tpu.memory_space<vmem>>, vector<16xf32>,
          %mul3A_787 = arith.constant 8.000000e+00 : f32
          %mul3A_788 = vector.broadcast %mul3A_787 : f32 to vector<16xf32>
          %mul3A_789 = arith.mulf %get3A_786, %mul3A_788 : vector<16xf32>
          %scatter3A_790 = arith.constant 0 : i32
          %scatter3A_791 = arith.constant 0 : i32
          %scatter3A_792 = arith.constant 0 : i32
          %scatter3A_793 = arith.constant 0 : i32
          %scatter3A_794 = arith.constant 0 : i32
          %scatter3A_795 = arith.constant 0 : i32
          %scatter3A_796 = tpu.memref_slice %arg7[%scatter3A_790, %scatter3A_791, %scatter3A_792, %scatter3A_793, %scatter3A_794, %scatter3A_795] : memref<3x2x8x1x8x129xf32, #tpu.memory_space<vmem>> -> memref<1x1x8x1x8x129xf32, #tpu.memory_space<vmem>>
          %scatter3A_797 = tpu.memref_squeeze %scatter3A_796 : memref<1x1x8x1x8x129xf32, #tpu.memory_space<vmem>> -> memref<8x1x8x129xf32, #tpu.memory_space<vmem>>
          tpu.vector_store_idx %scatter3A_797[%add3A_95, %broadcast_in_dim3A_1, %select_n3A_193, %add3A_743], %mul3A_789 : memref<8x1x8x129xf32, #tpu.memory_space<vmem>>[vector<16xi32>, vector<16xi32>, vector<16xi32>, vector<16xi32>], vector<16xf32>,
          %get3A_798 = arith.constant 0 : i32
          %get3A_799 = arith.constant 0 : i32
          %get3A_800 = arith.index_cast %get3A_798 : i32 to index
          %get3A_801 = arith.index_cast %get3A_799 : i32 to index
          %get3A_802 = arith.index_cast %add3A_741 : i32 to index
          %get3A_803 = arith.constant 48 : index
          %get3A_804 = tpu.vector_load %arg6[%get3A_800, %get3A_801, %get3A_802, %get3A_803] {strides = array<i32>} : memref<3x2x128x64xf32, #tpu.memory_space<vmem>>, vector<16xf32>,
          %mul3A_805 = arith.constant 8.000000e+00 : f32
          %mul3A_806 = vector.broadcast %mul3A_805 : f32 to vector<16xf32>
          %mul3A_807 = arith.mulf %get3A_804, %mul3A_806 : vector<16xf32>
          %scatter3A_808 = arith.constant 0 : i32
          %scatter3A_809 = arith.constant 0 : i32
          %scatter3A_810 = arith.constant 0 : i32
          %scatter3A_811 = arith.constant 0 : i32
          %scatter3A_812 = arith.constant 0 : i32
          %scatter3A_813 = arith.constant 0 : i32
          %scatter3A_814 = tpu.memref_slice %arg7[%scatter3A_808, %scatter3A_809, %scatter3A_810, %scatter3A_811, %scatter3A_812, %scatter3A_813] : memref<3x2x8x1x8x129xf32, #tpu.memory_space<vmem>> -> memref<1x1x8x1x8x129xf32, #tpu.memory_space<vmem>>
          %scatter3A_815 = tpu.memref_squeeze %scatter3A_814 : memref<1x1x8x1x8x129xf32, #tpu.memory_space<vmem>> -> memref<8x1x8x129xf32, #tpu.memory_space<vmem>>
          tpu.vector_store_idx %scatter3A_815[%add3A_129, %broadcast_in_dim3A_1, %select_n3A_215, %add3A_743], %mul3A_807 : memref<8x1x8x129xf32, #tpu.memory_space<vmem>>[vector<16xi32>, vector<16xi32>, vector<16xi32>, vector<16xi32>], vector<16xf32>,
        }
        %scan3A_441 = arith.constant 128 : i32
        %scan3A_442 = arith.constant 0 : i32
        %scan3A_443 = arith.constant 128 : i32
        %scan3A_444 = arith.addi %scan3A_442, %scan3A_443 : i32
        %scan3A_445 = arith.constant 4 : i32
        scf.for %scan3A_499 = %scan3A_442 to %scan3A_444 step %scan3A_445  : i32 {
          %mul3A_500 = arith.constant 1 : i32
          %mul3A_501 = arith.muli %scan3A_499, %mul3A_500 : i32
          %add3A_502 = arith.constant 0 : i32
          %add3A_503 = arith.addi %add3A_502, %mul3A_501 : i32
          %add3A_504 = vector.broadcast %add3A_503 : i32 to vector<16xi32>
          %add3A_505 = arith.addi %broadcast_in_dim3A_1, %add3A_504 : vector<16xi32>
          %get3A = arith.constant 0 : i32
          %get3A_506 = arith.constant 1 : i32
          %get3A_507 = arith.index_cast %get3A : i32 to index
          %get3A_508 = arith.index_cast %get3A_506 : i32 to index
          %get3A_509 = arith.index_cast %add3A_503 : i32 to index
          %get3A_510 = arith.constant 0 : index
          %get3A_511 = tpu.vector_load %arg6[%get3A_507, %get3A_508, %get3A_509, %get3A_510] {strides = array<i32>} : memref<3x2x128x64xf32, #tpu.memory_space<vmem>>, vector<16xf32>,
          %mul3A_512 = arith.constant 8.000000e+00 : f32
          %mul3A_513 = vector.broadcast %mul3A_512 : f32 to vector<16xf32>
          %mul3A_514 = arith.mulf %get3A_511, %mul3A_513 : vector<16xf32>
          %scatter3A = arith.constant 0 : i32
          %scatter3A_515 = arith.constant 1 : i32
          %scatter3A_516 = arith.constant 0 : i32
          %scatter3A_517 = arith.constant 0 : i32
          %scatter3A_518 = arith.constant 0 : i32
          %scatter3A_519 = arith.constant 0 : i32
          %scatter3A_520 = tpu.memref_slice %arg7[%scatter3A, %scatter3A_515, %scatter3A_516, %scatter3A_517, %scatter3A_518, %scatter3A_519] : memref<3x2x8x1x8x129xf32, #tpu.memory_space<vmem>> -> memref<1x1x8x1x8x129xf32, #tpu.memory_space<vmem>>
          %scatter3A_521 = tpu.memref_squeeze %scatter3A_520 : memref<1x1x8x1x8x129xf32, #tpu.memory_space<vmem>> -> memref<8x1x8x129xf32, #tpu.memory_space<vmem>>
          tpu.vector_store_idx %scatter3A_521[%add3A_27, %broadcast_in_dim3A_1, %select_n3A_149, %add3A_505], %mul3A_514 : memref<8x1x8x129xf32, #tpu.memory_space<vmem>>[vector<16xi32>, vector<16xi32>, vector<16xi32>, vector<16xi32>], vector<16xf32>,
          %get3A_522 = arith.constant 0 : i32
          %get3A_523 = arith.constant 1 : i32
          %get3A_524 = arith.index_cast %get3A_522 : i32 to index
          %get3A_525 = arith.index_cast %get3A_523 : i32 to index
          %get3A_526 = arith.index_cast %add3A_503 : i32 to index
          %get3A_527 = arith.constant 16 : index
          %get3A_528 = tpu.vector_load %arg6[%get3A_524, %get3A_525, %get3A_526, %get3A_527] {strides = array<i32>} : memref<3x2x128x64xf32, #tpu.memory_space<vmem>>, vector<16xf32>,
          %mul3A_529 = arith.constant 8.000000e+00 : f32
          %mul3A_530 = vector.broadcast %mul3A_529 : f32 to vector<16xf32>
          %mul3A_531 = arith.mulf %get3A_528, %mul3A_530 : vector<16xf32>
          %scatter3A_532 = arith.constant 0 : i32
          %scatter3A_533 = arith.constant 1 : i32
          %scatter3A_534 = arith.constant 0 : i32
          %scatter3A_535 = arith.constant 0 : i32
          %scatter3A_536 = arith.constant 0 : i32
          %scatter3A_537 = arith.constant 0 : i32
          %scatter3A_538 = tpu.memref_slice %arg7[%scatter3A_532, %scatter3A_533, %scatter3A_534, %scatter3A_535, %scatter3A_536, %scatter3A_537] : memref<3x2x8x1x8x129xf32, #tpu.memory_space<vmem>> -> memref<1x1x8x1x8x129xf32, #tpu.memory_space<vmem>>
          %scatter3A_539 = tpu.memref_squeeze %scatter3A_538 : memref<1x1x8x1x8x129xf32, #tpu.memory_space<vmem>> -> memref<8x1x8x129xf32, #tpu.memory_space<vmem>>
          tpu.vector_store_idx %scatter3A_539[%add3A_61, %broadcast_in_dim3A_1, %select_n3A_171, %add3A_505], %mul3A_531 : memref<8x1x8x129xf32, #tpu.memory_space<vmem>>[vector<16xi32>, vector<16xi32>, vector<16xi32>, vector<16xi32>], vector<16xf32>,
          %get3A_540 = arith.constant 0 : i32
          %get3A_541 = arith.constant 1 : i32
          %get3A_542 = arith.index_cast %get3A_540 : i32 to index
          %get3A_543 = arith.index_cast %get3A_541 : i32 to index
          %get3A_544 = arith.index_cast %add3A_503 : i32 to index
          %get3A_545 = arith.constant 32 : index
          %get3A_546 = tpu.vector_load %arg6[%get3A_542, %get3A_543, %get3A_544, %get3A_545] {strides = array<i32>} : memref<3x2x128x64xf32, #tpu.memory_space<vmem>>, vector<16xf32>,
          %mul3A_547 = arith.constant 8.000000e+00 : f32
          %mul3A_548 = vector.broadcast %mul3A_547 : f32 to vector<16xf32>
          %mul3A_549 = arith.mulf %get3A_546, %mul3A_548 : vector<16xf32>
          %scatter3A_550 = arith.constant 0 : i32
          %scatter3A_551 = arith.constant 1 : i32
          %scatter3A_552 = arith.constant 0 : i32
          %scatter3A_553 = arith.constant 0 : i32
          %scatter3A_554 = arith.constant 0 : i32
          %scatter3A_555 = arith.constant 0 : i32
          %scatter3A_556 = tpu.memref_slice %arg7[%scatter3A_550, %scatter3A_551, %scatter3A_552, %scatter3A_553, %scatter3A_554, %scatter3A_555] : memref<3x2x8x1x8x129xf32, #tpu.memory_space<vmem>> -> memref<1x1x8x1x8x129xf32, #tpu.memory_space<vmem>>
          %scatter3A_557 = tpu.memref_squeeze %scatter3A_556 : memref<1x1x8x1x8x129xf32, #tpu.memory_space<vmem>> -> memref<8x1x8x129xf32, #tpu.memory_space<vmem>>
          tpu.vector_store_idx %scatter3A_557[%add3A_95, %broadcast_in_dim3A_1, %select_n3A_193, %add3A_505], %mul3A_549 : memref<8x1x8x129xf32, #tpu.memory_space<vmem>>[vector<16xi32>, vector<16xi32>, vector<16xi32>, vector<16xi32>], vector<16xf32>,
          %get3A_558 = arith.constant 0 : i32
          %get3A_559 = arith.constant 1 : i32
          %get3A_560 = arith.index_cast %get3A_558 : i32 to index
          %get3A_561 = arith.index_cast %get3A_559 : i32 to index
          %get3A_562 = arith.index_cast %add3A_503 : i32 to index
          %get3A_563 = arith.constant 48 : index
          %get3A_564 = tpu.vector_load %arg6[%get3A_560, %get3A_561, %get3A_562, %get3A_563] {strides = array<i32>} : memref<3x2x128x64xf32, #tpu.memory_space<vmem>>, vector<16xf32>,
          %mul3A_565 = arith.constant 8.000000e+00 : f32
          %mul3A_566 = vector.broadcast %mul3A_565 : f32 to vector<16xf32>
          %mul3A_567 = arith.mulf %get3A_564, %mul3A_566 : vector<16xf32>
          %scatter3A_568 = arith.constant 0 : i32
          %scatter3A_569 = arith.constant 1 : i32
          %scatter3A_570 = arith.constant 0 : i32
          %scatter3A_571 = arith.constant 0 : i32
          %scatter3A_572 = arith.constant 0 : i32
          %scatter3A_573 = arith.constant 0 : i32
          %scatter3A_574 = tpu.memref_slice %arg7[%scatter3A_568, %scatter3A_569, %scatter3A_570, %scatter3A_571, %scatter3A_572, %scatter3A_573] : memref<3x2x8x1x8x129xf32, #tpu.memory_space<vmem>> -> memref<1x1x8x1x8x129xf32, #tpu.memory_space<vmem>>
          %scatter3A_575 = tpu.memref_squeeze %scatter3A_574 : memref<1x1x8x1x8x129xf32, #tpu.memory_space<vmem>> -> memref<8x1x8x129xf32, #tpu.memory_space<vmem>>
          tpu.vector_store_idx %scatter3A_575[%add3A_129, %broadcast_in_dim3A_1, %select_n3A_215, %add3A_505], %mul3A_567 : memref<8x1x8x129xf32, #tpu.memory_space<vmem>>[vector<16xi32>, vector<16xi32>, vector<16xi32>, vector<16xi32>], vector<16xf32>,
          %scan3A_576 = arith.constant 1 : i32
          %scan3A_577 = arith.addi %scan3A_499, %scan3A_576 : i32
          %mul3A_578 = arith.constant 1 : i32
          %mul3A_579 = arith.muli %scan3A_577, %mul3A_578 : i32
          %add3A_580 = arith.constant 0 : i32
          %add3A_581 = arith.addi %add3A_580, %mul3A_579 : i32
          %add3A_582 = vector.broadcast %add3A_581 : i32 to vector<16xi32>
          %add3A_583 = arith.addi %broadcast_in_dim3A_1, %add3A_582 : vector<16xi32>
          %get3A_584 = arith.constant 0 : i32
          %get3A_585 = arith.constant 1 : i32
          %get3A_586 = arith.index_cast %get3A_584 : i32 to index
          %get3A_587 = arith.index_cast %get3A_585 : i32 to index
          %get3A_588 = arith.index_cast %add3A_581 : i32 to index
          %get3A_589 = arith.constant 0 : index
          %get3A_590 = tpu.vector_load %arg6[%get3A_586, %get3A_587, %get3A_588, %get3A_589] {strides = array<i32>} : memref<3x2x128x64xf32, #tpu.memory_space<vmem>>, vector<16xf32>,
          %mul3A_591 = arith.constant 8.000000e+00 : f32
          %mul3A_592 = vector.broadcast %mul3A_591 : f32 to vector<16xf32>
          %mul3A_593 = arith.mulf %get3A_590, %mul3A_592 : vector<16xf32>
          %scatter3A_594 = arith.constant 0 : i32
          %scatter3A_595 = arith.constant 1 : i32
          %scatter3A_596 = arith.constant 0 : i32
          %scatter3A_597 = arith.constant 0 : i32
          %scatter3A_598 = arith.constant 0 : i32
          %scatter3A_599 = arith.constant 0 : i32
          %scatter3A_600 = tpu.memref_slice %arg7[%scatter3A_594, %scatter3A_595, %scatter3A_596, %scatter3A_597, %scatter3A_598, %scatter3A_599] : memref<3x2x8x1x8x129xf32, #tpu.memory_space<vmem>> -> memref<1x1x8x1x8x129xf32, #tpu.memory_space<vmem>>
          %scatter3A_601 = tpu.memref_squeeze %scatter3A_600 : memref<1x1x8x1x8x129xf32, #tpu.memory_space<vmem>> -> memref<8x1x8x129xf32, #tpu.memory_space<vmem>>
          tpu.vector_store_idx %scatter3A_601[%add3A_27, %broadcast_in_dim3A_1, %select_n3A_149, %add3A_583], %mul3A_593 : memref<8x1x8x129xf32, #tpu.memory_space<vmem>>[vector<16xi32>, vector<16xi32>, vector<16xi32>, vector<16xi32>], vector<16xf32>,
          %get3A_602 = arith.constant 0 : i32
          %get3A_603 = arith.constant 1 : i32
          %get3A_604 = arith.index_cast %get3A_602 : i32 to index
          %get3A_605 = arith.index_cast %get3A_603 : i32 to index
          %get3A_606 = arith.index_cast %add3A_581 : i32 to index
          %get3A_607 = arith.constant 16 : index
          %get3A_608 = tpu.vector_load %arg6[%get3A_604, %get3A_605, %get3A_606, %get3A_607] {strides = array<i32>} : memref<3x2x128x64xf32, #tpu.memory_space<vmem>>, vector<16xf32>,
          %mul3A_609 = arith.constant 8.000000e+00 : f32
          %mul3A_610 = vector.broadcast %mul3A_609 : f32 to vector<16xf32>
          %mul3A_611 = arith.mulf %get3A_608, %mul3A_610 : vector<16xf32>
          %scatter3A_612 = arith.constant 0 : i32
          %scatter3A_613 = arith.constant 1 : i32
          %scatter3A_614 = arith.constant 0 : i32
          %scatter3A_615 = arith.constant 0 : i32
          %scatter3A_616 = arith.constant 0 : i32
          %scatter3A_617 = arith.constant 0 : i32
          %scatter3A_618 = tpu.memref_slice %arg7[%scatter3A_612, %scatter3A_613, %scatter3A_614, %scatter3A_615, %scatter3A_616, %scatter3A_617] : memref<3x2x8x1x8x129xf32, #tpu.memory_space<vmem>> -> memref<1x1x8x1x8x129xf32, #tpu.memory_space<vmem>>
          %scatter3A_619 = tpu.memref_squeeze %scatter3A_618 : memref<1x1x8x1x8x129xf32, #tpu.memory_space<vmem>> -> memref<8x1x8x129xf32, #tpu.memory_space<vmem>>
          tpu.vector_store_idx %scatter3A_619[%add3A_61, %broadcast_in_dim3A_1, %select_n3A_171, %add3A_583], %mul3A_611 : memref<8x1x8x129xf32, #tpu.memory_space<vmem>>[vector<16xi32>, vector<16xi32>, vector<16xi32>, vector<16xi32>], vector<16xf32>,
          %get3A_620 = arith.constant 0 : i32
          %get3A_621 = arith.constant 1 : i32
          %get3A_622 = arith.index_cast %get3A_620 : i32 to index
          %get3A_623 = arith.index_cast %get3A_621 : i32 to index
          %get3A_624 = arith.index_cast %add3A_581 : i32 to index
          %get3A_625 = arith.constant 32 : index
          %get3A_626 = tpu.vector_load %arg6[%get3A_622, %get3A_623, %get3A_624, %get3A_625] {strides = array<i32>} : memref<3x2x128x64xf32, #tpu.memory_space<vmem>>, vector<16xf32>,
          %mul3A_627 = arith.constant 8.000000e+00 : f32
          %mul3A_628 = vector.broadcast %mul3A_627 : f32 to vector<16xf32>
          %mul3A_629 = arith.mulf %get3A_626, %mul3A_628 : vector<16xf32>
          %scatter3A_630 = arith.constant 0 : i32
          %scatter3A_631 = arith.constant 1 : i32
          %scatter3A_632 = arith.constant 0 : i32
          %scatter3A_633 = arith.constant 0 : i32
          %scatter3A_634 = arith.constant 0 : i32
          %scatter3A_635 = arith.constant 0 : i32
          %scatter3A_636 = tpu.memref_slice %arg7[%scatter3A_630, %scatter3A_631, %scatter3A_632, %scatter3A_633, %scatter3A_634, %scatter3A_635] : memref<3x2x8x1x8x129xf32, #tpu.memory_space<vmem>> -> memref<1x1x8x1x8x129xf32, #tpu.memory_space<vmem>>
          %scatter3A_637 = tpu.memref_squeeze %scatter3A_636 : memref<1x1x8x1x8x129xf32, #tpu.memory_space<vmem>> -> memref<8x1x8x129xf32, #tpu.memory_space<vmem>>
          tpu.vector_store_idx %scatter3A_637[%add3A_95, %broadcast_in_dim3A_1, %select_n3A_193, %add3A_583], %mul3A_629 : memref<8x1x8x129xf32, #tpu.memory_space<vmem>>[vector<16xi32>, vector<16xi32>, vector<16xi32>, vector<16xi32>], vector<16xf32>,
          %get3A_638 = arith.constant 0 : i32
          %get3A_639 = arith.constant 1 : i32
          %get3A_640 = arith.index_cast %get3A_638 : i32 to index
          %get3A_641 = arith.index_cast %get3A_639 : i32 to index
          %get3A_642 = arith.index_cast %add3A_581 : i32 to index
          %get3A_643 = arith.constant 48 : index
          %get3A_644 = tpu.vector_load %arg6[%get3A_640, %get3A_641, %get3A_642, %get3A_643] {strides = array<i32>} : memref<3x2x128x64xf32, #tpu.memory_space<vmem>>, vector<16xf32>,
          %mul3A_645 = arith.constant 8.000000e+00 : f32
          %mul3A_646 = vector.broadcast %mul3A_645 : f32 to vector<16xf32>
          %mul3A_647 = arith.mulf %get3A_644, %mul3A_646 : vector<16xf32>
          %scatter3A_648 = arith.constant 0 : i32
          %scatter3A_649 = arith.constant 1 : i32
          %scatter3A_650 = arith.constant 0 : i32
          %scatter3A_651 = arith.constant 0 : i32
          %scatter3A_652 = arith.constant 0 : i32
          %scatter3A_653 = arith.constant 0 : i32
          %scatter3A_654 = tpu.memref_slice %arg7[%scatter3A_648, %scatter3A_649, %scatter3A_650, %scatter3A_651, %scatter3A_652, %scatter3A_653] : memref<3x2x8x1x8x129xf32, #tpu.memory_space<vmem>> -> memref<1x1x8x1x8x129xf32, #tpu.memory_space<vmem>>
          %scatter3A_655 = tpu.memref_squeeze %scatter3A_654 : memref<1x1x8x1x8x129xf32, #tpu.memory_space<vmem>> -> memref<8x1x8x129xf32, #tpu.memory_space<vmem>>
          tpu.vector_store_idx %scatter3A_655[%add3A_129, %broadcast_in_dim3A_1, %select_n3A_215, %add3A_583], %mul3A_647 : memref<8x1x8x129xf32, #tpu.memory_space<vmem>>[vector<16xi32>, vector<16xi32>, vector<16xi32>, vector<16xi32>], vector<16xf32>,
          %scan3A_656 = arith.constant 2 : i32
          %scan3A_657 = arith.addi %scan3A_499, %scan3A_656 : i32
          %mul3A_658 = arith.constant 1 : i32
          %mul3A_659 = arith.muli %scan3A_657, %mul3A_658 : i32
          %add3A_660 = arith.constant 0 : i32
          %add3A_661 = arith.addi %add3A_660, %mul3A_659 : i32
          %add3A_662 = vector.broadcast %add3A_661 : i32 to vector<16xi32>
          %add3A_663 = arith.addi %broadcast_in_dim3A_1, %add3A_662 : vector<16xi32>
          %get3A_664 = arith.constant 0 : i32
          %get3A_665 = arith.constant 1 : i32
          %get3A_666 = arith.index_cast %get3A_664 : i32 to index
          %get3A_667 = arith.index_cast %get3A_665 : i32 to index
          %get3A_668 = arith.index_cast %add3A_661 : i32 to index
          %get3A_669 = arith.constant 0 : index
          %get3A_670 = tpu.vector_load %arg6[%get3A_666, %get3A_667, %get3A_668, %get3A_669] {strides = array<i32>} : memref<3x2x128x64xf32, #tpu.memory_space<vmem>>, vector<16xf32>,
          %mul3A_671 = arith.constant 8.000000e+00 : f32
          %mul3A_672 = vector.broadcast %mul3A_671 : f32 to vector<16xf32>
          %mul3A_673 = arith.mulf %get3A_670, %mul3A_672 : vector<16xf32>
          %scatter3A_674 = arith.constant 0 : i32
          %scatter3A_675 = arith.constant 1 : i32
          %scatter3A_676 = arith.constant 0 : i32
          %scatter3A_677 = arith.constant 0 : i32
          %scatter3A_678 = arith.constant 0 : i32
          %scatter3A_679 = arith.constant 0 : i32
          %scatter3A_680 = tpu.memref_slice %arg7[%scatter3A_674, %scatter3A_675, %scatter3A_676, %scatter3A_677, %scatter3A_678, %scatter3A_679] : memref<3x2x8x1x8x129xf32, #tpu.memory_space<vmem>> -> memref<1x1x8x1x8x129xf32, #tpu.memory_space<vmem>>
          %scatter3A_681 = tpu.memref_squeeze %scatter3A_680 : memref<1x1x8x1x8x129xf32, #tpu.memory_space<vmem>> -> memref<8x1x8x129xf32, #tpu.memory_space<vmem>>
          tpu.vector_store_idx %scatter3A_681[%add3A_27, %broadcast_in_dim3A_1, %select_n3A_149, %add3A_663], %mul3A_673 : memref<8x1x8x129xf32, #tpu.memory_space<vmem>>[vector<16xi32>, vector<16xi32>, vector<16xi32>, vector<16xi32>], vector<16xf32>,
          %get3A_682 = arith.constant 0 : i32
          %get3A_683 = arith.constant 1 : i32
          %get3A_684 = arith.index_cast %get3A_682 : i32 to index
          %get3A_685 = arith.index_cast %get3A_683 : i32 to index
          %get3A_686 = arith.index_cast %add3A_661 : i32 to index
          %get3A_687 = arith.constant 16 : index
          %get3A_688 = tpu.vector_load %arg6[%get3A_684, %get3A_685, %get3A_686, %get3A_687] {strides = array<i32>} : memref<3x2x128x64xf32, #tpu.memory_space<vmem>>, vector<16xf32>,
          %mul3A_689 = arith.constant 8.000000e+00 : f32
          %mul3A_690 = vector.broadcast %mul3A_689 : f32 to vector<16xf32>
          %mul3A_691 = arith.mulf %get3A_688, %mul3A_690 : vector<16xf32>
          %scatter3A_692 = arith.constant 0 : i32
          %scatter3A_693 = arith.constant 1 : i32
          %scatter3A_694 = arith.constant 0 : i32
          %scatter3A_695 = arith.constant 0 : i32
          %scatter3A_696 = arith.constant 0 : i32
          %scatter3A_697 = arith.constant 0 : i32
          %scatter3A_698 = tpu.memref_slice %arg7[%scatter3A_692, %scatter3A_693, %scatter3A_694, %scatter3A_695, %scatter3A_696, %scatter3A_697] : memref<3x2x8x1x8x129xf32, #tpu.memory_space<vmem>> -> memref<1x1x8x1x8x129xf32, #tpu.memory_space<vmem>>
          %scatter3A_699 = tpu.memref_squeeze %scatter3A_698 : memref<1x1x8x1x8x129xf32, #tpu.memory_space<vmem>> -> memref<8x1x8x129xf32, #tpu.memory_space<vmem>>
          tpu.vector_store_idx %scatter3A_699[%add3A_61, %broadcast_in_dim3A_1, %select_n3A_171, %add3A_663], %mul3A_691 : memref<8x1x8x129xf32, #tpu.memory_space<vmem>>[vector<16xi32>, vector<16xi32>, vector<16xi32>, vector<16xi32>], vector<16xf32>,
          %get3A_700 = arith.constant 0 : i32
          %get3A_701 = arith.constant 1 : i32
          %get3A_702 = arith.index_cast %get3A_700 : i32 to index
          %get3A_703 = arith.index_cast %get3A_701 : i32 to index
          %get3A_704 = arith.index_cast %add3A_661 : i32 to index
          %get3A_705 = arith.constant 32 : index
          %get3A_706 = tpu.vector_load %arg6[%get3A_702, %get3A_703, %get3A_704, %get3A_705] {strides = array<i32>} : memref<3x2x128x64xf32, #tpu.memory_space<vmem>>, vector<16xf32>,
          %mul3A_707 = arith.constant 8.000000e+00 : f32
          %mul3A_708 = vector.broadcast %mul3A_707 : f32 to vector<16xf32>
          %mul3A_709 = arith.mulf %get3A_706, %mul3A_708 : vector<16xf32>
          %scatter3A_710 = arith.constant 0 : i32
          %scatter3A_711 = arith.constant 1 : i32
          %scatter3A_712 = arith.constant 0 : i32
          %scatter3A_713 = arith.constant 0 : i32
          %scatter3A_714 = arith.constant 0 : i32
          %scatter3A_715 = arith.constant 0 : i32
          %scatter3A_716 = tpu.memref_slice %arg7[%scatter3A_710, %scatter3A_711, %scatter3A_712, %scatter3A_713, %scatter3A_714, %scatter3A_715] : memref<3x2x8x1x8x129xf32, #tpu.memory_space<vmem>> -> memref<1x1x8x1x8x129xf32, #tpu.memory_space<vmem>>
          %scatter3A_717 = tpu.memref_squeeze %scatter3A_716 : memref<1x1x8x1x8x129xf32, #tpu.memory_space<vmem>> -> memref<8x1x8x129xf32, #tpu.memory_space<vmem>>
          tpu.vector_store_idx %scatter3A_717[%add3A_95, %broadcast_in_dim3A_1, %select_n3A_193, %add3A_663], %mul3A_709 : memref<8x1x8x129xf32, #tpu.memory_space<vmem>>[vector<16xi32>, vector<16xi32>, vector<16xi32>, vector<16xi32>], vector<16xf32>,
          %get3A_718 = arith.constant 0 : i32
          %get3A_719 = arith.constant 1 : i32
          %get3A_720 = arith.index_cast %get3A_718 : i32 to index
          %get3A_721 = arith.index_cast %get3A_719 : i32 to index
          %get3A_722 = arith.index_cast %add3A_661 : i32 to index
          %get3A_723 = arith.constant 48 : index
          %get3A_724 = tpu.vector_load %arg6[%get3A_720, %get3A_721, %get3A_722, %get3A_723] {strides = array<i32>} : memref<3x2x128x64xf32, #tpu.memory_space<vmem>>, vector<16xf32>,
          %mul3A_725 = arith.constant 8.000000e+00 : f32
          %mul3A_726 = vector.broadcast %mul3A_725 : f32 to vector<16xf32>
          %mul3A_727 = arith.mulf %get3A_724, %mul3A_726 : vector<16xf32>
          %scatter3A_728 = arith.constant 0 : i32
          %scatter3A_729 = arith.constant 1 : i32
          %scatter3A_730 = arith.constant 0 : i32
          %scatter3A_731 = arith.constant 0 : i32
          %scatter3A_732 = arith.constant 0 : i32
          %scatter3A_733 = arith.constant 0 : i32
          %scatter3A_734 = tpu.memref_slice %arg7[%scatter3A_728, %scatter3A_729, %scatter3A_730, %scatter3A_731, %scatter3A_732, %scatter3A_733] : memref<3x2x8x1x8x129xf32, #tpu.memory_space<vmem>> -> memref<1x1x8x1x8x129xf32, #tpu.memory_space<vmem>>
          %scatter3A_735 = tpu.memref_squeeze %scatter3A_734 : memref<1x1x8x1x8x129xf32, #tpu.memory_space<vmem>> -> memref<8x1x8x129xf32, #tpu.memory_space<vmem>>
          tpu.vector_store_idx %scatter3A_735[%add3A_129, %broadcast_in_dim3A_1, %select_n3A_215, %add3A_663], %mul3A_727 : memref<8x1x8x129xf32, #tpu.memory_space<vmem>>[vector<16xi32>, vector<16xi32>, vector<16xi32>, vector<16xi32>], vector<16xf32>,
          %scan3A_736 = arith.constant 3 : i32
          %scan3A_737 = arith.addi %scan3A_499, %scan3A_736 : i32
          %mul3A_738 = arith.constant 1 : i32
          %mul3A_739 = arith.muli %scan3A_737, %mul3A_738 : i32
          %add3A_740 = arith.constant 0 : i32
          %add3A_741 = arith.addi %add3A_740, %mul3A_739 : i32
          %add3A_742 = vector.broadcast %add3A_741 : i32 to vector<16xi32>
          %add3A_743 = arith.addi %broadcast_in_dim3A_1, %add3A_742 : vector<16xi32>
          %get3A_744 = arith.constant 0 : i32
          %get3A_745 = arith.constant 1 : i32
          %get3A_746 = arith.index_cast %get3A_744 : i32 to index
          %get3A_747 = arith.index_cast %get3A_745 : i32 to index
          %get3A_748 = arith.index_cast %add3A_741 : i32 to index
          %get3A_749 = arith.constant 0 : index
          %get3A_750 = tpu.vector_load %arg6[%get3A_746, %get3A_747, %get3A_748, %get3A_749] {strides = array<i32>} : memref<3x2x128x64xf32, #tpu.memory_space<vmem>>, vector<16xf32>,
          %mul3A_751 = arith.constant 8.000000e+00 : f32
          %mul3A_752 = vector.broadcast %mul3A_751 : f32 to vector<16xf32>
          %mul3A_753 = arith.mulf %get3A_750, %mul3A_752 : vector<16xf32>
          %scatter3A_754 = arith.constant 0 : i32
          %scatter3A_755 = arith.constant 1 : i32
          %scatter3A_756 = arith.constant 0 : i32
          %scatter3A_757 = arith.constant 0 : i32
          %scatter3A_758 = arith.constant 0 : i32
          %scatter3A_759 = arith.constant 0 : i32
          %scatter3A_760 = tpu.memref_slice %arg7[%scatter3A_754, %scatter3A_755, %scatter3A_756, %scatter3A_757, %scatter3A_758, %scatter3A_759] : memref<3x2x8x1x8x129xf32, #tpu.memory_space<vmem>> -> memref<1x1x8x1x8x129xf32, #tpu.memory_space<vmem>>
          %scatter3A_761 = tpu.memref_squeeze %scatter3A_760 : memref<1x1x8x1x8x129xf32, #tpu.memory_space<vmem>> -> memref<8x1x8x129xf32, #tpu.memory_space<vmem>>
          tpu.vector_store_idx %scatter3A_761[%add3A_27, %broadcast_in_dim3A_1, %select_n3A_149, %add3A_743], %mul3A_753 : memref<8x1x8x129xf32, #tpu.memory_space<vmem>>[vector<16xi32>, vector<16xi32>, vector<16xi32>, vector<16xi32>], vector<16xf32>,
          %get3A_762 = arith.constant 0 : i32
          %get3A_763 = arith.constant 1 : i32
          %get3A_764 = arith.index_cast %get3A_762 : i32 to index
          %get3A_765 = arith.index_cast %get3A_763 : i32 to index
          %get3A_766 = arith.index_cast %add3A_741 : i32 to index
          %get3A_767 = arith.constant 16 : index
          %get3A_768 = tpu.vector_load %arg6[%get3A_764, %get3A_765, %get3A_766, %get3A_767] {strides = array<i32>} : memref<3x2x128x64xf32, #tpu.memory_space<vmem>>, vector<16xf32>,
          %mul3A_769 = arith.constant 8.000000e+00 : f32
          %mul3A_770 = vector.broadcast %mul3A_769 : f32 to vector<16xf32>
          %mul3A_771 = arith.mulf %get3A_768, %mul3A_770 : vector<16xf32>
          %scatter3A_772 = arith.constant 0 : i32
          %scatter3A_773 = arith.constant 1 : i32
          %scatter3A_774 = arith.constant 0 : i32
          %scatter3A_775 = arith.constant 0 : i32
          %scatter3A_776 = arith.constant 0 : i32
          %scatter3A_777 = arith.constant 0 : i32
          %scatter3A_778 = tpu.memref_slice %arg7[%scatter3A_772, %scatter3A_773, %scatter3A_774, %scatter3A_775, %scatter3A_776, %scatter3A_777] : memref<3x2x8x1x8x129xf32, #tpu.memory_space<vmem>> -> memref<1x1x8x1x8x129xf32, #tpu.memory_space<vmem>>
          %scatter3A_779 = tpu.memref_squeeze %scatter3A_778 : memref<1x1x8x1x8x129xf32, #tpu.memory_space<vmem>> -> memref<8x1x8x129xf32, #tpu.memory_space<vmem>>
          tpu.vector_store_idx %scatter3A_779[%add3A_61, %broadcast_in_dim3A_1, %select_n3A_171, %add3A_743], %mul3A_771 : memref<8x1x8x129xf32, #tpu.memory_space<vmem>>[vector<16xi32>, vector<16xi32>, vector<16xi32>, vector<16xi32>], vector<16xf32>,
          %get3A_780 = arith.constant 0 : i32
          %get3A_781 = arith.constant 1 : i32
          %get3A_782 = arith.index_cast %get3A_780 : i32 to index
          %get3A_783 = arith.index_cast %get3A_781 : i32 to index
          %get3A_784 = arith.index_cast %add3A_741 : i32 to index
          %get3A_785 = arith.constant 32 : index
          %get3A_786 = tpu.vector_load %arg6[%get3A_782, %get3A_783, %get3A_784, %get3A_785] {strides = array<i32>} : memref<3x2x128x64xf32, #tpu.memory_space<vmem>>, vector<16xf32>,
          %mul3A_787 = arith.constant 8.000000e+00 : f32
          %mul3A_788 = vector.broadcast %mul3A_787 : f32 to vector<16xf32>
          %mul3A_789 = arith.mulf %get3A_786, %mul3A_788 : vector<16xf32>
          %scatter3A_790 = arith.constant 0 : i32
          %scatter3A_791 = arith.constant 1 : i32
          %scatter3A_792 = arith.constant 0 : i32
          %scatter3A_793 = arith.constant 0 : i32
          %scatter3A_794 = arith.constant 0 : i32
          %scatter3A_795 = arith.constant 0 : i32
          %scatter3A_796 = tpu.memref_slice %arg7[%scatter3A_790, %scatter3A_791, %scatter3A_792, %scatter3A_793, %scatter3A_794, %scatter3A_795] : memref<3x2x8x1x8x129xf32, #tpu.memory_space<vmem>> -> memref<1x1x8x1x8x129xf32, #tpu.memory_space<vmem>>
          %scatter3A_797 = tpu.memref_squeeze %scatter3A_796 : memref<1x1x8x1x8x129xf32, #tpu.memory_space<vmem>> -> memref<8x1x8x129xf32, #tpu.memory_space<vmem>>
          tpu.vector_store_idx %scatter3A_797[%add3A_95, %broadcast_in_dim3A_1, %select_n3A_193, %add3A_743], %mul3A_789 : memref<8x1x8x129xf32, #tpu.memory_space<vmem>>[vector<16xi32>, vector<16xi32>, vector<16xi32>, vector<16xi32>], vector<16xf32>,
          %get3A_798 = arith.constant 0 : i32
          %get3A_799 = arith.constant 1 : i32
          %get3A_800 = arith.index_cast %get3A_798 : i32 to index
          %get3A_801 = arith.index_cast %get3A_799 : i32 to index
          %get3A_802 = arith.index_cast %add3A_741 : i32 to index
          %get3A_803 = arith.constant 48 : index
          %get3A_804 = tpu.vector_load %arg6[%get3A_800, %get3A_801, %get3A_802, %get3A_803] {strides = array<i32>} : memref<3x2x128x64xf32, #tpu.memory_space<vmem>>, vector<16xf32>,
          %mul3A_805 = arith.constant 8.000000e+00 : f32
          %mul3A_806 = vector.broadcast %mul3A_805 : f32 to vector<16xf32>
          %mul3A_807 = arith.mulf %get3A_804, %mul3A_806 : vector<16xf32>
          %scatter3A_808 = arith.constant 0 : i32
          %scatter3A_809 = arith.constant 1 : i32
          %scatter3A_810 = arith.constant 0 : i32
          %scatter3A_811 = arith.constant 0 : i32
          %scatter3A_812 = arith.constant 0 : i32
          %scatter3A_813 = arith.constant 0 : i32
          %scatter3A_814 = tpu.memref_slice %arg7[%scatter3A_808, %scatter3A_809, %scatter3A_810, %scatter3A_811, %scatter3A_812, %scatter3A_813] : memref<3x2x8x1x8x129xf32, #tpu.memory_space<vmem>> -> memref<1x1x8x1x8x129xf32, #tpu.memory_space<vmem>>
          %scatter3A_815 = tpu.memref_squeeze %scatter3A_814 : memref<1x1x8x1x8x129xf32, #tpu.memory_space<vmem>> -> memref<8x1x8x129xf32, #tpu.memory_space<vmem>>
          tpu.vector_store_idx %scatter3A_815[%add3A_129, %broadcast_in_dim3A_1, %select_n3A_215, %add3A_743], %mul3A_807 : memref<8x1x8x129xf32, #tpu.memory_space<vmem>>[vector<16xi32>, vector<16xi32>, vector<16xi32>, vector<16xi32>], vector<16xf32>,
        }
        %scan3A_446 = arith.constant 128 : i32
        %mul3A_447 = arith.constant 2 : i32
        %mul3A_448 = arith.muli %add3A_384, %mul3A_447 : i32
        %add3A_449 = arith.constant 0 : i32
        %add3A_450 = arith.addi %mul3A_448, %add3A_449 : i32
        %mul3A_451 = arith.constant 8 : i32
        %mul3A_452 = arith.muli %add3A_450, %mul3A_451 : i32
        %dma_start3A_453 = arith.constant 0 : i32
        %dma_start3A_454 = arith.constant 0 : i32
        %dma_start3A_455 = arith.constant 0 : i32
        %dma_start3A_456 = arith.constant 0 : i32
        %dma_start3A_457 = arith.constant 0 : i32
        %dma_start3A_458 = arith.constant 0 : i32
        %dma_start3A_459 = tpu.memref_slice %arg7[%dma_start3A_453, %dma_start3A_454, %dma_start3A_455, %dma_start3A_456, %dma_start3A_457, %dma_start3A_458] : memref<3x2x8x1x8x129xf32, #tpu.memory_space<vmem>> -> memref<1x1x8x1x8x128xf32, #tpu.memory_space<vmem>>
        %dma_start3A_460 = tpu.memref_squeeze %dma_start3A_459 : memref<1x1x8x1x8x128xf32, #tpu.memory_space<vmem>> -> memref<8x1x8x128xf32, #tpu.memory_space<vmem>>
        %dma_start3A_461 = arith.constant 0 : i32
        %dma_start3A_462 = arith.constant 0 : i32
        %dma_start3A_463 = tpu.memref_slice %arg4[%mul3A_452, %add3A, %dma_start3A_461, %dma_start3A_462] : memref<1600x32x8x128xf32, #tpu.memory_space<hbm>> -> memref<8x1x8x128xf32, #tpu.memory_space<hbm>>
        %dma_start3A_464 = arith.constant 0 : i32
        %dma_start3A_465 = arith.constant 0 : i32
        %dma_start3A_466 = tpu.memref_slice %arg4[%mul3A_452, %add3A, %dma_start3A_464, %dma_start3A_465] : memref<1600x32x8x128xf32, #tpu.memory_space<hbm>> -> memref<8x1x8x128xf32, #tpu.memory_space<hbm>>
        %dma_start3A_467 = arith.constant 0 : i32
        %dma_start3A_468 = arith.constant 0 : i32
        %dma_start3A_469 = arith.constant 0 : i32
        %dma_start3A_470 = arith.constant 0 : i32
        %dma_start3A_471 = tpu.memref_slice %arg7[%dma_start3A_453, %dma_start3A_454, %dma_start3A_467, %dma_start3A_468, %dma_start3A_469, %dma_start3A_470] : memref<3x2x8x1x8x129xf32, #tpu.memory_space<vmem>> -> memref<1x1x8x1x8x128xf32, #tpu.memory_space<vmem>>
        %dma_start3A_472 = tpu.memref_squeeze %dma_start3A_471 : memref<1x1x8x1x8x128xf32, #tpu.memory_space<vmem>> -> memref<8x1x8x128xf32, #tpu.memory_space<vmem>>
        tpu.enqueue_dma source(%dma_start3A_472 : memref<8x1x8x128xf32, #tpu.memory_space<vmem>>) target(%dma_start3A_466 : memref<8x1x8x128xf32, #tpu.memory_space<hbm>>) target_semaphore(%arg11 : memref<!tpu.dma_semaphore, #tpu.memory_space<semaphore_mem>>)
        %mul3A_473 = arith.constant 2 : i32
        %mul3A_474 = arith.muli %add3A_384, %mul3A_473 : i32
        %add3A_475 = arith.constant 1 : i32
        %add3A_476 = arith.addi %mul3A_474, %add3A_475 : i32
        %mul3A_477 = arith.constant 8 : i32
        %mul3A_478 = arith.muli %add3A_476, %mul3A_477 : i32
        %dma_start3A_479 = arith.constant 0 : i32
        %dma_start3A_480 = arith.constant 1 : i32
        %dma_start3A_481 = arith.constant 0 : i32
        %dma_start3A_482 = arith.constant 0 : i32
        %dma_start3A_483 = arith.constant 0 : i32
        %dma_start3A_484 = arith.constant 0 : i32
        %dma_start3A_485 = tpu.memref_slice %arg7[%dma_start3A_479, %dma_start3A_480, %dma_start3A_481, %dma_start3A_482, %dma_start3A_483, %dma_start3A_484] : memref<3x2x8x1x8x129xf32, #tpu.memory_space<vmem>> -> memref<1x1x8x1x8x128xf32, #tpu.memory_space<vmem>>
        %dma_start3A_486 = tpu.memref_squeeze %dma_start3A_485 : memref<1x1x8x1x8x128xf32, #tpu.memory_space<vmem>> -> memref<8x1x8x128xf32, #tpu.memory_space<vmem>>
        %dma_start3A_487 = arith.constant 0 : i32
        %dma_start3A_488 = arith.constant 0 : i32
        %dma_start3A_489 = tpu.memref_slice %arg4[%mul3A_478, %add3A, %dma_start3A_487, %dma_start3A_488] : memref<1600x32x8x128xf32, #tpu.memory_space<hbm>> -> memref<8x1x8x128xf32, #tpu.memory_space<hbm>>
        %dma_start3A_490 = arith.constant 0 : i32
        %dma_start3A_491 = arith.constant 0 : i32
        %dma_start3A_492 = tpu.memref_slice %arg4[%mul3A_478, %add3A, %dma_start3A_490, %dma_start3A_491] : memref<1600x32x8x128xf32, #tpu.memory_space<hbm>> -> memref<8x1x8x128xf32, #tpu.memory_space<hbm>>
        %dma_start3A_493 = arith.constant 0 : i32
        %dma_start3A_494 = arith.constant 0 : i32
        %dma_start3A_495 = arith.constant 0 : i32
        %dma_start3A_496 = arith.constant 0 : i32
        %dma_start3A_497 = tpu.memref_slice %arg7[%dma_start3A_479, %dma_start3A_480, %dma_start3A_493, %dma_start3A_494, %dma_start3A_495, %dma_start3A_496] : memref<3x2x8x1x8x129xf32, #tpu.memory_space<vmem>> -> memref<1x1x8x1x8x128xf32, #tpu.memory_space<vmem>>
        %dma_start3A_498 = tpu.memref_squeeze %dma_start3A_497 : memref<1x1x8x1x8x128xf32, #tpu.memory_space<vmem>> -> memref<8x1x8x128xf32, #tpu.memory_space<vmem>>
        tpu.enqueue_dma source(%dma_start3A_498 : memref<8x1x8x128xf32, #tpu.memory_space<vmem>>) target(%dma_start3A_492 : memref<8x1x8x128xf32, #tpu.memory_space<hbm>>) target_semaphore(%arg11 : memref<!tpu.dma_semaphore, #tpu.memory_space<semaphore_mem>>)
      } else {
      }
      %add3A_388 = arith.constant 1 : i32
      %add3A_389 = arith.addi %add3A_382, %add3A_388 : i32
      %lt3A_390 = arith.constant 100 : i32
      %lt3A_391 = arith.cmpi slt, %add3A_389, %lt3A_390 : i32
      %convert_element_type3A_392 = arith.extui %lt3A_391 : i1 to i32
      %cond3A_393 = arith.constant 0 : i32
      %cond3A_394 = arith.cmpi ne, %convert_element_type3A_392, %cond3A_393 : i32
      scf.if %cond3A_394 {
        %add3A_402 = arith.constant 1 : i32
        %add3A_403 = arith.addi %add3A_389, %add3A_402 : i32
        %lt3A_404 = arith.constant 100 : i32
        %lt3A_405 = arith.cmpi slt, %add3A_403, %lt3A_404 : i32
        %convert_element_type3A_406 = arith.extui %lt3A_405 : i1 to i32
        %cond3A_407 = arith.constant 0 : i32
        %cond3A_408 = arith.cmpi ne, %convert_element_type3A_406, %cond3A_407 : i32
        scf.if %cond3A_408 {
          %ge3A = arith.constant 2 : i32
          %ge3A_499 = arith.cmpi sge, %add3A_389, %ge3A : i32
          %convert_element_type3A_500 = arith.extui %ge3A_499 : i1 to i32
          %cond3A_501 = arith.constant 0 : i32
          %cond3A_502 = arith.cmpi ne, %convert_element_type3A_500, %cond3A_501 : i32
          scf.if %cond3A_502 {
            %sub3A_536 = arith.constant 2 : i32
            %sub3A_537 = arith.subi %add3A_389, %sub3A_536 : i32
            %mul3A_538 = arith.constant 2 : i32
            %mul3A_539 = arith.muli %sub3A_537, %mul3A_538 : i32
            %add3A_540 = arith.constant 0 : i32
            %add3A_541 = arith.addi %mul3A_539, %add3A_540 : i32
            %mul3A_542 = arith.constant 8 : i32
            %mul3A_543 = arith.muli %add3A_541, %mul3A_542 : i32
            %dma_wait3A_544 = arith.constant 2 : i32
            %dma_wait3A_545 = arith.constant 0 : i32
            %dma_wait3A_546 = arith.constant 0 : i32
            %dma_wait3A_547 = arith.constant 0 : i32
            %dma_wait3A_548 = arith.constant 0 : i32
            %dma_wait3A_549 = arith.constant 0 : i32
            %dma_wait3A_550 = tpu.memref_slice %arg7[%dma_wait3A_544, %dma_wait3A_545, %dma_wait3A_546, %dma_wait3A_547, %dma_wait3A_548, %dma_wait3A_549] : memref<3x2x8x1x8x129xf32, #tpu.memory_space<vmem>> -> memref<1x1x8x1x8x128xf32, #tpu.memory_space<vmem>>
            %dma_wait3A_551 = tpu.memref_squeeze %dma_wait3A_550 : memref<1x1x8x1x8x128xf32, #tpu.memory_space<vmem>> -> memref<8x1x8x128xf32, #tpu.memory_space<vmem>>
            %dma_wait3A_552 = arith.constant 0 : i32
            %dma_wait3A_553 = arith.constant 0 : i32
            %dma_wait3A_554 = tpu.memref_slice %arg4[%mul3A_543, %add3A, %dma_wait3A_552, %dma_wait3A_553] : memref<1600x32x8x128xf32, #tpu.memory_space<hbm>> -> memref<8x1x8x128xf32, #tpu.memory_space<hbm>>
            %dma_wait3A_555 = arith.constant 0 : i32
            %dma_wait3A_556 = arith.constant 0 : i32
            %dma_wait3A_557 = tpu.memref_slice %arg4[%mul3A_543, %add3A, %dma_wait3A_555, %dma_wait3A_556] : memref<1600x32x8x128xf32, #tpu.memory_space<hbm>> -> memref<8x1x8x128xf32, #tpu.memory_space<hbm>>
            %dma_wait3A_558 = arith.constant 0 : i32
            %dma_wait3A_559 = arith.constant 0 : i32
            %dma_wait3A_560 = arith.constant 0 : i32
            %dma_wait3A_561 = arith.constant 0 : i32
            %dma_wait3A_562 = tpu.memref_slice %arg7[%dma_wait3A_544, %dma_wait3A_545, %dma_wait3A_558, %dma_wait3A_559, %dma_wait3A_560, %dma_wait3A_561] : memref<3x2x8x1x8x129xf32, #tpu.memory_space<vmem>> -> memref<1x1x8x1x8x128xf32, #tpu.memory_space<vmem>>
            %dma_wait3A_563 = tpu.memref_squeeze %dma_wait3A_562 : memref<1x1x8x1x8x128xf32, #tpu.memory_space<vmem>> -> memref<8x1x8x128xf32, #tpu.memory_space<vmem>>
            tpu.wait_dma2 semaphore(%arg13 : memref<!tpu.dma_semaphore, #tpu.memory_space<semaphore_mem>>) src(%dma_wait3A_563 : memref<8x1x8x128xf32, #tpu.memory_space<vmem>>) dst(%dma_wait3A_557 : memref<8x1x8x128xf32, #tpu.memory_space<hbm>>)
            %mul3A_564 = arith.constant 2 : i32
            %mul3A_565 = arith.muli %sub3A_537, %mul3A_564 : i32
            %add3A_566 = arith.constant 1 : i32
            %add3A_567 = arith.addi %mul3A_565, %add3A_566 : i32
            %mul3A_568 = arith.constant 8 : i32
            %mul3A_569 = arith.muli %add3A_567, %mul3A_568 : i32
            %dma_wait3A_570 = arith.constant 2 : i32
            %dma_wait3A_571 = arith.constant 1 : i32
            %dma_wait3A_572 = arith.constant 0 : i32
            %dma_wait3A_573 = arith.constant 0 : i32
            %dma_wait3A_574 = arith.constant 0 : i32
            %dma_wait3A_575 = arith.constant 0 : i32
            %dma_wait3A_576 = tpu.memref_slice %arg7[%dma_wait3A_570, %dma_wait3A_571, %dma_wait3A_572, %dma_wait3A_573, %dma_wait3A_574, %dma_wait3A_575] : memref<3x2x8x1x8x129xf32, #tpu.memory_space<vmem>> -> memref<1x1x8x1x8x128xf32, #tpu.memory_space<vmem>>
            %dma_wait3A_577 = tpu.memref_squeeze %dma_wait3A_576 : memref<1x1x8x1x8x128xf32, #tpu.memory_space<vmem>> -> memref<8x1x8x128xf32, #tpu.memory_space<vmem>>
            %dma_wait3A_578 = arith.constant 0 : i32
            %dma_wait3A_579 = arith.constant 0 : i32
            %dma_wait3A_580 = tpu.memref_slice %arg4[%mul3A_569, %add3A, %dma_wait3A_578, %dma_wait3A_579] : memref<1600x32x8x128xf32, #tpu.memory_space<hbm>> -> memref<8x1x8x128xf32, #tpu.memory_space<hbm>>
            %dma_wait3A_581 = arith.constant 0 : i32
            %dma_wait3A_582 = arith.constant 0 : i32
            %dma_wait3A_583 = tpu.memref_slice %arg4[%mul3A_569, %add3A, %dma_wait3A_581, %dma_wait3A_582] : memref<1600x32x8x128xf32, #tpu.memory_space<hbm>> -> memref<8x1x8x128xf32, #tpu.memory_space<hbm>>
            %dma_wait3A_584 = arith.constant 0 : i32
            %dma_wait3A_585 = arith.constant 0 : i32
            %dma_wait3A_586 = arith.constant 0 : i32
            %dma_wait3A_587 = arith.constant 0 : i32
            %dma_wait3A_588 = tpu.memref_slice %arg7[%dma_wait3A_570, %dma_wait3A_571, %dma_wait3A_584, %dma_wait3A_585, %dma_wait3A_586, %dma_wait3A_587] : memref<3x2x8x1x8x129xf32, #tpu.memory_space<vmem>> -> memref<1x1x8x1x8x128xf32, #tpu.memory_space<vmem>>
            %dma_wait3A_589 = tpu.memref_squeeze %dma_wait3A_588 : memref<1x1x8x1x8x128xf32, #tpu.memory_space<vmem>> -> memref<8x1x8x128xf32, #tpu.memory_space<vmem>>
            tpu.wait_dma2 semaphore(%arg13 : memref<!tpu.dma_semaphore, #tpu.memory_space<semaphore_mem>>) src(%dma_wait3A_589 : memref<8x1x8x128xf32, #tpu.memory_space<vmem>>) dst(%dma_wait3A_583 : memref<8x1x8x128xf32, #tpu.memory_space<hbm>>)
          } else {
          }
          %add3A_503 = arith.constant 1 : i32
          %add3A_504 = arith.addi %add3A_389, %add3A_503 : i32
          %mul3A_505 = arith.constant 2 : i32
          %mul3A_506 = arith.muli %add3A_504, %mul3A_505 : i32
          %run_scoped3A_507 = arith.constant 2 : i32
          "tpu.region"() ({
            %run_scoped3A_536 = tpu.sem_alloc : memref<!tpu.dma_semaphore, #tpu.memory_space<semaphore_mem>>
            %dma_start3A_537 = arith.constant 0 : i32
            %dma_start3A_538 = arith.constant 0 : i32
            %dma_start3A_539 = tpu.memref_slice %arg5[%run_scoped3A_507, %dma_start3A_537, %dma_start3A_538] : memref<3x2x128xi32, #tpu.memory_space<vmem>> -> memref<1x2x128xi32, #tpu.memory_space<vmem>>
            %dma_start3A_540 = tpu.memref_squeeze %dma_start3A_539 : memref<1x2x128xi32, #tpu.memory_space<vmem>> -> memref<2x128xi32, #tpu.memory_space<vmem>>
            %dma_start3A_541 = arith.constant 0 : i32
            %dma_start3A_542 = tpu.memref_slice %arg2[%add3A, %mul3A_506, %dma_start3A_541] : memref<32x200x128xi32, #tpu.memory_space<hbm>> -> memref<1x2x128xi32, #tpu.memory_space<hbm>>
            %dma_start3A_543 = tpu.memref_squeeze %dma_start3A_542 : memref<1x2x128xi32, #tpu.memory_space<hbm>> -> memref<2x128xi32, #tpu.memory_space<hbm>>
            %dma_start3A_544 = arith.constant 0 : i32
            %dma_start3A_545 = arith.constant 0 : i32
            %dma_start3A_546 = tpu.memref_slice %arg5[%run_scoped3A_507, %dma_start3A_544, %dma_start3A_545] : memref<3x2x128xi32, #tpu.memory_space<vmem>> -> memref<1x2x128xi32, #tpu.memory_space<vmem>>
            %dma_start3A_547 = tpu.memref_squeeze %dma_start3A_546 : memref<1x2x128xi32, #tpu.memory_space<vmem>> -> memref<2x128xi32, #tpu.memory_space<vmem>>
            %dma_start3A_548 = arith.constant 0 : i32
            %dma_start3A_549 = tpu.memref_slice %arg2[%add3A, %mul3A_506, %dma_start3A_548] : memref<32x200x128xi32, #tpu.memory_space<hbm>> -> memref<1x2x128xi32, #tpu.memory_space<hbm>>
            %dma_start3A_550 = tpu.memref_squeeze %dma_start3A_549 : memref<1x2x128xi32, #tpu.memory_space<hbm>> -> memref<2x128xi32, #tpu.memory_space<hbm>>
            tpu.enqueue_dma source(%dma_start3A_550 : memref<2x128xi32, #tpu.memory_space<hbm>>) target(%dma_start3A_547 : memref<2x128xi32, #tpu.memory_space<vmem>>) target_semaphore(%run_scoped3A_536 : memref<!tpu.dma_semaphore, #tpu.memory_space<semaphore_mem>>)
            %dma_wait3A_551 = arith.constant 0 : i32
            %dma_wait3A_552 = arith.constant 0 : i32
            %dma_wait3A_553 = tpu.memref_slice %arg5[%run_scoped3A_507, %dma_wait3A_551, %dma_wait3A_552] : memref<3x2x128xi32, #tpu.memory_space<vmem>> -> memref<1x2x128xi32, #tpu.memory_space<vmem>>
            %dma_wait3A_554 = tpu.memref_squeeze %dma_wait3A_553 : memref<1x2x128xi32, #tpu.memory_space<vmem>> -> memref<2x128xi32, #tpu.memory_space<vmem>>
            %dma_wait3A_555 = arith.constant 0 : i32
            %dma_wait3A_556 = tpu.memref_slice %arg2[%add3A, %mul3A_506, %dma_wait3A_555] : memref<32x200x128xi32, #tpu.memory_space<hbm>> -> memref<1x2x128xi32, #tpu.memory_space<hbm>>
            %dma_wait3A_557 = tpu.memref_squeeze %dma_wait3A_556 : memref<1x2x128xi32, #tpu.memory_space<hbm>> -> memref<2x128xi32, #tpu.memory_space<hbm>>
            %dma_wait3A_558 = arith.constant 0 : i32
            %dma_wait3A_559 = arith.constant 0 : i32
            %dma_wait3A_560 = tpu.memref_slice %arg5[%run_scoped3A_507, %dma_wait3A_558, %dma_wait3A_559] : memref<3x2x128xi32, #tpu.memory_space<vmem>> -> memref<1x2x128xi32, #tpu.memory_space<vmem>>
            %dma_wait3A_561 = tpu.memref_squeeze %dma_wait3A_560 : memref<1x2x128xi32, #tpu.memory_space<vmem>> -> memref<2x128xi32, #tpu.memory_space<vmem>>
            %dma_wait3A_562 = arith.constant 0 : i32
            %dma_wait3A_563 = tpu.memref_slice %arg2[%add3A, %mul3A_506, %dma_wait3A_562] : memref<32x200x128xi32, #tpu.memory_space<hbm>> -> memref<1x2x128xi32, #tpu.memory_space<hbm>>
            %dma_wait3A_564 = tpu.memref_squeeze %dma_wait3A_563 : memref<1x2x128xi32, #tpu.memory_space<hbm>> -> memref<2x128xi32, #tpu.memory_space<hbm>>
            tpu.wait_dma2 semaphore(%run_scoped3A_536 : memref<!tpu.dma_semaphore, #tpu.memory_space<semaphore_mem>>) src(%dma_wait3A_564 : memref<2x128xi32, #tpu.memory_space<hbm>>) dst(%dma_wait3A_561 : memref<2x128xi32, #tpu.memory_space<vmem>>)
            tpu.yield
          }) : () -> ()
          %dma_start3A_508 = arith.constant 2 : i32
          %dma_start3A_509 = arith.constant 0 : i32
          %dma_start3A_510 = arith.constant 2 : i32
          %dma_start3A_511 = arith.constant 0 : i32
          %dma_start3A_512 = arith.constant 0 : i32
          %dma_start3A_513 = arith.constant 0 : i32
          %dma_start3A_514 = tpu.memref_slice %arg6[%dma_start3A_510, %dma_start3A_511, %dma_start3A_512, %dma_start3A_513] : memref<3x2x128x64xf32, #tpu.memory_space<vmem>> -> memref<1x1x128x64xf32, #tpu.memory_space<vmem>>
          %dma_start3A_515 = tpu.memref_squeeze %dma_start3A_514 : memref<1x1x128x64xf32, #tpu.memory_space<vmem>> -> memref<128x64xf32, #tpu.memory_space<vmem>>
          %dma_start3A_516 = arith.constant 0 : i32
          %dma_start3A_517 = tpu.memref_slice %arg5[%dma_start3A_508, %dma_start3A_509, %dma_start3A_516] : memref<3x2x128xi32, #tpu.memory_space<vmem>> -> memref<1x1x128xi32, #tpu.memory_space<vmem>>
          %dma_start3A_518 = tpu.memref_squeeze %dma_start3A_517 : memref<1x1x128xi32, #tpu.memory_space<vmem>> -> memref<128xi32, #tpu.memory_space<vmem>>
          %dma_start3A_519 = arith.constant 0 : i32
          %dma_start3A_520 = arith.constant 0 : i32
          %dma_start3A_521 = tpu.memref_slice %arg3[%dma_start3A_519, %dma_start3A_520] : memref<1000000x64xf32, #tpu.memory_space<hbm>> -> memref<1000000x64xf32, #tpu.memory_space<hbm>>
          tpu.enqueue_indirect_dma source(%dma_start3A_521 : memref<1000000x64xf32, #tpu.memory_space<hbm>>) target(%dma_start3A_515 : memref<128x64xf32, #tpu.memory_space<vmem>>) offsets(%dma_start3A_518 : memref<128xi32, #tpu.memory_space<vmem>>) semaphore(%arg10 : memref<!tpu.dma_semaphore, #tpu.memory_space<semaphore_mem>>)
          %dma_start3A_522 = arith.constant 2 : i32
          %dma_start3A_523 = arith.constant 1 : i32
          %dma_start3A_524 = arith.constant 2 : i32
          %dma_start3A_525 = arith.constant 1 : i32
          %dma_start3A_526 = arith.constant 0 : i32
          %dma_start3A_527 = arith.constant 0 : i32
          %dma_start3A_528 = tpu.memref_slice %arg6[%dma_start3A_524, %dma_start3A_525, %dma_start3A_526, %dma_start3A_527] : memref<3x2x128x64xf32, #tpu.memory_space<vmem>> -> memref<1x1x128x64xf32, #tpu.memory_space<vmem>>
          %dma_start3A_529 = tpu.memref_squeeze %dma_start3A_528 : memref<1x1x128x64xf32, #tpu.memory_space<vmem>> -> memref<128x64xf32, #tpu.memory_space<vmem>>
          %dma_start3A_530 = arith.constant 0 : i32
          %dma_start3A_531 = tpu.memref_slice %arg5[%dma_start3A_522, %dma_start3A_523, %dma_start3A_530] : memref<3x2x128xi32, #tpu.memory_space<vmem>> -> memref<1x1x128xi32, #tpu.memory_space<vmem>>
          %dma_start3A_532 = tpu.memref_squeeze %dma_start3A_531 : memref<1x1x128xi32, #tpu.memory_space<vmem>> -> memref<128xi32, #tpu.memory_space<vmem>>
          %dma_start3A_533 = arith.constant 0 : i32
          %dma_start3A_534 = arith.constant 0 : i32
          %dma_start3A_535 = tpu.memref_slice %arg3[%dma_start3A_533, %dma_start3A_534] : memref<1000000x64xf32, #tpu.memory_space<hbm>> -> memref<1000000x64xf32, #tpu.memory_space<hbm>>
          tpu.enqueue_indirect_dma source(%dma_start3A_535 : memref<1000000x64xf32, #tpu.memory_space<hbm>>) target(%dma_start3A_529 : memref<128x64xf32, #tpu.memory_space<vmem>>) offsets(%dma_start3A_532 : memref<128xi32, #tpu.memory_space<vmem>>) semaphore(%arg10 : memref<!tpu.dma_semaphore, #tpu.memory_space<semaphore_mem>>)
        } else {
        }
        %dma_wait3A_409 = arith.constant 1 : i32
        %dma_wait3A_410 = arith.constant 0 : i32
        %dma_wait3A_411 = arith.constant 1 : i32
        %dma_wait3A_412 = arith.constant 0 : i32
        %dma_wait3A_413 = arith.constant 0 : i32
        %dma_wait3A_414 = arith.constant 0 : i32
        %dma_wait3A_415 = tpu.memref_slice %arg6[%dma_wait3A_411, %dma_wait3A_412, %dma_wait3A_413, %dma_wait3A_414] : memref<3x2x128x64xf32, #tpu.memory_space<vmem>> -> memref<1x1x128x64xf32, #tpu.memory_space<vmem>>
        %dma_wait3A_416 = tpu.memref_squeeze %dma_wait3A_415 : memref<1x1x128x64xf32, #tpu.memory_space<vmem>> -> memref<128x64xf32, #tpu.memory_space<vmem>>
        %dma_wait3A_417 = arith.constant 0 : i32
        %dma_wait3A_418 = tpu.memref_slice %arg5[%dma_wait3A_409, %dma_wait3A_410, %dma_wait3A_417] : memref<3x2x128xi32, #tpu.memory_space<vmem>> -> memref<1x1x128xi32, #tpu.memory_space<vmem>>
        %dma_wait3A_419 = tpu.memref_squeeze %dma_wait3A_418 : memref<1x1x128xi32, #tpu.memory_space<vmem>> -> memref<128xi32, #tpu.memory_space<vmem>>
        %dma_wait3A_420 = arith.constant 0 : i32
        %dma_wait3A_421 = arith.constant 0 : i32
        %dma_wait3A_422 = tpu.memref_slice %arg3[%dma_wait3A_420, %dma_wait3A_421] : memref<1000000x64xf32, #tpu.memory_space<hbm>> -> memref<1000000x64xf32, #tpu.memory_space<hbm>>
        tpu.wait_indirect_dma semaphore(%arg9 : memref<!tpu.dma_semaphore, #tpu.memory_space<semaphore_mem>>) src(%dma_wait3A_422 : memref<1000000x64xf32, #tpu.memory_space<hbm>>) dst(%dma_wait3A_416 : memref<128x64xf32, #tpu.memory_space<vmem>>)
        %dma_wait3A_423 = arith.constant 1 : i32
        %dma_wait3A_424 = arith.constant 1 : i32
        %dma_wait3A_425 = arith.constant 1 : i32
        %dma_wait3A_426 = arith.constant 1 : i32
        %dma_wait3A_427 = arith.constant 0 : i32
        %dma_wait3A_428 = arith.constant 0 : i32
        %dma_wait3A_429 = tpu.memref_slice %arg6[%dma_wait3A_425, %dma_wait3A_426, %dma_wait3A_427, %dma_wait3A_428] : memref<3x2x128x64xf32, #tpu.memory_space<vmem>> -> memref<1x1x128x64xf32, #tpu.memory_space<vmem>>
        %dma_wait3A_430 = tpu.memref_squeeze %dma_wait3A_429 : memref<1x1x128x64xf32, #tpu.memory_space<vmem>> -> memref<128x64xf32, #tpu.memory_space<vmem>>
        %dma_wait3A_431 = arith.constant 0 : i32
        %dma_wait3A_432 = tpu.memref_slice %arg5[%dma_wait3A_423, %dma_wait3A_424, %dma_wait3A_431] : memref<3x2x128xi32, #tpu.memory_space<vmem>> -> memref<1x1x128xi32, #tpu.memory_space<vmem>>
        %dma_wait3A_433 = tpu.memref_squeeze %dma_wait3A_432 : memref<1x1x128xi32, #tpu.memory_space<vmem>> -> memref<128xi32, #tpu.memory_space<vmem>>
        %dma_wait3A_434 = arith.constant 0 : i32
        %dma_wait3A_435 = arith.constant 0 : i32
        %dma_wait3A_436 = tpu.memref_slice %arg3[%dma_wait3A_434, %dma_wait3A_435] : memref<1000000x64xf32, #tpu.memory_space<hbm>> -> memref<1000000x64xf32, #tpu.memory_space<hbm>>
        tpu.wait_indirect_dma semaphore(%arg9 : memref<!tpu.dma_semaphore, #tpu.memory_space<semaphore_mem>>) src(%dma_wait3A_436 : memref<1000000x64xf32, #tpu.memory_space<hbm>>) dst(%dma_wait3A_430 : memref<128x64xf32, #tpu.memory_space<vmem>>)
        %scan3A_437 = arith.constant 0 : i32
        %scan3A_438 = arith.constant 128 : i32
        %scan3A_439 = arith.addi %scan3A_437, %scan3A_438 : i32
        %scan3A_440 = arith.constant 4 : i32
        scf.for %scan3A_499 = %scan3A_437 to %scan3A_439 step %scan3A_440  : i32 {
          %mul3A_500 = arith.constant 1 : i32
          %mul3A_501 = arith.muli %scan3A_499, %mul3A_500 : i32
          %add3A_502 = arith.constant 0 : i32
          %add3A_503 = arith.addi %add3A_502, %mul3A_501 : i32
          %add3A_504 = vector.broadcast %add3A_503 : i32 to vector<16xi32>
          %add3A_505 = arith.addi %broadcast_in_dim3A_1, %add3A_504 : vector<16xi32>
          %get3A = arith.constant 1 : i32
          %get3A_506 = arith.constant 0 : i32
          %get3A_507 = arith.index_cast %get3A : i32 to index
          %get3A_508 = arith.index_cast %get3A_506 : i32 to index
          %get3A_509 = arith.index_cast %add3A_503 : i32 to index
          %get3A_510 = arith.constant 0 : index
          %get3A_511 = tpu.vector_load %arg6[%get3A_507, %get3A_508, %get3A_509, %get3A_510] {strides = array<i32>} : memref<3x2x128x64xf32, #tpu.memory_space<vmem>>, vector<16xf32>,
          %mul3A_512 = arith.constant 8.000000e+00 : f32
          %mul3A_513 = vector.broadcast %mul3A_512 : f32 to vector<16xf32>
          %mul3A_514 = arith.mulf %get3A_511, %mul3A_513 : vector<16xf32>
          %scatter3A = arith.constant 1 : i32
          %scatter3A_515 = arith.constant 0 : i32
          %scatter3A_516 = arith.constant 0 : i32
          %scatter3A_517 = arith.constant 0 : i32
          %scatter3A_518 = arith.constant 0 : i32
          %scatter3A_519 = arith.constant 0 : i32
          %scatter3A_520 = tpu.memref_slice %arg7[%scatter3A, %scatter3A_515, %scatter3A_516, %scatter3A_517, %scatter3A_518, %scatter3A_519] : memref<3x2x8x1x8x129xf32, #tpu.memory_space<vmem>> -> memref<1x1x8x1x8x129xf32, #tpu.memory_space<vmem>>
          %scatter3A_521 = tpu.memref_squeeze %scatter3A_520 : memref<1x1x8x1x8x129xf32, #tpu.memory_space<vmem>> -> memref<8x1x8x129xf32, #tpu.memory_space<vmem>>
          tpu.vector_store_idx %scatter3A_521[%add3A_27, %broadcast_in_dim3A_1, %select_n3A_149, %add3A_505], %mul3A_514 : memref<8x1x8x129xf32, #tpu.memory_space<vmem>>[vector<16xi32>, vector<16xi32>, vector<16xi32>, vector<16xi32>], vector<16xf32>,
          %get3A_522 = arith.constant 1 : i32
          %get3A_523 = arith.constant 0 : i32
          %get3A_524 = arith.index_cast %get3A_522 : i32 to index
          %get3A_525 = arith.index_cast %get3A_523 : i32 to index
          %get3A_526 = arith.index_cast %add3A_503 : i32 to index
          %get3A_527 = arith.constant 16 : index
          %get3A_528 = tpu.vector_load %arg6[%get3A_524, %get3A_525, %get3A_526, %get3A_527] {strides = array<i32>} : memref<3x2x128x64xf32, #tpu.memory_space<vmem>>, vector<16xf32>,
          %mul3A_529 = arith.constant 8.000000e+00 : f32
          %mul3A_530 = vector.broadcast %mul3A_529 : f32 to vector<16xf32>
          %mul3A_531 = arith.mulf %get3A_528, %mul3A_530 : vector<16xf32>
          %scatter3A_532 = arith.constant 1 : i32
          %scatter3A_533 = arith.constant 0 : i32
          %scatter3A_534 = arith.constant 0 : i32
          %scatter3A_535 = arith.constant 0 : i32
          %scatter3A_536 = arith.constant 0 : i32
          %scatter3A_537 = arith.constant 0 : i32
          %scatter3A_538 = tpu.memref_slice %arg7[%scatter3A_532, %scatter3A_533, %scatter3A_534, %scatter3A_535, %scatter3A_536, %scatter3A_537] : memref<3x2x8x1x8x129xf32, #tpu.memory_space<vmem>> -> memref<1x1x8x1x8x129xf32, #tpu.memory_space<vmem>>
          %scatter3A_539 = tpu.memref_squeeze %scatter3A_538 : memref<1x1x8x1x8x129xf32, #tpu.memory_space<vmem>> -> memref<8x1x8x129xf32, #tpu.memory_space<vmem>>
          tpu.vector_store_idx %scatter3A_539[%add3A_61, %broadcast_in_dim3A_1, %select_n3A_171, %add3A_505], %mul3A_531 : memref<8x1x8x129xf32, #tpu.memory_space<vmem>>[vector<16xi32>, vector<16xi32>, vector<16xi32>, vector<16xi32>], vector<16xf32>,
          %get3A_540 = arith.constant 1 : i32
          %get3A_541 = arith.constant 0 : i32
          %get3A_542 = arith.index_cast %get3A_540 : i32 to index
          %get3A_543 = arith.index_cast %get3A_541 : i32 to index
          %get3A_544 = arith.index_cast %add3A_503 : i32 to index
          %get3A_545 = arith.constant 32 : index
          %get3A_546 = tpu.vector_load %arg6[%get3A_542, %get3A_543, %get3A_544, %get3A_545] {strides = array<i32>} : memref<3x2x128x64xf32, #tpu.memory_space<vmem>>, vector<16xf32>,
          %mul3A_547 = arith.constant 8.000000e+00 : f32
          %mul3A_548 = vector.broadcast %mul3A_547 : f32 to vector<16xf32>
          %mul3A_549 = arith.mulf %get3A_546, %mul3A_548 : vector<16xf32>
          %scatter3A_550 = arith.constant 1 : i32
          %scatter3A_551 = arith.constant 0 : i32
          %scatter3A_552 = arith.constant 0 : i32
          %scatter3A_553 = arith.constant 0 : i32
          %scatter3A_554 = arith.constant 0 : i32
          %scatter3A_555 = arith.constant 0 : i32
          %scatter3A_556 = tpu.memref_slice %arg7[%scatter3A_550, %scatter3A_551, %scatter3A_552, %scatter3A_553, %scatter3A_554, %scatter3A_555] : memref<3x2x8x1x8x129xf32, #tpu.memory_space<vmem>> -> memref<1x1x8x1x8x129xf32, #tpu.memory_space<vmem>>
          %scatter3A_557 = tpu.memref_squeeze %scatter3A_556 : memref<1x1x8x1x8x129xf32, #tpu.memory_space<vmem>> -> memref<8x1x8x129xf32, #tpu.memory_space<vmem>>
          tpu.vector_store_idx %scatter3A_557[%add3A_95, %broadcast_in_dim3A_1, %select_n3A_193, %add3A_505], %mul3A_549 : memref<8x1x8x129xf32, #tpu.memory_space<vmem>>[vector<16xi32>, vector<16xi32>, vector<16xi32>, vector<16xi32>], vector<16xf32>,
          %get3A_558 = arith.constant 1 : i32
          %get3A_559 = arith.constant 0 : i32
          %get3A_560 = arith.index_cast %get3A_558 : i32 to index
          %get3A_561 = arith.index_cast %get3A_559 : i32 to index
          %get3A_562 = arith.index_cast %add3A_503 : i32 to index
          %get3A_563 = arith.constant 48 : index
          %get3A_564 = tpu.vector_load %arg6[%get3A_560, %get3A_561, %get3A_562, %get3A_563] {strides = array<i32>} : memref<3x2x128x64xf32, #tpu.memory_space<vmem>>, vector<16xf32>,
          %mul3A_565 = arith.constant 8.000000e+00 : f32
          %mul3A_566 = vector.broadcast %mul3A_565 : f32 to vector<16xf32>
          %mul3A_567 = arith.mulf %get3A_564, %mul3A_566 : vector<16xf32>
          %scatter3A_568 = arith.constant 1 : i32
          %scatter3A_569 = arith.constant 0 : i32
          %scatter3A_570 = arith.constant 0 : i32
          %scatter3A_571 = arith.constant 0 : i32
          %scatter3A_572 = arith.constant 0 : i32
          %scatter3A_573 = arith.constant 0 : i32
          %scatter3A_574 = tpu.memref_slice %arg7[%scatter3A_568, %scatter3A_569, %scatter3A_570, %scatter3A_571, %scatter3A_572, %scatter3A_573] : memref<3x2x8x1x8x129xf32, #tpu.memory_space<vmem>> -> memref<1x1x8x1x8x129xf32, #tpu.memory_space<vmem>>
          %scatter3A_575 = tpu.memref_squeeze %scatter3A_574 : memref<1x1x8x1x8x129xf32, #tpu.memory_space<vmem>> -> memref<8x1x8x129xf32, #tpu.memory_space<vmem>>
          tpu.vector_store_idx %scatter3A_575[%add3A_129, %broadcast_in_dim3A_1, %select_n3A_215, %add3A_505], %mul3A_567 : memref<8x1x8x129xf32, #tpu.memory_space<vmem>>[vector<16xi32>, vector<16xi32>, vector<16xi32>, vector<16xi32>], vector<16xf32>,
          %scan3A_576 = arith.constant 1 : i32
          %scan3A_577 = arith.addi %scan3A_499, %scan3A_576 : i32
          %mul3A_578 = arith.constant 1 : i32
          %mul3A_579 = arith.muli %scan3A_577, %mul3A_578 : i32
          %add3A_580 = arith.constant 0 : i32
          %add3A_581 = arith.addi %add3A_580, %mul3A_579 : i32
          %add3A_582 = vector.broadcast %add3A_581 : i32 to vector<16xi32>
          %add3A_583 = arith.addi %broadcast_in_dim3A_1, %add3A_582 : vector<16xi32>
          %get3A_584 = arith.constant 1 : i32
          %get3A_585 = arith.constant 0 : i32
          %get3A_586 = arith.index_cast %get3A_584 : i32 to index
          %get3A_587 = arith.index_cast %get3A_585 : i32 to index
          %get3A_588 = arith.index_cast %add3A_581 : i32 to index
          %get3A_589 = arith.constant 0 : index
          %get3A_590 = tpu.vector_load %arg6[%get3A_586, %get3A_587, %get3A_588, %get3A_589] {strides = array<i32>} : memref<3x2x128x64xf32, #tpu.memory_space<vmem>>, vector<16xf32>,
          %mul3A_591 = arith.constant 8.000000e+00 : f32
          %mul3A_592 = vector.broadcast %mul3A_591 : f32 to vector<16xf32>
          %mul3A_593 = arith.mulf %get3A_590, %mul3A_592 : vector<16xf32>
          %scatter3A_594 = arith.constant 1 : i32
          %scatter3A_595 = arith.constant 0 : i32
          %scatter3A_596 = arith.constant 0 : i32
          %scatter3A_597 = arith.constant 0 : i32
          %scatter3A_598 = arith.constant 0 : i32
          %scatter3A_599 = arith.constant 0 : i32
          %scatter3A_600 = tpu.memref_slice %arg7[%scatter3A_594, %scatter3A_595, %scatter3A_596, %scatter3A_597, %scatter3A_598, %scatter3A_599] : memref<3x2x8x1x8x129xf32, #tpu.memory_space<vmem>> -> memref<1x1x8x1x8x129xf32, #tpu.memory_space<vmem>>
          %scatter3A_601 = tpu.memref_squeeze %scatter3A_600 : memref<1x1x8x1x8x129xf32, #tpu.memory_space<vmem>> -> memref<8x1x8x129xf32, #tpu.memory_space<vmem>>
          tpu.vector_store_idx %scatter3A_601[%add3A_27, %broadcast_in_dim3A_1, %select_n3A_149, %add3A_583], %mul3A_593 : memref<8x1x8x129xf32, #tpu.memory_space<vmem>>[vector<16xi32>, vector<16xi32>, vector<16xi32>, vector<16xi32>], vector<16xf32>,
          %get3A_602 = arith.constant 1 : i32
          %get3A_603 = arith.constant 0 : i32
          %get3A_604 = arith.index_cast %get3A_602 : i32 to index
          %get3A_605 = arith.index_cast %get3A_603 : i32 to index
          %get3A_606 = arith.index_cast %add3A_581 : i32 to index
          %get3A_607 = arith.constant 16 : index
          %get3A_608 = tpu.vector_load %arg6[%get3A_604, %get3A_605, %get3A_606, %get3A_607] {strides = array<i32>} : memref<3x2x128x64xf32, #tpu.memory_space<vmem>>, vector<16xf32>,
          %mul3A_609 = arith.constant 8.000000e+00 : f32
          %mul3A_610 = vector.broadcast %mul3A_609 : f32 to vector<16xf32>
          %mul3A_611 = arith.mulf %get3A_608, %mul3A_610 : vector<16xf32>
          %scatter3A_612 = arith.constant 1 : i32
          %scatter3A_613 = arith.constant 0 : i32
          %scatter3A_614 = arith.constant 0 : i32
          %scatter3A_615 = arith.constant 0 : i32
          %scatter3A_616 = arith.constant 0 : i32
          %scatter3A_617 = arith.constant 0 : i32
          %scatter3A_618 = tpu.memref_slice %arg7[%scatter3A_612, %scatter3A_613, %scatter3A_614, %scatter3A_615, %scatter3A_616, %scatter3A_617] : memref<3x2x8x1x8x129xf32, #tpu.memory_space<vmem>> -> memref<1x1x8x1x8x129xf32, #tpu.memory_space<vmem>>
          %scatter3A_619 = tpu.memref_squeeze %scatter3A_618 : memref<1x1x8x1x8x129xf32, #tpu.memory_space<vmem>> -> memref<8x1x8x129xf32, #tpu.memory_space<vmem>>
          tpu.vector_store_idx %scatter3A_619[%add3A_61, %broadcast_in_dim3A_1, %select_n3A_171, %add3A_583], %mul3A_611 : memref<8x1x8x129xf32, #tpu.memory_space<vmem>>[vector<16xi32>, vector<16xi32>, vector<16xi32>, vector<16xi32>], vector<16xf32>,
          %get3A_620 = arith.constant 1 : i32
          %get3A_621 = arith.constant 0 : i32
          %get3A_622 = arith.index_cast %get3A_620 : i32 to index
          %get3A_623 = arith.index_cast %get3A_621 : i32 to index
          %get3A_624 = arith.index_cast %add3A_581 : i32 to index
          %get3A_625 = arith.constant 32 : index
          %get3A_626 = tpu.vector_load %arg6[%get3A_622, %get3A_623, %get3A_624, %get3A_625] {strides = array<i32>} : memref<3x2x128x64xf32, #tpu.memory_space<vmem>>, vector<16xf32>,
          %mul3A_627 = arith.constant 8.000000e+00 : f32
          %mul3A_628 = vector.broadcast %mul3A_627 : f32 to vector<16xf32>
          %mul3A_629 = arith.mulf %get3A_626, %mul3A_628 : vector<16xf32>
          %scatter3A_630 = arith.constant 1 : i32
          %scatter3A_631 = arith.constant 0 : i32
          %scatter3A_632 = arith.constant 0 : i32
          %scatter3A_633 = arith.constant 0 : i32
          %scatter3A_634 = arith.constant 0 : i32
          %scatter3A_635 = arith.constant 0 : i32
          %scatter3A_636 = tpu.memref_slice %arg7[%scatter3A_630, %scatter3A_631, %scatter3A_632, %scatter3A_633, %scatter3A_634, %scatter3A_635] : memref<3x2x8x1x8x129xf32, #tpu.memory_space<vmem>> -> memref<1x1x8x1x8x129xf32, #tpu.memory_space<vmem>>
          %scatter3A_637 = tpu.memref_squeeze %scatter3A_636 : memref<1x1x8x1x8x129xf32, #tpu.memory_space<vmem>> -> memref<8x1x8x129xf32, #tpu.memory_space<vmem>>
          tpu.vector_store_idx %scatter3A_637[%add3A_95, %broadcast_in_dim3A_1, %select_n3A_193, %add3A_583], %mul3A_629 : memref<8x1x8x129xf32, #tpu.memory_space<vmem>>[vector<16xi32>, vector<16xi32>, vector<16xi32>, vector<16xi32>], vector<16xf32>,
          %get3A_638 = arith.constant 1 : i32
          %get3A_639 = arith.constant 0 : i32
          %get3A_640 = arith.index_cast %get3A_638 : i32 to index
          %get3A_641 = arith.index_cast %get3A_639 : i32 to index
          %get3A_642 = arith.index_cast %add3A_581 : i32 to index
          %get3A_643 = arith.constant 48 : index
          %get3A_644 = tpu.vector_load %arg6[%get3A_640, %get3A_641, %get3A_642, %get3A_643] {strides = array<i32>} : memref<3x2x128x64xf32, #tpu.memory_space<vmem>>, vector<16xf32>,
          %mul3A_645 = arith.constant 8.000000e+00 : f32
          %mul3A_646 = vector.broadcast %mul3A_645 : f32 to vector<16xf32>
          %mul3A_647 = arith.mulf %get3A_644, %mul3A_646 : vector<16xf32>
          %scatter3A_648 = arith.constant 1 : i32
          %scatter3A_649 = arith.constant 0 : i32
          %scatter3A_650 = arith.constant 0 : i32
          %scatter3A_651 = arith.constant 0 : i32
          %scatter3A_652 = arith.constant 0 : i32
          %scatter3A_653 = arith.constant 0 : i32
          %scatter3A_654 = tpu.memref_slice %arg7[%scatter3A_648, %scatter3A_649, %scatter3A_650, %scatter3A_651, %scatter3A_652, %scatter3A_653] : memref<3x2x8x1x8x129xf32, #tpu.memory_space<vmem>> -> memref<1x1x8x1x8x129xf32, #tpu.memory_space<vmem>>
          %scatter3A_655 = tpu.memref_squeeze %scatter3A_654 : memref<1x1x8x1x8x129xf32, #tpu.memory_space<vmem>> -> memref<8x1x8x129xf32, #tpu.memory_space<vmem>>
          tpu.vector_store_idx %scatter3A_655[%add3A_129, %broadcast_in_dim3A_1, %select_n3A_215, %add3A_583], %mul3A_647 : memref<8x1x8x129xf32, #tpu.memory_space<vmem>>[vector<16xi32>, vector<16xi32>, vector<16xi32>, vector<16xi32>], vector<16xf32>,
          %scan3A_656 = arith.constant 2 : i32
          %scan3A_657 = arith.addi %scan3A_499, %scan3A_656 : i32
          %mul3A_658 = arith.constant 1 : i32
          %mul3A_659 = arith.muli %scan3A_657, %mul3A_658 : i32
          %add3A_660 = arith.constant 0 : i32
          %add3A_661 = arith.addi %add3A_660, %mul3A_659 : i32
          %add3A_662 = vector.broadcast %add3A_661 : i32 to vector<16xi32>
          %add3A_663 = arith.addi %broadcast_in_dim3A_1, %add3A_662 : vector<16xi32>
          %get3A_664 = arith.constant 1 : i32
          %get3A_665 = arith.constant 0 : i32
          %get3A_666 = arith.index_cast %get3A_664 : i32 to index
          %get3A_667 = arith.index_cast %get3A_665 : i32 to index
          %get3A_668 = arith.index_cast %add3A_661 : i32 to index
          %get3A_669 = arith.constant 0 : index
          %get3A_670 = tpu.vector_load %arg6[%get3A_666, %get3A_667, %get3A_668, %get3A_669] {strides = array<i32>} : memref<3x2x128x64xf32, #tpu.memory_space<vmem>>, vector<16xf32>,
          %mul3A_671 = arith.constant 8.000000e+00 : f32
          %mul3A_672 = vector.broadcast %mul3A_671 : f32 to vector<16xf32>
          %mul3A_673 = arith.mulf %get3A_670, %mul3A_672 : vector<16xf32>
          %scatter3A_674 = arith.constant 1 : i32
          %scatter3A_675 = arith.constant 0 : i32
          %scatter3A_676 = arith.constant 0 : i32
          %scatter3A_677 = arith.constant 0 : i32
          %scatter3A_678 = arith.constant 0 : i32
          %scatter3A_679 = arith.constant 0 : i32
          %scatter3A_680 = tpu.memref_slice %arg7[%scatter3A_674, %scatter3A_675, %scatter3A_676, %scatter3A_677, %scatter3A_678, %scatter3A_679] : memref<3x2x8x1x8x129xf32, #tpu.memory_space<vmem>> -> memref<1x1x8x1x8x129xf32, #tpu.memory_space<vmem>>
          %scatter3A_681 = tpu.memref_squeeze %scatter3A_680 : memref<1x1x8x1x8x129xf32, #tpu.memory_space<vmem>> -> memref<8x1x8x129xf32, #tpu.memory_space<vmem>>
          tpu.vector_store_idx %scatter3A_681[%add3A_27, %broadcast_in_dim3A_1, %select_n3A_149, %add3A_663], %mul3A_673 : memref<8x1x8x129xf32, #tpu.memory_space<vmem>>[vector<16xi32>, vector<16xi32>, vector<16xi32>, vector<16xi32>], vector<16xf32>,
          %get3A_682 = arith.constant 1 : i32
          %get3A_683 = arith.constant 0 : i32
          %get3A_684 = arith.index_cast %get3A_682 : i32 to index
          %get3A_685 = arith.index_cast %get3A_683 : i32 to index
          %get3A_686 = arith.index_cast %add3A_661 : i32 to index
          %get3A_687 = arith.constant 16 : index
          %get3A_688 = tpu.vector_load %arg6[%get3A_684, %get3A_685, %get3A_686, %get3A_687] {strides = array<i32>} : memref<3x2x128x64xf32, #tpu.memory_space<vmem>>, vector<16xf32>,
          %mul3A_689 = arith.constant 8.000000e+00 : f32
          %mul3A_690 = vector.broadcast %mul3A_689 : f32 to vector<16xf32>
          %mul3A_691 = arith.mulf %get3A_688, %mul3A_690 : vector<16xf32>
          %scatter3A_692 = arith.constant 1 : i32
          %scatter3A_693 = arith.constant 0 : i32
          %scatter3A_694 = arith.constant 0 : i32
          %scatter3A_695 = arith.constant 0 : i32
          %scatter3A_696 = arith.constant 0 : i32
          %scatter3A_697 = arith.constant 0 : i32
          %scatter3A_698 = tpu.memref_slice %arg7[%scatter3A_692, %scatter3A_693, %scatter3A_694, %scatter3A_695, %scatter3A_696, %scatter3A_697] : memref<3x2x8x1x8x129xf32, #tpu.memory_space<vmem>> -> memref<1x1x8x1x8x129xf32, #tpu.memory_space<vmem>>
          %scatter3A_699 = tpu.memref_squeeze %scatter3A_698 : memref<1x1x8x1x8x129xf32, #tpu.memory_space<vmem>> -> memref<8x1x8x129xf32, #tpu.memory_space<vmem>>
          tpu.vector_store_idx %scatter3A_699[%add3A_61, %broadcast_in_dim3A_1, %select_n3A_171, %add3A_663], %mul3A_691 : memref<8x1x8x129xf32, #tpu.memory_space<vmem>>[vector<16xi32>, vector<16xi32>, vector<16xi32>, vector<16xi32>], vector<16xf32>,
          %get3A_700 = arith.constant 1 : i32
          %get3A_701 = arith.constant 0 : i32
          %get3A_702 = arith.index_cast %get3A_700 : i32 to index
          %get3A_703 = arith.index_cast %get3A_701 : i32 to index
          %get3A_704 = arith.index_cast %add3A_661 : i32 to index
          %get3A_705 = arith.constant 32 : index
          %get3A_706 = tpu.vector_load %arg6[%get3A_702, %get3A_703, %get3A_704, %get3A_705] {strides = array<i32>} : memref<3x2x128x64xf32, #tpu.memory_space<vmem>>, vector<16xf32>,
          %mul3A_707 = arith.constant 8.000000e+00 : f32
          %mul3A_708 = vector.broadcast %mul3A_707 : f32 to vector<16xf32>
          %mul3A_709 = arith.mulf %get3A_706, %mul3A_708 : vector<16xf32>
          %scatter3A_710 = arith.constant 1 : i32
          %scatter3A_711 = arith.constant 0 : i32
          %scatter3A_712 = arith.constant 0 : i32
          %scatter3A_713 = arith.constant 0 : i32
          %scatter3A_714 = arith.constant 0 : i32
          %scatter3A_715 = arith.constant 0 : i32
          %scatter3A_716 = tpu.memref_slice %arg7[%scatter3A_710, %scatter3A_711, %scatter3A_712, %scatter3A_713, %scatter3A_714, %scatter3A_715] : memref<3x2x8x1x8x129xf32, #tpu.memory_space<vmem>> -> memref<1x1x8x1x8x129xf32, #tpu.memory_space<vmem>>
          %scatter3A_717 = tpu.memref_squeeze %scatter3A_716 : memref<1x1x8x1x8x129xf32, #tpu.memory_space<vmem>> -> memref<8x1x8x129xf32, #tpu.memory_space<vmem>>
          tpu.vector_store_idx %scatter3A_717[%add3A_95, %broadcast_in_dim3A_1, %select_n3A_193, %add3A_663], %mul3A_709 : memref<8x1x8x129xf32, #tpu.memory_space<vmem>>[vector<16xi32>, vector<16xi32>, vector<16xi32>, vector<16xi32>], vector<16xf32>,
          %get3A_718 = arith.constant 1 : i32
          %get3A_719 = arith.constant 0 : i32
          %get3A_720 = arith.index_cast %get3A_718 : i32 to index
          %get3A_721 = arith.index_cast %get3A_719 : i32 to index
          %get3A_722 = arith.index_cast %add3A_661 : i32 to index
          %get3A_723 = arith.constant 48 : index
          %get3A_724 = tpu.vector_load %arg6[%get3A_720, %get3A_721, %get3A_722, %get3A_723] {strides = array<i32>} : memref<3x2x128x64xf32, #tpu.memory_space<vmem>>, vector<16xf32>,
          %mul3A_725 = arith.constant 8.000000e+00 : f32
          %mul3A_726 = vector.broadcast %mul3A_725 : f32 to vector<16xf32>
          %mul3A_727 = arith.mulf %get3A_724, %mul3A_726 : vector<16xf32>
          %scatter3A_728 = arith.constant 1 : i32
          %scatter3A_729 = arith.constant 0 : i32
          %scatter3A_730 = arith.constant 0 : i32
          %scatter3A_731 = arith.constant 0 : i32
          %scatter3A_732 = arith.constant 0 : i32
          %scatter3A_733 = arith.constant 0 : i32
          %scatter3A_734 = tpu.memref_slice %arg7[%scatter3A_728, %scatter3A_729, %scatter3A_730, %scatter3A_731, %scatter3A_732, %scatter3A_733] : memref<3x2x8x1x8x129xf32, #tpu.memory_space<vmem>> -> memref<1x1x8x1x8x129xf32, #tpu.memory_space<vmem>>
          %scatter3A_735 = tpu.memref_squeeze %scatter3A_734 : memref<1x1x8x1x8x129xf32, #tpu.memory_space<vmem>> -> memref<8x1x8x129xf32, #tpu.memory_space<vmem>>
          tpu.vector_store_idx %scatter3A_735[%add3A_129, %broadcast_in_dim3A_1, %select_n3A_215, %add3A_663], %mul3A_727 : memref<8x1x8x129xf32, #tpu.memory_space<vmem>>[vector<16xi32>, vector<16xi32>, vector<16xi32>, vector<16xi32>], vector<16xf32>,
          %scan3A_736 = arith.constant 3 : i32
          %scan3A_737 = arith.addi %scan3A_499, %scan3A_736 : i32
          %mul3A_738 = arith.constant 1 : i32
          %mul3A_739 = arith.muli %scan3A_737, %mul3A_738 : i32
          %add3A_740 = arith.constant 0 : i32
          %add3A_741 = arith.addi %add3A_740, %mul3A_739 : i32
          %add3A_742 = vector.broadcast %add3A_741 : i32 to vector<16xi32>
          %add3A_743 = arith.addi %broadcast_in_dim3A_1, %add3A_742 : vector<16xi32>
          %get3A_744 = arith.constant 1 : i32
          %get3A_745 = arith.constant 0 : i32
          %get3A_746 = arith.index_cast %get3A_744 : i32 to index
          %get3A_747 = arith.index_cast %get3A_745 : i32 to index
          %get3A_748 = arith.index_cast %add3A_741 : i32 to index
          %get3A_749 = arith.constant 0 : index
          %get3A_750 = tpu.vector_load %arg6[%get3A_746, %get3A_747, %get3A_748, %get3A_749] {strides = array<i32>} : memref<3x2x128x64xf32, #tpu.memory_space<vmem>>, vector<16xf32>,
          %mul3A_751 = arith.constant 8.000000e+00 : f32
          %mul3A_752 = vector.broadcast %mul3A_751 : f32 to vector<16xf32>
          %mul3A_753 = arith.mulf %get3A_750, %mul3A_752 : vector<16xf32>
          %scatter3A_754 = arith.constant 1 : i32
          %scatter3A_755 = arith.constant 0 : i32
          %scatter3A_756 = arith.constant 0 : i32
          %scatter3A_757 = arith.constant 0 : i32
          %scatter3A_758 = arith.constant 0 : i32
          %scatter3A_759 = arith.constant 0 : i32
          %scatter3A_760 = tpu.memref_slice %arg7[%scatter3A_754, %scatter3A_755, %scatter3A_756, %scatter3A_757, %scatter3A_758, %scatter3A_759] : memref<3x2x8x1x8x129xf32, #tpu.memory_space<vmem>> -> memref<1x1x8x1x8x129xf32, #tpu.memory_space<vmem>>
          %scatter3A_761 = tpu.memref_squeeze %scatter3A_760 : memref<1x1x8x1x8x129xf32, #tpu.memory_space<vmem>> -> memref<8x1x8x129xf32, #tpu.memory_space<vmem>>
          tpu.vector_store_idx %scatter3A_761[%add3A_27, %broadcast_in_dim3A_1, %select_n3A_149, %add3A_743], %mul3A_753 : memref<8x1x8x129xf32, #tpu.memory_space<vmem>>[vector<16xi32>, vector<16xi32>, vector<16xi32>, vector<16xi32>], vector<16xf32>,
          %get3A_762 = arith.constant 1 : i32
          %get3A_763 = arith.constant 0 : i32
          %get3A_764 = arith.index_cast %get3A_762 : i32 to index
          %get3A_765 = arith.index_cast %get3A_763 : i32 to index
          %get3A_766 = arith.index_cast %add3A_741 : i32 to index
          %get3A_767 = arith.constant 16 : index
          %get3A_768 = tpu.vector_load %arg6[%get3A_764, %get3A_765, %get3A_766, %get3A_767] {strides = array<i32>} : memref<3x2x128x64xf32, #tpu.memory_space<vmem>>, vector<16xf32>,
          %mul3A_769 = arith.constant 8.000000e+00 : f32
          %mul3A_770 = vector.broadcast %mul3A_769 : f32 to vector<16xf32>
          %mul3A_771 = arith.mulf %get3A_768, %mul3A_770 : vector<16xf32>
          %scatter3A_772 = arith.constant 1 : i32
          %scatter3A_773 = arith.constant 0 : i32
          %scatter3A_774 = arith.constant 0 : i32
          %scatter3A_775 = arith.constant 0 : i32
          %scatter3A_776 = arith.constant 0 : i32
          %scatter3A_777 = arith.constant 0 : i32
          %scatter3A_778 = tpu.memref_slice %arg7[%scatter3A_772, %scatter3A_773, %scatter3A_774, %scatter3A_775, %scatter3A_776, %scatter3A_777] : memref<3x2x8x1x8x129xf32, #tpu.memory_space<vmem>> -> memref<1x1x8x1x8x129xf32, #tpu.memory_space<vmem>>
          %scatter3A_779 = tpu.memref_squeeze %scatter3A_778 : memref<1x1x8x1x8x129xf32, #tpu.memory_space<vmem>> -> memref<8x1x8x129xf32, #tpu.memory_space<vmem>>
          tpu.vector_store_idx %scatter3A_779[%add3A_61, %broadcast_in_dim3A_1, %select_n3A_171, %add3A_743], %mul3A_771 : memref<8x1x8x129xf32, #tpu.memory_space<vmem>>[vector<16xi32>, vector<16xi32>, vector<16xi32>, vector<16xi32>], vector<16xf32>,
          %get3A_780 = arith.constant 1 : i32
          %get3A_781 = arith.constant 0 : i32
          %get3A_782 = arith.index_cast %get3A_780 : i32 to index
          %get3A_783 = arith.index_cast %get3A_781 : i32 to index
          %get3A_784 = arith.index_cast %add3A_741 : i32 to index
          %get3A_785 = arith.constant 32 : index
          %get3A_786 = tpu.vector_load %arg6[%get3A_782, %get3A_783, %get3A_784, %get3A_785] {strides = array<i32>} : memref<3x2x128x64xf32, #tpu.memory_space<vmem>>, vector<16xf32>,
          %mul3A_787 = arith.constant 8.000000e+00 : f32
          %mul3A_788 = vector.broadcast %mul3A_787 : f32 to vector<16xf32>
          %mul3A_789 = arith.mulf %get3A_786, %mul3A_788 : vector<16xf32>
          %scatter3A_790 = arith.constant 1 : i32
          %scatter3A_791 = arith.constant 0 : i32
          %scatter3A_792 = arith.constant 0 : i32
          %scatter3A_793 = arith.constant 0 : i32
          %scatter3A_794 = arith.constant 0 : i32
          %scatter3A_795 = arith.constant 0 : i32
          %scatter3A_796 = tpu.memref_slice %arg7[%scatter3A_790, %scatter3A_791, %scatter3A_792, %scatter3A_793, %scatter3A_794, %scatter3A_795] : memref<3x2x8x1x8x129xf32, #tpu.memory_space<vmem>> -> memref<1x1x8x1x8x129xf32, #tpu.memory_space<vmem>>
          %scatter3A_797 = tpu.memref_squeeze %scatter3A_796 : memref<1x1x8x1x8x129xf32, #tpu.memory_space<vmem>> -> memref<8x1x8x129xf32, #tpu.memory_space<vmem>>
          tpu.vector_store_idx %scatter3A_797[%add3A_95, %broadcast_in_dim3A_1, %select_n3A_193, %add3A_743], %mul3A_789 : memref<8x1x8x129xf32, #tpu.memory_space<vmem>>[vector<16xi32>, vector<16xi32>, vector<16xi32>, vector<16xi32>], vector<16xf32>,
          %get3A_798 = arith.constant 1 : i32
          %get3A_799 = arith.constant 0 : i32
          %get3A_800 = arith.index_cast %get3A_798 : i32 to index
          %get3A_801 = arith.index_cast %get3A_799 : i32 to index
          %get3A_802 = arith.index_cast %add3A_741 : i32 to index
          %get3A_803 = arith.constant 48 : index
          %get3A_804 = tpu.vector_load %arg6[%get3A_800, %get3A_801, %get3A_802, %get3A_803] {strides = array<i32>} : memref<3x2x128x64xf32, #tpu.memory_space<vmem>>, vector<16xf32>,
          %mul3A_805 = arith.constant 8.000000e+00 : f32
          %mul3A_806 = vector.broadcast %mul3A_805 : f32 to vector<16xf32>
          %mul3A_807 = arith.mulf %get3A_804, %mul3A_806 : vector<16xf32>
          %scatter3A_808 = arith.constant 1 : i32
          %scatter3A_809 = arith.constant 0 : i32
          %scatter3A_810 = arith.constant 0 : i32
          %scatter3A_811 = arith.constant 0 : i32
          %scatter3A_812 = arith.constant 0 : i32
          %scatter3A_813 = arith.constant 0 : i32
          %scatter3A_814 = tpu.memref_slice %arg7[%scatter3A_808, %scatter3A_809, %scatter3A_810, %scatter3A_811, %scatter3A_812, %scatter3A_813] : memref<3x2x8x1x8x129xf32, #tpu.memory_space<vmem>> -> memref<1x1x8x1x8x129xf32, #tpu.memory_space<vmem>>
          %scatter3A_815 = tpu.memref_squeeze %scatter3A_814 : memref<1x1x8x1x8x129xf32, #tpu.memory_space<vmem>> -> memref<8x1x8x129xf32, #tpu.memory_space<vmem>>
          tpu.vector_store_idx %scatter3A_815[%add3A_129, %broadcast_in_dim3A_1, %select_n3A_215, %add3A_743], %mul3A_807 : memref<8x1x8x129xf32, #tpu.memory_space<vmem>>[vector<16xi32>, vector<16xi32>, vector<16xi32>, vector<16xi32>], vector<16xf32>,
        }
        %scan3A_441 = arith.constant 128 : i32
        %scan3A_442 = arith.constant 0 : i32
        %scan3A_443 = arith.constant 128 : i32
        %scan3A_444 = arith.addi %scan3A_442, %scan3A_443 : i32
        %scan3A_445 = arith.constant 4 : i32
        scf.for %scan3A_499 = %scan3A_442 to %scan3A_444 step %scan3A_445  : i32 {
          %mul3A_500 = arith.constant 1 : i32
          %mul3A_501 = arith.muli %scan3A_499, %mul3A_500 : i32
          %add3A_502 = arith.constant 0 : i32
          %add3A_503 = arith.addi %add3A_502, %mul3A_501 : i32
          %add3A_504 = vector.broadcast %add3A_503 : i32 to vector<16xi32>
          %add3A_505 = arith.addi %broadcast_in_dim3A_1, %add3A_504 : vector<16xi32>
          %get3A = arith.constant 1 : i32
          %get3A_506 = arith.constant 1 : i32
          %get3A_507 = arith.index_cast %get3A : i32 to index
          %get3A_508 = arith.index_cast %get3A_506 : i32 to index
          %get3A_509 = arith.index_cast %add3A_503 : i32 to index
          %get3A_510 = arith.constant 0 : index
          %get3A_511 = tpu.vector_load %arg6[%get3A_507, %get3A_508, %get3A_509, %get3A_510] {strides = array<i32>} : memref<3x2x128x64xf32, #tpu.memory_space<vmem>>, vector<16xf32>,
          %mul3A_512 = arith.constant 8.000000e+00 : f32
          %mul3A_513 = vector.broadcast %mul3A_512 : f32 to vector<16xf32>
          %mul3A_514 = arith.mulf %get3A_511, %mul3A_513 : vector<16xf32>
          %scatter3A = arith.constant 1 : i32
          %scatter3A_515 = arith.constant 1 : i32
          %scatter3A_516 = arith.constant 0 : i32
          %scatter3A_517 = arith.constant 0 : i32
          %scatter3A_518 = arith.constant 0 : i32
          %scatter3A_519 = arith.constant 0 : i32
          %scatter3A_520 = tpu.memref_slice %arg7[%scatter3A, %scatter3A_515, %scatter3A_516, %scatter3A_517, %scatter3A_518, %scatter3A_519] : memref<3x2x8x1x8x129xf32, #tpu.memory_space<vmem>> -> memref<1x1x8x1x8x129xf32, #tpu.memory_space<vmem>>
          %scatter3A_521 = tpu.memref_squeeze %scatter3A_520 : memref<1x1x8x1x8x129xf32, #tpu.memory_space<vmem>> -> memref<8x1x8x129xf32, #tpu.memory_space<vmem>>
          tpu.vector_store_idx %scatter3A_521[%add3A_27, %broadcast_in_dim3A_1, %select_n3A_149, %add3A_505], %mul3A_514 : memref<8x1x8x129xf32, #tpu.memory_space<vmem>>[vector<16xi32>, vector<16xi32>, vector<16xi32>, vector<16xi32>], vector<16xf32>,
          %get3A_522 = arith.constant 1 : i32
          %get3A_523 = arith.constant 1 : i32
          %get3A_524 = arith.index_cast %get3A_522 : i32 to index
          %get3A_525 = arith.index_cast %get3A_523 : i32 to index
          %get3A_526 = arith.index_cast %add3A_503 : i32 to index
          %get3A_527 = arith.constant 16 : index
          %get3A_528 = tpu.vector_load %arg6[%get3A_524, %get3A_525, %get3A_526, %get3A_527] {strides = array<i32>} : memref<3x2x128x64xf32, #tpu.memory_space<vmem>>, vector<16xf32>,
          %mul3A_529 = arith.constant 8.000000e+00 : f32
          %mul3A_530 = vector.broadcast %mul3A_529 : f32 to vector<16xf32>
          %mul3A_531 = arith.mulf %get3A_528, %mul3A_530 : vector<16xf32>
          %scatter3A_532 = arith.constant 1 : i32
          %scatter3A_533 = arith.constant 1 : i32
          %scatter3A_534 = arith.constant 0 : i32
          %scatter3A_535 = arith.constant 0 : i32
          %scatter3A_536 = arith.constant 0 : i32
          %scatter3A_537 = arith.constant 0 : i32
          %scatter3A_538 = tpu.memref_slice %arg7[%scatter3A_532, %scatter3A_533, %scatter3A_534, %scatter3A_535, %scatter3A_536, %scatter3A_537] : memref<3x2x8x1x8x129xf32, #tpu.memory_space<vmem>> -> memref<1x1x8x1x8x129xf32, #tpu.memory_space<vmem>>
          %scatter3A_539 = tpu.memref_squeeze %scatter3A_538 : memref<1x1x8x1x8x129xf32, #tpu.memory_space<vmem>> -> memref<8x1x8x129xf32, #tpu.memory_space<vmem>>
          tpu.vector_store_idx %scatter3A_539[%add3A_61, %broadcast_in_dim3A_1, %select_n3A_171, %add3A_505], %mul3A_531 : memref<8x1x8x129xf32, #tpu.memory_space<vmem>>[vector<16xi32>, vector<16xi32>, vector<16xi32>, vector<16xi32>], vector<16xf32>,
          %get3A_540 = arith.constant 1 : i32
          %get3A_541 = arith.constant 1 : i32
          %get3A_542 = arith.index_cast %get3A_540 : i32 to index
          %get3A_543 = arith.index_cast %get3A_541 : i32 to index
          %get3A_544 = arith.index_cast %add3A_503 : i32 to index
          %get3A_545 = arith.constant 32 : index
          %get3A_546 = tpu.vector_load %arg6[%get3A_542, %get3A_543, %get3A_544, %get3A_545] {strides = array<i32>} : memref<3x2x128x64xf32, #tpu.memory_space<vmem>>, vector<16xf32>,
          %mul3A_547 = arith.constant 8.000000e+00 : f32
          %mul3A_548 = vector.broadcast %mul3A_547 : f32 to vector<16xf32>
          %mul3A_549 = arith.mulf %get3A_546, %mul3A_548 : vector<16xf32>
          %scatter3A_550 = arith.constant 1 : i32
          %scatter3A_551 = arith.constant 1 : i32
          %scatter3A_552 = arith.constant 0 : i32
          %scatter3A_553 = arith.constant 0 : i32
          %scatter3A_554 = arith.constant 0 : i32
          %scatter3A_555 = arith.constant 0 : i32
          %scatter3A_556 = tpu.memref_slice %arg7[%scatter3A_550, %scatter3A_551, %scatter3A_552, %scatter3A_553, %scatter3A_554, %scatter3A_555] : memref<3x2x8x1x8x129xf32, #tpu.memory_space<vmem>> -> memref<1x1x8x1x8x129xf32, #tpu.memory_space<vmem>>
          %scatter3A_557 = tpu.memref_squeeze %scatter3A_556 : memref<1x1x8x1x8x129xf32, #tpu.memory_space<vmem>> -> memref<8x1x8x129xf32, #tpu.memory_space<vmem>>
          tpu.vector_store_idx %scatter3A_557[%add3A_95, %broadcast_in_dim3A_1, %select_n3A_193, %add3A_505], %mul3A_549 : memref<8x1x8x129xf32, #tpu.memory_space<vmem>>[vector<16xi32>, vector<16xi32>, vector<16xi32>, vector<16xi32>], vector<16xf32>,
          %get3A_558 = arith.constant 1 : i32
          %get3A_559 = arith.constant 1 : i32
          %get3A_560 = arith.index_cast %get3A_558 : i32 to index
          %get3A_561 = arith.index_cast %get3A_559 : i32 to index
          %get3A_562 = arith.index_cast %add3A_503 : i32 to index
          %get3A_563 = arith.constant 48 : index
          %get3A_564 = tpu.vector_load %arg6[%get3A_560, %get3A_561, %get3A_562, %get3A_563] {strides = array<i32>} : memref<3x2x128x64xf32, #tpu.memory_space<vmem>>, vector<16xf32>,
          %mul3A_565 = arith.constant 8.000000e+00 : f32
          %mul3A_566 = vector.broadcast %mul3A_565 : f32 to vector<16xf32>
          %mul3A_567 = arith.mulf %get3A_564, %mul3A_566 : vector<16xf32>
          %scatter3A_568 = arith.constant 1 : i32
          %scatter3A_569 = arith.constant 1 : i32
          %scatter3A_570 = arith.constant 0 : i32
          %scatter3A_571 = arith.constant 0 : i32
          %scatter3A_572 = arith.constant 0 : i32
          %scatter3A_573 = arith.constant 0 : i32
          %scatter3A_574 = tpu.memref_slice %arg7[%scatter3A_568, %scatter3A_569, %scatter3A_570, %scatter3A_571, %scatter3A_572, %scatter3A_573] : memref<3x2x8x1x8x129xf32, #tpu.memory_space<vmem>> -> memref<1x1x8x1x8x129xf32, #tpu.memory_space<vmem>>
          %scatter3A_575 = tpu.memref_squeeze %scatter3A_574 : memref<1x1x8x1x8x129xf32, #tpu.memory_space<vmem>> -> memref<8x1x8x129xf32, #tpu.memory_space<vmem>>
          tpu.vector_store_idx %scatter3A_575[%add3A_129, %broadcast_in_dim3A_1, %select_n3A_215, %add3A_505], %mul3A_567 : memref<8x1x8x129xf32, #tpu.memory_space<vmem>>[vector<16xi32>, vector<16xi32>, vector<16xi32>, vector<16xi32>], vector<16xf32>,
          %scan3A_576 = arith.constant 1 : i32
          %scan3A_577 = arith.addi %scan3A_499, %scan3A_576 : i32
          %mul3A_578 = arith.constant 1 : i32
          %mul3A_579 = arith.muli %scan3A_577, %mul3A_578 : i32
          %add3A_580 = arith.constant 0 : i32
          %add3A_581 = arith.addi %add3A_580, %mul3A_579 : i32
          %add3A_582 = vector.broadcast %add3A_581 : i32 to vector<16xi32>
          %add3A_583 = arith.addi %broadcast_in_dim3A_1, %add3A_582 : vector<16xi32>
          %get3A_584 = arith.constant 1 : i32
          %get3A_585 = arith.constant 1 : i32
          %get3A_586 = arith.index_cast %get3A_584 : i32 to index
          %get3A_587 = arith.index_cast %get3A_585 : i32 to index
          %get3A_588 = arith.index_cast %add3A_581 : i32 to index
          %get3A_589 = arith.constant 0 : index
          %get3A_590 = tpu.vector_load %arg6[%get3A_586, %get3A_587, %get3A_588, %get3A_589] {strides = array<i32>} : memref<3x2x128x64xf32, #tpu.memory_space<vmem>>, vector<16xf32>,
          %mul3A_591 = arith.constant 8.000000e+00 : f32
          %mul3A_592 = vector.broadcast %mul3A_591 : f32 to vector<16xf32>
          %mul3A_593 = arith.mulf %get3A_590, %mul3A_592 : vector<16xf32>
          %scatter3A_594 = arith.constant 1 : i32
          %scatter3A_595 = arith.constant 1 : i32
          %scatter3A_596 = arith.constant 0 : i32
          %scatter3A_597 = arith.constant 0 : i32
          %scatter3A_598 = arith.constant 0 : i32
          %scatter3A_599 = arith.constant 0 : i32
          %scatter3A_600 = tpu.memref_slice %arg7[%scatter3A_594, %scatter3A_595, %scatter3A_596, %scatter3A_597, %scatter3A_598, %scatter3A_599] : memref<3x2x8x1x8x129xf32, #tpu.memory_space<vmem>> -> memref<1x1x8x1x8x129xf32, #tpu.memory_space<vmem>>
          %scatter3A_601 = tpu.memref_squeeze %scatter3A_600 : memref<1x1x8x1x8x129xf32, #tpu.memory_space<vmem>> -> memref<8x1x8x129xf32, #tpu.memory_space<vmem>>
          tpu.vector_store_idx %scatter3A_601[%add3A_27, %broadcast_in_dim3A_1, %select_n3A_149, %add3A_583], %mul3A_593 : memref<8x1x8x129xf32, #tpu.memory_space<vmem>>[vector<16xi32>, vector<16xi32>, vector<16xi32>, vector<16xi32>], vector<16xf32>,
          %get3A_602 = arith.constant 1 : i32
          %get3A_603 = arith.constant 1 : i32
          %get3A_604 = arith.index_cast %get3A_602 : i32 to index
          %get3A_605 = arith.index_cast %get3A_603 : i32 to index
          %get3A_606 = arith.index_cast %add3A_581 : i32 to index
          %get3A_607 = arith.constant 16 : index
          %get3A_608 = tpu.vector_load %arg6[%get3A_604, %get3A_605, %get3A_606, %get3A_607] {strides = array<i32>} : memref<3x2x128x64xf32, #tpu.memory_space<vmem>>, vector<16xf32>,
          %mul3A_609 = arith.constant 8.000000e+00 : f32
          %mul3A_610 = vector.broadcast %mul3A_609 : f32 to vector<16xf32>
          %mul3A_611 = arith.mulf %get3A_608, %mul3A_610 : vector<16xf32>
          %scatter3A_612 = arith.constant 1 : i32
          %scatter3A_613 = arith.constant 1 : i32
          %scatter3A_614 = arith.constant 0 : i32
          %scatter3A_615 = arith.constant 0 : i32
          %scatter3A_616 = arith.constant 0 : i32
          %scatter3A_617 = arith.constant 0 : i32
          %scatter3A_618 = tpu.memref_slice %arg7[%scatter3A_612, %scatter3A_613, %scatter3A_614, %scatter3A_615, %scatter3A_616, %scatter3A_617] : memref<3x2x8x1x8x129xf32, #tpu.memory_space<vmem>> -> memref<1x1x8x1x8x129xf32, #tpu.memory_space<vmem>>
          %scatter3A_619 = tpu.memref_squeeze %scatter3A_618 : memref<1x1x8x1x8x129xf32, #tpu.memory_space<vmem>> -> memref<8x1x8x129xf32, #tpu.memory_space<vmem>>
          tpu.vector_store_idx %scatter3A_619[%add3A_61, %broadcast_in_dim3A_1, %select_n3A_171, %add3A_583], %mul3A_611 : memref<8x1x8x129xf32, #tpu.memory_space<vmem>>[vector<16xi32>, vector<16xi32>, vector<16xi32>, vector<16xi32>], vector<16xf32>,
          %get3A_620 = arith.constant 1 : i32
          %get3A_621 = arith.constant 1 : i32
          %get3A_622 = arith.index_cast %get3A_620 : i32 to index
          %get3A_623 = arith.index_cast %get3A_621 : i32 to index
          %get3A_624 = arith.index_cast %add3A_581 : i32 to index
          %get3A_625 = arith.constant 32 : index
          %get3A_626 = tpu.vector_load %arg6[%get3A_622, %get3A_623, %get3A_624, %get3A_625] {strides = array<i32>} : memref<3x2x128x64xf32, #tpu.memory_space<vmem>>, vector<16xf32>,
          %mul3A_627 = arith.constant 8.000000e+00 : f32
          %mul3A_628 = vector.broadcast %mul3A_627 : f32 to vector<16xf32>
          %mul3A_629 = arith.mulf %get3A_626, %mul3A_628 : vector<16xf32>
          %scatter3A_630 = arith.constant 1 : i32
          %scatter3A_631 = arith.constant 1 : i32
          %scatter3A_632 = arith.constant 0 : i32
          %scatter3A_633 = arith.constant 0 : i32
          %scatter3A_634 = arith.constant 0 : i32
          %scatter3A_635 = arith.constant 0 : i32
          %scatter3A_636 = tpu.memref_slice %arg7[%scatter3A_630, %scatter3A_631, %scatter3A_632, %scatter3A_633, %scatter3A_634, %scatter3A_635] : memref<3x2x8x1x8x129xf32, #tpu.memory_space<vmem>> -> memref<1x1x8x1x8x129xf32, #tpu.memory_space<vmem>>
          %scatter3A_637 = tpu.memref_squeeze %scatter3A_636 : memref<1x1x8x1x8x129xf32, #tpu.memory_space<vmem>> -> memref<8x1x8x129xf32, #tpu.memory_space<vmem>>
          tpu.vector_store_idx %scatter3A_637[%add3A_95, %broadcast_in_dim3A_1, %select_n3A_193, %add3A_583], %mul3A_629 : memref<8x1x8x129xf32, #tpu.memory_space<vmem>>[vector<16xi32>, vector<16xi32>, vector<16xi32>, vector<16xi32>], vector<16xf32>,
          %get3A_638 = arith.constant 1 : i32
          %get3A_639 = arith.constant 1 : i32
          %get3A_640 = arith.index_cast %get3A_638 : i32 to index
          %get3A_641 = arith.index_cast %get3A_639 : i32 to index
          %get3A_642 = arith.index_cast %add3A_581 : i32 to index
          %get3A_643 = arith.constant 48 : index
          %get3A_644 = tpu.vector_load %arg6[%get3A_640, %get3A_641, %get3A_642, %get3A_643] {strides = array<i32>} : memref<3x2x128x64xf32, #tpu.memory_space<vmem>>, vector<16xf32>,
          %mul3A_645 = arith.constant 8.000000e+00 : f32
          %mul3A_646 = vector.broadcast %mul3A_645 : f32 to vector<16xf32>
          %mul3A_647 = arith.mulf %get3A_644, %mul3A_646 : vector<16xf32>
          %scatter3A_648 = arith.constant 1 : i32
          %scatter3A_649 = arith.constant 1 : i32
          %scatter3A_650 = arith.constant 0 : i32
          %scatter3A_651 = arith.constant 0 : i32
          %scatter3A_652 = arith.constant 0 : i32
          %scatter3A_653 = arith.constant 0 : i32
          %scatter3A_654 = tpu.memref_slice %arg7[%scatter3A_648, %scatter3A_649, %scatter3A_650, %scatter3A_651, %scatter3A_652, %scatter3A_653] : memref<3x2x8x1x8x129xf32, #tpu.memory_space<vmem>> -> memref<1x1x8x1x8x129xf32, #tpu.memory_space<vmem>>
          %scatter3A_655 = tpu.memref_squeeze %scatter3A_654 : memref<1x1x8x1x8x129xf32, #tpu.memory_space<vmem>> -> memref<8x1x8x129xf32, #tpu.memory_space<vmem>>
          tpu.vector_store_idx %scatter3A_655[%add3A_129, %broadcast_in_dim3A_1, %select_n3A_215, %add3A_583], %mul3A_647 : memref<8x1x8x129xf32, #tpu.memory_space<vmem>>[vector<16xi32>, vector<16xi32>, vector<16xi32>, vector<16xi32>], vector<16xf32>,
          %scan3A_656 = arith.constant 2 : i32
          %scan3A_657 = arith.addi %scan3A_499, %scan3A_656 : i32
          %mul3A_658 = arith.constant 1 : i32
          %mul3A_659 = arith.muli %scan3A_657, %mul3A_658 : i32
          %add3A_660 = arith.constant 0 : i32
          %add3A_661 = arith.addi %add3A_660, %mul3A_659 : i32
          %add3A_662 = vector.broadcast %add3A_661 : i32 to vector<16xi32>
          %add3A_663 = arith.addi %broadcast_in_dim3A_1, %add3A_662 : vector<16xi32>
          %get3A_664 = arith.constant 1 : i32
          %get3A_665 = arith.constant 1 : i32
          %get3A_666 = arith.index_cast %get3A_664 : i32 to index
          %get3A_667 = arith.index_cast %get3A_665 : i32 to index
          %get3A_668 = arith.index_cast %add3A_661 : i32 to index
          %get3A_669 = arith.constant 0 : index
          %get3A_670 = tpu.vector_load %arg6[%get3A_666, %get3A_667, %get3A_668, %get3A_669] {strides = array<i32>} : memref<3x2x128x64xf32, #tpu.memory_space<vmem>>, vector<16xf32>,
          %mul3A_671 = arith.constant 8.000000e+00 : f32
          %mul3A_672 = vector.broadcast %mul3A_671 : f32 to vector<16xf32>
          %mul3A_673 = arith.mulf %get3A_670, %mul3A_672 : vector<16xf32>
          %scatter3A_674 = arith.constant 1 : i32
          %scatter3A_675 = arith.constant 1 : i32
          %scatter3A_676 = arith.constant 0 : i32
          %scatter3A_677 = arith.constant 0 : i32
          %scatter3A_678 = arith.constant 0 : i32
          %scatter3A_679 = arith.constant 0 : i32
          %scatter3A_680 = tpu.memref_slice %arg7[%scatter3A_674, %scatter3A_675, %scatter3A_676, %scatter3A_677, %scatter3A_678, %scatter3A_679] : memref<3x2x8x1x8x129xf32, #tpu.memory_space<vmem>> -> memref<1x1x8x1x8x129xf32, #tpu.memory_space<vmem>>
          %scatter3A_681 = tpu.memref_squeeze %scatter3A_680 : memref<1x1x8x1x8x129xf32, #tpu.memory_space<vmem>> -> memref<8x1x8x129xf32, #tpu.memory_space<vmem>>
          tpu.vector_store_idx %scatter3A_681[%add3A_27, %broadcast_in_dim3A_1, %select_n3A_149, %add3A_663], %mul3A_673 : memref<8x1x8x129xf32, #tpu.memory_space<vmem>>[vector<16xi32>, vector<16xi32>, vector<16xi32>, vector<16xi32>], vector<16xf32>,
          %get3A_682 = arith.constant 1 : i32
          %get3A_683 = arith.constant 1 : i32
          %get3A_684 = arith.index_cast %get3A_682 : i32 to index
          %get3A_685 = arith.index_cast %get3A_683 : i32 to index
          %get3A_686 = arith.index_cast %add3A_661 : i32 to index
          %get3A_687 = arith.constant 16 : index
          %get3A_688 = tpu.vector_load %arg6[%get3A_684, %get3A_685, %get3A_686, %get3A_687] {strides = array<i32>} : memref<3x2x128x64xf32, #tpu.memory_space<vmem>>, vector<16xf32>,
          %mul3A_689 = arith.constant 8.000000e+00 : f32
          %mul3A_690 = vector.broadcast %mul3A_689 : f32 to vector<16xf32>
          %mul3A_691 = arith.mulf %get3A_688, %mul3A_690 : vector<16xf32>
          %scatter3A_692 = arith.constant 1 : i32
          %scatter3A_693 = arith.constant 1 : i32
          %scatter3A_694 = arith.constant 0 : i32
          %scatter3A_695 = arith.constant 0 : i32
          %scatter3A_696 = arith.constant 0 : i32
          %scatter3A_697 = arith.constant 0 : i32
          %scatter3A_698 = tpu.memref_slice %arg7[%scatter3A_692, %scatter3A_693, %scatter3A_694, %scatter3A_695, %scatter3A_696, %scatter3A_697] : memref<3x2x8x1x8x129xf32, #tpu.memory_space<vmem>> -> memref<1x1x8x1x8x129xf32, #tpu.memory_space<vmem>>
          %scatter3A_699 = tpu.memref_squeeze %scatter3A_698 : memref<1x1x8x1x8x129xf32, #tpu.memory_space<vmem>> -> memref<8x1x8x129xf32, #tpu.memory_space<vmem>>
          tpu.vector_store_idx %scatter3A_699[%add3A_61, %broadcast_in_dim3A_1, %select_n3A_171, %add3A_663], %mul3A_691 : memref<8x1x8x129xf32, #tpu.memory_space<vmem>>[vector<16xi32>, vector<16xi32>, vector<16xi32>, vector<16xi32>], vector<16xf32>,
          %get3A_700 = arith.constant 1 : i32
          %get3A_701 = arith.constant 1 : i32
          %get3A_702 = arith.index_cast %get3A_700 : i32 to index
          %get3A_703 = arith.index_cast %get3A_701 : i32 to index
          %get3A_704 = arith.index_cast %add3A_661 : i32 to index
          %get3A_705 = arith.constant 32 : index
          %get3A_706 = tpu.vector_load %arg6[%get3A_702, %get3A_703, %get3A_704, %get3A_705] {strides = array<i32>} : memref<3x2x128x64xf32, #tpu.memory_space<vmem>>, vector<16xf32>,
          %mul3A_707 = arith.constant 8.000000e+00 : f32
          %mul3A_708 = vector.broadcast %mul3A_707 : f32 to vector<16xf32>
          %mul3A_709 = arith.mulf %get3A_706, %mul3A_708 : vector<16xf32>
          %scatter3A_710 = arith.constant 1 : i32
          %scatter3A_711 = arith.constant 1 : i32
          %scatter3A_712 = arith.constant 0 : i32
          %scatter3A_713 = arith.constant 0 : i32
          %scatter3A_714 = arith.constant 0 : i32
          %scatter3A_715 = arith.constant 0 : i32
          %scatter3A_716 = tpu.memref_slice %arg7[%scatter3A_710, %scatter3A_711, %scatter3A_712, %scatter3A_713, %scatter3A_714, %scatter3A_715] : memref<3x2x8x1x8x129xf32, #tpu.memory_space<vmem>> -> memref<1x1x8x1x8x129xf32, #tpu.memory_space<vmem>>
          %scatter3A_717 = tpu.memref_squeeze %scatter3A_716 : memref<1x1x8x1x8x129xf32, #tpu.memory_space<vmem>> -> memref<8x1x8x129xf32, #tpu.memory_space<vmem>>
          tpu.vector_store_idx %scatter3A_717[%add3A_95, %broadcast_in_dim3A_1, %select_n3A_193, %add3A_663], %mul3A_709 : memref<8x1x8x129xf32, #tpu.memory_space<vmem>>[vector<16xi32>, vector<16xi32>, vector<16xi32>, vector<16xi32>], vector<16xf32>,
          %get3A_718 = arith.constant 1 : i32
          %get3A_719 = arith.constant 1 : i32
          %get3A_720 = arith.index_cast %get3A_718 : i32 to index
          %get3A_721 = arith.index_cast %get3A_719 : i32 to index
          %get3A_722 = arith.index_cast %add3A_661 : i32 to index
          %get3A_723 = arith.constant 48 : index
          %get3A_724 = tpu.vector_load %arg6[%get3A_720, %get3A_721, %get3A_722, %get3A_723] {strides = array<i32>} : memref<3x2x128x64xf32, #tpu.memory_space<vmem>>, vector<16xf32>,
          %mul3A_725 = arith.constant 8.000000e+00 : f32
          %mul3A_726 = vector.broadcast %mul3A_725 : f32 to vector<16xf32>
          %mul3A_727 = arith.mulf %get3A_724, %mul3A_726 : vector<16xf32>
          %scatter3A_728 = arith.constant 1 : i32
          %scatter3A_729 = arith.constant 1 : i32
          %scatter3A_730 = arith.constant 0 : i32
          %scatter3A_731 = arith.constant 0 : i32
          %scatter3A_732 = arith.constant 0 : i32
          %scatter3A_733 = arith.constant 0 : i32
          %scatter3A_734 = tpu.memref_slice %arg7[%scatter3A_728, %scatter3A_729, %scatter3A_730, %scatter3A_731, %scatter3A_732, %scatter3A_733] : memref<3x2x8x1x8x129xf32, #tpu.memory_space<vmem>> -> memref<1x1x8x1x8x129xf32, #tpu.memory_space<vmem>>
          %scatter3A_735 = tpu.memref_squeeze %scatter3A_734 : memref<1x1x8x1x8x129xf32, #tpu.memory_space<vmem>> -> memref<8x1x8x129xf32, #tpu.memory_space<vmem>>
          tpu.vector_store_idx %scatter3A_735[%add3A_129, %broadcast_in_dim3A_1, %select_n3A_215, %add3A_663], %mul3A_727 : memref<8x1x8x129xf32, #tpu.memory_space<vmem>>[vector<16xi32>, vector<16xi32>, vector<16xi32>, vector<16xi32>], vector<16xf32>,
          %scan3A_736 = arith.constant 3 : i32
          %scan3A_737 = arith.addi %scan3A_499, %scan3A_736 : i32
          %mul3A_738 = arith.constant 1 : i32
          %mul3A_739 = arith.muli %scan3A_737, %mul3A_738 : i32
          %add3A_740 = arith.constant 0 : i32
          %add3A_741 = arith.addi %add3A_740, %mul3A_739 : i32
          %add3A_742 = vector.broadcast %add3A_741 : i32 to vector<16xi32>
          %add3A_743 = arith.addi %broadcast_in_dim3A_1, %add3A_742 : vector<16xi32>
          %get3A_744 = arith.constant 1 : i32
          %get3A_745 = arith.constant 1 : i32
          %get3A_746 = arith.index_cast %get3A_744 : i32 to index
          %get3A_747 = arith.index_cast %get3A_745 : i32 to index
          %get3A_748 = arith.index_cast %add3A_741 : i32 to index
          %get3A_749 = arith.constant 0 : index
          %get3A_750 = tpu.vector_load %arg6[%get3A_746, %get3A_747, %get3A_748, %get3A_749] {strides = array<i32>} : memref<3x2x128x64xf32, #tpu.memory_space<vmem>>, vector<16xf32>,
          %mul3A_751 = arith.constant 8.000000e+00 : f32
          %mul3A_752 = vector.broadcast %mul3A_751 : f32 to vector<16xf32>
          %mul3A_753 = arith.mulf %get3A_750, %mul3A_752 : vector<16xf32>
          %scatter3A_754 = arith.constant 1 : i32
          %scatter3A_755 = arith.constant 1 : i32
          %scatter3A_756 = arith.constant 0 : i32
          %scatter3A_757 = arith.constant 0 : i32
          %scatter3A_758 = arith.constant 0 : i32
          %scatter3A_759 = arith.constant 0 : i32
          %scatter3A_760 = tpu.memref_slice %arg7[%scatter3A_754, %scatter3A_755, %scatter3A_756, %scatter3A_757, %scatter3A_758, %scatter3A_759] : memref<3x2x8x1x8x129xf32, #tpu.memory_space<vmem>> -> memref<1x1x8x1x8x129xf32, #tpu.memory_space<vmem>>
          %scatter3A_761 = tpu.memref_squeeze %scatter3A_760 : memref<1x1x8x1x8x129xf32, #tpu.memory_space<vmem>> -> memref<8x1x8x129xf32, #tpu.memory_space<vmem>>
          tpu.vector_store_idx %scatter3A_761[%add3A_27, %broadcast_in_dim3A_1, %select_n3A_149, %add3A_743], %mul3A_753 : memref<8x1x8x129xf32, #tpu.memory_space<vmem>>[vector<16xi32>, vector<16xi32>, vector<16xi32>, vector<16xi32>], vector<16xf32>,
          %get3A_762 = arith.constant 1 : i32
          %get3A_763 = arith.constant 1 : i32
          %get3A_764 = arith.index_cast %get3A_762 : i32 to index
          %get3A_765 = arith.index_cast %get3A_763 : i32 to index
          %get3A_766 = arith.index_cast %add3A_741 : i32 to index
          %get3A_767 = arith.constant 16 : index
          %get3A_768 = tpu.vector_load %arg6[%get3A_764, %get3A_765, %get3A_766, %get3A_767] {strides = array<i32>} : memref<3x2x128x64xf32, #tpu.memory_space<vmem>>, vector<16xf32>,
          %mul3A_769 = arith.constant 8.000000e+00 : f32
          %mul3A_770 = vector.broadcast %mul3A_769 : f32 to vector<16xf32>
          %mul3A_771 = arith.mulf %get3A_768, %mul3A_770 : vector<16xf32>
          %scatter3A_772 = arith.constant 1 : i32
          %scatter3A_773 = arith.constant 1 : i32
          %scatter3A_774 = arith.constant 0 : i32
          %scatter3A_775 = arith.constant 0 : i32
          %scatter3A_776 = arith.constant 0 : i32
          %scatter3A_777 = arith.constant 0 : i32
          %scatter3A_778 = tpu.memref_slice %arg7[%scatter3A_772, %scatter3A_773, %scatter3A_774, %scatter3A_775, %scatter3A_776, %scatter3A_777] : memref<3x2x8x1x8x129xf32, #tpu.memory_space<vmem>> -> memref<1x1x8x1x8x129xf32, #tpu.memory_space<vmem>>
          %scatter3A_779 = tpu.memref_squeeze %scatter3A_778 : memref<1x1x8x1x8x129xf32, #tpu.memory_space<vmem>> -> memref<8x1x8x129xf32, #tpu.memory_space<vmem>>
          tpu.vector_store_idx %scatter3A_779[%add3A_61, %broadcast_in_dim3A_1, %select_n3A_171, %add3A_743], %mul3A_771 : memref<8x1x8x129xf32, #tpu.memory_space<vmem>>[vector<16xi32>, vector<16xi32>, vector<16xi32>, vector<16xi32>], vector<16xf32>,
          %get3A_780 = arith.constant 1 : i32
          %get3A_781 = arith.constant 1 : i32
          %get3A_782 = arith.index_cast %get3A_780 : i32 to index
          %get3A_783 = arith.index_cast %get3A_781 : i32 to index
          %get3A_784 = arith.index_cast %add3A_741 : i32 to index
          %get3A_785 = arith.constant 32 : index
          %get3A_786 = tpu.vector_load %arg6[%get3A_782, %get3A_783, %get3A_784, %get3A_785] {strides = array<i32>} : memref<3x2x128x64xf32, #tpu.memory_space<vmem>>, vector<16xf32>,
          %mul3A_787 = arith.constant 8.000000e+00 : f32
          %mul3A_788 = vector.broadcast %mul3A_787 : f32 to vector<16xf32>
          %mul3A_789 = arith.mulf %get3A_786, %mul3A_788 : vector<16xf32>
          %scatter3A_790 = arith.constant 1 : i32
          %scatter3A_791 = arith.constant 1 : i32
          %scatter3A_792 = arith.constant 0 : i32
          %scatter3A_793 = arith.constant 0 : i32
          %scatter3A_794 = arith.constant 0 : i32
          %scatter3A_795 = arith.constant 0 : i32
          %scatter3A_796 = tpu.memref_slice %arg7[%scatter3A_790, %scatter3A_791, %scatter3A_792, %scatter3A_793, %scatter3A_794, %scatter3A_795] : memref<3x2x8x1x8x129xf32, #tpu.memory_space<vmem>> -> memref<1x1x8x1x8x129xf32, #tpu.memory_space<vmem>>
          %scatter3A_797 = tpu.memref_squeeze %scatter3A_796 : memref<1x1x8x1x8x129xf32, #tpu.memory_space<vmem>> -> memref<8x1x8x129xf32, #tpu.memory_space<vmem>>
          tpu.vector_store_idx %scatter3A_797[%add3A_95, %broadcast_in_dim3A_1, %select_n3A_193, %add3A_743], %mul3A_789 : memref<8x1x8x129xf32, #tpu.memory_space<vmem>>[vector<16xi32>, vector<16xi32>, vector<16xi32>, vector<16xi32>], vector<16xf32>,
          %get3A_798 = arith.constant 1 : i32
          %get3A_799 = arith.constant 1 : i32
          %get3A_800 = arith.index_cast %get3A_798 : i32 to index
          %get3A_801 = arith.index_cast %get3A_799 : i32 to index
          %get3A_802 = arith.index_cast %add3A_741 : i32 to index
          %get3A_803 = arith.constant 48 : index
          %get3A_804 = tpu.vector_load %arg6[%get3A_800, %get3A_801, %get3A_802, %get3A_803] {strides = array<i32>} : memref<3x2x128x64xf32, #tpu.memory_space<vmem>>, vector<16xf32>,
          %mul3A_805 = arith.constant 8.000000e+00 : f32
          %mul3A_806 = vector.broadcast %mul3A_805 : f32 to vector<16xf32>
          %mul3A_807 = arith.mulf %get3A_804, %mul3A_806 : vector<16xf32>
          %scatter3A_808 = arith.constant 1 : i32
          %scatter3A_809 = arith.constant 1 : i32
          %scatter3A_810 = arith.constant 0 : i32
          %scatter3A_811 = arith.constant 0 : i32
          %scatter3A_812 = arith.constant 0 : i32
          %scatter3A_813 = arith.constant 0 : i32
          %scatter3A_814 = tpu.memref_slice %arg7[%scatter3A_808, %scatter3A_809, %scatter3A_810, %scatter3A_811, %scatter3A_812, %scatter3A_813] : memref<3x2x8x1x8x129xf32, #tpu.memory_space<vmem>> -> memref<1x1x8x1x8x129xf32, #tpu.memory_space<vmem>>
          %scatter3A_815 = tpu.memref_squeeze %scatter3A_814 : memref<1x1x8x1x8x129xf32, #tpu.memory_space<vmem>> -> memref<8x1x8x129xf32, #tpu.memory_space<vmem>>
          tpu.vector_store_idx %scatter3A_815[%add3A_129, %broadcast_in_dim3A_1, %select_n3A_215, %add3A_743], %mul3A_807 : memref<8x1x8x129xf32, #tpu.memory_space<vmem>>[vector<16xi32>, vector<16xi32>, vector<16xi32>, vector<16xi32>], vector<16xf32>,
        }
        %scan3A_446 = arith.constant 128 : i32
        %mul3A_447 = arith.constant 2 : i32
        %mul3A_448 = arith.muli %add3A_389, %mul3A_447 : i32
        %add3A_449 = arith.constant 0 : i32
        %add3A_450 = arith.addi %mul3A_448, %add3A_449 : i32
        %mul3A_451 = arith.constant 8 : i32
        %mul3A_452 = arith.muli %add3A_450, %mul3A_451 : i32
        %dma_start3A_453 = arith.constant 1 : i32
        %dma_start3A_454 = arith.constant 0 : i32
        %dma_start3A_455 = arith.constant 0 : i32
        %dma_start3A_456 = arith.constant 0 : i32
        %dma_start3A_457 = arith.constant 0 : i32
        %dma_start3A_458 = arith.constant 0 : i32
        %dma_start3A_459 = tpu.memref_slice %arg7[%dma_start3A_453, %dma_start3A_454, %dma_start3A_455, %dma_start3A_456, %dma_start3A_457, %dma_start3A_458] : memref<3x2x8x1x8x129xf32, #tpu.memory_space<vmem>> -> memref<1x1x8x1x8x128xf32, #tpu.memory_space<vmem>>
        %dma_start3A_460 = tpu.memref_squeeze %dma_start3A_459 : memref<1x1x8x1x8x128xf32, #tpu.memory_space<vmem>> -> memref<8x1x8x128xf32, #tpu.memory_space<vmem>>
        %dma_start3A_461 = arith.constant 0 : i32
        %dma_start3A_462 = arith.constant 0 : i32
        %dma_start3A_463 = tpu.memref_slice %arg4[%mul3A_452, %add3A, %dma_start3A_461, %dma_start3A_462] : memref<1600x32x8x128xf32, #tpu.memory_space<hbm>> -> memref<8x1x8x128xf32, #tpu.memory_space<hbm>>
        %dma_start3A_464 = arith.constant 0 : i32
        %dma_start3A_465 = arith.constant 0 : i32
        %dma_start3A_466 = tpu.memref_slice %arg4[%mul3A_452, %add3A, %dma_start3A_464, %dma_start3A_465] : memref<1600x32x8x128xf32, #tpu.memory_space<hbm>> -> memref<8x1x8x128xf32, #tpu.memory_space<hbm>>
        %dma_start3A_467 = arith.constant 0 : i32
        %dma_start3A_468 = arith.constant 0 : i32
        %dma_start3A_469 = arith.constant 0 : i32
        %dma_start3A_470 = arith.constant 0 : i32
        %dma_start3A_471 = tpu.memref_slice %arg7[%dma_start3A_453, %dma_start3A_454, %dma_start3A_467, %dma_start3A_468, %dma_start3A_469, %dma_start3A_470] : memref<3x2x8x1x8x129xf32, #tpu.memory_space<vmem>> -> memref<1x1x8x1x8x128xf32, #tpu.memory_space<vmem>>
        %dma_start3A_472 = tpu.memref_squeeze %dma_start3A_471 : memref<1x1x8x1x8x128xf32, #tpu.memory_space<vmem>> -> memref<8x1x8x128xf32, #tpu.memory_space<vmem>>
        tpu.enqueue_dma source(%dma_start3A_472 : memref<8x1x8x128xf32, #tpu.memory_space<vmem>>) target(%dma_start3A_466 : memref<8x1x8x128xf32, #tpu.memory_space<hbm>>) target_semaphore(%arg12 : memref<!tpu.dma_semaphore, #tpu.memory_space<semaphore_mem>>)
        %mul3A_473 = arith.constant 2 : i32
        %mul3A_474 = arith.muli %add3A_389, %mul3A_473 : i32
        %add3A_475 = arith.constant 1 : i32
        %add3A_476 = arith.addi %mul3A_474, %add3A_475 : i32
        %mul3A_477 = arith.constant 8 : i32
        %mul3A_478 = arith.muli %add3A_476, %mul3A_477 : i32
        %dma_start3A_479 = arith.constant 1 : i32
        %dma_start3A_480 = arith.constant 1 : i32
        %dma_start3A_481 = arith.constant 0 : i32
        %dma_start3A_482 = arith.constant 0 : i32
        %dma_start3A_483 = arith.constant 0 : i32
        %dma_start3A_484 = arith.constant 0 : i32
        %dma_start3A_485 = tpu.memref_slice %arg7[%dma_start3A_479, %dma_start3A_480, %dma_start3A_481, %dma_start3A_482, %dma_start3A_483, %dma_start3A_484] : memref<3x2x8x1x8x129xf32, #tpu.memory_space<vmem>> -> memref<1x1x8x1x8x128xf32, #tpu.memory_space<vmem>>
        %dma_start3A_486 = tpu.memref_squeeze %dma_start3A_485 : memref<1x1x8x1x8x128xf32, #tpu.memory_space<vmem>> -> memref<8x1x8x128xf32, #tpu.memory_space<vmem>>
        %dma_start3A_487 = arith.constant 0 : i32
        %dma_start3A_488 = arith.constant 0 : i32
        %dma_start3A_489 = tpu.memref_slice %arg4[%mul3A_478, %add3A, %dma_start3A_487, %dma_start3A_488] : memref<1600x32x8x128xf32, #tpu.memory_space<hbm>> -> memref<8x1x8x128xf32, #tpu.memory_space<hbm>>
        %dma_start3A_490 = arith.constant 0 : i32
        %dma_start3A_491 = arith.constant 0 : i32
        %dma_start3A_492 = tpu.memref_slice %arg4[%mul3A_478, %add3A, %dma_start3A_490, %dma_start3A_491] : memref<1600x32x8x128xf32, #tpu.memory_space<hbm>> -> memref<8x1x8x128xf32, #tpu.memory_space<hbm>>
        %dma_start3A_493 = arith.constant 0 : i32
        %dma_start3A_494 = arith.constant 0 : i32
        %dma_start3A_495 = arith.constant 0 : i32
        %dma_start3A_496 = arith.constant 0 : i32
        %dma_start3A_497 = tpu.memref_slice %arg7[%dma_start3A_479, %dma_start3A_480, %dma_start3A_493, %dma_start3A_494, %dma_start3A_495, %dma_start3A_496] : memref<3x2x8x1x8x129xf32, #tpu.memory_space<vmem>> -> memref<1x1x8x1x8x128xf32, #tpu.memory_space<vmem>>
        %dma_start3A_498 = tpu.memref_squeeze %dma_start3A_497 : memref<1x1x8x1x8x128xf32, #tpu.memory_space<vmem>> -> memref<8x1x8x128xf32, #tpu.memory_space<vmem>>
        tpu.enqueue_dma source(%dma_start3A_498 : memref<8x1x8x128xf32, #tpu.memory_space<vmem>>) target(%dma_start3A_492 : memref<8x1x8x128xf32, #tpu.memory_space<hbm>>) target_semaphore(%arg12 : memref<!tpu.dma_semaphore, #tpu.memory_space<semaphore_mem>>)
      } else {
      }
      %add3A_395 = arith.constant 2 : i32
      %add3A_396 = arith.addi %add3A_382, %add3A_395 : i32
      %lt3A_397 = arith.constant 100 : i32
      %lt3A_398 = arith.cmpi slt, %add3A_396, %lt3A_397 : i32
      %convert_element_type3A_399 = arith.extui %lt3A_398 : i1 to i32
      %cond3A_400 = arith.constant 0 : i32
      %cond3A_401 = arith.cmpi ne, %convert_element_type3A_399, %cond3A_400 : i32
      scf.if %cond3A_401 {
        %add3A_402 = arith.constant 1 : i32
        %add3A_403 = arith.addi %add3A_396, %add3A_402 : i32
        %lt3A_404 = arith.constant 100 : i32
        %lt3A_405 = arith.cmpi slt, %add3A_403, %lt3A_404 : i32
        %convert_element_type3A_406 = arith.extui %lt3A_405 : i1 to i32
        %cond3A_407 = arith.constant 0 : i32
        %cond3A_408 = arith.cmpi ne, %convert_element_type3A_406, %cond3A_407 : i32
        scf.if %cond3A_408 {
          %ge3A = arith.constant 2 : i32
          %ge3A_499 = arith.cmpi sge, %add3A_396, %ge3A : i32
          %convert_element_type3A_500 = arith.extui %ge3A_499 : i1 to i32
          %cond3A_501 = arith.constant 0 : i32
          %cond3A_502 = arith.cmpi ne, %convert_element_type3A_500, %cond3A_501 : i32
          scf.if %cond3A_502 {
            %sub3A_536 = arith.constant 2 : i32
            %sub3A_537 = arith.subi %add3A_396, %sub3A_536 : i32
            %mul3A_538 = arith.constant 2 : i32
            %mul3A_539 = arith.muli %sub3A_537, %mul3A_538 : i32
            %add3A_540 = arith.constant 0 : i32
            %add3A_541 = arith.addi %mul3A_539, %add3A_540 : i32
            %mul3A_542 = arith.constant 8 : i32
            %mul3A_543 = arith.muli %add3A_541, %mul3A_542 : i32
            %dma_wait3A_544 = arith.constant 0 : i32
            %dma_wait3A_545 = arith.constant 0 : i32
            %dma_wait3A_546 = arith.constant 0 : i32
            %dma_wait3A_547 = arith.constant 0 : i32
            %dma_wait3A_548 = arith.constant 0 : i32
            %dma_wait3A_549 = arith.constant 0 : i32
            %dma_wait3A_550 = tpu.memref_slice %arg7[%dma_wait3A_544, %dma_wait3A_545, %dma_wait3A_546, %dma_wait3A_547, %dma_wait3A_548, %dma_wait3A_549] : memref<3x2x8x1x8x129xf32, #tpu.memory_space<vmem>> -> memref<1x1x8x1x8x128xf32, #tpu.memory_space<vmem>>
            %dma_wait3A_551 = tpu.memref_squeeze %dma_wait3A_550 : memref<1x1x8x1x8x128xf32, #tpu.memory_space<vmem>> -> memref<8x1x8x128xf32, #tpu.memory_space<vmem>>
            %dma_wait3A_552 = arith.constant 0 : i32
            %dma_wait3A_553 = arith.constant 0 : i32
            %dma_wait3A_554 = tpu.memref_slice %arg4[%mul3A_543, %add3A, %dma_wait3A_552, %dma_wait3A_553] : memref<1600x32x8x128xf32, #tpu.memory_space<hbm>> -> memref<8x1x8x128xf32, #tpu.memory_space<hbm>>
            %dma_wait3A_555 = arith.constant 0 : i32
            %dma_wait3A_556 = arith.constant 0 : i32
            %dma_wait3A_557 = tpu.memref_slice %arg4[%mul3A_543, %add3A, %dma_wait3A_555, %dma_wait3A_556] : memref<1600x32x8x128xf32, #tpu.memory_space<hbm>> -> memref<8x1x8x128xf32, #tpu.memory_space<hbm>>
            %dma_wait3A_558 = arith.constant 0 : i32
            %dma_wait3A_559 = arith.constant 0 : i32
            %dma_wait3A_560 = arith.constant 0 : i32
            %dma_wait3A_561 = arith.constant 0 : i32
            %dma_wait3A_562 = tpu.memref_slice %arg7[%dma_wait3A_544, %dma_wait3A_545, %dma_wait3A_558, %dma_wait3A_559, %dma_wait3A_560, %dma_wait3A_561] : memref<3x2x8x1x8x129xf32, #tpu.memory_space<vmem>> -> memref<1x1x8x1x8x128xf32, #tpu.memory_space<vmem>>
            %dma_wait3A_563 = tpu.memref_squeeze %dma_wait3A_562 : memref<1x1x8x1x8x128xf32, #tpu.memory_space<vmem>> -> memref<8x1x8x128xf32, #tpu.memory_space<vmem>>
            tpu.wait_dma2 semaphore(%arg11 : memref<!tpu.dma_semaphore, #tpu.memory_space<semaphore_mem>>) src(%dma_wait3A_563 : memref<8x1x8x128xf32, #tpu.memory_space<vmem>>) dst(%dma_wait3A_557 : memref<8x1x8x128xf32, #tpu.memory_space<hbm>>)
            %mul3A_564 = arith.constant 2 : i32
            %mul3A_565 = arith.muli %sub3A_537, %mul3A_564 : i32
            %add3A_566 = arith.constant 1 : i32
            %add3A_567 = arith.addi %mul3A_565, %add3A_566 : i32
            %mul3A_568 = arith.constant 8 : i32
            %mul3A_569 = arith.muli %add3A_567, %mul3A_568 : i32
            %dma_wait3A_570 = arith.constant 0 : i32
            %dma_wait3A_571 = arith.constant 1 : i32
            %dma_wait3A_572 = arith.constant 0 : i32
            %dma_wait3A_573 = arith.constant 0 : i32
            %dma_wait3A_574 = arith.constant 0 : i32
            %dma_wait3A_575 = arith.constant 0 : i32
            %dma_wait3A_576 = tpu.memref_slice %arg7[%dma_wait3A_570, %dma_wait3A_571, %dma_wait3A_572, %dma_wait3A_573, %dma_wait3A_574, %dma_wait3A_575] : memref<3x2x8x1x8x129xf32, #tpu.memory_space<vmem>> -> memref<1x1x8x1x8x128xf32, #tpu.memory_space<vmem>>
            %dma_wait3A_577 = tpu.memref_squeeze %dma_wait3A_576 : memref<1x1x8x1x8x128xf32, #tpu.memory_space<vmem>> -> memref<8x1x8x128xf32, #tpu.memory_space<vmem>>
            %dma_wait3A_578 = arith.constant 0 : i32
            %dma_wait3A_579 = arith.constant 0 : i32
            %dma_wait3A_580 = tpu.memref_slice %arg4[%mul3A_569, %add3A, %dma_wait3A_578, %dma_wait3A_579] : memref<1600x32x8x128xf32, #tpu.memory_space<hbm>> -> memref<8x1x8x128xf32, #tpu.memory_space<hbm>>
            %dma_wait3A_581 = arith.constant 0 : i32
            %dma_wait3A_582 = arith.constant 0 : i32
            %dma_wait3A_583 = tpu.memref_slice %arg4[%mul3A_569, %add3A, %dma_wait3A_581, %dma_wait3A_582] : memref<1600x32x8x128xf32, #tpu.memory_space<hbm>> -> memref<8x1x8x128xf32, #tpu.memory_space<hbm>>
            %dma_wait3A_584 = arith.constant 0 : i32
            %dma_wait3A_585 = arith.constant 0 : i32
            %dma_wait3A_586 = arith.constant 0 : i32
            %dma_wait3A_587 = arith.constant 0 : i32
            %dma_wait3A_588 = tpu.memref_slice %arg7[%dma_wait3A_570, %dma_wait3A_571, %dma_wait3A_584, %dma_wait3A_585, %dma_wait3A_586, %dma_wait3A_587] : memref<3x2x8x1x8x129xf32, #tpu.memory_space<vmem>> -> memref<1x1x8x1x8x128xf32, #tpu.memory_space<vmem>>
            %dma_wait3A_589 = tpu.memref_squeeze %dma_wait3A_588 : memref<1x1x8x1x8x128xf32, #tpu.memory_space<vmem>> -> memref<8x1x8x128xf32, #tpu.memory_space<vmem>>
            tpu.wait_dma2 semaphore(%arg11 : memref<!tpu.dma_semaphore, #tpu.memory_space<semaphore_mem>>) src(%dma_wait3A_589 : memref<8x1x8x128xf32, #tpu.memory_space<vmem>>) dst(%dma_wait3A_583 : memref<8x1x8x128xf32, #tpu.memory_space<hbm>>)
          } else {
          }
          %add3A_503 = arith.constant 1 : i32
          %add3A_504 = arith.addi %add3A_396, %add3A_503 : i32
          %mul3A_505 = arith.constant 2 : i32
          %mul3A_506 = arith.muli %add3A_504, %mul3A_505 : i32
          %run_scoped3A_507 = arith.constant 0 : i32
          "tpu.region"() ({
            %run_scoped3A_536 = tpu.sem_alloc : memref<!tpu.dma_semaphore, #tpu.memory_space<semaphore_mem>>
            %dma_start3A_537 = arith.constant 0 : i32
            %dma_start3A_538 = arith.constant 0 : i32
            %dma_start3A_539 = tpu.memref_slice %arg5[%run_scoped3A_507, %dma_start3A_537, %dma_start3A_538] : memref<3x2x128xi32, #tpu.memory_space<vmem>> -> memref<1x2x128xi32, #tpu.memory_space<vmem>>
            %dma_start3A_540 = tpu.memref_squeeze %dma_start3A_539 : memref<1x2x128xi32, #tpu.memory_space<vmem>> -> memref<2x128xi32, #tpu.memory_space<vmem>>
            %dma_start3A_541 = arith.constant 0 : i32
            %dma_start3A_542 = tpu.memref_slice %arg2[%add3A, %mul3A_506, %dma_start3A_541] : memref<32x200x128xi32, #tpu.memory_space<hbm>> -> memref<1x2x128xi32, #tpu.memory_space<hbm>>
            %dma_start3A_543 = tpu.memref_squeeze %dma_start3A_542 : memref<1x2x128xi32, #tpu.memory_space<hbm>> -> memref<2x128xi32, #tpu.memory_space<hbm>>
            %dma_start3A_544 = arith.constant 0 : i32
            %dma_start3A_545 = arith.constant 0 : i32
            %dma_start3A_546 = tpu.memref_slice %arg5[%run_scoped3A_507, %dma_start3A_544, %dma_start3A_545] : memref<3x2x128xi32, #tpu.memory_space<vmem>> -> memref<1x2x128xi32, #tpu.memory_space<vmem>>
            %dma_start3A_547 = tpu.memref_squeeze %dma_start3A_546 : memref<1x2x128xi32, #tpu.memory_space<vmem>> -> memref<2x128xi32, #tpu.memory_space<vmem>>
            %dma_start3A_548 = arith.constant 0 : i32
            %dma_start3A_549 = tpu.memref_slice %arg2[%add3A, %mul3A_506, %dma_start3A_548] : memref<32x200x128xi32, #tpu.memory_space<hbm>> -> memref<1x2x128xi32, #tpu.memory_space<hbm>>
            %dma_start3A_550 = tpu.memref_squeeze %dma_start3A_549 : memref<1x2x128xi32, #tpu.memory_space<hbm>> -> memref<2x128xi32, #tpu.memory_space<hbm>>
            tpu.enqueue_dma source(%dma_start3A_550 : memref<2x128xi32, #tpu.memory_space<hbm>>) target(%dma_start3A_547 : memref<2x128xi32, #tpu.memory_space<vmem>>) target_semaphore(%run_scoped3A_536 : memref<!tpu.dma_semaphore, #tpu.memory_space<semaphore_mem>>)
            %dma_wait3A_551 = arith.constant 0 : i32
            %dma_wait3A_552 = arith.constant 0 : i32
            %dma_wait3A_553 = tpu.memref_slice %arg5[%run_scoped3A_507, %dma_wait3A_551, %dma_wait3A_552] : memref<3x2x128xi32, #tpu.memory_space<vmem>> -> memref<1x2x128xi32, #tpu.memory_space<vmem>>
            %dma_wait3A_554 = tpu.memref_squeeze %dma_wait3A_553 : memref<1x2x128xi32, #tpu.memory_space<vmem>> -> memref<2x128xi32, #tpu.memory_space<vmem>>
            %dma_wait3A_555 = arith.constant 0 : i32
            %dma_wait3A_556 = tpu.memref_slice %arg2[%add3A, %mul3A_506, %dma_wait3A_555] : memref<32x200x128xi32, #tpu.memory_space<hbm>> -> memref<1x2x128xi32, #tpu.memory_space<hbm>>
            %dma_wait3A_557 = tpu.memref_squeeze %dma_wait3A_556 : memref<1x2x128xi32, #tpu.memory_space<hbm>> -> memref<2x128xi32, #tpu.memory_space<hbm>>
            %dma_wait3A_558 = arith.constant 0 : i32
            %dma_wait3A_559 = arith.constant 0 : i32
            %dma_wait3A_560 = tpu.memref_slice %arg5[%run_scoped3A_507, %dma_wait3A_558, %dma_wait3A_559] : memref<3x2x128xi32, #tpu.memory_space<vmem>> -> memref<1x2x128xi32, #tpu.memory_space<vmem>>
            %dma_wait3A_561 = tpu.memref_squeeze %dma_wait3A_560 : memref<1x2x128xi32, #tpu.memory_space<vmem>> -> memref<2x128xi32, #tpu.memory_space<vmem>>
            %dma_wait3A_562 = arith.constant 0 : i32
            %dma_wait3A_563 = tpu.memref_slice %arg2[%add3A, %mul3A_506, %dma_wait3A_562] : memref<32x200x128xi32, #tpu.memory_space<hbm>> -> memref<1x2x128xi32, #tpu.memory_space<hbm>>
            %dma_wait3A_564 = tpu.memref_squeeze %dma_wait3A_563 : memref<1x2x128xi32, #tpu.memory_space<hbm>> -> memref<2x128xi32, #tpu.memory_space<hbm>>
            tpu.wait_dma2 semaphore(%run_scoped3A_536 : memref<!tpu.dma_semaphore, #tpu.memory_space<semaphore_mem>>) src(%dma_wait3A_564 : memref<2x128xi32, #tpu.memory_space<hbm>>) dst(%dma_wait3A_561 : memref<2x128xi32, #tpu.memory_space<vmem>>)
            tpu.yield
          }) : () -> ()
          %dma_start3A_508 = arith.constant 0 : i32
          %dma_start3A_509 = arith.constant 0 : i32
          %dma_start3A_510 = arith.constant 0 : i32
          %dma_start3A_511 = arith.constant 0 : i32
          %dma_start3A_512 = arith.constant 0 : i32
          %dma_start3A_513 = arith.constant 0 : i32
          %dma_start3A_514 = tpu.memref_slice %arg6[%dma_start3A_510, %dma_start3A_511, %dma_start3A_512, %dma_start3A_513] : memref<3x2x128x64xf32, #tpu.memory_space<vmem>> -> memref<1x1x128x64xf32, #tpu.memory_space<vmem>>
          %dma_start3A_515 = tpu.memref_squeeze %dma_start3A_514 : memref<1x1x128x64xf32, #tpu.memory_space<vmem>> -> memref<128x64xf32, #tpu.memory_space<vmem>>
          %dma_start3A_516 = arith.constant 0 : i32
          %dma_start3A_517 = tpu.memref_slice %arg5[%dma_start3A_508, %dma_start3A_509, %dma_start3A_516] : memref<3x2x128xi32, #tpu.memory_space<vmem>> -> memref<1x1x128xi32, #tpu.memory_space<vmem>>
          %dma_start3A_518 = tpu.memref_squeeze %dma_start3A_517 : memref<1x1x128xi32, #tpu.memory_space<vmem>> -> memref<128xi32, #tpu.memory_space<vmem>>
          %dma_start3A_519 = arith.constant 0 : i32
          %dma_start3A_520 = arith.constant 0 : i32
          %dma_start3A_521 = tpu.memref_slice %arg3[%dma_start3A_519, %dma_start3A_520] : memref<1000000x64xf32, #tpu.memory_space<hbm>> -> memref<1000000x64xf32, #tpu.memory_space<hbm>>
          tpu.enqueue_indirect_dma source(%dma_start3A_521 : memref<1000000x64xf32, #tpu.memory_space<hbm>>) target(%dma_start3A_515 : memref<128x64xf32, #tpu.memory_space<vmem>>) offsets(%dma_start3A_518 : memref<128xi32, #tpu.memory_space<vmem>>) semaphore(%arg8 : memref<!tpu.dma_semaphore, #tpu.memory_space<semaphore_mem>>)
          %dma_start3A_522 = arith.constant 0 : i32
          %dma_start3A_523 = arith.constant 1 : i32
          %dma_start3A_524 = arith.constant 0 : i32
          %dma_start3A_525 = arith.constant 1 : i32
          %dma_start3A_526 = arith.constant 0 : i32
          %dma_start3A_527 = arith.constant 0 : i32
          %dma_start3A_528 = tpu.memref_slice %arg6[%dma_start3A_524, %dma_start3A_525, %dma_start3A_526, %dma_start3A_527] : memref<3x2x128x64xf32, #tpu.memory_space<vmem>> -> memref<1x1x128x64xf32, #tpu.memory_space<vmem>>
          %dma_start3A_529 = tpu.memref_squeeze %dma_start3A_528 : memref<1x1x128x64xf32, #tpu.memory_space<vmem>> -> memref<128x64xf32, #tpu.memory_space<vmem>>
          %dma_start3A_530 = arith.constant 0 : i32
          %dma_start3A_531 = tpu.memref_slice %arg5[%dma_start3A_522, %dma_start3A_523, %dma_start3A_530] : memref<3x2x128xi32, #tpu.memory_space<vmem>> -> memref<1x1x128xi32, #tpu.memory_space<vmem>>
          %dma_start3A_532 = tpu.memref_squeeze %dma_start3A_531 : memref<1x1x128xi32, #tpu.memory_space<vmem>> -> memref<128xi32, #tpu.memory_space<vmem>>
          %dma_start3A_533 = arith.constant 0 : i32
          %dma_start3A_534 = arith.constant 0 : i32
          %dma_start3A_535 = tpu.memref_slice %arg3[%dma_start3A_533, %dma_start3A_534] : memref<1000000x64xf32, #tpu.memory_space<hbm>> -> memref<1000000x64xf32, #tpu.memory_space<hbm>>
          tpu.enqueue_indirect_dma source(%dma_start3A_535 : memref<1000000x64xf32, #tpu.memory_space<hbm>>) target(%dma_start3A_529 : memref<128x64xf32, #tpu.memory_space<vmem>>) offsets(%dma_start3A_532 : memref<128xi32, #tpu.memory_space<vmem>>) semaphore(%arg8 : memref<!tpu.dma_semaphore, #tpu.memory_space<semaphore_mem>>)
        } else {
        }
        %dma_wait3A_409 = arith.constant 2 : i32
        %dma_wait3A_410 = arith.constant 0 : i32
        %dma_wait3A_411 = arith.constant 2 : i32
        %dma_wait3A_412 = arith.constant 0 : i32
        %dma_wait3A_413 = arith.constant 0 : i32
        %dma_wait3A_414 = arith.constant 0 : i32
        %dma_wait3A_415 = tpu.memref_slice %arg6[%dma_wait3A_411, %dma_wait3A_412, %dma_wait3A_413, %dma_wait3A_414] : memref<3x2x128x64xf32, #tpu.memory_space<vmem>> -> memref<1x1x128x64xf32, #tpu.memory_space<vmem>>
        %dma_wait3A_416 = tpu.memref_squeeze %dma_wait3A_415 : memref<1x1x128x64xf32, #tpu.memory_space<vmem>> -> memref<128x64xf32, #tpu.memory_space<vmem>>
        %dma_wait3A_417 = arith.constant 0 : i32
        %dma_wait3A_418 = tpu.memref_slice %arg5[%dma_wait3A_409, %dma_wait3A_410, %dma_wait3A_417] : memref<3x2x128xi32, #tpu.memory_space<vmem>> -> memref<1x1x128xi32, #tpu.memory_space<vmem>>
        %dma_wait3A_419 = tpu.memref_squeeze %dma_wait3A_418 : memref<1x1x128xi32, #tpu.memory_space<vmem>> -> memref<128xi32, #tpu.memory_space<vmem>>
        %dma_wait3A_420 = arith.constant 0 : i32
        %dma_wait3A_421 = arith.constant 0 : i32
        %dma_wait3A_422 = tpu.memref_slice %arg3[%dma_wait3A_420, %dma_wait3A_421] : memref<1000000x64xf32, #tpu.memory_space<hbm>> -> memref<1000000x64xf32, #tpu.memory_space<hbm>>
        tpu.wait_indirect_dma semaphore(%arg10 : memref<!tpu.dma_semaphore, #tpu.memory_space<semaphore_mem>>) src(%dma_wait3A_422 : memref<1000000x64xf32, #tpu.memory_space<hbm>>) dst(%dma_wait3A_416 : memref<128x64xf32, #tpu.memory_space<vmem>>)
        %dma_wait3A_423 = arith.constant 2 : i32
        %dma_wait3A_424 = arith.constant 1 : i32
        %dma_wait3A_425 = arith.constant 2 : i32
        %dma_wait3A_426 = arith.constant 1 : i32
        %dma_wait3A_427 = arith.constant 0 : i32
        %dma_wait3A_428 = arith.constant 0 : i32
        %dma_wait3A_429 = tpu.memref_slice %arg6[%dma_wait3A_425, %dma_wait3A_426, %dma_wait3A_427, %dma_wait3A_428] : memref<3x2x128x64xf32, #tpu.memory_space<vmem>> -> memref<1x1x128x64xf32, #tpu.memory_space<vmem>>
        %dma_wait3A_430 = tpu.memref_squeeze %dma_wait3A_429 : memref<1x1x128x64xf32, #tpu.memory_space<vmem>> -> memref<128x64xf32, #tpu.memory_space<vmem>>
        %dma_wait3A_431 = arith.constant 0 : i32
        %dma_wait3A_432 = tpu.memref_slice %arg5[%dma_wait3A_423, %dma_wait3A_424, %dma_wait3A_431] : memref<3x2x128xi32, #tpu.memory_space<vmem>> -> memref<1x1x128xi32, #tpu.memory_space<vmem>>
        %dma_wait3A_433 = tpu.memref_squeeze %dma_wait3A_432 : memref<1x1x128xi32, #tpu.memory_space<vmem>> -> memref<128xi32, #tpu.memory_space<vmem>>
        %dma_wait3A_434 = arith.constant 0 : i32
        %dma_wait3A_435 = arith.constant 0 : i32
        %dma_wait3A_436 = tpu.memref_slice %arg3[%dma_wait3A_434, %dma_wait3A_435] : memref<1000000x64xf32, #tpu.memory_space<hbm>> -> memref<1000000x64xf32, #tpu.memory_space<hbm>>
        tpu.wait_indirect_dma semaphore(%arg10 : memref<!tpu.dma_semaphore, #tpu.memory_space<semaphore_mem>>) src(%dma_wait3A_436 : memref<1000000x64xf32, #tpu.memory_space<hbm>>) dst(%dma_wait3A_430 : memref<128x64xf32, #tpu.memory_space<vmem>>)
        %scan3A_437 = arith.constant 0 : i32
        %scan3A_438 = arith.constant 128 : i32
        %scan3A_439 = arith.addi %scan3A_437, %scan3A_438 : i32
        %scan3A_440 = arith.constant 4 : i32
        scf.for %scan3A_499 = %scan3A_437 to %scan3A_439 step %scan3A_440  : i32 {
          %mul3A_500 = arith.constant 1 : i32
          %mul3A_501 = arith.muli %scan3A_499, %mul3A_500 : i32
          %add3A_502 = arith.constant 0 : i32
          %add3A_503 = arith.addi %add3A_502, %mul3A_501 : i32
          %add3A_504 = vector.broadcast %add3A_503 : i32 to vector<16xi32>
          %add3A_505 = arith.addi %broadcast_in_dim3A_1, %add3A_504 : vector<16xi32>
          %get3A = arith.constant 2 : i32
          %get3A_506 = arith.constant 0 : i32
          %get3A_507 = arith.index_cast %get3A : i32 to index
          %get3A_508 = arith.index_cast %get3A_506 : i32 to index
          %get3A_509 = arith.index_cast %add3A_503 : i32 to index
          %get3A_510 = arith.constant 0 : index
          %get3A_511 = tpu.vector_load %arg6[%get3A_507, %get3A_508, %get3A_509, %get3A_510] {strides = array<i32>} : memref<3x2x128x64xf32, #tpu.memory_space<vmem>>, vector<16xf32>,
          %mul3A_512 = arith.constant 8.000000e+00 : f32
          %mul3A_513 = vector.broadcast %mul3A_512 : f32 to vector<16xf32>
          %mul3A_514 = arith.mulf %get3A_511, %mul3A_513 : vector<16xf32>
          %scatter3A = arith.constant 2 : i32
          %scatter3A_515 = arith.constant 0 : i32
          %scatter3A_516 = arith.constant 0 : i32
          %scatter3A_517 = arith.constant 0 : i32
          %scatter3A_518 = arith.constant 0 : i32
          %scatter3A_519 = arith.constant 0 : i32
          %scatter3A_520 = tpu.memref_slice %arg7[%scatter3A, %scatter3A_515, %scatter3A_516, %scatter3A_517, %scatter3A_518, %scatter3A_519] : memref<3x2x8x1x8x129xf32, #tpu.memory_space<vmem>> -> memref<1x1x8x1x8x129xf32, #tpu.memory_space<vmem>>
          %scatter3A_521 = tpu.memref_squeeze %scatter3A_520 : memref<1x1x8x1x8x129xf32, #tpu.memory_space<vmem>> -> memref<8x1x8x129xf32, #tpu.memory_space<vmem>>
          tpu.vector_store_idx %scatter3A_521[%add3A_27, %broadcast_in_dim3A_1, %select_n3A_149, %add3A_505], %mul3A_514 : memref<8x1x8x129xf32, #tpu.memory_space<vmem>>[vector<16xi32>, vector<16xi32>, vector<16xi32>, vector<16xi32>], vector<16xf32>,
          %get3A_522 = arith.constant 2 : i32
          %get3A_523 = arith.constant 0 : i32
          %get3A_524 = arith.index_cast %get3A_522 : i32 to index
          %get3A_525 = arith.index_cast %get3A_523 : i32 to index
          %get3A_526 = arith.index_cast %add3A_503 : i32 to index
          %get3A_527 = arith.constant 16 : index
          %get3A_528 = tpu.vector_load %arg6[%get3A_524, %get3A_525, %get3A_526, %get3A_527] {strides = array<i32>} : memref<3x2x128x64xf32, #tpu.memory_space<vmem>>, vector<16xf32>,
          %mul3A_529 = arith.constant 8.000000e+00 : f32
          %mul3A_530 = vector.broadcast %mul3A_529 : f32 to vector<16xf32>
          %mul3A_531 = arith.mulf %get3A_528, %mul3A_530 : vector<16xf32>
          %scatter3A_532 = arith.constant 2 : i32
          %scatter3A_533 = arith.constant 0 : i32
          %scatter3A_534 = arith.constant 0 : i32
          %scatter3A_535 = arith.constant 0 : i32
          %scatter3A_536 = arith.constant 0 : i32
          %scatter3A_537 = arith.constant 0 : i32
          %scatter3A_538 = tpu.memref_slice %arg7[%scatter3A_532, %scatter3A_533, %scatter3A_534, %scatter3A_535, %scatter3A_536, %scatter3A_537] : memref<3x2x8x1x8x129xf32, #tpu.memory_space<vmem>> -> memref<1x1x8x1x8x129xf32, #tpu.memory_space<vmem>>
          %scatter3A_539 = tpu.memref_squeeze %scatter3A_538 : memref<1x1x8x1x8x129xf32, #tpu.memory_space<vmem>> -> memref<8x1x8x129xf32, #tpu.memory_space<vmem>>
          tpu.vector_store_idx %scatter3A_539[%add3A_61, %broadcast_in_dim3A_1, %select_n3A_171, %add3A_505], %mul3A_531 : memref<8x1x8x129xf32, #tpu.memory_space<vmem>>[vector<16xi32>, vector<16xi32>, vector<16xi32>, vector<16xi32>], vector<16xf32>,
          %get3A_540 = arith.constant 2 : i32
          %get3A_541 = arith.constant 0 : i32
          %get3A_542 = arith.index_cast %get3A_540 : i32 to index
          %get3A_543 = arith.index_cast %get3A_541 : i32 to index
          %get3A_544 = arith.index_cast %add3A_503 : i32 to index
          %get3A_545 = arith.constant 32 : index
          %get3A_546 = tpu.vector_load %arg6[%get3A_542, %get3A_543, %get3A_544, %get3A_545] {strides = array<i32>} : memref<3x2x128x64xf32, #tpu.memory_space<vmem>>, vector<16xf32>,
          %mul3A_547 = arith.constant 8.000000e+00 : f32
          %mul3A_548 = vector.broadcast %mul3A_547 : f32 to vector<16xf32>
          %mul3A_549 = arith.mulf %get3A_546, %mul3A_548 : vector<16xf32>
          %scatter3A_550 = arith.constant 2 : i32
          %scatter3A_551 = arith.constant 0 : i32
          %scatter3A_552 = arith.constant 0 : i32
          %scatter3A_553 = arith.constant 0 : i32
          %scatter3A_554 = arith.constant 0 : i32
          %scatter3A_555 = arith.constant 0 : i32
          %scatter3A_556 = tpu.memref_slice %arg7[%scatter3A_550, %scatter3A_551, %scatter3A_552, %scatter3A_553, %scatter3A_554, %scatter3A_555] : memref<3x2x8x1x8x129xf32, #tpu.memory_space<vmem>> -> memref<1x1x8x1x8x129xf32, #tpu.memory_space<vmem>>
          %scatter3A_557 = tpu.memref_squeeze %scatter3A_556 : memref<1x1x8x1x8x129xf32, #tpu.memory_space<vmem>> -> memref<8x1x8x129xf32, #tpu.memory_space<vmem>>
          tpu.vector_store_idx %scatter3A_557[%add3A_95, %broadcast_in_dim3A_1, %select_n3A_193, %add3A_505], %mul3A_549 : memref<8x1x8x129xf32, #tpu.memory_space<vmem>>[vector<16xi32>, vector<16xi32>, vector<16xi32>, vector<16xi32>], vector<16xf32>,
          %get3A_558 = arith.constant 2 : i32
          %get3A_559 = arith.constant 0 : i32
          %get3A_560 = arith.index_cast %get3A_558 : i32 to index
          %get3A_561 = arith.index_cast %get3A_559 : i32 to index
          %get3A_562 = arith.index_cast %add3A_503 : i32 to index
          %get3A_563 = arith.constant 48 : index
          %get3A_564 = tpu.vector_load %arg6[%get3A_560, %get3A_561, %get3A_562, %get3A_563] {strides = array<i32>} : memref<3x2x128x64xf32, #tpu.memory_space<vmem>>, vector<16xf32>,
          %mul3A_565 = arith.constant 8.000000e+00 : f32
          %mul3A_566 = vector.broadcast %mul3A_565 : f32 to vector<16xf32>
          %mul3A_567 = arith.mulf %get3A_564, %mul3A_566 : vector<16xf32>
          %scatter3A_568 = arith.constant 2 : i32
          %scatter3A_569 = arith.constant 0 : i32
          %scatter3A_570 = arith.constant 0 : i32
          %scatter3A_571 = arith.constant 0 : i32
          %scatter3A_572 = arith.constant 0 : i32
          %scatter3A_573 = arith.constant 0 : i32
          %scatter3A_574 = tpu.memref_slice %arg7[%scatter3A_568, %scatter3A_569, %scatter3A_570, %scatter3A_571, %scatter3A_572, %scatter3A_573] : memref<3x2x8x1x8x129xf32, #tpu.memory_space<vmem>> -> memref<1x1x8x1x8x129xf32, #tpu.memory_space<vmem>>
          %scatter3A_575 = tpu.memref_squeeze %scatter3A_574 : memref<1x1x8x1x8x129xf32, #tpu.memory_space<vmem>> -> memref<8x1x8x129xf32, #tpu.memory_space<vmem>>
          tpu.vector_store_idx %scatter3A_575[%add3A_129, %broadcast_in_dim3A_1, %select_n3A_215, %add3A_505], %mul3A_567 : memref<8x1x8x129xf32, #tpu.memory_space<vmem>>[vector<16xi32>, vector<16xi32>, vector<16xi32>, vector<16xi32>], vector<16xf32>,
          %scan3A_576 = arith.constant 1 : i32
          %scan3A_577 = arith.addi %scan3A_499, %scan3A_576 : i32
          %mul3A_578 = arith.constant 1 : i32
          %mul3A_579 = arith.muli %scan3A_577, %mul3A_578 : i32
          %add3A_580 = arith.constant 0 : i32
          %add3A_581 = arith.addi %add3A_580, %mul3A_579 : i32
          %add3A_582 = vector.broadcast %add3A_581 : i32 to vector<16xi32>
          %add3A_583 = arith.addi %broadcast_in_dim3A_1, %add3A_582 : vector<16xi32>
          %get3A_584 = arith.constant 2 : i32
          %get3A_585 = arith.constant 0 : i32
          %get3A_586 = arith.index_cast %get3A_584 : i32 to index
          %get3A_587 = arith.index_cast %get3A_585 : i32 to index
          %get3A_588 = arith.index_cast %add3A_581 : i32 to index
          %get3A_589 = arith.constant 0 : index
          %get3A_590 = tpu.vector_load %arg6[%get3A_586, %get3A_587, %get3A_588, %get3A_589] {strides = array<i32>} : memref<3x2x128x64xf32, #tpu.memory_space<vmem>>, vector<16xf32>,
          %mul3A_591 = arith.constant 8.000000e+00 : f32
          %mul3A_592 = vector.broadcast %mul3A_591 : f32 to vector<16xf32>
          %mul3A_593 = arith.mulf %get3A_590, %mul3A_592 : vector<16xf32>
          %scatter3A_594 = arith.constant 2 : i32
          %scatter3A_595 = arith.constant 0 : i32
          %scatter3A_596 = arith.constant 0 : i32
          %scatter3A_597 = arith.constant 0 : i32
          %scatter3A_598 = arith.constant 0 : i32
          %scatter3A_599 = arith.constant 0 : i32
          %scatter3A_600 = tpu.memref_slice %arg7[%scatter3A_594, %scatter3A_595, %scatter3A_596, %scatter3A_597, %scatter3A_598, %scatter3A_599] : memref<3x2x8x1x8x129xf32, #tpu.memory_space<vmem>> -> memref<1x1x8x1x8x129xf32, #tpu.memory_space<vmem>>
          %scatter3A_601 = tpu.memref_squeeze %scatter3A_600 : memref<1x1x8x1x8x129xf32, #tpu.memory_space<vmem>> -> memref<8x1x8x129xf32, #tpu.memory_space<vmem>>
          tpu.vector_store_idx %scatter3A_601[%add3A_27, %broadcast_in_dim3A_1, %select_n3A_149, %add3A_583], %mul3A_593 : memref<8x1x8x129xf32, #tpu.memory_space<vmem>>[vector<16xi32>, vector<16xi32>, vector<16xi32>, vector<16xi32>], vector<16xf32>,
          %get3A_602 = arith.constant 2 : i32
          %get3A_603 = arith.constant 0 : i32
          %get3A_604 = arith.index_cast %get3A_602 : i32 to index
          %get3A_605 = arith.index_cast %get3A_603 : i32 to index
          %get3A_606 = arith.index_cast %add3A_581 : i32 to index
          %get3A_607 = arith.constant 16 : index
          %get3A_608 = tpu.vector_load %arg6[%get3A_604, %get3A_605, %get3A_606, %get3A_607] {strides = array<i32>} : memref<3x2x128x64xf32, #tpu.memory_space<vmem>>, vector<16xf32>,
          %mul3A_609 = arith.constant 8.000000e+00 : f32
          %mul3A_610 = vector.broadcast %mul3A_609 : f32 to vector<16xf32>
          %mul3A_611 = arith.mulf %get3A_608, %mul3A_610 : vector<16xf32>
          %scatter3A_612 = arith.constant 2 : i32
          %scatter3A_613 = arith.constant 0 : i32
          %scatter3A_614 = arith.constant 0 : i32
          %scatter3A_615 = arith.constant 0 : i32
          %scatter3A_616 = arith.constant 0 : i32
          %scatter3A_617 = arith.constant 0 : i32
          %scatter3A_618 = tpu.memref_slice %arg7[%scatter3A_612, %scatter3A_613, %scatter3A_614, %scatter3A_615, %scatter3A_616, %scatter3A_617] : memref<3x2x8x1x8x129xf32, #tpu.memory_space<vmem>> -> memref<1x1x8x1x8x129xf32, #tpu.memory_space<vmem>>
          %scatter3A_619 = tpu.memref_squeeze %scatter3A_618 : memref<1x1x8x1x8x129xf32, #tpu.memory_space<vmem>> -> memref<8x1x8x129xf32, #tpu.memory_space<vmem>>
          tpu.vector_store_idx %scatter3A_619[%add3A_61, %broadcast_in_dim3A_1, %select_n3A_171, %add3A_583], %mul3A_611 : memref<8x1x8x129xf32, #tpu.memory_space<vmem>>[vector<16xi32>, vector<16xi32>, vector<16xi32>, vector<16xi32>], vector<16xf32>,
          %get3A_620 = arith.constant 2 : i32
          %get3A_621 = arith.constant 0 : i32
          %get3A_622 = arith.index_cast %get3A_620 : i32 to index
          %get3A_623 = arith.index_cast %get3A_621 : i32 to index
          %get3A_624 = arith.index_cast %add3A_581 : i32 to index
          %get3A_625 = arith.constant 32 : index
          %get3A_626 = tpu.vector_load %arg6[%get3A_622, %get3A_623, %get3A_624, %get3A_625] {strides = array<i32>} : memref<3x2x128x64xf32, #tpu.memory_space<vmem>>, vector<16xf32>,
          %mul3A_627 = arith.constant 8.000000e+00 : f32
          %mul3A_628 = vector.broadcast %mul3A_627 : f32 to vector<16xf32>
          %mul3A_629 = arith.mulf %get3A_626, %mul3A_628 : vector<16xf32>
          %scatter3A_630 = arith.constant 2 : i32
          %scatter3A_631 = arith.constant 0 : i32
          %scatter3A_632 = arith.constant 0 : i32
          %scatter3A_633 = arith.constant 0 : i32
          %scatter3A_634 = arith.constant 0 : i32
          %scatter3A_635 = arith.constant 0 : i32
          %scatter3A_636 = tpu.memref_slice %arg7[%scatter3A_630, %scatter3A_631, %scatter3A_632, %scatter3A_633, %scatter3A_634, %scatter3A_635] : memref<3x2x8x1x8x129xf32, #tpu.memory_space<vmem>> -> memref<1x1x8x1x8x129xf32, #tpu.memory_space<vmem>>
          %scatter3A_637 = tpu.memref_squeeze %scatter3A_636 : memref<1x1x8x1x8x129xf32, #tpu.memory_space<vmem>> -> memref<8x1x8x129xf32, #tpu.memory_space<vmem>>
          tpu.vector_store_idx %scatter3A_637[%add3A_95, %broadcast_in_dim3A_1, %select_n3A_193, %add3A_583], %mul3A_629 : memref<8x1x8x129xf32, #tpu.memory_space<vmem>>[vector<16xi32>, vector<16xi32>, vector<16xi32>, vector<16xi32>], vector<16xf32>,
          %get3A_638 = arith.constant 2 : i32
          %get3A_639 = arith.constant 0 : i32
          %get3A_640 = arith.index_cast %get3A_638 : i32 to index
          %get3A_641 = arith.index_cast %get3A_639 : i32 to index
          %get3A_642 = arith.index_cast %add3A_581 : i32 to index
          %get3A_643 = arith.constant 48 : index
          %get3A_644 = tpu.vector_load %arg6[%get3A_640, %get3A_641, %get3A_642, %get3A_643] {strides = array<i32>} : memref<3x2x128x64xf32, #tpu.memory_space<vmem>>, vector<16xf32>,
          %mul3A_645 = arith.constant 8.000000e+00 : f32
          %mul3A_646 = vector.broadcast %mul3A_645 : f32 to vector<16xf32>
          %mul3A_647 = arith.mulf %get3A_644, %mul3A_646 : vector<16xf32>
          %scatter3A_648 = arith.constant 2 : i32
          %scatter3A_649 = arith.constant 0 : i32
          %scatter3A_650 = arith.constant 0 : i32
          %scatter3A_651 = arith.constant 0 : i32
          %scatter3A_652 = arith.constant 0 : i32
          %scatter3A_653 = arith.constant 0 : i32
          %scatter3A_654 = tpu.memref_slice %arg7[%scatter3A_648, %scatter3A_649, %scatter3A_650, %scatter3A_651, %scatter3A_652, %scatter3A_653] : memref<3x2x8x1x8x129xf32, #tpu.memory_space<vmem>> -> memref<1x1x8x1x8x129xf32, #tpu.memory_space<vmem>>
          %scatter3A_655 = tpu.memref_squeeze %scatter3A_654 : memref<1x1x8x1x8x129xf32, #tpu.memory_space<vmem>> -> memref<8x1x8x129xf32, #tpu.memory_space<vmem>>
          tpu.vector_store_idx %scatter3A_655[%add3A_129, %broadcast_in_dim3A_1, %select_n3A_215, %add3A_583], %mul3A_647 : memref<8x1x8x129xf32, #tpu.memory_space<vmem>>[vector<16xi32>, vector<16xi32>, vector<16xi32>, vector<16xi32>], vector<16xf32>,
          %scan3A_656 = arith.constant 2 : i32
          %scan3A_657 = arith.addi %scan3A_499, %scan3A_656 : i32
          %mul3A_658 = arith.constant 1 : i32
          %mul3A_659 = arith.muli %scan3A_657, %mul3A_658 : i32
          %add3A_660 = arith.constant 0 : i32
          %add3A_661 = arith.addi %add3A_660, %mul3A_659 : i32
          %add3A_662 = vector.broadcast %add3A_661 : i32 to vector<16xi32>
          %add3A_663 = arith.addi %broadcast_in_dim3A_1, %add3A_662 : vector<16xi32>
          %get3A_664 = arith.constant 2 : i32
          %get3A_665 = arith.constant 0 : i32
          %get3A_666 = arith.index_cast %get3A_664 : i32 to index
          %get3A_667 = arith.index_cast %get3A_665 : i32 to index
          %get3A_668 = arith.index_cast %add3A_661 : i32 to index
          %get3A_669 = arith.constant 0 : index
          %get3A_670 = tpu.vector_load %arg6[%get3A_666, %get3A_667, %get3A_668, %get3A_669] {strides = array<i32>} : memref<3x2x128x64xf32, #tpu.memory_space<vmem>>, vector<16xf32>,
          %mul3A_671 = arith.constant 8.000000e+00 : f32
          %mul3A_672 = vector.broadcast %mul3A_671 : f32 to vector<16xf32>
          %mul3A_673 = arith.mulf %get3A_670, %mul3A_672 : vector<16xf32>
          %scatter3A_674 = arith.constant 2 : i32
          %scatter3A_675 = arith.constant 0 : i32
          %scatter3A_676 = arith.constant 0 : i32
          %scatter3A_677 = arith.constant 0 : i32
          %scatter3A_678 = arith.constant 0 : i32
          %scatter3A_679 = arith.constant 0 : i32
          %scatter3A_680 = tpu.memref_slice %arg7[%scatter3A_674, %scatter3A_675, %scatter3A_676, %scatter3A_677, %scatter3A_678, %scatter3A_679] : memref<3x2x8x1x8x129xf32, #tpu.memory_space<vmem>> -> memref<1x1x8x1x8x129xf32, #tpu.memory_space<vmem>>
          %scatter3A_681 = tpu.memref_squeeze %scatter3A_680 : memref<1x1x8x1x8x129xf32, #tpu.memory_space<vmem>> -> memref<8x1x8x129xf32, #tpu.memory_space<vmem>>
          tpu.vector_store_idx %scatter3A_681[%add3A_27, %broadcast_in_dim3A_1, %select_n3A_149, %add3A_663], %mul3A_673 : memref<8x1x8x129xf32, #tpu.memory_space<vmem>>[vector<16xi32>, vector<16xi32>, vector<16xi32>, vector<16xi32>], vector<16xf32>,
          %get3A_682 = arith.constant 2 : i32
          %get3A_683 = arith.constant 0 : i32
          %get3A_684 = arith.index_cast %get3A_682 : i32 to index
          %get3A_685 = arith.index_cast %get3A_683 : i32 to index
          %get3A_686 = arith.index_cast %add3A_661 : i32 to index
          %get3A_687 = arith.constant 16 : index
          %get3A_688 = tpu.vector_load %arg6[%get3A_684, %get3A_685, %get3A_686, %get3A_687] {strides = array<i32>} : memref<3x2x128x64xf32, #tpu.memory_space<vmem>>, vector<16xf32>,
          %mul3A_689 = arith.constant 8.000000e+00 : f32
          %mul3A_690 = vector.broadcast %mul3A_689 : f32 to vector<16xf32>
          %mul3A_691 = arith.mulf %get3A_688, %mul3A_690 : vector<16xf32>
          %scatter3A_692 = arith.constant 2 : i32
          %scatter3A_693 = arith.constant 0 : i32
          %scatter3A_694 = arith.constant 0 : i32
          %scatter3A_695 = arith.constant 0 : i32
          %scatter3A_696 = arith.constant 0 : i32
          %scatter3A_697 = arith.constant 0 : i32
          %scatter3A_698 = tpu.memref_slice %arg7[%scatter3A_692, %scatter3A_693, %scatter3A_694, %scatter3A_695, %scatter3A_696, %scatter3A_697] : memref<3x2x8x1x8x129xf32, #tpu.memory_space<vmem>> -> memref<1x1x8x1x8x129xf32, #tpu.memory_space<vmem>>
          %scatter3A_699 = tpu.memref_squeeze %scatter3A_698 : memref<1x1x8x1x8x129xf32, #tpu.memory_space<vmem>> -> memref<8x1x8x129xf32, #tpu.memory_space<vmem>>
          tpu.vector_store_idx %scatter3A_699[%add3A_61, %broadcast_in_dim3A_1, %select_n3A_171, %add3A_663], %mul3A_691 : memref<8x1x8x129xf32, #tpu.memory_space<vmem>>[vector<16xi32>, vector<16xi32>, vector<16xi32>, vector<16xi32>], vector<16xf32>,
          %get3A_700 = arith.constant 2 : i32
          %get3A_701 = arith.constant 0 : i32
          %get3A_702 = arith.index_cast %get3A_700 : i32 to index
          %get3A_703 = arith.index_cast %get3A_701 : i32 to index
          %get3A_704 = arith.index_cast %add3A_661 : i32 to index
          %get3A_705 = arith.constant 32 : index
          %get3A_706 = tpu.vector_load %arg6[%get3A_702, %get3A_703, %get3A_704, %get3A_705] {strides = array<i32>} : memref<3x2x128x64xf32, #tpu.memory_space<vmem>>, vector<16xf32>,
          %mul3A_707 = arith.constant 8.000000e+00 : f32
          %mul3A_708 = vector.broadcast %mul3A_707 : f32 to vector<16xf32>
          %mul3A_709 = arith.mulf %get3A_706, %mul3A_708 : vector<16xf32>
          %scatter3A_710 = arith.constant 2 : i32
          %scatter3A_711 = arith.constant 0 : i32
          %scatter3A_712 = arith.constant 0 : i32
          %scatter3A_713 = arith.constant 0 : i32
          %scatter3A_714 = arith.constant 0 : i32
          %scatter3A_715 = arith.constant 0 : i32
          %scatter3A_716 = tpu.memref_slice %arg7[%scatter3A_710, %scatter3A_711, %scatter3A_712, %scatter3A_713, %scatter3A_714, %scatter3A_715] : memref<3x2x8x1x8x129xf32, #tpu.memory_space<vmem>> -> memref<1x1x8x1x8x129xf32, #tpu.memory_space<vmem>>
          %scatter3A_717 = tpu.memref_squeeze %scatter3A_716 : memref<1x1x8x1x8x129xf32, #tpu.memory_space<vmem>> -> memref<8x1x8x129xf32, #tpu.memory_space<vmem>>
          tpu.vector_store_idx %scatter3A_717[%add3A_95, %broadcast_in_dim3A_1, %select_n3A_193, %add3A_663], %mul3A_709 : memref<8x1x8x129xf32, #tpu.memory_space<vmem>>[vector<16xi32>, vector<16xi32>, vector<16xi32>, vector<16xi32>], vector<16xf32>,
          %get3A_718 = arith.constant 2 : i32
          %get3A_719 = arith.constant 0 : i32
          %get3A_720 = arith.index_cast %get3A_718 : i32 to index
          %get3A_721 = arith.index_cast %get3A_719 : i32 to index
          %get3A_722 = arith.index_cast %add3A_661 : i32 to index
          %get3A_723 = arith.constant 48 : index
          %get3A_724 = tpu.vector_load %arg6[%get3A_720, %get3A_721, %get3A_722, %get3A_723] {strides = array<i32>} : memref<3x2x128x64xf32, #tpu.memory_space<vmem>>, vector<16xf32>,
          %mul3A_725 = arith.constant 8.000000e+00 : f32
          %mul3A_726 = vector.broadcast %mul3A_725 : f32 to vector<16xf32>
          %mul3A_727 = arith.mulf %get3A_724, %mul3A_726 : vector<16xf32>
          %scatter3A_728 = arith.constant 2 : i32
          %scatter3A_729 = arith.constant 0 : i32
          %scatter3A_730 = arith.constant 0 : i32
          %scatter3A_731 = arith.constant 0 : i32
          %scatter3A_732 = arith.constant 0 : i32
          %scatter3A_733 = arith.constant 0 : i32
          %scatter3A_734 = tpu.memref_slice %arg7[%scatter3A_728, %scatter3A_729, %scatter3A_730, %scatter3A_731, %scatter3A_732, %scatter3A_733] : memref<3x2x8x1x8x129xf32, #tpu.memory_space<vmem>> -> memref<1x1x8x1x8x129xf32, #tpu.memory_space<vmem>>
          %scatter3A_735 = tpu.memref_squeeze %scatter3A_734 : memref<1x1x8x1x8x129xf32, #tpu.memory_space<vmem>> -> memref<8x1x8x129xf32, #tpu.memory_space<vmem>>
          tpu.vector_store_idx %scatter3A_735[%add3A_129, %broadcast_in_dim3A_1, %select_n3A_215, %add3A_663], %mul3A_727 : memref<8x1x8x129xf32, #tpu.memory_space<vmem>>[vector<16xi32>, vector<16xi32>, vector<16xi32>, vector<16xi32>], vector<16xf32>,
          %scan3A_736 = arith.constant 3 : i32
          %scan3A_737 = arith.addi %scan3A_499, %scan3A_736 : i32
          %mul3A_738 = arith.constant 1 : i32
          %mul3A_739 = arith.muli %scan3A_737, %mul3A_738 : i32
          %add3A_740 = arith.constant 0 : i32
          %add3A_741 = arith.addi %add3A_740, %mul3A_739 : i32
          %add3A_742 = vector.broadcast %add3A_741 : i32 to vector<16xi32>
          %add3A_743 = arith.addi %broadcast_in_dim3A_1, %add3A_742 : vector<16xi32>
          %get3A_744 = arith.constant 2 : i32
          %get3A_745 = arith.constant 0 : i32
          %get3A_746 = arith.index_cast %get3A_744 : i32 to index
          %get3A_747 = arith.index_cast %get3A_745 : i32 to index
          %get3A_748 = arith.index_cast %add3A_741 : i32 to index
          %get3A_749 = arith.constant 0 : index
          %get3A_750 = tpu.vector_load %arg6[%get3A_746, %get3A_747, %get3A_748, %get3A_749] {strides = array<i32>} : memref<3x2x128x64xf32, #tpu.memory_space<vmem>>, vector<16xf32>,
          %mul3A_751 = arith.constant 8.000000e+00 : f32
          %mul3A_752 = vector.broadcast %mul3A_751 : f32 to vector<16xf32>
          %mul3A_753 = arith.mulf %get3A_750, %mul3A_752 : vector<16xf32>
          %scatter3A_754 = arith.constant 2 : i32
          %scatter3A_755 = arith.constant 0 : i32
          %scatter3A_756 = arith.constant 0 : i32
          %scatter3A_757 = arith.constant 0 : i32
          %scatter3A_758 = arith.constant 0 : i32
          %scatter3A_759 = arith.constant 0 : i32
          %scatter3A_760 = tpu.memref_slice %arg7[%scatter3A_754, %scatter3A_755, %scatter3A_756, %scatter3A_757, %scatter3A_758, %scatter3A_759] : memref<3x2x8x1x8x129xf32, #tpu.memory_space<vmem>> -> memref<1x1x8x1x8x129xf32, #tpu.memory_space<vmem>>
          %scatter3A_761 = tpu.memref_squeeze %scatter3A_760 : memref<1x1x8x1x8x129xf32, #tpu.memory_space<vmem>> -> memref<8x1x8x129xf32, #tpu.memory_space<vmem>>
          tpu.vector_store_idx %scatter3A_761[%add3A_27, %broadcast_in_dim3A_1, %select_n3A_149, %add3A_743], %mul3A_753 : memref<8x1x8x129xf32, #tpu.memory_space<vmem>>[vector<16xi32>, vector<16xi32>, vector<16xi32>, vector<16xi32>], vector<16xf32>,
          %get3A_762 = arith.constant 2 : i32
          %get3A_763 = arith.constant 0 : i32
          %get3A_764 = arith.index_cast %get3A_762 : i32 to index
          %get3A_765 = arith.index_cast %get3A_763 : i32 to index
          %get3A_766 = arith.index_cast %add3A_741 : i32 to index
          %get3A_767 = arith.constant 16 : index
          %get3A_768 = tpu.vector_load %arg6[%get3A_764, %get3A_765, %get3A_766, %get3A_767] {strides = array<i32>} : memref<3x2x128x64xf32, #tpu.memory_space<vmem>>, vector<16xf32>,
          %mul3A_769 = arith.constant 8.000000e+00 : f32
          %mul3A_770 = vector.broadcast %mul3A_769 : f32 to vector<16xf32>
          %mul3A_771 = arith.mulf %get3A_768, %mul3A_770 : vector<16xf32>
          %scatter3A_772 = arith.constant 2 : i32
          %scatter3A_773 = arith.constant 0 : i32
          %scatter3A_774 = arith.constant 0 : i32
          %scatter3A_775 = arith.constant 0 : i32
          %scatter3A_776 = arith.constant 0 : i32
          %scatter3A_777 = arith.constant 0 : i32
          %scatter3A_778 = tpu.memref_slice %arg7[%scatter3A_772, %scatter3A_773, %scatter3A_774, %scatter3A_775, %scatter3A_776, %scatter3A_777] : memref<3x2x8x1x8x129xf32, #tpu.memory_space<vmem>> -> memref<1x1x8x1x8x129xf32, #tpu.memory_space<vmem>>
          %scatter3A_779 = tpu.memref_squeeze %scatter3A_778 : memref<1x1x8x1x8x129xf32, #tpu.memory_space<vmem>> -> memref<8x1x8x129xf32, #tpu.memory_space<vmem>>
          tpu.vector_store_idx %scatter3A_779[%add3A_61, %broadcast_in_dim3A_1, %select_n3A_171, %add3A_743], %mul3A_771 : memref<8x1x8x129xf32, #tpu.memory_space<vmem>>[vector<16xi32>, vector<16xi32>, vector<16xi32>, vector<16xi32>], vector<16xf32>,
          %get3A_780 = arith.constant 2 : i32
          %get3A_781 = arith.constant 0 : i32
          %get3A_782 = arith.index_cast %get3A_780 : i32 to index
          %get3A_783 = arith.index_cast %get3A_781 : i32 to index
          %get3A_784 = arith.index_cast %add3A_741 : i32 to index
          %get3A_785 = arith.constant 32 : index
          %get3A_786 = tpu.vector_load %arg6[%get3A_782, %get3A_783, %get3A_784, %get3A_785] {strides = array<i32>} : memref<3x2x128x64xf32, #tpu.memory_space<vmem>>, vector<16xf32>,
          %mul3A_787 = arith.constant 8.000000e+00 : f32
          %mul3A_788 = vector.broadcast %mul3A_787 : f32 to vector<16xf32>
          %mul3A_789 = arith.mulf %get3A_786, %mul3A_788 : vector<16xf32>
          %scatter3A_790 = arith.constant 2 : i32
          %scatter3A_791 = arith.constant 0 : i32
          %scatter3A_792 = arith.constant 0 : i32
          %scatter3A_793 = arith.constant 0 : i32
          %scatter3A_794 = arith.constant 0 : i32
          %scatter3A_795 = arith.constant 0 : i32
          %scatter3A_796 = tpu.memref_slice %arg7[%scatter3A_790, %scatter3A_791, %scatter3A_792, %scatter3A_793, %scatter3A_794, %scatter3A_795] : memref<3x2x8x1x8x129xf32, #tpu.memory_space<vmem>> -> memref<1x1x8x1x8x129xf32, #tpu.memory_space<vmem>>
          %scatter3A_797 = tpu.memref_squeeze %scatter3A_796 : memref<1x1x8x1x8x129xf32, #tpu.memory_space<vmem>> -> memref<8x1x8x129xf32, #tpu.memory_space<vmem>>
          tpu.vector_store_idx %scatter3A_797[%add3A_95, %broadcast_in_dim3A_1, %select_n3A_193, %add3A_743], %mul3A_789 : memref<8x1x8x129xf32, #tpu.memory_space<vmem>>[vector<16xi32>, vector<16xi32>, vector<16xi32>, vector<16xi32>], vector<16xf32>,
          %get3A_798 = arith.constant 2 : i32
          %get3A_799 = arith.constant 0 : i32
          %get3A_800 = arith.index_cast %get3A_798 : i32 to index
          %get3A_801 = arith.index_cast %get3A_799 : i32 to index
          %get3A_802 = arith.index_cast %add3A_741 : i32 to index
          %get3A_803 = arith.constant 48 : index
          %get3A_804 = tpu.vector_load %arg6[%get3A_800, %get3A_801, %get3A_802, %get3A_803] {strides = array<i32>} : memref<3x2x128x64xf32, #tpu.memory_space<vmem>>, vector<16xf32>,
          %mul3A_805 = arith.constant 8.000000e+00 : f32
          %mul3A_806 = vector.broadcast %mul3A_805 : f32 to vector<16xf32>
          %mul3A_807 = arith.mulf %get3A_804, %mul3A_806 : vector<16xf32>
          %scatter3A_808 = arith.constant 2 : i32
          %scatter3A_809 = arith.constant 0 : i32
          %scatter3A_810 = arith.constant 0 : i32
          %scatter3A_811 = arith.constant 0 : i32
          %scatter3A_812 = arith.constant 0 : i32
          %scatter3A_813 = arith.constant 0 : i32
          %scatter3A_814 = tpu.memref_slice %arg7[%scatter3A_808, %scatter3A_809, %scatter3A_810, %scatter3A_811, %scatter3A_812, %scatter3A_813] : memref<3x2x8x1x8x129xf32, #tpu.memory_space<vmem>> -> memref<1x1x8x1x8x129xf32, #tpu.memory_space<vmem>>
          %scatter3A_815 = tpu.memref_squeeze %scatter3A_814 : memref<1x1x8x1x8x129xf32, #tpu.memory_space<vmem>> -> memref<8x1x8x129xf32, #tpu.memory_space<vmem>>
          tpu.vector_store_idx %scatter3A_815[%add3A_129, %broadcast_in_dim3A_1, %select_n3A_215, %add3A_743], %mul3A_807 : memref<8x1x8x129xf32, #tpu.memory_space<vmem>>[vector<16xi32>, vector<16xi32>, vector<16xi32>, vector<16xi32>], vector<16xf32>,
        }
        %scan3A_441 = arith.constant 128 : i32
        %scan3A_442 = arith.constant 0 : i32
        %scan3A_443 = arith.constant 128 : i32
        %scan3A_444 = arith.addi %scan3A_442, %scan3A_443 : i32
        %scan3A_445 = arith.constant 4 : i32
        scf.for %scan3A_499 = %scan3A_442 to %scan3A_444 step %scan3A_445  : i32 {
          %mul3A_500 = arith.constant 1 : i32
          %mul3A_501 = arith.muli %scan3A_499, %mul3A_500 : i32
          %add3A_502 = arith.constant 0 : i32
          %add3A_503 = arith.addi %add3A_502, %mul3A_501 : i32
          %add3A_504 = vector.broadcast %add3A_503 : i32 to vector<16xi32>
          %add3A_505 = arith.addi %broadcast_in_dim3A_1, %add3A_504 : vector<16xi32>
          %get3A = arith.constant 2 : i32
          %get3A_506 = arith.constant 1 : i32
          %get3A_507 = arith.index_cast %get3A : i32 to index
          %get3A_508 = arith.index_cast %get3A_506 : i32 to index
          %get3A_509 = arith.index_cast %add3A_503 : i32 to index
          %get3A_510 = arith.constant 0 : index
          %get3A_511 = tpu.vector_load %arg6[%get3A_507, %get3A_508, %get3A_509, %get3A_510] {strides = array<i32>} : memref<3x2x128x64xf32, #tpu.memory_space<vmem>>, vector<16xf32>,
          %mul3A_512 = arith.constant 8.000000e+00 : f32
          %mul3A_513 = vector.broadcast %mul3A_512 : f32 to vector<16xf32>
          %mul3A_514 = arith.mulf %get3A_511, %mul3A_513 : vector<16xf32>
          %scatter3A = arith.constant 2 : i32
          %scatter3A_515 = arith.constant 1 : i32
          %scatter3A_516 = arith.constant 0 : i32
          %scatter3A_517 = arith.constant 0 : i32
          %scatter3A_518 = arith.constant 0 : i32
          %scatter3A_519 = arith.constant 0 : i32
          %scatter3A_520 = tpu.memref_slice %arg7[%scatter3A, %scatter3A_515, %scatter3A_516, %scatter3A_517, %scatter3A_518, %scatter3A_519] : memref<3x2x8x1x8x129xf32, #tpu.memory_space<vmem>> -> memref<1x1x8x1x8x129xf32, #tpu.memory_space<vmem>>
          %scatter3A_521 = tpu.memref_squeeze %scatter3A_520 : memref<1x1x8x1x8x129xf32, #tpu.memory_space<vmem>> -> memref<8x1x8x129xf32, #tpu.memory_space<vmem>>
          tpu.vector_store_idx %scatter3A_521[%add3A_27, %broadcast_in_dim3A_1, %select_n3A_149, %add3A_505], %mul3A_514 : memref<8x1x8x129xf32, #tpu.memory_space<vmem>>[vector<16xi32>, vector<16xi32>, vector<16xi32>, vector<16xi32>], vector<16xf32>,
          %get3A_522 = arith.constant 2 : i32
          %get3A_523 = arith.constant 1 : i32
          %get3A_524 = arith.index_cast %get3A_522 : i32 to index
          %get3A_525 = arith.index_cast %get3A_523 : i32 to index
          %get3A_526 = arith.index_cast %add3A_503 : i32 to index
          %get3A_527 = arith.constant 16 : index
          %get3A_528 = tpu.vector_load %arg6[%get3A_524, %get3A_525, %get3A_526, %get3A_527] {strides = array<i32>} : memref<3x2x128x64xf32, #tpu.memory_space<vmem>>, vector<16xf32>,
          %mul3A_529 = arith.constant 8.000000e+00 : f32
          %mul3A_530 = vector.broadcast %mul3A_529 : f32 to vector<16xf32>
          %mul3A_531 = arith.mulf %get3A_528, %mul3A_530 : vector<16xf32>
          %scatter3A_532 = arith.constant 2 : i32
          %scatter3A_533 = arith.constant 1 : i32
          %scatter3A_534 = arith.constant 0 : i32
          %scatter3A_535 = arith.constant 0 : i32
          %scatter3A_536 = arith.constant 0 : i32
          %scatter3A_537 = arith.constant 0 : i32
          %scatter3A_538 = tpu.memref_slice %arg7[%scatter3A_532, %scatter3A_533, %scatter3A_534, %scatter3A_535, %scatter3A_536, %scatter3A_537] : memref<3x2x8x1x8x129xf32, #tpu.memory_space<vmem>> -> memref<1x1x8x1x8x129xf32, #tpu.memory_space<vmem>>
          %scatter3A_539 = tpu.memref_squeeze %scatter3A_538 : memref<1x1x8x1x8x129xf32, #tpu.memory_space<vmem>> -> memref<8x1x8x129xf32, #tpu.memory_space<vmem>>
          tpu.vector_store_idx %scatter3A_539[%add3A_61, %broadcast_in_dim3A_1, %select_n3A_171, %add3A_505], %mul3A_531 : memref<8x1x8x129xf32, #tpu.memory_space<vmem>>[vector<16xi32>, vector<16xi32>, vector<16xi32>, vector<16xi32>], vector<16xf32>,
          %get3A_540 = arith.constant 2 : i32
          %get3A_541 = arith.constant 1 : i32
          %get3A_542 = arith.index_cast %get3A_540 : i32 to index
          %get3A_543 = arith.index_cast %get3A_541 : i32 to index
          %get3A_544 = arith.index_cast %add3A_503 : i32 to index
          %get3A_545 = arith.constant 32 : index
          %get3A_546 = tpu.vector_load %arg6[%get3A_542, %get3A_543, %get3A_544, %get3A_545] {strides = array<i32>} : memref<3x2x128x64xf32, #tpu.memory_space<vmem>>, vector<16xf32>,
          %mul3A_547 = arith.constant 8.000000e+00 : f32
          %mul3A_548 = vector.broadcast %mul3A_547 : f32 to vector<16xf32>
          %mul3A_549 = arith.mulf %get3A_546, %mul3A_548 : vector<16xf32>
          %scatter3A_550 = arith.constant 2 : i32
          %scatter3A_551 = arith.constant 1 : i32
          %scatter3A_552 = arith.constant 0 : i32
          %scatter3A_553 = arith.constant 0 : i32
          %scatter3A_554 = arith.constant 0 : i32
          %scatter3A_555 = arith.constant 0 : i32
          %scatter3A_556 = tpu.memref_slice %arg7[%scatter3A_550, %scatter3A_551, %scatter3A_552, %scatter3A_553, %scatter3A_554, %scatter3A_555] : memref<3x2x8x1x8x129xf32, #tpu.memory_space<vmem>> -> memref<1x1x8x1x8x129xf32, #tpu.memory_space<vmem>>
          %scatter3A_557 = tpu.memref_squeeze %scatter3A_556 : memref<1x1x8x1x8x129xf32, #tpu.memory_space<vmem>> -> memref<8x1x8x129xf32, #tpu.memory_space<vmem>>
          tpu.vector_store_idx %scatter3A_557[%add3A_95, %broadcast_in_dim3A_1, %select_n3A_193, %add3A_505], %mul3A_549 : memref<8x1x8x129xf32, #tpu.memory_space<vmem>>[vector<16xi32>, vector<16xi32>, vector<16xi32>, vector<16xi32>], vector<16xf32>,
          %get3A_558 = arith.constant 2 : i32
          %get3A_559 = arith.constant 1 : i32
          %get3A_560 = arith.index_cast %get3A_558 : i32 to index
          %get3A_561 = arith.index_cast %get3A_559 : i32 to index
          %get3A_562 = arith.index_cast %add3A_503 : i32 to index
          %get3A_563 = arith.constant 48 : index
          %get3A_564 = tpu.vector_load %arg6[%get3A_560, %get3A_561, %get3A_562, %get3A_563] {strides = array<i32>} : memref<3x2x128x64xf32, #tpu.memory_space<vmem>>, vector<16xf32>,
          %mul3A_565 = arith.constant 8.000000e+00 : f32
          %mul3A_566 = vector.broadcast %mul3A_565 : f32 to vector<16xf32>
          %mul3A_567 = arith.mulf %get3A_564, %mul3A_566 : vector<16xf32>
          %scatter3A_568 = arith.constant 2 : i32
          %scatter3A_569 = arith.constant 1 : i32
          %scatter3A_570 = arith.constant 0 : i32
          %scatter3A_571 = arith.constant 0 : i32
          %scatter3A_572 = arith.constant 0 : i32
          %scatter3A_573 = arith.constant 0 : i32
          %scatter3A_574 = tpu.memref_slice %arg7[%scatter3A_568, %scatter3A_569, %scatter3A_570, %scatter3A_571, %scatter3A_572, %scatter3A_573] : memref<3x2x8x1x8x129xf32, #tpu.memory_space<vmem>> -> memref<1x1x8x1x8x129xf32, #tpu.memory_space<vmem>>
          %scatter3A_575 = tpu.memref_squeeze %scatter3A_574 : memref<1x1x8x1x8x129xf32, #tpu.memory_space<vmem>> -> memref<8x1x8x129xf32, #tpu.memory_space<vmem>>
          tpu.vector_store_idx %scatter3A_575[%add3A_129, %broadcast_in_dim3A_1, %select_n3A_215, %add3A_505], %mul3A_567 : memref<8x1x8x129xf32, #tpu.memory_space<vmem>>[vector<16xi32>, vector<16xi32>, vector<16xi32>, vector<16xi32>], vector<16xf32>,
          %scan3A_576 = arith.constant 1 : i32
          %scan3A_577 = arith.addi %scan3A_499, %scan3A_576 : i32
          %mul3A_578 = arith.constant 1 : i32
          %mul3A_579 = arith.muli %scan3A_577, %mul3A_578 : i32
          %add3A_580 = arith.constant 0 : i32
          %add3A_581 = arith.addi %add3A_580, %mul3A_579 : i32
          %add3A_582 = vector.broadcast %add3A_581 : i32 to vector<16xi32>
          %add3A_583 = arith.addi %broadcast_in_dim3A_1, %add3A_582 : vector<16xi32>
          %get3A_584 = arith.constant 2 : i32
          %get3A_585 = arith.constant 1 : i32
          %get3A_586 = arith.index_cast %get3A_584 : i32 to index
          %get3A_587 = arith.index_cast %get3A_585 : i32 to index
          %get3A_588 = arith.index_cast %add3A_581 : i32 to index
          %get3A_589 = arith.constant 0 : index
          %get3A_590 = tpu.vector_load %arg6[%get3A_586, %get3A_587, %get3A_588, %get3A_589] {strides = array<i32>} : memref<3x2x128x64xf32, #tpu.memory_space<vmem>>, vector<16xf32>,
          %mul3A_591 = arith.constant 8.000000e+00 : f32
          %mul3A_592 = vector.broadcast %mul3A_591 : f32 to vector<16xf32>
          %mul3A_593 = arith.mulf %get3A_590, %mul3A_592 : vector<16xf32>
          %scatter3A_594 = arith.constant 2 : i32
          %scatter3A_595 = arith.constant 1 : i32
          %scatter3A_596 = arith.constant 0 : i32
          %scatter3A_597 = arith.constant 0 : i32
          %scatter3A_598 = arith.constant 0 : i32
          %scatter3A_599 = arith.constant 0 : i32
          %scatter3A_600 = tpu.memref_slice %arg7[%scatter3A_594, %scatter3A_595, %scatter3A_596, %scatter3A_597, %scatter3A_598, %scatter3A_599] : memref<3x2x8x1x8x129xf32, #tpu.memory_space<vmem>> -> memref<1x1x8x1x8x129xf32, #tpu.memory_space<vmem>>
          %scatter3A_601 = tpu.memref_squeeze %scatter3A_600 : memref<1x1x8x1x8x129xf32, #tpu.memory_space<vmem>> -> memref<8x1x8x129xf32, #tpu.memory_space<vmem>>
          tpu.vector_store_idx %scatter3A_601[%add3A_27, %broadcast_in_dim3A_1, %select_n3A_149, %add3A_583], %mul3A_593 : memref<8x1x8x129xf32, #tpu.memory_space<vmem>>[vector<16xi32>, vector<16xi32>, vector<16xi32>, vector<16xi32>], vector<16xf32>,
          %get3A_602 = arith.constant 2 : i32
          %get3A_603 = arith.constant 1 : i32
          %get3A_604 = arith.index_cast %get3A_602 : i32 to index
          %get3A_605 = arith.index_cast %get3A_603 : i32 to index
          %get3A_606 = arith.index_cast %add3A_581 : i32 to index
          %get3A_607 = arith.constant 16 : index
          %get3A_608 = tpu.vector_load %arg6[%get3A_604, %get3A_605, %get3A_606, %get3A_607] {strides = array<i32>} : memref<3x2x128x64xf32, #tpu.memory_space<vmem>>, vector<16xf32>,
          %mul3A_609 = arith.constant 8.000000e+00 : f32
          %mul3A_610 = vector.broadcast %mul3A_609 : f32 to vector<16xf32>
          %mul3A_611 = arith.mulf %get3A_608, %mul3A_610 : vector<16xf32>
          %scatter3A_612 = arith.constant 2 : i32
          %scatter3A_613 = arith.constant 1 : i32
          %scatter3A_614 = arith.constant 0 : i32
          %scatter3A_615 = arith.constant 0 : i32
          %scatter3A_616 = arith.constant 0 : i32
          %scatter3A_617 = arith.constant 0 : i32
          %scatter3A_618 = tpu.memref_slice %arg7[%scatter3A_612, %scatter3A_613, %scatter3A_614, %scatter3A_615, %scatter3A_616, %scatter3A_617] : memref<3x2x8x1x8x129xf32, #tpu.memory_space<vmem>> -> memref<1x1x8x1x8x129xf32, #tpu.memory_space<vmem>>
          %scatter3A_619 = tpu.memref_squeeze %scatter3A_618 : memref<1x1x8x1x8x129xf32, #tpu.memory_space<vmem>> -> memref<8x1x8x129xf32, #tpu.memory_space<vmem>>
          tpu.vector_store_idx %scatter3A_619[%add3A_61, %broadcast_in_dim3A_1, %select_n3A_171, %add3A_583], %mul3A_611 : memref<8x1x8x129xf32, #tpu.memory_space<vmem>>[vector<16xi32>, vector<16xi32>, vector<16xi32>, vector<16xi32>], vector<16xf32>,
          %get3A_620 = arith.constant 2 : i32
          %get3A_621 = arith.constant 1 : i32
          %get3A_622 = arith.index_cast %get3A_620 : i32 to index
          %get3A_623 = arith.index_cast %get3A_621 : i32 to index
          %get3A_624 = arith.index_cast %add3A_581 : i32 to index
          %get3A_625 = arith.constant 32 : index
          %get3A_626 = tpu.vector_load %arg6[%get3A_622, %get3A_623, %get3A_624, %get3A_625] {strides = array<i32>} : memref<3x2x128x64xf32, #tpu.memory_space<vmem>>, vector<16xf32>,
          %mul3A_627 = arith.constant 8.000000e+00 : f32
          %mul3A_628 = vector.broadcast %mul3A_627 : f32 to vector<16xf32>
          %mul3A_629 = arith.mulf %get3A_626, %mul3A_628 : vector<16xf32>
          %scatter3A_630 = arith.constant 2 : i32
          %scatter3A_631 = arith.constant 1 : i32
          %scatter3A_632 = arith.constant 0 : i32
          %scatter3A_633 = arith.constant 0 : i32
          %scatter3A_634 = arith.constant 0 : i32
          %scatter3A_635 = arith.constant 0 : i32
          %scatter3A_636 = tpu.memref_slice %arg7[%scatter3A_630, %scatter3A_631, %scatter3A_632, %scatter3A_633, %scatter3A_634, %scatter3A_635] : memref<3x2x8x1x8x129xf32, #tpu.memory_space<vmem>> -> memref<1x1x8x1x8x129xf32, #tpu.memory_space<vmem>>
          %scatter3A_637 = tpu.memref_squeeze %scatter3A_636 : memref<1x1x8x1x8x129xf32, #tpu.memory_space<vmem>> -> memref<8x1x8x129xf32, #tpu.memory_space<vmem>>
          tpu.vector_store_idx %scatter3A_637[%add3A_95, %broadcast_in_dim3A_1, %select_n3A_193, %add3A_583], %mul3A_629 : memref<8x1x8x129xf32, #tpu.memory_space<vmem>>[vector<16xi32>, vector<16xi32>, vector<16xi32>, vector<16xi32>], vector<16xf32>,
          %get3A_638 = arith.constant 2 : i32
          %get3A_639 = arith.constant 1 : i32
          %get3A_640 = arith.index_cast %get3A_638 : i32 to index
          %get3A_641 = arith.index_cast %get3A_639 : i32 to index
          %get3A_642 = arith.index_cast %add3A_581 : i32 to index
          %get3A_643 = arith.constant 48 : index
          %get3A_644 = tpu.vector_load %arg6[%get3A_640, %get3A_641, %get3A_642, %get3A_643] {strides = array<i32>} : memref<3x2x128x64xf32, #tpu.memory_space<vmem>>, vector<16xf32>,
          %mul3A_645 = arith.constant 8.000000e+00 : f32
          %mul3A_646 = vector.broadcast %mul3A_645 : f32 to vector<16xf32>
          %mul3A_647 = arith.mulf %get3A_644, %mul3A_646 : vector<16xf32>
          %scatter3A_648 = arith.constant 2 : i32
          %scatter3A_649 = arith.constant 1 : i32
          %scatter3A_650 = arith.constant 0 : i32
          %scatter3A_651 = arith.constant 0 : i32
          %scatter3A_652 = arith.constant 0 : i32
          %scatter3A_653 = arith.constant 0 : i32
          %scatter3A_654 = tpu.memref_slice %arg7[%scatter3A_648, %scatter3A_649, %scatter3A_650, %scatter3A_651, %scatter3A_652, %scatter3A_653] : memref<3x2x8x1x8x129xf32, #tpu.memory_space<vmem>> -> memref<1x1x8x1x8x129xf32, #tpu.memory_space<vmem>>
          %scatter3A_655 = tpu.memref_squeeze %scatter3A_654 : memref<1x1x8x1x8x129xf32, #tpu.memory_space<vmem>> -> memref<8x1x8x129xf32, #tpu.memory_space<vmem>>
          tpu.vector_store_idx %scatter3A_655[%add3A_129, %broadcast_in_dim3A_1, %select_n3A_215, %add3A_583], %mul3A_647 : memref<8x1x8x129xf32, #tpu.memory_space<vmem>>[vector<16xi32>, vector<16xi32>, vector<16xi32>, vector<16xi32>], vector<16xf32>,
          %scan3A_656 = arith.constant 2 : i32
          %scan3A_657 = arith.addi %scan3A_499, %scan3A_656 : i32
          %mul3A_658 = arith.constant 1 : i32
          %mul3A_659 = arith.muli %scan3A_657, %mul3A_658 : i32
          %add3A_660 = arith.constant 0 : i32
          %add3A_661 = arith.addi %add3A_660, %mul3A_659 : i32
          %add3A_662 = vector.broadcast %add3A_661 : i32 to vector<16xi32>
          %add3A_663 = arith.addi %broadcast_in_dim3A_1, %add3A_662 : vector<16xi32>
          %get3A_664 = arith.constant 2 : i32
          %get3A_665 = arith.constant 1 : i32
          %get3A_666 = arith.index_cast %get3A_664 : i32 to index
          %get3A_667 = arith.index_cast %get3A_665 : i32 to index
          %get3A_668 = arith.index_cast %add3A_661 : i32 to index
          %get3A_669 = arith.constant 0 : index
          %get3A_670 = tpu.vector_load %arg6[%get3A_666, %get3A_667, %get3A_668, %get3A_669] {strides = array<i32>} : memref<3x2x128x64xf32, #tpu.memory_space<vmem>>, vector<16xf32>,
          %mul3A_671 = arith.constant 8.000000e+00 : f32
          %mul3A_672 = vector.broadcast %mul3A_671 : f32 to vector<16xf32>
          %mul3A_673 = arith.mulf %get3A_670, %mul3A_672 : vector<16xf32>
          %scatter3A_674 = arith.constant 2 : i32
          %scatter3A_675 = arith.constant 1 : i32
          %scatter3A_676 = arith.constant 0 : i32
          %scatter3A_677 = arith.constant 0 : i32
          %scatter3A_678 = arith.constant 0 : i32
          %scatter3A_679 = arith.constant 0 : i32
          %scatter3A_680 = tpu.memref_slice %arg7[%scatter3A_674, %scatter3A_675, %scatter3A_676, %scatter3A_677, %scatter3A_678, %scatter3A_679] : memref<3x2x8x1x8x129xf32, #tpu.memory_space<vmem>> -> memref<1x1x8x1x8x129xf32, #tpu.memory_space<vmem>>
          %scatter3A_681 = tpu.memref_squeeze %scatter3A_680 : memref<1x1x8x1x8x129xf32, #tpu.memory_space<vmem>> -> memref<8x1x8x129xf32, #tpu.memory_space<vmem>>
          tpu.vector_store_idx %scatter3A_681[%add3A_27, %broadcast_in_dim3A_1, %select_n3A_149, %add3A_663], %mul3A_673 : memref<8x1x8x129xf32, #tpu.memory_space<vmem>>[vector<16xi32>, vector<16xi32>, vector<16xi32>, vector<16xi32>], vector<16xf32>,
          %get3A_682 = arith.constant 2 : i32
          %get3A_683 = arith.constant 1 : i32
          %get3A_684 = arith.index_cast %get3A_682 : i32 to index
          %get3A_685 = arith.index_cast %get3A_683 : i32 to index
          %get3A_686 = arith.index_cast %add3A_661 : i32 to index
          %get3A_687 = arith.constant 16 : index
          %get3A_688 = tpu.vector_load %arg6[%get3A_684, %get3A_685, %get3A_686, %get3A_687] {strides = array<i32>} : memref<3x2x128x64xf32, #tpu.memory_space<vmem>>, vector<16xf32>,
          %mul3A_689 = arith.constant 8.000000e+00 : f32
          %mul3A_690 = vector.broadcast %mul3A_689 : f32 to vector<16xf32>
          %mul3A_691 = arith.mulf %get3A_688, %mul3A_690 : vector<16xf32>
          %scatter3A_692 = arith.constant 2 : i32
          %scatter3A_693 = arith.constant 1 : i32
          %scatter3A_694 = arith.constant 0 : i32
          %scatter3A_695 = arith.constant 0 : i32
          %scatter3A_696 = arith.constant 0 : i32
          %scatter3A_697 = arith.constant 0 : i32
          %scatter3A_698 = tpu.memref_slice %arg7[%scatter3A_692, %scatter3A_693, %scatter3A_694, %scatter3A_695, %scatter3A_696, %scatter3A_697] : memref<3x2x8x1x8x129xf32, #tpu.memory_space<vmem>> -> memref<1x1x8x1x8x129xf32, #tpu.memory_space<vmem>>
          %scatter3A_699 = tpu.memref_squeeze %scatter3A_698 : memref<1x1x8x1x8x129xf32, #tpu.memory_space<vmem>> -> memref<8x1x8x129xf32, #tpu.memory_space<vmem>>
          tpu.vector_store_idx %scatter3A_699[%add3A_61, %broadcast_in_dim3A_1, %select_n3A_171, %add3A_663], %mul3A_691 : memref<8x1x8x129xf32, #tpu.memory_space<vmem>>[vector<16xi32>, vector<16xi32>, vector<16xi32>, vector<16xi32>], vector<16xf32>,
          %get3A_700 = arith.constant 2 : i32
          %get3A_701 = arith.constant 1 : i32
          %get3A_702 = arith.index_cast %get3A_700 : i32 to index
          %get3A_703 = arith.index_cast %get3A_701 : i32 to index
          %get3A_704 = arith.index_cast %add3A_661 : i32 to index
          %get3A_705 = arith.constant 32 : index
          %get3A_706 = tpu.vector_load %arg6[%get3A_702, %get3A_703, %get3A_704, %get3A_705] {strides = array<i32>} : memref<3x2x128x64xf32, #tpu.memory_space<vmem>>, vector<16xf32>,
          %mul3A_707 = arith.constant 8.000000e+00 : f32
          %mul3A_708 = vector.broadcast %mul3A_707 : f32 to vector<16xf32>
          %mul3A_709 = arith.mulf %get3A_706, %mul3A_708 : vector<16xf32>
          %scatter3A_710 = arith.constant 2 : i32
          %scatter3A_711 = arith.constant 1 : i32
          %scatter3A_712 = arith.constant 0 : i32
          %scatter3A_713 = arith.constant 0 : i32
          %scatter3A_714 = arith.constant 0 : i32
          %scatter3A_715 = arith.constant 0 : i32
          %scatter3A_716 = tpu.memref_slice %arg7[%scatter3A_710, %scatter3A_711, %scatter3A_712, %scatter3A_713, %scatter3A_714, %scatter3A_715] : memref<3x2x8x1x8x129xf32, #tpu.memory_space<vmem>> -> memref<1x1x8x1x8x129xf32, #tpu.memory_space<vmem>>
          %scatter3A_717 = tpu.memref_squeeze %scatter3A_716 : memref<1x1x8x1x8x129xf32, #tpu.memory_space<vmem>> -> memref<8x1x8x129xf32, #tpu.memory_space<vmem>>
          tpu.vector_store_idx %scatter3A_717[%add3A_95, %broadcast_in_dim3A_1, %select_n3A_193, %add3A_663], %mul3A_709 : memref<8x1x8x129xf32, #tpu.memory_space<vmem>>[vector<16xi32>, vector<16xi32>, vector<16xi32>, vector<16xi32>], vector<16xf32>,
          %get3A_718 = arith.constant 2 : i32
          %get3A_719 = arith.constant 1 : i32
          %get3A_720 = arith.index_cast %get3A_718 : i32 to index
          %get3A_721 = arith.index_cast %get3A_719 : i32 to index
          %get3A_722 = arith.index_cast %add3A_661 : i32 to index
          %get3A_723 = arith.constant 48 : index
          %get3A_724 = tpu.vector_load %arg6[%get3A_720, %get3A_721, %get3A_722, %get3A_723] {strides = array<i32>} : memref<3x2x128x64xf32, #tpu.memory_space<vmem>>, vector<16xf32>,
          %mul3A_725 = arith.constant 8.000000e+00 : f32
          %mul3A_726 = vector.broadcast %mul3A_725 : f32 to vector<16xf32>
          %mul3A_727 = arith.mulf %get3A_724, %mul3A_726 : vector<16xf32>
          %scatter3A_728 = arith.constant 2 : i32
          %scatter3A_729 = arith.constant 1 : i32
          %scatter3A_730 = arith.constant 0 : i32
          %scatter3A_731 = arith.constant 0 : i32
          %scatter3A_732 = arith.constant 0 : i32
          %scatter3A_733 = arith.constant 0 : i32
          %scatter3A_734 = tpu.memref_slice %arg7[%scatter3A_728, %scatter3A_729, %scatter3A_730, %scatter3A_731, %scatter3A_732, %scatter3A_733] : memref<3x2x8x1x8x129xf32, #tpu.memory_space<vmem>> -> memref<1x1x8x1x8x129xf32, #tpu.memory_space<vmem>>
          %scatter3A_735 = tpu.memref_squeeze %scatter3A_734 : memref<1x1x8x1x8x129xf32, #tpu.memory_space<vmem>> -> memref<8x1x8x129xf32, #tpu.memory_space<vmem>>
          tpu.vector_store_idx %scatter3A_735[%add3A_129, %broadcast_in_dim3A_1, %select_n3A_215, %add3A_663], %mul3A_727 : memref<8x1x8x129xf32, #tpu.memory_space<vmem>>[vector<16xi32>, vector<16xi32>, vector<16xi32>, vector<16xi32>], vector<16xf32>,
          %scan3A_736 = arith.constant 3 : i32
          %scan3A_737 = arith.addi %scan3A_499, %scan3A_736 : i32
          %mul3A_738 = arith.constant 1 : i32
          %mul3A_739 = arith.muli %scan3A_737, %mul3A_738 : i32
          %add3A_740 = arith.constant 0 : i32
          %add3A_741 = arith.addi %add3A_740, %mul3A_739 : i32
          %add3A_742 = vector.broadcast %add3A_741 : i32 to vector<16xi32>
          %add3A_743 = arith.addi %broadcast_in_dim3A_1, %add3A_742 : vector<16xi32>
          %get3A_744 = arith.constant 2 : i32
          %get3A_745 = arith.constant 1 : i32
          %get3A_746 = arith.index_cast %get3A_744 : i32 to index
          %get3A_747 = arith.index_cast %get3A_745 : i32 to index
          %get3A_748 = arith.index_cast %add3A_741 : i32 to index
          %get3A_749 = arith.constant 0 : index
          %get3A_750 = tpu.vector_load %arg6[%get3A_746, %get3A_747, %get3A_748, %get3A_749] {strides = array<i32>} : memref<3x2x128x64xf32, #tpu.memory_space<vmem>>, vector<16xf32>,
          %mul3A_751 = arith.constant 8.000000e+00 : f32
          %mul3A_752 = vector.broadcast %mul3A_751 : f32 to vector<16xf32>
          %mul3A_753 = arith.mulf %get3A_750, %mul3A_752 : vector<16xf32>
          %scatter3A_754 = arith.constant 2 : i32
          %scatter3A_755 = arith.constant 1 : i32
          %scatter3A_756 = arith.constant 0 : i32
          %scatter3A_757 = arith.constant 0 : i32
          %scatter3A_758 = arith.constant 0 : i32
          %scatter3A_759 = arith.constant 0 : i32
          %scatter3A_760 = tpu.memref_slice %arg7[%scatter3A_754, %scatter3A_755, %scatter3A_756, %scatter3A_757, %scatter3A_758, %scatter3A_759] : memref<3x2x8x1x8x129xf32, #tpu.memory_space<vmem>> -> memref<1x1x8x1x8x129xf32, #tpu.memory_space<vmem>>
          %scatter3A_761 = tpu.memref_squeeze %scatter3A_760 : memref<1x1x8x1x8x129xf32, #tpu.memory_space<vmem>> -> memref<8x1x8x129xf32, #tpu.memory_space<vmem>>
          tpu.vector_store_idx %scatter3A_761[%add3A_27, %broadcast_in_dim3A_1, %select_n3A_149, %add3A_743], %mul3A_753 : memref<8x1x8x129xf32, #tpu.memory_space<vmem>>[vector<16xi32>, vector<16xi32>, vector<16xi32>, vector<16xi32>], vector<16xf32>,
          %get3A_762 = arith.constant 2 : i32
          %get3A_763 = arith.constant 1 : i32
          %get3A_764 = arith.index_cast %get3A_762 : i32 to index
          %get3A_765 = arith.index_cast %get3A_763 : i32 to index
          %get3A_766 = arith.index_cast %add3A_741 : i32 to index
          %get3A_767 = arith.constant 16 : index
          %get3A_768 = tpu.vector_load %arg6[%get3A_764, %get3A_765, %get3A_766, %get3A_767] {strides = array<i32>} : memref<3x2x128x64xf32, #tpu.memory_space<vmem>>, vector<16xf32>,
          %mul3A_769 = arith.constant 8.000000e+00 : f32
          %mul3A_770 = vector.broadcast %mul3A_769 : f32 to vector<16xf32>
          %mul3A_771 = arith.mulf %get3A_768, %mul3A_770 : vector<16xf32>
          %scatter3A_772 = arith.constant 2 : i32
          %scatter3A_773 = arith.constant 1 : i32
          %scatter3A_774 = arith.constant 0 : i32
          %scatter3A_775 = arith.constant 0 : i32
          %scatter3A_776 = arith.constant 0 : i32
          %scatter3A_777 = arith.constant 0 : i32
          %scatter3A_778 = tpu.memref_slice %arg7[%scatter3A_772, %scatter3A_773, %scatter3A_774, %scatter3A_775, %scatter3A_776, %scatter3A_777] : memref<3x2x8x1x8x129xf32, #tpu.memory_space<vmem>> -> memref<1x1x8x1x8x129xf32, #tpu.memory_space<vmem>>
          %scatter3A_779 = tpu.memref_squeeze %scatter3A_778 : memref<1x1x8x1x8x129xf32, #tpu.memory_space<vmem>> -> memref<8x1x8x129xf32, #tpu.memory_space<vmem>>
          tpu.vector_store_idx %scatter3A_779[%add3A_61, %broadcast_in_dim3A_1, %select_n3A_171, %add3A_743], %mul3A_771 : memref<8x1x8x129xf32, #tpu.memory_space<vmem>>[vector<16xi32>, vector<16xi32>, vector<16xi32>, vector<16xi32>], vector<16xf32>,
          %get3A_780 = arith.constant 2 : i32
          %get3A_781 = arith.constant 1 : i32
          %get3A_782 = arith.index_cast %get3A_780 : i32 to index
          %get3A_783 = arith.index_cast %get3A_781 : i32 to index
          %get3A_784 = arith.index_cast %add3A_741 : i32 to index
          %get3A_785 = arith.constant 32 : index
          %get3A_786 = tpu.vector_load %arg6[%get3A_782, %get3A_783, %get3A_784, %get3A_785] {strides = array<i32>} : memref<3x2x128x64xf32, #tpu.memory_space<vmem>>, vector<16xf32>,
          %mul3A_787 = arith.constant 8.000000e+00 : f32
          %mul3A_788 = vector.broadcast %mul3A_787 : f32 to vector<16xf32>
          %mul3A_789 = arith.mulf %get3A_786, %mul3A_788 : vector<16xf32>
          %scatter3A_790 = arith.constant 2 : i32
          %scatter3A_791 = arith.constant 1 : i32
          %scatter3A_792 = arith.constant 0 : i32
          %scatter3A_793 = arith.constant 0 : i32
          %scatter3A_794 = arith.constant 0 : i32
          %scatter3A_795 = arith.constant 0 : i32
          %scatter3A_796 = tpu.memref_slice %arg7[%scatter3A_790, %scatter3A_791, %scatter3A_792, %scatter3A_793, %scatter3A_794, %scatter3A_795] : memref<3x2x8x1x8x129xf32, #tpu.memory_space<vmem>> -> memref<1x1x8x1x8x129xf32, #tpu.memory_space<vmem>>
          %scatter3A_797 = tpu.memref_squeeze %scatter3A_796 : memref<1x1x8x1x8x129xf32, #tpu.memory_space<vmem>> -> memref<8x1x8x129xf32, #tpu.memory_space<vmem>>
          tpu.vector_store_idx %scatter3A_797[%add3A_95, %broadcast_in_dim3A_1, %select_n3A_193, %add3A_743], %mul3A_789 : memref<8x1x8x129xf32, #tpu.memory_space<vmem>>[vector<16xi32>, vector<16xi32>, vector<16xi32>, vector<16xi32>], vector<16xf32>,
          %get3A_798 = arith.constant 2 : i32
          %get3A_799 = arith.constant 1 : i32
          %get3A_800 = arith.index_cast %get3A_798 : i32 to index
          %get3A_801 = arith.index_cast %get3A_799 : i32 to index
          %get3A_802 = arith.index_cast %add3A_741 : i32 to index
          %get3A_803 = arith.constant 48 : index
          %get3A_804 = tpu.vector_load %arg6[%get3A_800, %get3A_801, %get3A_802, %get3A_803] {strides = array<i32>} : memref<3x2x128x64xf32, #tpu.memory_space<vmem>>, vector<16xf32>,
          %mul3A_805 = arith.constant 8.000000e+00 : f32
          %mul3A_806 = vector.broadcast %mul3A_805 : f32 to vector<16xf32>
          %mul3A_807 = arith.mulf %get3A_804, %mul3A_806 : vector<16xf32>
          %scatter3A_808 = arith.constant 2 : i32
          %scatter3A_809 = arith.constant 1 : i32
          %scatter3A_810 = arith.constant 0 : i32
          %scatter3A_811 = arith.constant 0 : i32
          %scatter3A_812 = arith.constant 0 : i32
          %scatter3A_813 = arith.constant 0 : i32
          %scatter3A_814 = tpu.memref_slice %arg7[%scatter3A_808, %scatter3A_809, %scatter3A_810, %scatter3A_811, %scatter3A_812, %scatter3A_813] : memref<3x2x8x1x8x129xf32, #tpu.memory_space<vmem>> -> memref<1x1x8x1x8x129xf32, #tpu.memory_space<vmem>>
          %scatter3A_815 = tpu.memref_squeeze %scatter3A_814 : memref<1x1x8x1x8x129xf32, #tpu.memory_space<vmem>> -> memref<8x1x8x129xf32, #tpu.memory_space<vmem>>
          tpu.vector_store_idx %scatter3A_815[%add3A_129, %broadcast_in_dim3A_1, %select_n3A_215, %add3A_743], %mul3A_807 : memref<8x1x8x129xf32, #tpu.memory_space<vmem>>[vector<16xi32>, vector<16xi32>, vector<16xi32>, vector<16xi32>], vector<16xf32>,
        }
        %scan3A_446 = arith.constant 128 : i32
        %mul3A_447 = arith.constant 2 : i32
        %mul3A_448 = arith.muli %add3A_396, %mul3A_447 : i32
        %add3A_449 = arith.constant 0 : i32
        %add3A_450 = arith.addi %mul3A_448, %add3A_449 : i32
        %mul3A_451 = arith.constant 8 : i32
        %mul3A_452 = arith.muli %add3A_450, %mul3A_451 : i32
        %dma_start3A_453 = arith.constant 2 : i32
        %dma_start3A_454 = arith.constant 0 : i32
        %dma_start3A_455 = arith.constant 0 : i32
        %dma_start3A_456 = arith.constant 0 : i32
        %dma_start3A_457 = arith.constant 0 : i32
        %dma_start3A_458 = arith.constant 0 : i32
        %dma_start3A_459 = tpu.memref_slice %arg7[%dma_start3A_453, %dma_start3A_454, %dma_start3A_455, %dma_start3A_456, %dma_start3A_457, %dma_start3A_458] : memref<3x2x8x1x8x129xf32, #tpu.memory_space<vmem>> -> memref<1x1x8x1x8x128xf32, #tpu.memory_space<vmem>>
        %dma_start3A_460 = tpu.memref_squeeze %dma_start3A_459 : memref<1x1x8x1x8x128xf32, #tpu.memory_space<vmem>> -> memref<8x1x8x128xf32, #tpu.memory_space<vmem>>
        %dma_start3A_461 = arith.constant 0 : i32
        %dma_start3A_462 = arith.constant 0 : i32
        %dma_start3A_463 = tpu.memref_slice %arg4[%mul3A_452, %add3A, %dma_start3A_461, %dma_start3A_462] : memref<1600x32x8x128xf32, #tpu.memory_space<hbm>> -> memref<8x1x8x128xf32, #tpu.memory_space<hbm>>
        %dma_start3A_464 = arith.constant 0 : i32
        %dma_start3A_465 = arith.constant 0 : i32
        %dma_start3A_466 = tpu.memref_slice %arg4[%mul3A_452, %add3A, %dma_start3A_464, %dma_start3A_465] : memref<1600x32x8x128xf32, #tpu.memory_space<hbm>> -> memref<8x1x8x128xf32, #tpu.memory_space<hbm>>
        %dma_start3A_467 = arith.constant 0 : i32
        %dma_start3A_468 = arith.constant 0 : i32
        %dma_start3A_469 = arith.constant 0 : i32
        %dma_start3A_470 = arith.constant 0 : i32
        %dma_start3A_471 = tpu.memref_slice %arg7[%dma_start3A_453, %dma_start3A_454, %dma_start3A_467, %dma_start3A_468, %dma_start3A_469, %dma_start3A_470] : memref<3x2x8x1x8x129xf32, #tpu.memory_space<vmem>> -> memref<1x1x8x1x8x128xf32, #tpu.memory_space<vmem>>
        %dma_start3A_472 = tpu.memref_squeeze %dma_start3A_471 : memref<1x1x8x1x8x128xf32, #tpu.memory_space<vmem>> -> memref<8x1x8x128xf32, #tpu.memory_space<vmem>>
        tpu.enqueue_dma source(%dma_start3A_472 : memref<8x1x8x128xf32, #tpu.memory_space<vmem>>) target(%dma_start3A_466 : memref<8x1x8x128xf32, #tpu.memory_space<hbm>>) target_semaphore(%arg13 : memref<!tpu.dma_semaphore, #tpu.memory_space<semaphore_mem>>)
        %mul3A_473 = arith.constant 2 : i32
        %mul3A_474 = arith.muli %add3A_396, %mul3A_473 : i32
        %add3A_475 = arith.constant 1 : i32
        %add3A_476 = arith.addi %mul3A_474, %add3A_475 : i32
        %mul3A_477 = arith.constant 8 : i32
        %mul3A_478 = arith.muli %add3A_476, %mul3A_477 : i32
        %dma_start3A_479 = arith.constant 2 : i32
        %dma_start3A_480 = arith.constant 1 : i32
        %dma_start3A_481 = arith.constant 0 : i32
        %dma_start3A_482 = arith.constant 0 : i32
        %dma_start3A_483 = arith.constant 0 : i32
        %dma_start3A_484 = arith.constant 0 : i32
        %dma_start3A_485 = tpu.memref_slice %arg7[%dma_start3A_479, %dma_start3A_480, %dma_start3A_481, %dma_start3A_482, %dma_start3A_483, %dma_start3A_484] : memref<3x2x8x1x8x129xf32, #tpu.memory_space<vmem>> -> memref<1x1x8x1x8x128xf32, #tpu.memory_space<vmem>>
        %dma_start3A_486 = tpu.memref_squeeze %dma_start3A_485 : memref<1x1x8x1x8x128xf32, #tpu.memory_space<vmem>> -> memref<8x1x8x128xf32, #tpu.memory_space<vmem>>
        %dma_start3A_487 = arith.constant 0 : i32
        %dma_start3A_488 = arith.constant 0 : i32
        %dma_start3A_489 = tpu.memref_slice %arg4[%mul3A_478, %add3A, %dma_start3A_487, %dma_start3A_488] : memref<1600x32x8x128xf32, #tpu.memory_space<hbm>> -> memref<8x1x8x128xf32, #tpu.memory_space<hbm>>
        %dma_start3A_490 = arith.constant 0 : i32
        %dma_start3A_491 = arith.constant 0 : i32
        %dma_start3A_492 = tpu.memref_slice %arg4[%mul3A_478, %add3A, %dma_start3A_490, %dma_start3A_491] : memref<1600x32x8x128xf32, #tpu.memory_space<hbm>> -> memref<8x1x8x128xf32, #tpu.memory_space<hbm>>
        %dma_start3A_493 = arith.constant 0 : i32
        %dma_start3A_494 = arith.constant 0 : i32
        %dma_start3A_495 = arith.constant 0 : i32
        %dma_start3A_496 = arith.constant 0 : i32
        %dma_start3A_497 = tpu.memref_slice %arg7[%dma_start3A_479, %dma_start3A_480, %dma_start3A_493, %dma_start3A_494, %dma_start3A_495, %dma_start3A_496] : memref<3x2x8x1x8x129xf32, #tpu.memory_space<vmem>> -> memref<1x1x8x1x8x128xf32, #tpu.memory_space<vmem>>
        %dma_start3A_498 = tpu.memref_squeeze %dma_start3A_497 : memref<1x1x8x1x8x128xf32, #tpu.memory_space<vmem>> -> memref<8x1x8x128xf32, #tpu.memory_space<vmem>>
        tpu.enqueue_dma source(%dma_start3A_498 : memref<8x1x8x128xf32, #tpu.memory_space<vmem>>) target(%dma_start3A_492 : memref<8x1x8x128xf32, #tpu.memory_space<hbm>>) target_semaphore(%arg13 : memref<!tpu.dma_semaphore, #tpu.memory_space<semaphore_mem>>)
      } else {
      }
    }
    %scan3A_246 = arith.constant 34 : i32
    %dma_wait3A = arith.constant 1 : i32
    %dma_wait3A_247 = arith.constant 0 : i32
    %dma_wait3A_248 = arith.constant 0 : i32
    %dma_wait3A_249 = arith.constant 0 : i32
    %dma_wait3A_250 = arith.constant 0 : i32
    %dma_wait3A_251 = arith.constant 0 : i32
    %dma_wait3A_252 = tpu.memref_slice %arg7[%dma_wait3A, %dma_wait3A_247, %dma_wait3A_248, %dma_wait3A_249, %dma_wait3A_250, %dma_wait3A_251] : memref<3x2x8x1x8x129xf32, #tpu.memory_space<vmem>> -> memref<1x1x8x1x8x128xf32, #tpu.memory_space<vmem>>
    %dma_wait3A_253 = tpu.memref_squeeze %dma_wait3A_252 : memref<1x1x8x1x8x128xf32, #tpu.memory_space<vmem>> -> memref<8x1x8x128xf32, #tpu.memory_space<vmem>>
    %dma_wait3A_254 = arith.constant 1552 : i32
    %dma_wait3A_255 = arith.constant 0 : i32
    %dma_wait3A_256 = arith.constant 0 : i32
    %dma_wait3A_257 = tpu.memref_slice %arg4[%dma_wait3A_254, %add3A, %dma_wait3A_255, %dma_wait3A_256] : memref<1600x32x8x128xf32, #tpu.memory_space<hbm>> -> memref<8x1x8x128xf32, #tpu.memory_space<hbm>>
    %dma_wait3A_258 = arith.constant 1552 : i32
    %dma_wait3A_259 = arith.constant 0 : i32
    %dma_wait3A_260 = arith.constant 0 : i32
    %dma_wait3A_261 = tpu.memref_slice %arg4[%dma_wait3A_258, %add3A, %dma_wait3A_259, %dma_wait3A_260] : memref<1600x32x8x128xf32, #tpu.memory_space<hbm>> -> memref<8x1x8x128xf32, #tpu.memory_space<hbm>>
    %dma_wait3A_262 = arith.constant 0 : i32
    %dma_wait3A_263 = arith.constant 0 : i32
    %dma_wait3A_264 = arith.constant 0 : i32
    %dma_wait3A_265 = arith.constant 0 : i32
    %dma_wait3A_266 = tpu.memref_slice %arg7[%dma_wait3A, %dma_wait3A_247, %dma_wait3A_262, %dma_wait3A_263, %dma_wait3A_264, %dma_wait3A_265] : memref<3x2x8x1x8x129xf32, #tpu.memory_space<vmem>> -> memref<1x1x8x1x8x128xf32, #tpu.memory_space<vmem>>
    %dma_wait3A_267 = tpu.memref_squeeze %dma_wait3A_266 : memref<1x1x8x1x8x128xf32, #tpu.memory_space<vmem>> -> memref<8x1x8x128xf32, #tpu.memory_space<vmem>>
    tpu.wait_dma2 semaphore(%arg12 : memref<!tpu.dma_semaphore, #tpu.memory_space<semaphore_mem>>) src(%dma_wait3A_267 : memref<8x1x8x128xf32, #tpu.memory_space<vmem>>) dst(%dma_wait3A_261 : memref<8x1x8x128xf32, #tpu.memory_space<hbm>>)
    %dma_wait3A_268 = arith.constant 1 : i32
    %dma_wait3A_269 = arith.constant 1 : i32
    %dma_wait3A_270 = arith.constant 0 : i32
    %dma_wait3A_271 = arith.constant 0 : i32
    %dma_wait3A_272 = arith.constant 0 : i32
    %dma_wait3A_273 = arith.constant 0 : i32
    %dma_wait3A_274 = tpu.memref_slice %arg7[%dma_wait3A_268, %dma_wait3A_269, %dma_wait3A_270, %dma_wait3A_271, %dma_wait3A_272, %dma_wait3A_273] : memref<3x2x8x1x8x129xf32, #tpu.memory_space<vmem>> -> memref<1x1x8x1x8x128xf32, #tpu.memory_space<vmem>>
    %dma_wait3A_275 = tpu.memref_squeeze %dma_wait3A_274 : memref<1x1x8x1x8x128xf32, #tpu.memory_space<vmem>> -> memref<8x1x8x128xf32, #tpu.memory_space<vmem>>
    %dma_wait3A_276 = arith.constant 1560 : i32
    %dma_wait3A_277 = arith.constant 0 : i32
    %dma_wait3A_278 = arith.constant 0 : i32
    %dma_wait3A_279 = tpu.memref_slice %arg4[%dma_wait3A_276, %add3A, %dma_wait3A_277, %dma_wait3A_278] : memref<1600x32x8x128xf32, #tpu.memory_space<hbm>> -> memref<8x1x8x128xf32, #tpu.memory_space<hbm>>
    %dma_wait3A_280 = arith.constant 1560 : i32
    %dma_wait3A_281 = arith.constant 0 : i32
    %dma_wait3A_282 = arith.constant 0 : i32
    %dma_wait3A_283 = tpu.memref_slice %arg4[%dma_wait3A_280, %add3A, %dma_wait3A_281, %dma_wait3A_282] : memref<1600x32x8x128xf32, #tpu.memory_space<hbm>> -> memref<8x1x8x128xf32, #tpu.memory_space<hbm>>
    %dma_wait3A_284 = arith.constant 0 : i32
    %dma_wait3A_285 = arith.constant 0 : i32
    %dma_wait3A_286 = arith.constant 0 : i32
    %dma_wait3A_287 = arith.constant 0 : i32
    %dma_wait3A_288 = tpu.memref_slice %arg7[%dma_wait3A_268, %dma_wait3A_269, %dma_wait3A_284, %dma_wait3A_285, %dma_wait3A_286, %dma_wait3A_287] : memref<3x2x8x1x8x129xf32, #tpu.memory_space<vmem>> -> memref<1x1x8x1x8x128xf32, #tpu.memory_space<vmem>>
    %dma_wait3A_289 = tpu.memref_squeeze %dma_wait3A_288 : memref<1x1x8x1x8x128xf32, #tpu.memory_space<vmem>> -> memref<8x1x8x128xf32, #tpu.memory_space<vmem>>
    tpu.wait_dma2 semaphore(%arg12 : memref<!tpu.dma_semaphore, #tpu.memory_space<semaphore_mem>>) src(%dma_wait3A_289 : memref<8x1x8x128xf32, #tpu.memory_space<vmem>>) dst(%dma_wait3A_283 : memref<8x1x8x128xf32, #tpu.memory_space<hbm>>)
    %dma_wait3A_290 = arith.constant 2 : i32
    %dma_wait3A_291 = arith.constant 0 : i32
    %dma_wait3A_292 = arith.constant 0 : i32
    %dma_wait3A_293 = arith.constant 0 : i32
    %dma_wait3A_294 = arith.constant 0 : i32
    %dma_wait3A_295 = arith.constant 0 : i32
    %dma_wait3A_296 = tpu.memref_slice %arg7[%dma_wait3A_290, %dma_wait3A_291, %dma_wait3A_292, %dma_wait3A_293, %dma_wait3A_294, %dma_wait3A_295] : memref<3x2x8x1x8x129xf32, #tpu.memory_space<vmem>> -> memref<1x1x8x1x8x128xf32, #tpu.memory_space<vmem>>
    %dma_wait3A_297 = tpu.memref_squeeze %dma_wait3A_296 : memref<1x1x8x1x8x128xf32, #tpu.memory_space<vmem>> -> memref<8x1x8x128xf32, #tpu.memory_space<vmem>>
    %dma_wait3A_298 = arith.constant 1568 : i32
    %dma_wait3A_299 = arith.constant 0 : i32
    %dma_wait3A_300 = arith.constant 0 : i32
    %dma_wait3A_301 = tpu.memref_slice %arg4[%dma_wait3A_298, %add3A, %dma_wait3A_299, %dma_wait3A_300] : memref<1600x32x8x128xf32, #tpu.memory_space<hbm>> -> memref<8x1x8x128xf32, #tpu.memory_space<hbm>>
    %dma_wait3A_302 = arith.constant 1568 : i32
    %dma_wait3A_303 = arith.constant 0 : i32
    %dma_wait3A_304 = arith.constant 0 : i32
    %dma_wait3A_305 = tpu.memref_slice %arg4[%dma_wait3A_302, %add3A, %dma_wait3A_303, %dma_wait3A_304] : memref<1600x32x8x128xf32, #tpu.memory_space<hbm>> -> memref<8x1x8x128xf32, #tpu.memory_space<hbm>>
    %dma_wait3A_306 = arith.constant 0 : i32
    %dma_wait3A_307 = arith.constant 0 : i32
    %dma_wait3A_308 = arith.constant 0 : i32
    %dma_wait3A_309 = arith.constant 0 : i32
    %dma_wait3A_310 = tpu.memref_slice %arg7[%dma_wait3A_290, %dma_wait3A_291, %dma_wait3A_306, %dma_wait3A_307, %dma_wait3A_308, %dma_wait3A_309] : memref<3x2x8x1x8x129xf32, #tpu.memory_space<vmem>> -> memref<1x1x8x1x8x128xf32, #tpu.memory_space<vmem>>
    %dma_wait3A_311 = tpu.memref_squeeze %dma_wait3A_310 : memref<1x1x8x1x8x128xf32, #tpu.memory_space<vmem>> -> memref<8x1x8x128xf32, #tpu.memory_space<vmem>>
    tpu.wait_dma2 semaphore(%arg13 : memref<!tpu.dma_semaphore, #tpu.memory_space<semaphore_mem>>) src(%dma_wait3A_311 : memref<8x1x8x128xf32, #tpu.memory_space<vmem>>) dst(%dma_wait3A_305 : memref<8x1x8x128xf32, #tpu.memory_space<hbm>>)
    %dma_wait3A_312 = arith.constant 2 : i32
    %dma_wait3A_313 = arith.constant 1 : i32
    %dma_wait3A_314 = arith.constant 0 : i32
    %dma_wait3A_315 = arith.constant 0 : i32
    %dma_wait3A_316 = arith.constant 0 : i32
    %dma_wait3A_317 = arith.constant 0 : i32
    %dma_wait3A_318 = tpu.memref_slice %arg7[%dma_wait3A_312, %dma_wait3A_313, %dma_wait3A_314, %dma_wait3A_315, %dma_wait3A_316, %dma_wait3A_317] : memref<3x2x8x1x8x129xf32, #tpu.memory_space<vmem>> -> memref<1x1x8x1x8x128xf32, #tpu.memory_space<vmem>>
    %dma_wait3A_319 = tpu.memref_squeeze %dma_wait3A_318 : memref<1x1x8x1x8x128xf32, #tpu.memory_space<vmem>> -> memref<8x1x8x128xf32, #tpu.memory_space<vmem>>
    %dma_wait3A_320 = arith.constant 1576 : i32
    %dma_wait3A_321 = arith.constant 0 : i32
    %dma_wait3A_322 = arith.constant 0 : i32
    %dma_wait3A_323 = tpu.memref_slice %arg4[%dma_wait3A_320, %add3A, %dma_wait3A_321, %dma_wait3A_322] : memref<1600x32x8x128xf32, #tpu.memory_space<hbm>> -> memref<8x1x8x128xf32, #tpu.memory_space<hbm>>
    %dma_wait3A_324 = arith.constant 1576 : i32
    %dma_wait3A_325 = arith.constant 0 : i32
    %dma_wait3A_326 = arith.constant 0 : i32
    %dma_wait3A_327 = tpu.memref_slice %arg4[%dma_wait3A_324, %add3A, %dma_wait3A_325, %dma_wait3A_326] : memref<1600x32x8x128xf32, #tpu.memory_space<hbm>> -> memref<8x1x8x128xf32, #tpu.memory_space<hbm>>
    %dma_wait3A_328 = arith.constant 0 : i32
    %dma_wait3A_329 = arith.constant 0 : i32
    %dma_wait3A_330 = arith.constant 0 : i32
    %dma_wait3A_331 = arith.constant 0 : i32
    %dma_wait3A_332 = tpu.memref_slice %arg7[%dma_wait3A_312, %dma_wait3A_313, %dma_wait3A_328, %dma_wait3A_329, %dma_wait3A_330, %dma_wait3A_331] : memref<3x2x8x1x8x129xf32, #tpu.memory_space<vmem>> -> memref<1x1x8x1x8x128xf32, #tpu.memory_space<vmem>>
    %dma_wait3A_333 = tpu.memref_squeeze %dma_wait3A_332 : memref<1x1x8x1x8x128xf32, #tpu.memory_space<vmem>> -> memref<8x1x8x128xf32, #tpu.memory_space<vmem>>
    tpu.wait_dma2 semaphore(%arg13 : memref<!tpu.dma_semaphore, #tpu.memory_space<semaphore_mem>>) src(%dma_wait3A_333 : memref<8x1x8x128xf32, #tpu.memory_space<vmem>>) dst(%dma_wait3A_327 : memref<8x1x8x128xf32, #tpu.memory_space<hbm>>)
    %dma_wait3A_334 = arith.constant 0 : i32
    %dma_wait3A_335 = arith.constant 0 : i32
    %dma_wait3A_336 = arith.constant 0 : i32
    %dma_wait3A_337 = arith.constant 0 : i32
    %dma_wait3A_338 = arith.constant 0 : i32
    %dma_wait3A_339 = arith.constant 0 : i32
    %dma_wait3A_340 = tpu.memref_slice %arg7[%dma_wait3A_334, %dma_wait3A_335, %dma_wait3A_336, %dma_wait3A_337, %dma_wait3A_338, %dma_wait3A_339] : memref<3x2x8x1x8x129xf32, #tpu.memory_space<vmem>> -> memref<1x1x8x1x8x128xf32, #tpu.memory_space<vmem>>
    %dma_wait3A_341 = tpu.memref_squeeze %dma_wait3A_340 : memref<1x1x8x1x8x128xf32, #tpu.memory_space<vmem>> -> memref<8x1x8x128xf32, #tpu.memory_space<vmem>>
    %dma_wait3A_342 = arith.constant 1584 : i32
    %dma_wait3A_343 = arith.constant 0 : i32
    %dma_wait3A_344 = arith.constant 0 : i32
    %dma_wait3A_345 = tpu.memref_slice %arg4[%dma_wait3A_342, %add3A, %dma_wait3A_343, %dma_wait3A_344] : memref<1600x32x8x128xf32, #tpu.memory_space<hbm>> -> memref<8x1x8x128xf32, #tpu.memory_space<hbm>>
    %dma_wait3A_346 = arith.constant 1584 : i32
    %dma_wait3A_347 = arith.constant 0 : i32
    %dma_wait3A_348 = arith.constant 0 : i32
    %dma_wait3A_349 = tpu.memref_slice %arg4[%dma_wait3A_346, %add3A, %dma_wait3A_347, %dma_wait3A_348] : memref<1600x32x8x128xf32, #tpu.memory_space<hbm>> -> memref<8x1x8x128xf32, #tpu.memory_space<hbm>>
    %dma_wait3A_350 = arith.constant 0 : i32
    %dma_wait3A_351 = arith.constant 0 : i32
    %dma_wait3A_352 = arith.constant 0 : i32
    %dma_wait3A_353 = arith.constant 0 : i32
    %dma_wait3A_354 = tpu.memref_slice %arg7[%dma_wait3A_334, %dma_wait3A_335, %dma_wait3A_350, %dma_wait3A_351, %dma_wait3A_352, %dma_wait3A_353] : memref<3x2x8x1x8x129xf32, #tpu.memory_space<vmem>> -> memref<1x1x8x1x8x128xf32, #tpu.memory_space<vmem>>
    %dma_wait3A_355 = tpu.memref_squeeze %dma_wait3A_354 : memref<1x1x8x1x8x128xf32, #tpu.memory_space<vmem>> -> memref<8x1x8x128xf32, #tpu.memory_space<vmem>>
    tpu.wait_dma2 semaphore(%arg11 : memref<!tpu.dma_semaphore, #tpu.memory_space<semaphore_mem>>) src(%dma_wait3A_355 : memref<8x1x8x128xf32, #tpu.memory_space<vmem>>) dst(%dma_wait3A_349 : memref<8x1x8x128xf32, #tpu.memory_space<hbm>>)
    %dma_wait3A_356 = arith.constant 0 : i32
    %dma_wait3A_357 = arith.constant 1 : i32
    %dma_wait3A_358 = arith.constant 0 : i32
    %dma_wait3A_359 = arith.constant 0 : i32
    %dma_wait3A_360 = arith.constant 0 : i32
    %dma_wait3A_361 = arith.constant 0 : i32
    %dma_wait3A_362 = tpu.memref_slice %arg7[%dma_wait3A_356, %dma_wait3A_357, %dma_wait3A_358, %dma_wait3A_359, %dma_wait3A_360, %dma_wait3A_361] : memref<3x2x8x1x8x129xf32, #tpu.memory_space<vmem>> -> memref<1x1x8x1x8x128xf32, #tpu.memory_space<vmem>>
    %dma_wait3A_363 = tpu.memref_squeeze %dma_wait3A_362 : memref<1x1x8x1x8x128xf32, #tpu.memory_space<vmem>> -> memref<8x1x8x128xf32, #tpu.memory_space<vmem>>
    %dma_wait3A_364 = arith.constant 1592 : i32
    %dma_wait3A_365 = arith.constant 0 : i32
    %dma_wait3A_366 = arith.constant 0 : i32
    %dma_wait3A_367 = tpu.memref_slice %arg4[%dma_wait3A_364, %add3A, %dma_wait3A_365, %dma_wait3A_366] : memref<1600x32x8x128xf32, #tpu.memory_space<hbm>> -> memref<8x1x8x128xf32, #tpu.memory_space<hbm>>
    %dma_wait3A_368 = arith.constant 1592 : i32
    %dma_wait3A_369 = arith.constant 0 : i32
    %dma_wait3A_370 = arith.constant 0 : i32
    %dma_wait3A_371 = tpu.memref_slice %arg4[%dma_wait3A_368, %add3A, %dma_wait3A_369, %dma_wait3A_370] : memref<1600x32x8x128xf32, #tpu.memory_space<hbm>> -> memref<8x1x8x128xf32, #tpu.memory_space<hbm>>
    %dma_wait3A_372 = arith.constant 0 : i32
    %dma_wait3A_373 = arith.constant 0 : i32
    %dma_wait3A_374 = arith.constant 0 : i32
    %dma_wait3A_375 = arith.constant 0 : i32
    %dma_wait3A_376 = tpu.memref_slice %arg7[%dma_wait3A_356, %dma_wait3A_357, %dma_wait3A_372, %dma_wait3A_373, %dma_wait3A_374, %dma_wait3A_375] : memref<3x2x8x1x8x129xf32, #tpu.memory_space<vmem>> -> memref<1x1x8x1x8x128xf32, #tpu.memory_space<vmem>>
    %dma_wait3A_377 = tpu.memref_squeeze %dma_wait3A_376 : memref<1x1x8x1x8x128xf32, #tpu.memory_space<vmem>> -> memref<8x1x8x128xf32, #tpu.memory_space<vmem>>
    tpu.wait_dma2 semaphore(%arg11 : memref<!tpu.dma_semaphore, #tpu.memory_space<semaphore_mem>>) src(%dma_wait3A_377 : memref<8x1x8x128xf32, #tpu.memory_space<vmem>>) dst(%dma_wait3A_371 : memref<8x1x8x128xf32, #tpu.memory_space<hbm>>)
    return
  }
}

</mosaic_0001>

<sc_bundles>
// kernel: kernel.3.cloned.1.call-start
scs
__scs_entry_jumppad:
0x0: {  	(pc) =	sbr.rel $0x88, $3  }
0x1: {  	(tag) =	ssettag $0x0;
	lr =	simm.s32 $0x1  }
0x2: {  	[smem:$0x3F9F] =	sst lr;
	_ =	strace $0xD0000000  }
0x3: {  	_ = 	snop  }
0x4: {  	_ = 	snop  }
0x5: {  	_ = 	snop  }
0x6: {  	_ = 	snop  }
0x7: {  	_ = 	snop  }
__scs_overlays_trampoline_lowered:
0x8: {  	[smem:$0x3FAE] =	sst s0  }
0x9: {  	[smem:$0x3FAF] =	sst s1  }
0xa: {  	[smem:$0x3FB0] =	sst s2  }
0xb: {  	[smem:$0x3FB1] =	sst s3  }
0xc: {  	[smem:$0x3FB2] =	sst s4  }
0xd: {  	[smem:$0x3FB3] =	sst s5  }
0xe: {  	[smem:$0x3FB4] =	sst s6  }
0xf: {  	[smem:$0x3FB5] =	sst s7  }
0x10: {  	[smem:$0x3FB6] =	sst s8  }
0x11: {  	[smem:$0x3FB7] =	sst s9;
	s0 =	simm.s32 @!p0 $0x0  }
0x12: {  	s1 =	sld [smem:$0x3F9D];
	s0 =	simm.s32 @p0 $0x1  }
0x13: {  	[smem:$0x3FB8] =	sst s0;
	s0 =	simm.s32 @!p1 $0x0  }
0x14: {  	s2 =	sld [smem:$0x3F9C];
	s0 =	simm.s32 @p1 $0x1  }
0x15: {  	[smem:$0x3FB9] =	sst s0;
	s0 =	simm.s32 @!p2 $0x0  }
0x16: {  	s3 =	sld [smem:$0x3FDB];
	s0 =	simm.s32 @p2 $0x1  }
0x17: {  	s4 =	simm.s32 $0x1BF5;
	[smem:$0x3FBB] =	sst s0  }
0x18: {  	s0 =	sld [smem:$0x3F9E];
	_ =	swait.ge [sflag:s4], $0x0  }
0x19: {  	s7 =	sld [smem:$0x3F9F]  }
0x1a: {  	s8 =	sadd.s32 $0xFFFFE003, lr  }
0x1b: {  	s9 =	sadd.s32 $0xFFFFFEF7, lr;
	s5 =	simm.s32 $0xFFFFFFFF;
	p2 =	slt.u32 s8, $0xFFFFF086  }
0x1c: {  	p1 =	slt.u32 s9, $0xF7A;
	s5 =	simm.s32 @!p2 $0x0  }
0x1d: {  	s5 =	simm.s32 @p1 $0x1;
	p0 =	seq.s32 s7, s2  }
0x1e: {  	s7 =	smul.u32 @!p0 $0xF7A, s2;
	p2 =	seq.s32 @!p0 s5, $0x0  }
0x1f: {  	s9 =	smul.u32 $0xF7A, s1;
	s8 =	simm.s32 @!p0 $0x1BF5;
	p2 =	por !p2, p0  }
0x20: {  	[sflag:s8] =	ssyncset.s32 @!p0 $0xFFFFF086;
	s6 =	sadd.s32 @!p0 s3, s7;
	s7 =	simm.s32 @!p0 $0x108  }
0x21: {  	s3 =	sadd.s32 s3, s9;
	s6 =	sadd.s32 @!p0 $0x88, s6;
	s7 =	simm.s32 @p2 $0x1082  }
0x22: {  	[simem:s7], [sflag:s8] =	dma.local @!p0 [hbm:s6], $0xF7A  }
0x23: {  	s9 =	sor.u32 $0xD0000000, s2;
	s6 =	simm.s32 $0x108;
	_ =	swait.ge @!p0 [sflag:s8], $0x0  }
0x24: {  	s3 =	sadd.s32 $0x88, s3;
	s6 =	simm.s32 @!p1 $0x1082;
	[sflag:s4] =	ssyncset.s32 $0xFFFFF086  }
0x25: {  	[simem:s6], [sflag:s4] =	dma.local [hbm:s3], $0xF7A  }
0x26: {  	[smem:$0x3F9F] =	sst s1;
	(tag) =	ssettag s2;
	_ =	strace s9  }
0x27: {  	s1 =	sld [smem:$0x3FAF]  }
0x28: {  	s2 =	sld [smem:$0x3FB0]  }
0x29: {  	s4 =	sld [smem:$0x3FB2]  }
0x2a: {  	p0 =	seq.s32 s5, $0x0;
	s5 =	sld [smem:$0x3FB3]  }
0x2b: {  	s6 =	sld [smem:$0x3FB4]  }
0x2c: {  	s7 =	sld [smem:$0x3FB5]  }
0x2d: {  	s3 =	simm.s32 $0x108;
	s8 =	sld [smem:$0x3FB6]  }
0x2e: {  	s3 =	simm.s32 @!p0 $0x1082;
	s9 =	sld [smem:$0x3FB7]  }
0x2f: {  	lr =	sadd.s32 s0, s3;
	s0 =	sld [smem:$0x3FAE]  }
0x30: {  	s3 =	sld [smem:$0x3FB1]  }
0x31: {  	[smem:$0x3FBA] =	sst s10  }
0x32: {  	s10 =	sld [smem:$0x3FB8];
	_ =	sdelay $0x3  }
0x33: {  	p0 =	seq.s32 s10, $0x1;
	s10 =	sld [smem:$0x3FBA];
	_ =	sdelay $0x3  }
0x34: {  	[smem:$0x3FBA] =	sst s10  }
0x35: {  	s10 =	sld [smem:$0x3FB9];
	_ =	sdelay $0x3  }
0x36: {  	p1 =	seq.s32 s10, $0x1;
	s10 =	sld [smem:$0x3FBA];
	_ =	sdelay $0x3  }
0x37: {  	[smem:$0x3FBA] =	sst s10  }
0x38: {  	s10 =	sld [smem:$0x3FBB]  }
0x39: {  	_ = 	snop;
	(pc) =	sbr.ind lr, $3  }
0x3a: {  	_ = 	snop  }
0x3b: {  	_ = 	snop  }
0x3c: {  	p2 =	seq.s32 s10, $0x1;
	s10 =	sld [smem:$0x3FBA]  }
0x3d: {  	_ =	shalt  }
0x3e: {  	_ =	shalt  }
0x3f: {  	_ =	shalt  }
0x40: {  	_ =	shalt  }
0x41: {  	_ =	shalt  }
0x42: {  	_ =	shalt  }
0x43: {  	_ =	shalt  }
0x44: {  	_ =	shalt  }
0x45: {  	_ =	shalt  }
0x46: {  	_ =	shalt  }
0x47: {  	_ =	shalt  }
0x48: {  	_ =	shalt  }
0x49: {  	_ =	shalt  }
0x4a: {  	_ =	shalt  }
0x4b: {  	_ =	shalt  }
0x4c: {  	_ =	shalt  }
0x4d: {  	_ =	shalt  }
0x4e: {  	_ =	shalt  }
0x4f: {  	_ =	shalt  }
0x50: {  	_ =	shalt  }
0x51: {  	_ =	shalt  }
0x52: {  	_ =	shalt  }
0x53: {  	_ =	shalt  }
0x54: {  	_ =	shalt  }
0x55: {  	_ =	shalt  }
0x56: {  	_ =	shalt  }
0x57: {  	_ =	shalt  }
0x58: {  	_ =	shalt  }
0x59: {  	_ =	shalt  }
0x5a: {  	_ =	shalt  }
0x5b: {  	_ =	shalt  }
0x5c: {  	_ =	shalt  }
0x5d: {  	_ =	shalt  }
0x5e: {  	_ =	shalt  }
0x5f: {  	_ =	shalt  }
0x60: {  	_ =	shalt  }
0x61: {  	_ =	shalt  }
0x62: {  	_ =	shalt  }
0x63: {  	_ =	shalt  }
0x64: {  	_ =	shalt  }
0x65: {  	_ =	shalt  }
0x66: {  	_ =	shalt  }
0x67: {  	_ =	shalt  }
0x68: {  	_ =	shalt  }
0x69: {  	_ =	shalt  }
0x6a: {  	_ =	shalt  }
0x6b: {  	_ =	shalt  }
0x6c: {  	_ =	shalt  }
0x6d: {  	_ =	shalt  }
0x6e: {  	_ =	shalt  }
0x6f: {  	_ =	shalt  }
0x70: {  	_ =	shalt  }
0x71: {  	_ =	shalt  }
0x72: {  	_ =	shalt  }
0x73: {  	_ =	shalt  }
0x74: {  	_ =	shalt  }
0x75: {  	_ =	shalt  }
0x76: {  	_ =	shalt  }
0x77: {  	_ =	shalt  }
0x78: {  	_ =	shalt  }
0x79: {  	_ =	shalt  }
0x7a: {  	_ =	shalt  }
0x7b: {  	_ =	shalt  }
0x7c: {  	_ =	shalt  }
0x7d: {  	_ =	shalt  }
0x7e: {  	_ =	shalt  }
0x7f: {  	_ =	shalt  }
0x80: {  	_ =	shalt  }
0x81: {  	_ =	shalt  }
0x82: {  	_ =	shalt  }
0x83: {  	_ =	shalt  }
0x84: {  	_ =	shalt  }
0x85: {  	_ =	shalt  }
0x86: {  	_ =	shalt  }
0x87: {  	_ =	shalt  }
.Lfunc_end0:
.L_simem_size_0:
called_computation_lowered:
.L_overlay_start_0:
0x88: {  	s2 =	sld [smem:$0x3FD9]  }
0x89: {  	s3 =	sld [smem:$0x3FFE];
	_ =	sdelay $0x1  }
0x8a: {  	s1 =	srdreg.scid  }
0x8b: {  	s0 =	sand.u32 $0x1, s1  }
0x8c: {  	s17 =	sshll.u32 s0, $0xA;
	s2 =	sadd.s32 s3, s2  }
0x8d: {  	s2 =	sadd.s32 s2, s17  }
0x8e: {  	[smem:$0x3FC6] =	sst s2  }
0x8f: {  	_ = 	snop  }
0x90: {  	s2 =	sld [smem:$0x3FD0];
	(tm) =	ssettm $0x1  }
0x91: {  	s18 =	sld [smem:$0x3FFB];
	_ =	sdelay $0x3  }
0x92: {  	_ =	strace s18  }
0x93: {  	s3 =	sld [smem:$0x3FFC];
	_ =	sdelay $0x3  }
0x94: {  	_ =	strace s3  }
0x95: {  	s3 =	sld [smem:$0x3FFD];
	_ =	sdelay $0x3  }
0x96: {  	_ =	strace s3  }
0x97: {  	_ =	strace $0x8FFFFFFF  }
0x98: {  	s19 =	sld [smem:$0x3FDB];
	_ =	sdelay $0x1  }
0x99: {  	s4 =	simm.s32 $_scs_section_size  }
0x9a: {  	s5 =	simm.s32 $_size__tile_overlayer_lowered;
	s6 =	simm.s32 $_tile_overlayer_lowered  }
0x9b: {  	s22 =	simm.s32 $0x1BFF;
	s21 =	sshll.u32 s6, $0x1;
	s3 =	sadd.s32 s4, s19  }
0x9c: {  	s7 =	simm.s32 $0x0;
	s20 =	sshll.u32 s5, $0x1;
	s5 =	sadd.s32 s21, s3  }
0x9d: {  	[timem:s7], [sflag:s22] =	dma.local [hbm:s5], s20  }
0x9e: {  	_ =	swait.ge [sflag:s22], s20  }
0x9f: {  	s4 =	ssub.s32 $0x0, s20;
	[sflag:s22] =	ssyncset.done $0x0  }
0xa0: {  	[sflag:s22] =	ssyncadd.s32 s4;
	_ =	sdelay $0x1  }
0xa1: {  	s23 =	simm.s32 $0x1B8B  }
0xa2: {  	_ =	swait.ge [sflag:s23], $0x1  }
0xa3: {  	[sflag:s23] =	ssyncset.done $0x0  }
0xa4: {  	s25 =	simm.s32 $0x1B8E;
	s24 =	sld [smem:$0x3FFE];
	[sflag:s23] =	ssyncadd.s32 $0xFFFFFFFF  }
0xa5: {  	s26 =	simm.s32 $execute0_lowered;
	[smem:$0x3FD2] =	sst s25  }
0xa6: {  	s5 =	sshll.u32 s26, $0x1;
	_ =	strace $0x80000046;
	[dreg:$0x1] =	wrdreg $0xFFFFFFFF  }
0xa7: {  	s28 =	simm.s32 $_size_execute0_lowered;
	s3 =	sadd.s32 s3, s5;
	[dreg:$0x0] =	wrdreg $0x0  }
0xa8: {  	s5 =	sshll.u32 s28, $0x1;
	[dreg:$0x2] =	wrdreg s3  }
0xa9: {  	[dreg:$0x3] =	wrdreg s5  }
0xaa: {  	[dreg:$0x4] =	wrdreg $0xC0  }
0xab: {  	_ =	task [dreg:s7], $0x5FFFF  }
0xac: {  	[dreg:$0x1] =	wrdreg $0xFFFFFFFF  }
0xad: {  	[dreg:$0x0] =	wrdreg $0x60  }
0xae: {  	[dreg:$0x2] =	wrdreg s24  }
0xaf: {  	[dreg:$0x3] =	wrdreg s2  }
0xb0: {  	[dreg:$0x4] =	wrdreg $0x9  }
0xb1: {  	_ =	task.clear_ibuf [dreg:s7], $0x5FFFF;
	_ =	strace $0x90000046  }
0xb2: {  	s29 =	simm.s32 $0x9;
	_ =	strace $0x80000048  }
0xb3: {  	_ =	swait.ge [sflag:s29], $0x1  }
0xb4: {  	[sflag:s29] =	ssyncadd.s32 $0xFFFFFFFF  }
0xb5: {  	_ =	strace $0x90000048  }
0xb6: {  	_ =	sfence  }
0xb7: {  	s30 =	sld [smem:$0x0];
	_ =	sdelay $0x2  }
0xb8: {  	s31 =	sshll.u32 s1, $0xD;
	s1 =	sshrl.u32 s1, $0x2  }
0xb9: {  	s3 =	sand.u32 $0x4000, s31;
	s1 =	sadd.s32 s1, s30  }
0xba: {  	s0 =	sor.u32 s3, s0;
	s1 =	sshll.u32 s1, $0x11  }
0xbb: {  	s0 =	sor.u32 s1, s0  }
0xbc: {  	s0 =	sadd.s32 $0x8F2B, s0  }
0xbd: {  	[sflag:s0] =	ssyncadd.remote.s32 $0x1  }
0xbe: {  	_ =	sfence.sel $0xFFFF  }
0xbf: {  	[dreg:$0x0] =	wrdreg $0xFFFFFFFF;
	(pc) =	sbr.abs _section_cstart, $3  }
0xc0: {  	[dreg:$0x1] =	wrdreg $0xFFFFFFFF  }
0xc1: {  	_ =	task.clear_ibuf [dreg:s7], $0x2FFFF;
	_ =	strace $0x9FFFFFFF  }
0xc2: {  	(tm) =	ssettm $0x7FFFFFFF  }
0xc3: {  	_ =	shalt  }
tec
execute0_lowered:
.L_overlay_start_1:
0x0: {  	(tag) =	ssettag $0x1  }
0x1: {  	s0 =	rddreg [dreg:$0x0];
	s1 =	srdreg.scid  }
0x2: {  	s3 =	stileid.u32;
	s2 =	rddreg [dreg:$0x1];
	s15 =	simm.s32 $0x7  }
0x3: {  	s16 =	simm.s32 $0x80;
	s31 =	simm.s32 $0x2;
	s14 =	simm.s32 $0x3  }
0x4: {  	s20 =	simm.s32 $0x14B00;
	s21 =	simm.s32 $0x16D00;
	s28 =	simm.s32 $0x6  }
0x5: {  	s10 =	simm.s32 $0x0;
	s1 =	sand.u32 $0x1, s1;
	s4 =	sshll.u32 s3, $0x1  }
0x6: {  	s3 =	simm.s32 $0x0;
	s5 =	sadd.s32 $0xF42A00, s0;
	s6 =	sor.u32 s1, s4  }
0x7: {  	[smem:$0x7FF] =	sst s3;
	s1 =	ssub.s32 $0x2, s1;
	s7 =	smul.u32 $0x6400, s6  }
0x8: {  	s4 =	sadd.s32 $0x600, s0;
	_ =	strace $0x80000047;
	s8 =	sshrl.u32 s1, $0x1  }
0x9: {  	s22 =	ssub.s32 s1, s8;
	s8 =	sshll.u32 s6, $0xA;
	s24 =	sor.u32 $0x100, s7  }
0xa: {  	s1 =	simm.s32 $0x10700;
	s25 =	sor.u32 $0x200, s7;
	[dreg:$0x4] =	wrdreg s24  }
0xb: {  	s6 =	simm.s32 $0x4;
	s26 =	sor.u32 $0x80000, s8;
	[dreg:$0x5] =	wrdreg s25  }
0xc: {  	s9 =	sshrl.u32 s7, $0x3;
	s29 =	sor.u32 $0x300, s7;
	[dreg:$0x6] =	wrdreg s26  }
.Ltmp0:
0xd: {  	s30 =	sor.u32 $0x100000, s8;
	[dreg:$0x7] =	wrdreg s29;
	(pc) =	sbr.rel .LBB2_1-.Ltmp0, $4  }
0xe: {  	v0 =	vlaneseq.u32;
	s0 =	smax.u32 s22, $0x1;
	s22 =	simm.s32 $0x5;
	[dreg:$0x8] =	wrdreg s30  }
0xf: {  	v0 =	vmul.u32 $0x88, v0;
	s23 =	sadd.s32 s4, s9;
	s9 =	sadd.s32 $0x8000, s2;
	[dreg:$0x9] =	wrdreg s0  }
0x10: {  	s24 =	simm.s32 $0xC300;
	s25 =	simm.s32 $0xE500;
	s26 =	simm.s32 $0x200  }
0x11: {  	v1 =	vadd.s32 $0x880, v0;
	v2 =	vadd.s32 $0x1100, v0;
	v3 =	vadd.s32 $0x1980, v0;
	s0 =	simm.s32 $0x12900;
	[dreg:$0x3] =	wrdreg s23;
	s23 =	simm.s32 $0x1  }
.LBB2_35:
0x12: {  	_ =	swait.ge [sflag:s22], $0x2000  }
0x13: {  	[sflag:s22] =	ssyncset.done $0x0  }
0x14: {  	[sflag:s22] =	ssyncadd.s32 $0xFFFFE000  }
0x15: {  	_ =	swait.ge [sflag:s22], $0x2000  }
0x16: {  	[sflag:s22] =	ssyncset.done $0x0  }
0x17: {  	[sflag:s22] =	ssyncadd.s32 $0xFFFFE000  }
0x18: {  	_ =	swait.ge [sflag:s28], $0x2000  }
0x19: {  	[sflag:s28] =	ssyncset.done $0x0  }
0x1a: {  	[sflag:s28] =	ssyncadd.s32 $0xFFFFE000  }
0x1b: {  	_ =	swait.ge [sflag:s28], $0x2000  }
0x1c: {  	[sflag:s28] =	ssyncset.done $0x0  }
0x1d: {  	[sflag:s28] =	ssyncadd.s32 $0xFFFFE000  }
0x1e: {  	_ =	swait.ge [sflag:s6], $0x2000  }
0x1f: {  	[sflag:s6] =	ssyncset.done $0x0  }
0x20: {  	[sflag:s6] =	ssyncadd.s32 $0xFFFFE000  }
0x21: {  	_ =	swait.ge [sflag:s6], $0x2000  }
0x22: {  	s10 =	rddreg [dreg:$0xa]  }
0x23: {  	s7 =	rddreg [dreg:$0x9];
	s10 =	sadd.s32 $0x1, s10  }
0x24: {  	p0 =	sne.s32 s10, s7  }
.Ltmp1:
0x25: {  	_ = 	snop;
	(pc) =	sbr.rel @!p0 .LBB2_36-.Ltmp1, $3  }
0x26: {  	_ =	sdelay $0x1  }
0x27: {  	[sflag:s6] =	ssyncset.done $0x0  }
0x28: {  	[sflag:s6] =	ssyncadd.s32 $0xFFFFE000  }
.LBB2_1:
0x29: {  	[dreg:$0xa] =	wrdreg s10  }
0x2a: {  	s7 =	rddreg [dreg:$0x3]  }
0x2b: {  	[tilespmem:s3], [sflag:$0x7] =	stream.linear.gather [hbm4b:s7+s3], $0x100, $0x38;
	[tilespmem:$0x18F00] =	vst v63  }
0x2c: {  	_ =	swait.ge [sflag:s15], $0x100  }
0x2d: {  	[sflag:s15] =	ssyncset.done $0x0  }
0x2e: {  	s19 =	simm.s32 $0x300;
	[sflag:s15] =	ssyncadd.s32 $0xFFFFFF00  }
0x2f: {  	[tilespmem:s19], [sflag:$0x1] =	stream.indirect.gather [hbm4b:s5+s16], $0x40, s3, s16, $0xb8;
	[tilespmem:$0x18F00] =	vst v63  }
0x30: {  	s30 =	simm.s32 $0x2300;
	s29 =	simm.s32 $0x0  }
0x31: {  	[tilespmem:s30], [sflag:$0x1] =	stream.indirect.gather [hbm4b:s5+s16], $0x40, s16, s16, $0xb8;
	[tilespmem:$0x18F00] =	vst v63  }
.LBB2_2:
0x32: {  	p0 =	seq.s32 s29, $0x0  }
.Ltmp2:
0x33: {  	_ = 	snop;
	(pc) =	sbr.rel @p0 .LBB2_5-.Ltmp2, $1  }
0x34: {  	_ =	sdelay $0x3  }
0x35: {  	p1 =	seq.s32 s29, $0x21  }
.Ltmp3:
0x36: {  	_ = 	snop;
	(pc) =	sbr.rel @p1 .LBB2_6-.Ltmp3, $1  }
0x37: {  	_ =	sdelay $0x3  }
0x38: {  	_ =	swait.ge [sflag:s22], $0x2000  }
0x39: {  	[sflag:s22] =	ssyncset.done $0x0  }
0x3a: {  	[sflag:s22] =	ssyncadd.s32 $0xFFFFE000  }
0x3b: {  	_ =	swait.ge [sflag:s22], $0x2000  }
0x3c: {  	[sflag:s22] =	ssyncset.done $0x0  }
0x3d: {  	[sflag:s22] =	ssyncadd.s32 $0xFFFFE000  }
.LBB2_5:
0x3e: {  	s7 =	smul.u32 $0x300, s29  }
0x3f: {  	s10 =	rddreg [dreg:$0x4]  }
0x40: {  	s7 =	sadd.s32 s7, s10  }
0x41: {  	s7 =	sshrl.u32 s7, $0x3  }
0x42: {  	s17 =	simm.s32 $0x100;
	s7 =	sadd.s32 s4, s7  }
0x43: {  	[tilespmem:s17], [sflag:$0x7] =	stream.linear.gather [hbm4b:s7+s3], $0x100, $0x38;
	[tilespmem:$0x18F00] =	vst v63  }
0x44: {  	_ =	swait.ge [sflag:s15], $0x100  }
0x45: {  	[sflag:s15] =	ssyncset.done $0x0  }
0x46: {  	s18 =	simm.s32 $0x4300;
	[sflag:s15] =	ssyncadd.s32 $0xFFFFFF00  }
0x47: {  	[tilespmem:s18], [sflag:$0x2] =	stream.indirect.gather [hbm4b:s5+s16], $0x40, s17, s16, $0xb8;
	[tilespmem:$0x18F00] =	vst v63  }
0x48: {  	s19 =	simm.s32 $0x180;
	s30 =	simm.s32 $0x6300  }
0x49: {  	[tilespmem:s30], [sflag:$0x2] =	stream.indirect.gather [hbm4b:s5+s16], $0x40, s19, s16, $0xb8;
	[tilespmem:$0x18F00] =	vst v63  }
.LBB2_6:
0x4a: {  	_ =	swait.ge [sflag:s23], $0x2000  }
0x4b: {  	[sflag:s23] =	ssyncset.done $0x0  }
0x4c: {  	[sflag:s23] =	ssyncadd.s32 $0xFFFFE000  }
0x4d: {  	_ =	swait.ge [sflag:s23], $0x2000  }
0x4e: {  	[sflag:s23] =	ssyncset.done $0x0  }
0x4f: {  	s7 =	simm.s32 $0x0;
	s18 =	simm.s32 $0x380;
	[sflag:s23] =	ssyncadd.s32 $0xFFFFE000  }
0x50: {  	v4 =	vmov s7;
	v5 =	vld [tilespmem:s18+$0xFFFFFF80]  }
0x51: {  	v7 =	vand.u32 $0x7C, v4  }
0x52: {  	v4 =	vadd.s32 v0, v7;
	_ =	sdelay $0x2  }
0x53: {  	v5 =	vmul.f32 $8.000000000e+00, v5;
	_ =	sdelay $0x1  }
0x54: {  	[tilespmem:v4+s24+$0x0] =	vst.idx.msk $0xffff, v5  }
0x55: {  	v6 =	vld [tilespmem:s18+$0xFFFFFF90];
	_ =	sdelay $0x1  }
0x56: {  	v5 =	vadd.s32 v1, v7;
	_ =	sdelay $0x2  }
0x57: {  	v6 =	vmul.f32 $8.000000000e+00, v6;
	_ =	sdelay $0x1  }
0x58: {  	[tilespmem:v5+s24+$0x0] =	vst.idx.msk $0xffff, v6  }
0x59: {  	v8 =	vld [tilespmem:s18+$0xFFFFFFA0];
	_ =	sdelay $0x1  }
0x5a: {  	v6 =	vadd.s32 v2, v7;
	_ =	sdelay $0x2  }
0x5b: {  	v8 =	vmul.f32 $8.000000000e+00, v8;
	_ =	sdelay $0x1  }
0x5c: {  	[tilespmem:v6+s24+$0x0] =	vst.idx.msk $0xffff, v8  }
0x5d: {  	v8 =	vld [tilespmem:s18+$0xFFFFFFB0];
	_ =	sdelay $0x1  }
0x5e: {  	v7 =	vadd.s32 v3, v7;
	_ =	sdelay $0x2  }
0x5f: {  	v8 =	vmul.f32 $8.000000000e+00, v8;
	_ =	sdelay $0x1  }
0x60: {  	s17 =	simm.s32 $0x1;
	[tilespmem:v7+s24+$0x0] =	vst.idx.msk $0xffff, v8  }
0x61: {  	v8 =	vmov s17;
	v9 =	vld [tilespmem:s18+$0xFFFFFFC0]  }
0x62: {  	v11 =	vand.u32 $0x7D, v8  }
0x63: {  	v8 =	vadd.s32 v0, v11;
	_ =	sdelay $0x2  }
0x64: {  	v9 =	vmul.f32 $8.000000000e+00, v9;
	_ =	sdelay $0x1  }
0x65: {  	[tilespmem:v8+s24+$0x0] =	vst.idx.msk $0xffff, v9  }
0x66: {  	v10 =	vld [tilespmem:s18+$0xFFFFFFD0];
	_ =	sdelay $0x1  }
0x67: {  	v9 =	vadd.s32 v1, v11;
	_ =	sdelay $0x2  }
0x68: {  	v10 =	vmul.f32 $8.000000000e+00, v10;
	_ =	sdelay $0x1  }
0x69: {  	[tilespmem:v9+s24+$0x0] =	vst.idx.msk $0xffff, v10  }
0x6a: {  	v12 =	vld [tilespmem:s18+$0xFFFFFFE0];
	_ =	sdelay $0x1  }
0x6b: {  	v10 =	vadd.s32 v2, v11;
	_ =	sdelay $0x2  }
0x6c: {  	v12 =	vmul.f32 $8.000000000e+00, v12;
	_ =	sdelay $0x1  }
0x6d: {  	[tilespmem:v10+s24+$0x0] =	vst.idx.msk $0xffff, v12  }
0x6e: {  	v12 =	vld [tilespmem:s18+$0xFFFFFFF0];
	_ =	sdelay $0x1  }
0x6f: {  	v11 =	vadd.s32 v3, v11;
	_ =	sdelay $0x2  }
0x70: {  	v12 =	vmul.f32 $8.000000000e+00, v12;
	_ =	sdelay $0x1  }
0x71: {  	s19 =	simm.s32 $0x2;
	[tilespmem:v11+s24+$0x0] =	vst.idx.msk $0xffff, v12  }
0x72: {  	v12 =	vmov s19;
	v14 =	vld [tilespmem:s18+$0x0]  }
0x73: {  	v12 =	vand.u32 $0x7E, v12  }
0x74: {  	v13 =	vadd.s32 v0, v12;
	_ =	sdelay $0x2  }
0x75: {  	v14 =	vmul.f32 $8.000000000e+00, v14;
	_ =	sdelay $0x1  }
0x76: {  	[tilespmem:v13+s24+$0x0] =	vst.idx.msk $0xffff, v14  }
0x77: {  	v15 =	vld [tilespmem:s18+$0x10];
	_ =	sdelay $0x1  }
0x78: {  	v14 =	vadd.s32 v1, v12;
	_ =	sdelay $0x2  }
0x79: {  	v15 =	vmul.f32 $8.000000000e+00, v15;
	_ =	sdelay $0x1  }
0x7a: {  	[tilespmem:v14+s24+$0x0] =	vst.idx.msk $0xffff, v15  }
0x7b: {  	v16 =	vld [tilespmem:s18+$0x20];
	_ =	sdelay $0x1  }
0x7c: {  	v15 =	vadd.s32 v2, v12;
	_ =	sdelay $0x2  }
0x7d: {  	v16 =	vmul.f32 $8.000000000e+00, v16;
	_ =	sdelay $0x1  }
0x7e: {  	[tilespmem:v15+s24+$0x0] =	vst.idx.msk $0xffff, v16  }
0x7f: {  	v17 =	vld [tilespmem:s18+$0x30];
	_ =	sdelay $0x1  }
0x80: {  	v16 =	vadd.s32 v3, v12;
	_ =	sdelay $0x2  }
0x81: {  	v12 =	vmul.f32 $8.000000000e+00, v17;
	_ =	sdelay $0x1  }
0x82: {  	s30 =	simm.s32 $0x3;
	[tilespmem:v16+s24+$0x0] =	vst.idx.msk $0xffff, v12  }
0x83: {  	v12 =	vmov s30;
	v18 =	vld [tilespmem:s18+$0x40]  }
0x84: {  	v12 =	vand.u32 $0x7F, v12  }
0x85: {  	v17 =	vadd.s32 v0, v12;
	_ =	sdelay $0x2  }
0x86: {  	v18 =	vmul.f32 $8.000000000e+00, v18;
	_ =	sdelay $0x1  }
0x87: {  	[tilespmem:v17+s24+$0x0] =	vst.idx.msk $0xffff, v18  }
0x88: {  	v19 =	vld [tilespmem:s18+$0x50];
	_ =	sdelay $0x1  }
0x89: {  	v18 =	vadd.s32 v1, v12;
	_ =	sdelay $0x2  }
0x8a: {  	v19 =	vmul.f32 $8.000000000e+00, v19;
	_ =	sdelay $0x1  }
0x8b: {  	[tilespmem:v18+s24+$0x0] =	vst.idx.msk $0xffff, v19  }
0x8c: {  	v20 =	vld [tilespmem:s18+$0x60];
	_ =	sdelay $0x1  }
0x8d: {  	v19 =	vadd.s32 v2, v12;
	_ =	sdelay $0x2  }
0x8e: {  	v20 =	vmul.f32 $8.000000000e+00, v20;
	_ =	sdelay $0x1  }
0x8f: {  	[tilespmem:v19+s24+$0x0] =	vst.idx.msk $0xffff, v20  }
0x90: {  	v21 =	vld [tilespmem:s18+$0x70];
	_ =	sdelay $0x1  }
0x91: {  	v20 =	vadd.s32 v3, v12;
	_ =	sdelay $0x2  }
0x92: {  	s7 =	simm.s32 $0x4;
	s17 =	simm.s32 $0x23F0;
	v21 =	vmul.f32 $8.000000000e+00, v21  }
.LBB2_7:
0x93: {  	p1 =	slt.u32 s7, $0x7C  }
0x94: {  	[tilespmem:v20+s24+$0x0] =	vst.idx.msk $0xffff, v21;
	s18 =	sadd.s32 $0x100, s18;
	s19 =	smov.u32 s7;
	s7 =	sadd.s32 $0x4, s7  }
0x95: {  	v20 =	vmov s19;
	v21 =	vld [tilespmem:s18+$0xFFFFFF80]  }
0x96: {  	v20 =	vand.u32 $0x7C, v20  }
0x97: {  	v22 =	vadd.s32 v0, v20;
	_ =	sdelay $0x2  }
0x98: {  	v21 =	vmul.f32 $8.000000000e+00, v21;
	_ =	sdelay $0x1  }
0x99: {  	[tilespmem:v22+s24+$0x0] =	vst.idx.msk $0xffff, v21  }
0x9a: {  	v21 =	vld [tilespmem:s18+$0xFFFFFF90];
	_ =	sdelay $0x1  }
0x9b: {  	v22 =	vadd.s32 v1, v20;
	_ =	sdelay $0x2  }
0x9c: {  	v21 =	vmul.f32 $8.000000000e+00, v21;
	_ =	sdelay $0x1  }
0x9d: {  	[tilespmem:v22+s24+$0x0] =	vst.idx.msk $0xffff, v21  }
0x9e: {  	v21 =	vld [tilespmem:s18+$0xFFFFFFA0];
	_ =	sdelay $0x1  }
0x9f: {  	v22 =	vadd.s32 v2, v20;
	_ =	sdelay $0x2  }
0xa0: {  	v21 =	vmul.f32 $8.000000000e+00, v21;
	_ =	sdelay $0x1  }
0xa1: {  	[tilespmem:v22+s24+$0x0] =	vst.idx.msk $0xffff, v21  }
0xa2: {  	v21 =	vld [tilespmem:s18+$0xFFFFFFB0];
	_ =	sdelay $0x1  }
0xa3: {  	v20 =	vadd.s32 v3, v20;
	_ =	sdelay $0x2  }
0xa4: {  	v21 =	vmul.f32 $8.000000000e+00, v21;
	_ =	sdelay $0x1  }
0xa5: {  	s10 =	sadd.s32 $0x1, s19;
	[tilespmem:v20+s24+$0x0] =	vst.idx.msk $0xffff, v21  }
0xa6: {  	v20 =	vmov s10;
	v21 =	vld [tilespmem:s18+$0xFFFFFFC0]  }
0xa7: {  	v20 =	vand.u32 $0x7D, v20  }
0xa8: {  	v22 =	vadd.s32 v0, v20;
	_ =	sdelay $0x2  }
0xa9: {  	v21 =	vmul.f32 $8.000000000e+00, v21;
	_ =	sdelay $0x1  }
0xaa: {  	[tilespmem:v22+s24+$0x0] =	vst.idx.msk $0xffff, v21  }
0xab: {  	v21 =	vld [tilespmem:s18+$0xFFFFFFD0];
	_ =	sdelay $0x1  }
0xac: {  	v22 =	vadd.s32 v1, v20;
	_ =	sdelay $0x2  }
0xad: {  	v21 =	vmul.f32 $8.000000000e+00, v21;
	_ =	sdelay $0x1  }
0xae: {  	[tilespmem:v22+s24+$0x0] =	vst.idx.msk $0xffff, v21  }
0xaf: {  	v21 =	vld [tilespmem:s18+$0xFFFFFFE0];
	_ =	sdelay $0x1  }
0xb0: {  	v22 =	vadd.s32 v2, v20;
	_ =	sdelay $0x2  }
0xb1: {  	v21 =	vmul.f32 $8.000000000e+00, v21;
	_ =	sdelay $0x1  }
0xb2: {  	[tilespmem:v22+s24+$0x0] =	vst.idx.msk $0xffff, v21  }
0xb3: {  	v21 =	vld [tilespmem:s18+$0xFFFFFFF0];
	_ =	sdelay $0x1  }
0xb4: {  	v20 =	vadd.s32 v3, v20;
	_ =	sdelay $0x2  }
0xb5: {  	v21 =	vmul.f32 $8.000000000e+00, v21;
	_ =	sdelay $0x1  }
0xb6: {  	s10 =	sadd.s32 $0x2, s19;
	[tilespmem:v20+s24+$0x0] =	vst.idx.msk $0xffff, v21  }
0xb7: {  	v20 =	vmov s10;
	v21 =	vld [tilespmem:s18+$0x0]  }
0xb8: {  	v20 =	vand.u32 $0x7E, v20  }
0xb9: {  	v22 =	vadd.s32 v0, v20;
	_ =	sdelay $0x2  }
0xba: {  	v21 =	vmul.f32 $8.000000000e+00, v21;
	_ =	sdelay $0x1  }
0xbb: {  	[tilespmem:v22+s24+$0x0] =	vst.idx.msk $0xffff, v21  }
0xbc: {  	v21 =	vld [tilespmem:s18+$0x10];
	_ =	sdelay $0x1  }
0xbd: {  	v22 =	vadd.s32 v1, v20;
	_ =	sdelay $0x2  }
0xbe: {  	v21 =	vmul.f32 $8.000000000e+00, v21;
	_ =	sdelay $0x1  }
0xbf: {  	[tilespmem:v22+s24+$0x0] =	vst.idx.msk $0xffff, v21  }
0xc0: {  	v21 =	vld [tilespmem:s18+$0x20];
	_ =	sdelay $0x1  }
0xc1: {  	v22 =	vadd.s32 v2, v20;
	_ =	sdelay $0x2  }
0xc2: {  	v21 =	vmul.f32 $8.000000000e+00, v21;
	_ =	sdelay $0x1  }
0xc3: {  	[tilespmem:v22+s24+$0x0] =	vst.idx.msk $0xffff, v21  }
0xc4: {  	v21 =	vld [tilespmem:s18+$0x30];
	_ =	sdelay $0x1  }
0xc5: {  	v20 =	vadd.s32 v3, v20;
	_ =	sdelay $0x2  }
0xc6: {  	v21 =	vmul.f32 $8.000000000e+00, v21;
	_ =	sdelay $0x1  }
0xc7: {  	s10 =	sadd.s32 $0x3, s19;
	[tilespmem:v20+s24+$0x0] =	vst.idx.msk $0xffff, v21  }
0xc8: {  	v20 =	vmov s10;
	v21 =	vld [tilespmem:s18+$0x40]  }
0xc9: {  	v20 =	vand.u32 $0x7F, v20  }
0xca: {  	v22 =	vadd.s32 v0, v20;
	_ =	sdelay $0x2  }
0xcb: {  	v21 =	vmul.f32 $8.000000000e+00, v21;
	_ =	sdelay $0x1  }
0xcc: {  	[tilespmem:v22+s24+$0x0] =	vst.idx.msk $0xffff, v21  }
0xcd: {  	v21 =	vld [tilespmem:s18+$0x50];
	_ =	sdelay $0x1  }
0xce: {  	v22 =	vadd.s32 v1, v20;
	_ =	sdelay $0x2  }
0xcf: {  	v21 =	vmul.f32 $8.000000000e+00, v21;
	_ =	sdelay $0x1  }
0xd0: {  	[tilespmem:v22+s24+$0x0] =	vst.idx.msk $0xffff, v21  }
0xd1: {  	v21 =	vld [tilespmem:s18+$0x60];
	_ =	sdelay $0x1  }
0xd2: {  	v22 =	vadd.s32 v2, v20;
	_ =	sdelay $0x2  }
0xd3: {  	v21 =	vmul.f32 $8.000000000e+00, v21;
	_ =	sdelay $0x1  }
0xd4: {  	[tilespmem:v22+s24+$0x0] =	vst.idx.msk $0xffff, v21  }
0xd5: {  	v21 =	vld [tilespmem:s18+$0x70];
	_ =	sdelay $0x1  }
.Ltmp4:
0xd6: {  	v20 =	vadd.s32 v3, v20;
	(pc) =	sbr.rel @p1 .LBB2_7-.Ltmp4, $2  }
0xd7: {  	_ =	sdelay $0x1  }
0xd8: {  	v21 =	vmul.f32 $8.000000000e+00, v21;
	_ =	sdelay $0x1  }
0xd9: {  	_ =	sdelay $0x3  }
0xda: {  	[tilespmem:v20+s24+$0x0] =	vst.idx.msk $0xffff, v21  }
0xdb: {  	v20 =	vld [tilespmem:s17+$0xFFFFFF10];
	_ =	sdelay $0x4  }
0xdc: {  	v20 =	vmul.f32 $8.000000000e+00, v20;
	_ =	sdelay $0x1  }
0xdd: {  	[tilespmem:v4+s25+$0x0] =	vst.idx.msk $0xffff, v20  }
0xde: {  	v4 =	vld [tilespmem:s17+$0xFFFFFF20];
	_ =	sdelay $0x4  }
0xdf: {  	v4 =	vmul.f32 $8.000000000e+00, v4;
	_ =	sdelay $0x1  }
0xe0: {  	[tilespmem:v5+s25+$0x0] =	vst.idx.msk $0xffff, v4  }
0xe1: {  	v4 =	vld [tilespmem:s17+$0xFFFFFF30];
	_ =	sdelay $0x4  }
0xe2: {  	v4 =	vmul.f32 $8.000000000e+00, v4;
	_ =	sdelay $0x1  }
0xe3: {  	[tilespmem:v6+s25+$0x0] =	vst.idx.msk $0xffff, v4  }
0xe4: {  	v4 =	vld [tilespmem:s17+$0xFFFFFF40];
	_ =	sdelay $0x4  }
0xe5: {  	v4 =	vmul.f32 $8.000000000e+00, v4;
	_ =	sdelay $0x1  }
0xe6: {  	[tilespmem:v7+s25+$0x0] =	vst.idx.msk $0xffff, v4  }
0xe7: {  	v4 =	vld [tilespmem:s17+$0xFFFFFF50];
	_ =	sdelay $0x4  }
0xe8: {  	v4 =	vmul.f32 $8.000000000e+00, v4;
	_ =	sdelay $0x1  }
0xe9: {  	[tilespmem:v8+s25+$0x0] =	vst.idx.msk $0xffff, v4  }
0xea: {  	v4 =	vld [tilespmem:s17+$0xFFFFFF60];
	_ =	sdelay $0x4  }
0xeb: {  	v4 =	vmul.f32 $8.000000000e+00, v4;
	_ =	sdelay $0x1  }
0xec: {  	[tilespmem:v9+s25+$0x0] =	vst.idx.msk $0xffff, v4  }
0xed: {  	v4 =	vld [tilespmem:s17+$0xFFFFFF70];
	_ =	sdelay $0x4  }
0xee: {  	v4 =	vmul.f32 $8.000000000e+00, v4;
	_ =	sdelay $0x1  }
0xef: {  	[tilespmem:v10+s25+$0x0] =	vst.idx.msk $0xffff, v4  }
0xf0: {  	v4 =	vld [tilespmem:s17+$0xFFFFFF80];
	_ =	sdelay $0x4  }
0xf1: {  	v4 =	vmul.f32 $8.000000000e+00, v4;
	_ =	sdelay $0x1  }
0xf2: {  	[tilespmem:v11+s25+$0x0] =	vst.idx.msk $0xffff, v4  }
0xf3: {  	v4 =	vld [tilespmem:s17+$0xFFFFFF90];
	_ =	sdelay $0x4  }
0xf4: {  	v4 =	vmul.f32 $8.000000000e+00, v4;
	_ =	sdelay $0x1  }
0xf5: {  	[tilespmem:v13+s25+$0x0] =	vst.idx.msk $0xffff, v4  }
0xf6: {  	v4 =	vld [tilespmem:s17+$0xFFFFFFA0];
	_ =	sdelay $0x4  }
0xf7: {  	v4 =	vmul.f32 $8.000000000e+00, v4;
	_ =	sdelay $0x1  }
0xf8: {  	[tilespmem:v14+s25+$0x0] =	vst.idx.msk $0xffff, v4  }
0xf9: {  	v4 =	vld [tilespmem:s17+$0xFFFFFFB0];
	_ =	sdelay $0x4  }
0xfa: {  	v4 =	vmul.f32 $8.000000000e+00, v4;
	_ =	sdelay $0x1  }
0xfb: {  	[tilespmem:v15+s25+$0x0] =	vst.idx.msk $0xffff, v4  }
0xfc: {  	v4 =	vld [tilespmem:s17+$0xFFFFFFC0];
	_ =	sdelay $0x4  }
0xfd: {  	v4 =	vmul.f32 $8.000000000e+00, v4;
	_ =	sdelay $0x1  }
0xfe: {  	[tilespmem:v16+s25+$0x0] =	vst.idx.msk $0xffff, v4  }
0xff: {  	v4 =	vld [tilespmem:s17+$0xFFFFFFD0];
	_ =	sdelay $0x4  }
0x100: {  	v4 =	vmul.f32 $8.000000000e+00, v4;
	_ =	sdelay $0x1  }
0x101: {  	[tilespmem:v17+s25+$0x0] =	vst.idx.msk $0xffff, v4  }
0x102: {  	v4 =	vld [tilespmem:s17+$0xFFFFFFE0];
	_ =	sdelay $0x4  }
0x103: {  	v4 =	vmul.f32 $8.000000000e+00, v4;
	_ =	sdelay $0x1  }
0x104: {  	[tilespmem:v18+s25+$0x0] =	vst.idx.msk $0xffff, v4  }
0x105: {  	v4 =	vld [tilespmem:s17+$0xFFFFFFF0];
	_ =	sdelay $0x4  }
0x106: {  	v4 =	vmul.f32 $8.000000000e+00, v4;
	_ =	sdelay $0x1  }
0x107: {  	[tilespmem:v19+s25+$0x0] =	vst.idx.msk $0xffff, v4  }
0x108: {  	v5 =	vld [tilespmem:s17+$0x0];
	_ =	sdelay $0x1  }
0x109: {  	v4 =	vadd.s32 v3, v12;
	_ =	sdelay $0x2  }
0x10a: {  	s7 =	simm.s32 $0x4;
	v5 =	vmul.f32 $8.000000000e+00, v5  }
.LBB2_9:
0x10b: {  	p1 =	slt.u32 s7, $0x7C  }
0x10c: {  	s17 =	sadd.s32 $0x100, s17;
	s18 =	smov.u32 s7;
	s7 =	sadd.s32 $0x4, s7;
	[tilespmem:v4+s25+$0x0] =	vst.idx.msk $0xffff, v5  }
0x10d: {  	v4 =	vmov s18;
	v5 =	vld [tilespmem:s17+$0xFFFFFF10]  }
0x10e: {  	v4 =	vand.u32 $0x7C, v4  }
0x10f: {  	v6 =	vadd.s32 v0, v4;
	_ =	sdelay $0x2  }
0x110: {  	v5 =	vmul.f32 $8.000000000e+00, v5;
	_ =	sdelay $0x1  }
0x111: {  	[tilespmem:v6+s25+$0x0] =	vst.idx.msk $0xffff, v5  }
0x112: {  	v5 =	vld [tilespmem:s17+$0xFFFFFF20];
	_ =	sdelay $0x1  }
0x113: {  	v6 =	vadd.s32 v1, v4;
	_ =	sdelay $0x2  }
0x114: {  	v5 =	vmul.f32 $8.000000000e+00, v5;
	_ =	sdelay $0x1  }
0x115: {  	[tilespmem:v6+s25+$0x0] =	vst.idx.msk $0xffff, v5  }
0x116: {  	v5 =	vld [tilespmem:s17+$0xFFFFFF30];
	_ =	sdelay $0x1  }
0x117: {  	v6 =	vadd.s32 v2, v4;
	_ =	sdelay $0x2  }
0x118: {  	v5 =	vmul.f32 $8.000000000e+00, v5;
	_ =	sdelay $0x1  }
0x119: {  	[tilespmem:v6+s25+$0x0] =	vst.idx.msk $0xffff, v5  }
0x11a: {  	v5 =	vld [tilespmem:s17+$0xFFFFFF40];
	_ =	sdelay $0x1  }
0x11b: {  	v4 =	vadd.s32 v3, v4;
	_ =	sdelay $0x2  }
0x11c: {  	v5 =	vmul.f32 $8.000000000e+00, v5;
	_ =	sdelay $0x1  }
0x11d: {  	s10 =	sadd.s32 $0x1, s18;
	[tilespmem:v4+s25+$0x0] =	vst.idx.msk $0xffff, v5  }
0x11e: {  	v4 =	vmov s10;
	v5 =	vld [tilespmem:s17+$0xFFFFFF50]  }
0x11f: {  	v4 =	vand.u32 $0x7D, v4  }
0x120: {  	v6 =	vadd.s32 v0, v4;
	_ =	sdelay $0x2  }
0x121: {  	v5 =	vmul.f32 $8.000000000e+00, v5;
	_ =	sdelay $0x1  }
0x122: {  	[tilespmem:v6+s25+$0x0] =	vst.idx.msk $0xffff, v5  }
0x123: {  	v5 =	vld [tilespmem:s17+$0xFFFFFF60];
	_ =	sdelay $0x1  }
0x124: {  	v6 =	vadd.s32 v1, v4;
	_ =	sdelay $0x2  }
0x125: {  	v5 =	vmul.f32 $8.000000000e+00, v5;
	_ =	sdelay $0x1  }
0x126: {  	[tilespmem:v6+s25+$0x0] =	vst.idx.msk $0xffff, v5  }
0x127: {  	v5 =	vld [tilespmem:s17+$0xFFFFFF70];
	_ =	sdelay $0x1  }
0x128: {  	v6 =	vadd.s32 v2, v4;
	_ =	sdelay $0x2  }
0x129: {  	v5 =	vmul.f32 $8.000000000e+00, v5;
	_ =	sdelay $0x1  }
0x12a: {  	[tilespmem:v6+s25+$0x0] =	vst.idx.msk $0xffff, v5  }
0x12b: {  	v5 =	vld [tilespmem:s17+$0xFFFFFF80];
	_ =	sdelay $0x1  }
0x12c: {  	v4 =	vadd.s32 v3, v4;
	_ =	sdelay $0x2  }
0x12d: {  	v5 =	vmul.f32 $8.000000000e+00, v5;
	_ =	sdelay $0x1  }
0x12e: {  	s10 =	sadd.s32 $0x2, s18;
	[tilespmem:v4+s25+$0x0] =	vst.idx.msk $0xffff, v5  }
0x12f: {  	v4 =	vmov s10;
	v5 =	vld [tilespmem:s17+$0xFFFFFF90]  }
0x130: {  	v4 =	vand.u32 $0x7E, v4  }
0x131: {  	v6 =	vadd.s32 v0, v4;
	_ =	sdelay $0x2  }
0x132: {  	v5 =	vmul.f32 $8.000000000e+00, v5;
	_ =	sdelay $0x1  }
0x133: {  	[tilespmem:v6+s25+$0x0] =	vst.idx.msk $0xffff, v5  }
0x134: {  	v5 =	vld [tilespmem:s17+$0xFFFFFFA0];
	_ =	sdelay $0x1  }
0x135: {  	v6 =	vadd.s32 v1, v4;
	_ =	sdelay $0x2  }
0x136: {  	v5 =	vmul.f32 $8.000000000e+00, v5;
	_ =	sdelay $0x1  }
0x137: {  	[tilespmem:v6+s25+$0x0] =	vst.idx.msk $0xffff, v5  }
0x138: {  	v5 =	vld [tilespmem:s17+$0xFFFFFFB0];
	_ =	sdelay $0x1  }
0x139: {  	v6 =	vadd.s32 v2, v4;
	_ =	sdelay $0x2  }
0x13a: {  	v5 =	vmul.f32 $8.000000000e+00, v5;
	_ =	sdelay $0x1  }
0x13b: {  	[tilespmem:v6+s25+$0x0] =	vst.idx.msk $0xffff, v5  }
0x13c: {  	v5 =	vld [tilespmem:s17+$0xFFFFFFC0];
	_ =	sdelay $0x1  }
0x13d: {  	v4 =	vadd.s32 v3, v4;
	_ =	sdelay $0x2  }
0x13e: {  	v5 =	vmul.f32 $8.000000000e+00, v5;
	_ =	sdelay $0x1  }
0x13f: {  	s10 =	sadd.s32 $0x3, s18;
	[tilespmem:v4+s25+$0x0] =	vst.idx.msk $0xffff, v5  }
0x140: {  	v4 =	vmov s10;
	v5 =	vld [tilespmem:s17+$0xFFFFFFD0]  }
0x141: {  	v4 =	vand.u32 $0x7F, v4  }
0x142: {  	v6 =	vadd.s32 v0, v4;
	_ =	sdelay $0x2  }
0x143: {  	v5 =	vmul.f32 $8.000000000e+00, v5;
	_ =	sdelay $0x1  }
0x144: {  	[tilespmem:v6+s25+$0x0] =	vst.idx.msk $0xffff, v5  }
0x145: {  	v5 =	vld [tilespmem:s17+$0xFFFFFFE0];
	_ =	sdelay $0x1  }
0x146: {  	v6 =	vadd.s32 v1, v4;
	_ =	sdelay $0x2  }
0x147: {  	v5 =	vmul.f32 $8.000000000e+00, v5;
	_ =	sdelay $0x1  }
0x148: {  	[tilespmem:v6+s25+$0x0] =	vst.idx.msk $0xffff, v5  }
0x149: {  	v5 =	vld [tilespmem:s17+$0xFFFFFFF0];
	_ =	sdelay $0x1  }
0x14a: {  	v6 =	vadd.s32 v2, v4;
	_ =	sdelay $0x2  }
0x14b: {  	v5 =	vmul.f32 $8.000000000e+00, v5;
	_ =	sdelay $0x1  }
0x14c: {  	[tilespmem:v6+s25+$0x0] =	vst.idx.msk $0xffff, v5  }
0x14d: {  	v5 =	vld [tilespmem:s17+$0x0]  }
.Ltmp5:
0x14e: {  	(pc) =	sbr.rel @p1 .LBB2_9-.Ltmp5, $2  }
0x14f: {  	v4 =	vadd.s32 v3, v4;
	_ =	sdelay $0x2  }
0x150: {  	v5 =	vmul.f32 $8.000000000e+00, v5  }
0x151: {  	s30 =	smul.u32 $0x180000, s29;
	_ =	sdelay $0x1  }
0x152: {  	s7 =	sor.u32 s8, s30  }
0x153: {  	s7 =	sshrl.u32 s7, $0x3  }
0x154: {  	s12 =	simm.s32 $0xC300;
	[tilespmem:v4+s25+$0x0] =	vst.idx.msk $0xffff, v5;
	s10 =	sadd.s32 s2, s7  }
0x155: {  	[hbm4b:s10+s3] =	stream.linear.scatter [tilespmem:s12], [sflag:$0x4], $0x80, $0x38;
	[tilespmem:$0x18F00] =	vst v63  }
0x156: {  	s18 =	simm.s32 $0xC388;
	s13 =	sadd.s32 $0x10, s10  }
0x157: {  	[hbm4b:s13+s3] =	stream.linear.scatter [tilespmem:s18], [sflag:$0x4], $0x80, $0x38;
	[tilespmem:$0x18F00] =	vst v63  }
0x158: {  	s19 =	simm.s32 $0xC410;
	s11 =	sadd.s32 $0x20, s10  }
0x159: {  	[hbm4b:s11+s3] =	stream.linear.scatter [tilespmem:s19], [sflag:$0x4], $0x80, $0x38;
	[tilespmem:$0x18F00] =	vst v63  }
0x15a: {  	s17 =	simm.s32 $0xC498;
	s18 =	sadd.s32 $0x30, s10  }
0x15b: {  	[hbm4b:s18+s3] =	stream.linear.scatter [tilespmem:s17], [sflag:$0x4], $0x80, $0x38;
	[tilespmem:$0x18F00] =	vst v63  }
0x15c: {  	s19 =	simm.s32 $0xC520;
	s11 =	sadd.s32 $0x40, s10  }
0x15d: {  	[hbm4b:s11+s3] =	stream.linear.scatter [tilespmem:s19], [sflag:$0x4], $0x80, $0x38;
	[tilespmem:$0x18F00] =	vst v63  }
0x15e: {  	s12 =	simm.s32 $0x440;
	s13 =	simm.s32 $0xC5A8;
	s17 =	sadd.s32 $0x50, s10  }
0x15f: {  	[hbm4b:s17+s3] =	stream.linear.scatter [tilespmem:s13], [sflag:$0x4], $0x80, $0x38;
	[tilespmem:$0x18F00] =	vst v63  }
0x160: {  	s18 =	simm.s32 $0xC630;
	s19 =	sadd.s32 $0x60, s10;
	s13 =	sadd.s32 $0x70, s10  }
0x161: {  	[hbm4b:s19+s3] =	stream.linear.scatter [tilespmem:s18], [sflag:$0x4], $0x80, $0x38;
	[tilespmem:$0x18F00] =	vst v63  }
0x162: {  	s17 =	sadd.s32 $0x1000, s10;
	s18 =	simm.s32 $0x2200;
	s19 =	simm.s32 $0xC6B8  }
.LBB2_11:
0x163: {  	[hbm4b:s13+s3] =	stream.linear.scatter [tilespmem:s19], [sflag:$0x4], $0x80, $0x38;
	[tilespmem:$0x18F00] =	vst v63  }
0x164: {  	s10 =	smov.u32 s12;
	s12 =	smov.u32 s18  }
0x165: {  	s11 =	sadd.s32 $0x1100, s18;
	s12 =	sshra.s32 s12, $0x2;
	s13 =	sadd.s32 $0xC300, s10  }
0x166: {  	[hbm4b:s17+s3] =	stream.linear.scatter [tilespmem:s13], [sflag:$0x4], $0x80, $0x38;
	[tilespmem:$0x18F00] =	vst v63  }
0x167: {  	p1 =	sne.s32 s18, $0x7700;
	s18 =	sadd.s32 $0x10, s17;
	s13 =	sadd.s32 $0xC388, s10  }
0x168: {  	[hbm4b:s18+s3] =	stream.linear.scatter [tilespmem:s13], [sflag:$0x4], $0x80, $0x38;
	[tilespmem:$0x18F00] =	vst v63  }
0x169: {  	s13 =	sadd.s32 $0xC410, s10;
	s18 =	sadd.s32 $0x20, s17  }
0x16a: {  	[hbm4b:s18+s3] =	stream.linear.scatter [tilespmem:s13], [sflag:$0x4], $0x80, $0x38;
	[tilespmem:$0x18F00] =	vst v63  }
0x16b: {  	s13 =	sadd.s32 $0xC498, s10;
	s18 =	sadd.s32 $0x30, s17  }
0x16c: {  	[hbm4b:s18+s3] =	stream.linear.scatter [tilespmem:s13], [sflag:$0x4], $0x80, $0x38;
	[tilespmem:$0x18F00] =	vst v63  }
0x16d: {  	s13 =	sadd.s32 $0xC520, s10;
	s18 =	sadd.s32 $0x40, s17  }
0x16e: {  	[hbm4b:s18+s3] =	stream.linear.scatter [tilespmem:s13], [sflag:$0x4], $0x80, $0x38;
	[tilespmem:$0x18F00] =	vst v63  }
.Ltmp6:
0x16f: {  	s13 =	sadd.s32 $0xC5A8, s10;
	s18 =	sadd.s32 $0x50, s17;
	(pc) =	sbr.rel @p1 .LBB2_11-.Ltmp6, $4  }
0x170: {  	[hbm4b:s18+s3] =	stream.linear.scatter [tilespmem:s13], [sflag:$0x4], $0x80, $0x38;
	[tilespmem:$0x18F00] =	vst v63  }
0x171: {  	s19 =	sadd.s32 $0xC6B8, s10;
	s13 =	sadd.s32 $0xC630, s10;
	s18 =	sadd.s32 $0x60, s17  }
0x172: {  	[hbm4b:s18+s3] =	stream.linear.scatter [tilespmem:s13], [sflag:$0x4], $0x80, $0x38;
	[tilespmem:$0x18F00] =	vst v63  }
0x173: {  	s13 =	sadd.s32 $0x70, s17;
	s17 =	sadd.s32 $0x1000, s17;
	s18 =	smov.u32 s11  }
0x174: {  	[hbm4b:s13+s3] =	stream.linear.scatter [tilespmem:s19], [sflag:$0x4], $0x80, $0x38;
	[tilespmem:$0x18F00] =	vst v63  }
0x175: {  	s10 =	sadd.s32 $0xC300, s12  }
0x176: {  	[hbm4b:s17+s3] =	stream.linear.scatter [tilespmem:s10], [sflag:$0x4], $0x80, $0x38;
	[tilespmem:$0x18F00] =	vst v63  }
0x177: {  	s13 =	sadd.s32 $0xC388, s12;
	s11 =	sadd.s32 $0x10, s17  }
0x178: {  	[hbm4b:s11+s3] =	stream.linear.scatter [tilespmem:s13], [sflag:$0x4], $0x80, $0x38;
	[tilespmem:$0x18F00] =	vst v63  }
0x179: {  	s18 =	sadd.s32 $0xC410, s12;
	s19 =	sadd.s32 $0x20, s17  }
0x17a: {  	[hbm4b:s19+s3] =	stream.linear.scatter [tilespmem:s18], [sflag:$0x4], $0x80, $0x38;
	[tilespmem:$0x18F00] =	vst v63  }
0x17b: {  	s11 =	sadd.s32 $0xC498, s12;
	s13 =	sadd.s32 $0x30, s17  }
0x17c: {  	[hbm4b:s13+s3] =	stream.linear.scatter [tilespmem:s11], [sflag:$0x4], $0x80, $0x38;
	[tilespmem:$0x18F00] =	vst v63  }
0x17d: {  	s18 =	sadd.s32 $0xC520, s12;
	s19 =	sadd.s32 $0x40, s17  }
0x17e: {  	[hbm4b:s19+s3] =	stream.linear.scatter [tilespmem:s18], [sflag:$0x4], $0x80, $0x38;
	[tilespmem:$0x18F00] =	vst v63  }
0x17f: {  	s11 =	sadd.s32 $0xC5A8, s12;
	s13 =	sadd.s32 $0x50, s17  }
0x180: {  	[hbm4b:s13+s3] =	stream.linear.scatter [tilespmem:s11], [sflag:$0x4], $0x80, $0x38;
	[tilespmem:$0x18F00] =	vst v63  }
0x181: {  	s18 =	sadd.s32 $0xC630, s12;
	s19 =	sadd.s32 $0x60, s17  }
0x182: {  	[hbm4b:s19+s3] =	stream.linear.scatter [tilespmem:s18], [sflag:$0x4], $0x80, $0x38;
	[tilespmem:$0x18F00] =	vst v63  }
0x183: {  	s13 =	sadd.s32 $0xC6B8, s12;
	s18 =	sadd.s32 $0x70, s17  }
0x184: {  	[hbm4b:s18+s3] =	stream.linear.scatter [tilespmem:s13], [sflag:$0x4], $0x80, $0x38;
	[tilespmem:$0x18F00] =	vst v63  }
0x185: {  	s10 =	sadd.s32 s7, s9;
	s19 =	simm.s32 $0xE500  }
0x186: {  	[hbm4b:s10+s3] =	stream.linear.scatter [tilespmem:s19], [sflag:$0x4], $0x80, $0x38;
	[tilespmem:$0x18F00] =	vst v63  }
0x187: {  	s11 =	simm.s32 $0xE588;
	s12 =	sadd.s32 $0x10, s10  }
0x188: {  	[hbm4b:s12+s3] =	stream.linear.scatter [tilespmem:s11], [sflag:$0x4], $0x80, $0x38;
	[tilespmem:$0x18F00] =	vst v63  }
0x189: {  	s17 =	sadd.s32 $0x20, s10;
	s13 =	simm.s32 $0xE610  }
0x18a: {  	[hbm4b:s17+s3] =	stream.linear.scatter [tilespmem:s13], [sflag:$0x4], $0x80, $0x38;
	[tilespmem:$0x18F00] =	vst v63  }
0x18b: {  	s18 =	simm.s32 $0xE698;
	s19 =	sadd.s32 $0x30, s10  }
0x18c: {  	[hbm4b:s19+s3] =	stream.linear.scatter [tilespmem:s18], [sflag:$0x4], $0x80, $0x38;
	[tilespmem:$0x18F00] =	vst v63  }
0x18d: {  	s11 =	simm.s32 $0xE720;
	s12 =	sadd.s32 $0x40, s10  }
0x18e: {  	[hbm4b:s12+s3] =	stream.linear.scatter [tilespmem:s11], [sflag:$0x4], $0x80, $0x38;
	[tilespmem:$0x18F00] =	vst v63  }
0x18f: {  	s7 =	simm.s32 $0x440;
	s13 =	simm.s32 $0xE7A8;
	s17 =	sadd.s32 $0x50, s10  }
0x190: {  	[hbm4b:s17+s3] =	stream.linear.scatter [tilespmem:s13], [sflag:$0x4], $0x80, $0x38;
	[tilespmem:$0x18F00] =	vst v63  }
0x191: {  	s18 =	simm.s32 $0xE830;
	s19 =	sadd.s32 $0x60, s10;
	s12 =	sadd.s32 $0x1000, s10  }
0x192: {  	[hbm4b:s19+s3] =	stream.linear.scatter [tilespmem:s18], [sflag:$0x4], $0x80, $0x38;
	[tilespmem:$0x18F00] =	vst v63  }
0x193: {  	s17 =	simm.s32 $0x2200;
	s13 =	sadd.s32 $0x70, s10;
	s18 =	simm.s32 $0xE8B8  }
.LBB2_13:
0x194: {  	[hbm4b:s13+s3] =	stream.linear.scatter [tilespmem:s18], [sflag:$0x4], $0x80, $0x38;
	[tilespmem:$0x18F00] =	vst v63  }
0x195: {  	s10 =	smov.u32 s7;
	s7 =	smov.u32 s17  }
0x196: {  	s11 =	sadd.s32 $0x1100, s17;
	s7 =	sshra.s32 s7, $0x2;
	s13 =	sadd.s32 $0xE500, s10  }
0x197: {  	[hbm4b:s12+s3] =	stream.linear.scatter [tilespmem:s13], [sflag:$0x4], $0x80, $0x38;
	[tilespmem:$0x18F00] =	vst v63  }
0x198: {  	p1 =	sne.s32 s17, $0x7700;
	s17 =	sadd.s32 $0x10, s12;
	s13 =	sadd.s32 $0xE588, s10  }
0x199: {  	[hbm4b:s17+s3] =	stream.linear.scatter [tilespmem:s13], [sflag:$0x4], $0x80, $0x38;
	[tilespmem:$0x18F00] =	vst v63  }
0x19a: {  	s13 =	sadd.s32 $0xE610, s10;
	s17 =	sadd.s32 $0x20, s12  }
0x19b: {  	[hbm4b:s17+s3] =	stream.linear.scatter [tilespmem:s13], [sflag:$0x4], $0x80, $0x38;
	[tilespmem:$0x18F00] =	vst v63  }
0x19c: {  	s13 =	sadd.s32 $0xE698, s10;
	s17 =	sadd.s32 $0x30, s12  }
0x19d: {  	[hbm4b:s17+s3] =	stream.linear.scatter [tilespmem:s13], [sflag:$0x4], $0x80, $0x38;
	[tilespmem:$0x18F00] =	vst v63  }
0x19e: {  	s13 =	sadd.s32 $0xE720, s10;
	s17 =	sadd.s32 $0x40, s12  }
0x19f: {  	[hbm4b:s17+s3] =	stream.linear.scatter [tilespmem:s13], [sflag:$0x4], $0x80, $0x38;
	[tilespmem:$0x18F00] =	vst v63  }
.Ltmp7:
0x1a0: {  	s13 =	sadd.s32 $0xE7A8, s10;
	s17 =	sadd.s32 $0x50, s12;
	(pc) =	sbr.rel @p1 .LBB2_13-.Ltmp7, $4  }
0x1a1: {  	[hbm4b:s17+s3] =	stream.linear.scatter [tilespmem:s13], [sflag:$0x4], $0x80, $0x38;
	[tilespmem:$0x18F00] =	vst v63  }
0x1a2: {  	s18 =	sadd.s32 $0xE8B8, s10;
	s13 =	sadd.s32 $0xE830, s10;
	s17 =	sadd.s32 $0x60, s12  }
0x1a3: {  	[hbm4b:s17+s3] =	stream.linear.scatter [tilespmem:s13], [sflag:$0x4], $0x80, $0x38;
	[tilespmem:$0x18F00] =	vst v63  }
0x1a4: {  	s13 =	sadd.s32 $0x70, s12;
	s12 =	sadd.s32 $0x1000, s12;
	s17 =	smov.u32 s11  }
0x1a5: {  	[hbm4b:s13+s3] =	stream.linear.scatter [tilespmem:s18], [sflag:$0x4], $0x80, $0x38;
	[tilespmem:$0x18F00] =	vst v63  }
0x1a6: {  	s10 =	sadd.s32 $0xE500, s7  }
0x1a7: {  	[hbm4b:s12+s3] =	stream.linear.scatter [tilespmem:s10], [sflag:$0x4], $0x80, $0x38;
	[tilespmem:$0x18F00] =	vst v63  }
0x1a8: {  	s19 =	sadd.s32 $0xE588, s7;
	s11 =	sadd.s32 $0x10, s12  }
0x1a9: {  	[hbm4b:s11+s3] =	stream.linear.scatter [tilespmem:s19], [sflag:$0x4], $0x80, $0x38;
	[tilespmem:$0x18F00] =	vst v63  }
0x1aa: {  	s13 =	sadd.s32 $0xE610, s7;
	s17 =	sadd.s32 $0x20, s12  }
0x1ab: {  	[hbm4b:s17+s3] =	stream.linear.scatter [tilespmem:s13], [sflag:$0x4], $0x80, $0x38;
	[tilespmem:$0x18F00] =	vst v63  }
0x1ac: {  	s18 =	sadd.s32 $0xE698, s7;
	s19 =	sadd.s32 $0x30, s12  }
0x1ad: {  	[hbm4b:s19+s3] =	stream.linear.scatter [tilespmem:s18], [sflag:$0x4], $0x80, $0x38;
	[tilespmem:$0x18F00] =	vst v63  }
0x1ae: {  	s13 =	sadd.s32 $0xE720, s7;
	s17 =	sadd.s32 $0x40, s12  }
0x1af: {  	[hbm4b:s17+s3] =	stream.linear.scatter [tilespmem:s13], [sflag:$0x4], $0x80, $0x38;
	[tilespmem:$0x18F00] =	vst v63  }
0x1b0: {  	s18 =	sadd.s32 $0xE7A8, s7;
	s19 =	sadd.s32 $0x50, s12  }
0x1b1: {  	[hbm4b:s19+s3] =	stream.linear.scatter [tilespmem:s18], [sflag:$0x4], $0x80, $0x38;
	[tilespmem:$0x18F00] =	vst v63  }
.Ltmp8:
0x1b2: {  	_ = 	snop;
	(pc) =	sbr.rel @p0 .LBB2_17-.Ltmp8, $4  }
0x1b3: {  	s13 =	sadd.s32 $0xE830, s7;
	s17 =	sadd.s32 $0x60, s12  }
0x1b4: {  	[hbm4b:s17+s3] =	stream.linear.scatter [tilespmem:s13], [sflag:$0x4], $0x80, $0x38;
	[tilespmem:$0x18F00] =	vst v63  }
0x1b5: {  	s18 =	sadd.s32 $0xE8B8, s7;
	s19 =	sadd.s32 $0x70, s12  }
0x1b6: {  	[hbm4b:s19+s3] =	stream.linear.scatter [tilespmem:s18], [sflag:$0x4], $0x80, $0x38;
	[tilespmem:$0x18F00] =	vst v63  }
0x1b7: {  	p0 =	seq.s32 s29, $0x21  }
.Ltmp9:
0x1b8: {  	_ = 	snop;
	(pc) =	sbr.rel @p0 .LBB2_35-.Ltmp9, $1  }
0x1b9: {  	_ =	sdelay $0x3  }
0x1ba: {  	_ =	swait.ge [sflag:s28], $0x2000  }
0x1bb: {  	[sflag:s28] =	ssyncset.done $0x0  }
0x1bc: {  	[sflag:s28] =	ssyncadd.s32 $0xFFFFE000  }
0x1bd: {  	_ =	swait.ge [sflag:s28], $0x2000  }
0x1be: {  	[sflag:s28] =	ssyncset.done $0x0  }
0x1bf: {  	[sflag:s28] =	ssyncadd.s32 $0xFFFFE000  }
.LBB2_17:
0x1c0: {  	s17 =	smul.u32 $0x300, s29  }
0x1c1: {  	s7 =	rddreg [dreg:$0x5]  }
0x1c2: {  	s7 =	sadd.s32 s17, s7  }
0x1c3: {  	s7 =	sshrl.u32 s7, $0x3  }
0x1c4: {  	s10 =	simm.s32 $0x0;
	s7 =	sadd.s32 s4, s7  }
0x1c5: {  	[tilespmem:s26], [sflag:$0x7] =	stream.linear.gather [hbm4b:s7+s10], $0x100, $0x38;
	[tilespmem:$0x18F00] =	vst v63  }
0x1c6: {  	_ =	swait.ge [sflag:s15], $0x100  }
0x1c7: {  	[sflag:s15] =	ssyncset.done $0x0  }
0x1c8: {  	s11 =	simm.s32 $0x8300;
	[sflag:s15] =	ssyncadd.s32 $0xFFFFFF00  }
0x1c9: {  	[tilespmem:s11], [sflag:$0x3] =	stream.indirect.gather [hbm4b:s5+s16], $0x40, s26, s16, $0xb8;
	[tilespmem:$0x18F00] =	vst v63  }
0x1ca: {  	s12 =	simm.s32 $0x280;
	s11 =	simm.s32 $0xA300  }
0x1cb: {  	[tilespmem:s11], [sflag:$0x3] =	stream.indirect.gather [hbm4b:s5+s16], $0x40, s12, s16, $0xb8;
	[tilespmem:$0x18F00] =	vst v63  }
0x1cc: {  	_ =	swait.ge [sflag:s31], $0x2000  }
0x1cd: {  	[sflag:s31] =	ssyncset.done $0x0  }
0x1ce: {  	[sflag:s31] =	ssyncadd.s32 $0xFFFFE000  }
0x1cf: {  	_ =	swait.ge [sflag:s31], $0x2000  }
0x1d0: {  	[sflag:s31] =	ssyncset.done $0x0  }
0x1d1: {  	s7 =	simm.s32 $0x43F0;
	[sflag:s31] =	ssyncadd.s32 $0xFFFFE000  }
0x1d2: {  	v4 =	vmov s10;
	v5 =	vld [tilespmem:s7+$0xFFFFFF10]  }
0x1d3: {  	v7 =	vand.u32 $0x7C, v4  }
0x1d4: {  	v4 =	vadd.s32 v0, v7;
	_ =	sdelay $0x2  }
0x1d5: {  	v5 =	vmul.f32 $8.000000000e+00, v5;
	_ =	sdelay $0x1  }
0x1d6: {  	[tilespmem:v4+s1+$0x0] =	vst.idx.msk $0xffff, v5  }
0x1d7: {  	v6 =	vld [tilespmem:s7+$0xFFFFFF20];
	_ =	sdelay $0x1  }
0x1d8: {  	v5 =	vadd.s32 v1, v7;
	_ =	sdelay $0x2  }
0x1d9: {  	v6 =	vmul.f32 $8.000000000e+00, v6;
	_ =	sdelay $0x1  }
0x1da: {  	[tilespmem:v5+s1+$0x0] =	vst.idx.msk $0xffff, v6  }
0x1db: {  	v8 =	vld [tilespmem:s7+$0xFFFFFF30];
	_ =	sdelay $0x1  }
0x1dc: {  	v6 =	vadd.s32 v2, v7;
	_ =	sdelay $0x2  }
0x1dd: {  	v8 =	vmul.f32 $8.000000000e+00, v8;
	_ =	sdelay $0x1  }
0x1de: {  	[tilespmem:v6+s1+$0x0] =	vst.idx.msk $0xffff, v8  }
0x1df: {  	v8 =	vld [tilespmem:s7+$0xFFFFFF40];
	_ =	sdelay $0x1  }
0x1e0: {  	v7 =	vadd.s32 v3, v7;
	_ =	sdelay $0x2  }
0x1e1: {  	v8 =	vmul.f32 $8.000000000e+00, v8;
	_ =	sdelay $0x1  }
0x1e2: {  	s13 =	simm.s32 $0x1;
	[tilespmem:v7+s1+$0x0] =	vst.idx.msk $0xffff, v8  }
0x1e3: {  	v8 =	vmov s13;
	v9 =	vld [tilespmem:s7+$0xFFFFFF50]  }
0x1e4: {  	v11 =	vand.u32 $0x7D, v8  }
0x1e5: {  	v8 =	vadd.s32 v0, v11;
	_ =	sdelay $0x2  }
0x1e6: {  	v9 =	vmul.f32 $8.000000000e+00, v9;
	_ =	sdelay $0x1  }
0x1e7: {  	[tilespmem:v8+s1+$0x0] =	vst.idx.msk $0xffff, v9  }
0x1e8: {  	v10 =	vld [tilespmem:s7+$0xFFFFFF60];
	_ =	sdelay $0x1  }
0x1e9: {  	v9 =	vadd.s32 v1, v11;
	_ =	sdelay $0x2  }
0x1ea: {  	v10 =	vmul.f32 $8.000000000e+00, v10;
	_ =	sdelay $0x1  }
0x1eb: {  	[tilespmem:v9+s1+$0x0] =	vst.idx.msk $0xffff, v10  }
0x1ec: {  	v12 =	vld [tilespmem:s7+$0xFFFFFF70];
	_ =	sdelay $0x1  }
0x1ed: {  	v10 =	vadd.s32 v2, v11;
	_ =	sdelay $0x2  }
0x1ee: {  	v12 =	vmul.f32 $8.000000000e+00, v12;
	_ =	sdelay $0x1  }
0x1ef: {  	[tilespmem:v10+s1+$0x0] =	vst.idx.msk $0xffff, v12  }
0x1f0: {  	v12 =	vld [tilespmem:s7+$0xFFFFFF80];
	_ =	sdelay $0x1  }
0x1f1: {  	v11 =	vadd.s32 v3, v11;
	_ =	sdelay $0x2  }
0x1f2: {  	v12 =	vmul.f32 $8.000000000e+00, v12;
	_ =	sdelay $0x1  }
0x1f3: {  	s18 =	simm.s32 $0x2;
	[tilespmem:v11+s1+$0x0] =	vst.idx.msk $0xffff, v12  }
0x1f4: {  	v12 =	vmov s18;
	v14 =	vld [tilespmem:s7+$0xFFFFFF90]  }
0x1f5: {  	v12 =	vand.u32 $0x7E, v12  }
0x1f6: {  	v13 =	vadd.s32 v0, v12;
	_ =	sdelay $0x2  }
0x1f7: {  	v14 =	vmul.f32 $8.000000000e+00, v14;
	_ =	sdelay $0x1  }
0x1f8: {  	[tilespmem:v13+s1+$0x0] =	vst.idx.msk $0xffff, v14  }
0x1f9: {  	v15 =	vld [tilespmem:s7+$0xFFFFFFA0];
	_ =	sdelay $0x1  }
0x1fa: {  	v14 =	vadd.s32 v1, v12;
	_ =	sdelay $0x2  }
0x1fb: {  	v15 =	vmul.f32 $8.000000000e+00, v15;
	_ =	sdelay $0x1  }
0x1fc: {  	[tilespmem:v14+s1+$0x0] =	vst.idx.msk $0xffff, v15  }
0x1fd: {  	v16 =	vld [tilespmem:s7+$0xFFFFFFB0];
	_ =	sdelay $0x1  }
0x1fe: {  	v15 =	vadd.s32 v2, v12;
	_ =	sdelay $0x2  }
0x1ff: {  	v16 =	vmul.f32 $8.000000000e+00, v16;
	_ =	sdelay $0x1  }
0x200: {  	[tilespmem:v15+s1+$0x0] =	vst.idx.msk $0xffff, v16  }
0x201: {  	v17 =	vld [tilespmem:s7+$0xFFFFFFC0];
	_ =	sdelay $0x1  }
0x202: {  	v16 =	vadd.s32 v3, v12;
	_ =	sdelay $0x2  }
0x203: {  	v12 =	vmul.f32 $8.000000000e+00, v17;
	_ =	sdelay $0x1  }
0x204: {  	s19 =	simm.s32 $0x3;
	[tilespmem:v16+s1+$0x0] =	vst.idx.msk $0xffff, v12  }
0x205: {  	v12 =	vmov s19;
	v18 =	vld [tilespmem:s7+$0xFFFFFFD0]  }
0x206: {  	v12 =	vand.u32 $0x7F, v12  }
0x207: {  	v17 =	vadd.s32 v0, v12;
	_ =	sdelay $0x2  }
0x208: {  	v18 =	vmul.f32 $8.000000000e+00, v18;
	_ =	sdelay $0x1  }
0x209: {  	[tilespmem:v17+s1+$0x0] =	vst.idx.msk $0xffff, v18  }
0x20a: {  	v19 =	vld [tilespmem:s7+$0xFFFFFFE0];
	_ =	sdelay $0x1  }
0x20b: {  	v18 =	vadd.s32 v1, v12;
	_ =	sdelay $0x2  }
0x20c: {  	v19 =	vmul.f32 $8.000000000e+00, v19;
	_ =	sdelay $0x1  }
0x20d: {  	[tilespmem:v18+s1+$0x0] =	vst.idx.msk $0xffff, v19  }
0x20e: {  	v20 =	vld [tilespmem:s7+$0xFFFFFFF0];
	_ =	sdelay $0x1  }
0x20f: {  	v19 =	vadd.s32 v2, v12;
	_ =	sdelay $0x2  }
0x210: {  	v20 =	vmul.f32 $8.000000000e+00, v20;
	_ =	sdelay $0x1  }
0x211: {  	[tilespmem:v19+s1+$0x0] =	vst.idx.msk $0xffff, v20  }
0x212: {  	v21 =	vld [tilespmem:s7+$0x0];
	_ =	sdelay $0x1  }
0x213: {  	v20 =	vadd.s32 v3, v12;
	_ =	sdelay $0x2  }
0x214: {  	s18 =	simm.s32 $0x63F0;
	s19 =	simm.s32 $0x4;
	v21 =	vmul.f32 $8.000000000e+00, v21  }
.LBB2_18:
0x215: {  	p0 =	slt.u32 s19, $0x7C  }
0x216: {  	[tilespmem:v20+s1+$0x0] =	vst.idx.msk $0xffff, v21;
	s7 =	sadd.s32 $0x100, s7;
	s12 =	smov.u32 s19;
	s19 =	sadd.s32 $0x4, s19  }
0x217: {  	v20 =	vmov s12;
	v21 =	vld [tilespmem:s7+$0xFFFFFF10]  }
0x218: {  	v20 =	vand.u32 $0x7C, v20  }
0x219: {  	v22 =	vadd.s32 v0, v20;
	_ =	sdelay $0x2  }
0x21a: {  	v21 =	vmul.f32 $8.000000000e+00, v21;
	_ =	sdelay $0x1  }
0x21b: {  	[tilespmem:v22+s1+$0x0] =	vst.idx.msk $0xffff, v21  }
0x21c: {  	v21 =	vld [tilespmem:s7+$0xFFFFFF20];
	_ =	sdelay $0x1  }
0x21d: {  	v22 =	vadd.s32 v1, v20;
	_ =	sdelay $0x2  }
0x21e: {  	v21 =	vmul.f32 $8.000000000e+00, v21;
	_ =	sdelay $0x1  }
0x21f: {  	[tilespmem:v22+s1+$0x0] =	vst.idx.msk $0xffff, v21  }
0x220: {  	v21 =	vld [tilespmem:s7+$0xFFFFFF30];
	_ =	sdelay $0x1  }
0x221: {  	v22 =	vadd.s32 v2, v20;
	_ =	sdelay $0x2  }
0x222: {  	v21 =	vmul.f32 $8.000000000e+00, v21;
	_ =	sdelay $0x1  }
0x223: {  	[tilespmem:v22+s1+$0x0] =	vst.idx.msk $0xffff, v21  }
0x224: {  	v21 =	vld [tilespmem:s7+$0xFFFFFF40];
	_ =	sdelay $0x1  }
0x225: {  	v20 =	vadd.s32 v3, v20;
	_ =	sdelay $0x2  }
0x226: {  	v21 =	vmul.f32 $8.000000000e+00, v21;
	_ =	sdelay $0x1  }
0x227: {  	s10 =	sadd.s32 $0x1, s12;
	[tilespmem:v20+s1+$0x0] =	vst.idx.msk $0xffff, v21  }
0x228: {  	v20 =	vmov s10;
	v21 =	vld [tilespmem:s7+$0xFFFFFF50]  }
0x229: {  	v20 =	vand.u32 $0x7D, v20  }
0x22a: {  	v22 =	vadd.s32 v0, v20;
	_ =	sdelay $0x2  }
0x22b: {  	v21 =	vmul.f32 $8.000000000e+00, v21;
	_ =	sdelay $0x1  }
0x22c: {  	[tilespmem:v22+s1+$0x0] =	vst.idx.msk $0xffff, v21  }
0x22d: {  	v21 =	vld [tilespmem:s7+$0xFFFFFF60];
	_ =	sdelay $0x1  }
0x22e: {  	v22 =	vadd.s32 v1, v20;
	_ =	sdelay $0x2  }
0x22f: {  	v21 =	vmul.f32 $8.000000000e+00, v21;
	_ =	sdelay $0x1  }
0x230: {  	[tilespmem:v22+s1+$0x0] =	vst.idx.msk $0xffff, v21  }
0x231: {  	v21 =	vld [tilespmem:s7+$0xFFFFFF70];
	_ =	sdelay $0x1  }
0x232: {  	v22 =	vadd.s32 v2, v20;
	_ =	sdelay $0x2  }
0x233: {  	v21 =	vmul.f32 $8.000000000e+00, v21;
	_ =	sdelay $0x1  }
0x234: {  	[tilespmem:v22+s1+$0x0] =	vst.idx.msk $0xffff, v21  }
0x235: {  	v21 =	vld [tilespmem:s7+$0xFFFFFF80];
	_ =	sdelay $0x1  }
0x236: {  	v20 =	vadd.s32 v3, v20;
	_ =	sdelay $0x2  }
0x237: {  	v21 =	vmul.f32 $8.000000000e+00, v21;
	_ =	sdelay $0x1  }
0x238: {  	s10 =	sadd.s32 $0x2, s12;
	[tilespmem:v20+s1+$0x0] =	vst.idx.msk $0xffff, v21  }
0x239: {  	v20 =	vmov s10;
	v21 =	vld [tilespmem:s7+$0xFFFFFF90]  }
0x23a: {  	v20 =	vand.u32 $0x7E, v20  }
0x23b: {  	v22 =	vadd.s32 v0, v20;
	_ =	sdelay $0x2  }
0x23c: {  	v21 =	vmul.f32 $8.000000000e+00, v21;
	_ =	sdelay $0x1  }
0x23d: {  	[tilespmem:v22+s1+$0x0] =	vst.idx.msk $0xffff, v21  }
0x23e: {  	v21 =	vld [tilespmem:s7+$0xFFFFFFA0];
	_ =	sdelay $0x1  }
0x23f: {  	v22 =	vadd.s32 v1, v20;
	_ =	sdelay $0x2  }
0x240: {  	v21 =	vmul.f32 $8.000000000e+00, v21;
	_ =	sdelay $0x1  }
0x241: {  	[tilespmem:v22+s1+$0x0] =	vst.idx.msk $0xffff, v21  }
0x242: {  	v21 =	vld [tilespmem:s7+$0xFFFFFFB0];
	_ =	sdelay $0x1  }
0x243: {  	v22 =	vadd.s32 v2, v20;
	_ =	sdelay $0x2  }
0x244: {  	v21 =	vmul.f32 $8.000000000e+00, v21;
	_ =	sdelay $0x1  }
0x245: {  	[tilespmem:v22+s1+$0x0] =	vst.idx.msk $0xffff, v21  }
0x246: {  	v21 =	vld [tilespmem:s7+$0xFFFFFFC0];
	_ =	sdelay $0x1  }
0x247: {  	v20 =	vadd.s32 v3, v20;
	_ =	sdelay $0x2  }
0x248: {  	v21 =	vmul.f32 $8.000000000e+00, v21;
	_ =	sdelay $0x1  }
0x249: {  	s10 =	sadd.s32 $0x3, s12;
	[tilespmem:v20+s1+$0x0] =	vst.idx.msk $0xffff, v21  }
0x24a: {  	v20 =	vmov s10;
	v21 =	vld [tilespmem:s7+$0xFFFFFFD0]  }
0x24b: {  	v20 =	vand.u32 $0x7F, v20  }
0x24c: {  	v22 =	vadd.s32 v0, v20;
	_ =	sdelay $0x2  }
0x24d: {  	v21 =	vmul.f32 $8.000000000e+00, v21;
	_ =	sdelay $0x1  }
0x24e: {  	[tilespmem:v22+s1+$0x0] =	vst.idx.msk $0xffff, v21  }
0x24f: {  	v21 =	vld [tilespmem:s7+$0xFFFFFFE0];
	_ =	sdelay $0x1  }
0x250: {  	v22 =	vadd.s32 v1, v20;
	_ =	sdelay $0x2  }
0x251: {  	v21 =	vmul.f32 $8.000000000e+00, v21;
	_ =	sdelay $0x1  }
0x252: {  	[tilespmem:v22+s1+$0x0] =	vst.idx.msk $0xffff, v21  }
0x253: {  	v21 =	vld [tilespmem:s7+$0xFFFFFFF0];
	_ =	sdelay $0x1  }
0x254: {  	v22 =	vadd.s32 v2, v20;
	_ =	sdelay $0x2  }
0x255: {  	v21 =	vmul.f32 $8.000000000e+00, v21;
	_ =	sdelay $0x1  }
0x256: {  	[tilespmem:v22+s1+$0x0] =	vst.idx.msk $0xffff, v21  }
0x257: {  	v21 =	vld [tilespmem:s7+$0x0];
	_ =	sdelay $0x1  }
.Ltmp10:
0x258: {  	v20 =	vadd.s32 v3, v20;
	(pc) =	sbr.rel @p0 .LBB2_18-.Ltmp10, $2  }
0x259: {  	_ =	sdelay $0x1  }
0x25a: {  	v21 =	vmul.f32 $8.000000000e+00, v21;
	_ =	sdelay $0x1  }
0x25b: {  	_ =	sdelay $0x3  }
0x25c: {  	[tilespmem:v20+s1+$0x0] =	vst.idx.msk $0xffff, v21  }
0x25d: {  	v20 =	vld [tilespmem:s18+$0xFFFFFF10];
	_ =	sdelay $0x4  }
0x25e: {  	v20 =	vmul.f32 $8.000000000e+00, v20;
	_ =	sdelay $0x1  }
0x25f: {  	[tilespmem:v4+s0+$0x0] =	vst.idx.msk $0xffff, v20  }
0x260: {  	v4 =	vld [tilespmem:s18+$0xFFFFFF20];
	_ =	sdelay $0x4  }
0x261: {  	v4 =	vmul.f32 $8.000000000e+00, v4;
	_ =	sdelay $0x1  }
0x262: {  	[tilespmem:v5+s0+$0x0] =	vst.idx.msk $0xffff, v4  }
0x263: {  	v4 =	vld [tilespmem:s18+$0xFFFFFF30];
	_ =	sdelay $0x4  }
0x264: {  	v4 =	vmul.f32 $8.000000000e+00, v4;
	_ =	sdelay $0x1  }
0x265: {  	[tilespmem:v6+s0+$0x0] =	vst.idx.msk $0xffff, v4  }
0x266: {  	v4 =	vld [tilespmem:s18+$0xFFFFFF40];
	_ =	sdelay $0x4  }
0x267: {  	v4 =	vmul.f32 $8.000000000e+00, v4;
	_ =	sdelay $0x1  }
0x268: {  	[tilespmem:v7+s0+$0x0] =	vst.idx.msk $0xffff, v4  }
0x269: {  	v4 =	vld [tilespmem:s18+$0xFFFFFF50];
	_ =	sdelay $0x4  }
0x26a: {  	v4 =	vmul.f32 $8.000000000e+00, v4;
	_ =	sdelay $0x1  }
0x26b: {  	[tilespmem:v8+s0+$0x0] =	vst.idx.msk $0xffff, v4  }
0x26c: {  	v4 =	vld [tilespmem:s18+$0xFFFFFF60];
	_ =	sdelay $0x4  }
0x26d: {  	v4 =	vmul.f32 $8.000000000e+00, v4;
	_ =	sdelay $0x1  }
0x26e: {  	[tilespmem:v9+s0+$0x0] =	vst.idx.msk $0xffff, v4  }
0x26f: {  	v4 =	vld [tilespmem:s18+$0xFFFFFF70];
	_ =	sdelay $0x4  }
0x270: {  	v4 =	vmul.f32 $8.000000000e+00, v4;
	_ =	sdelay $0x1  }
0x271: {  	[tilespmem:v10+s0+$0x0] =	vst.idx.msk $0xffff, v4  }
0x272: {  	v4 =	vld [tilespmem:s18+$0xFFFFFF80];
	_ =	sdelay $0x4  }
0x273: {  	v4 =	vmul.f32 $8.000000000e+00, v4;
	_ =	sdelay $0x1  }
0x274: {  	[tilespmem:v11+s0+$0x0] =	vst.idx.msk $0xffff, v4  }
0x275: {  	v4 =	vld [tilespmem:s18+$0xFFFFFF90];
	_ =	sdelay $0x4  }
0x276: {  	v4 =	vmul.f32 $8.000000000e+00, v4;
	_ =	sdelay $0x1  }
0x277: {  	[tilespmem:v13+s0+$0x0] =	vst.idx.msk $0xffff, v4  }
0x278: {  	v4 =	vld [tilespmem:s18+$0xFFFFFFA0];
	_ =	sdelay $0x4  }
0x279: {  	v4 =	vmul.f32 $8.000000000e+00, v4;
	_ =	sdelay $0x1  }
0x27a: {  	[tilespmem:v14+s0+$0x0] =	vst.idx.msk $0xffff, v4  }
0x27b: {  	v4 =	vld [tilespmem:s18+$0xFFFFFFB0];
	_ =	sdelay $0x4  }
0x27c: {  	v4 =	vmul.f32 $8.000000000e+00, v4;
	_ =	sdelay $0x1  }
0x27d: {  	[tilespmem:v15+s0+$0x0] =	vst.idx.msk $0xffff, v4  }
0x27e: {  	v4 =	vld [tilespmem:s18+$0xFFFFFFC0];
	_ =	sdelay $0x4  }
0x27f: {  	v4 =	vmul.f32 $8.000000000e+00, v4;
	_ =	sdelay $0x1  }
0x280: {  	[tilespmem:v16+s0+$0x0] =	vst.idx.msk $0xffff, v4  }
0x281: {  	v4 =	vld [tilespmem:s18+$0xFFFFFFD0];
	_ =	sdelay $0x4  }
0x282: {  	v4 =	vmul.f32 $8.000000000e+00, v4;
	_ =	sdelay $0x1  }
0x283: {  	[tilespmem:v17+s0+$0x0] =	vst.idx.msk $0xffff, v4  }
0x284: {  	v4 =	vld [tilespmem:s18+$0xFFFFFFE0];
	_ =	sdelay $0x4  }
0x285: {  	v4 =	vmul.f32 $8.000000000e+00, v4;
	_ =	sdelay $0x1  }
0x286: {  	[tilespmem:v18+s0+$0x0] =	vst.idx.msk $0xffff, v4  }
0x287: {  	v4 =	vld [tilespmem:s18+$0xFFFFFFF0];
	_ =	sdelay $0x4  }
0x288: {  	v4 =	vmul.f32 $8.000000000e+00, v4;
	_ =	sdelay $0x1  }
0x289: {  	[tilespmem:v19+s0+$0x0] =	vst.idx.msk $0xffff, v4  }
0x28a: {  	v5 =	vld [tilespmem:s18+$0x0];
	_ =	sdelay $0x1  }
0x28b: {  	v4 =	vadd.s32 v3, v12;
	_ =	sdelay $0x2  }
0x28c: {  	s7 =	simm.s32 $0x4;
	v5 =	vmul.f32 $8.000000000e+00, v5  }
.LBB2_20:
0x28d: {  	p0 =	slt.u32 s7, $0x7C  }
0x28e: {  	s18 =	sadd.s32 $0x100, s18;
	s12 =	smov.u32 s7;
	s7 =	sadd.s32 $0x4, s7;
	[tilespmem:v4+s0+$0x0] =	vst.idx.msk $0xffff, v5  }
0x28f: {  	v4 =	vmov s12;
	v5 =	vld [tilespmem:s18+$0xFFFFFF10]  }
0x290: {  	v4 =	vand.u32 $0x7C, v4  }
0x291: {  	v6 =	vadd.s32 v0, v4;
	_ =	sdelay $0x2  }
0x292: {  	v5 =	vmul.f32 $8.000000000e+00, v5;
	_ =	sdelay $0x1  }
0x293: {  	[tilespmem:v6+s0+$0x0] =	vst.idx.msk $0xffff, v5  }
0x294: {  	v5 =	vld [tilespmem:s18+$0xFFFFFF20];
	_ =	sdelay $0x1  }
0x295: {  	v6 =	vadd.s32 v1, v4;
	_ =	sdelay $0x2  }
0x296: {  	v5 =	vmul.f32 $8.000000000e+00, v5;
	_ =	sdelay $0x1  }
0x297: {  	[tilespmem:v6+s0+$0x0] =	vst.idx.msk $0xffff, v5  }
0x298: {  	v5 =	vld [tilespmem:s18+$0xFFFFFF30];
	_ =	sdelay $0x1  }
0x299: {  	v6 =	vadd.s32 v2, v4;
	_ =	sdelay $0x2  }
0x29a: {  	v5 =	vmul.f32 $8.000000000e+00, v5;
	_ =	sdelay $0x1  }
0x29b: {  	[tilespmem:v6+s0+$0x0] =	vst.idx.msk $0xffff, v5  }
0x29c: {  	v5 =	vld [tilespmem:s18+$0xFFFFFF40];
	_ =	sdelay $0x1  }
0x29d: {  	v4 =	vadd.s32 v3, v4;
	_ =	sdelay $0x2  }
0x29e: {  	v5 =	vmul.f32 $8.000000000e+00, v5;
	_ =	sdelay $0x1  }
0x29f: {  	s10 =	sadd.s32 $0x1, s12;
	[tilespmem:v4+s0+$0x0] =	vst.idx.msk $0xffff, v5  }
0x2a0: {  	v4 =	vmov s10;
	v5 =	vld [tilespmem:s18+$0xFFFFFF50]  }
0x2a1: {  	v4 =	vand.u32 $0x7D, v4  }
0x2a2: {  	v6 =	vadd.s32 v0, v4;
	_ =	sdelay $0x2  }
0x2a3: {  	v5 =	vmul.f32 $8.000000000e+00, v5;
	_ =	sdelay $0x1  }
0x2a4: {  	[tilespmem:v6+s0+$0x0] =	vst.idx.msk $0xffff, v5  }
0x2a5: {  	v5 =	vld [tilespmem:s18+$0xFFFFFF60];
	_ =	sdelay $0x1  }
0x2a6: {  	v6 =	vadd.s32 v1, v4;
	_ =	sdelay $0x2  }
0x2a7: {  	v5 =	vmul.f32 $8.000000000e+00, v5;
	_ =	sdelay $0x1  }
0x2a8: {  	[tilespmem:v6+s0+$0x0] =	vst.idx.msk $0xffff, v5  }
0x2a9: {  	v5 =	vld [tilespmem:s18+$0xFFFFFF70];
	_ =	sdelay $0x1  }
0x2aa: {  	v6 =	vadd.s32 v2, v4;
	_ =	sdelay $0x2  }
0x2ab: {  	v5 =	vmul.f32 $8.000000000e+00, v5;
	_ =	sdelay $0x1  }
0x2ac: {  	[tilespmem:v6+s0+$0x0] =	vst.idx.msk $0xffff, v5  }
0x2ad: {  	v5 =	vld [tilespmem:s18+$0xFFFFFF80];
	_ =	sdelay $0x1  }
0x2ae: {  	v4 =	vadd.s32 v3, v4;
	_ =	sdelay $0x2  }
0x2af: {  	v5 =	vmul.f32 $8.000000000e+00, v5;
	_ =	sdelay $0x1  }
0x2b0: {  	s10 =	sadd.s32 $0x2, s12;
	[tilespmem:v4+s0+$0x0] =	vst.idx.msk $0xffff, v5  }
0x2b1: {  	v4 =	vmov s10;
	v5 =	vld [tilespmem:s18+$0xFFFFFF90]  }
0x2b2: {  	v4 =	vand.u32 $0x7E, v4  }
0x2b3: {  	v6 =	vadd.s32 v0, v4;
	_ =	sdelay $0x2  }
0x2b4: {  	v5 =	vmul.f32 $8.000000000e+00, v5;
	_ =	sdelay $0x1  }
0x2b5: {  	[tilespmem:v6+s0+$0x0] =	vst.idx.msk $0xffff, v5  }
0x2b6: {  	v5 =	vld [tilespmem:s18+$0xFFFFFFA0];
	_ =	sdelay $0x1  }
0x2b7: {  	v6 =	vadd.s32 v1, v4;
	_ =	sdelay $0x2  }
0x2b8: {  	v5 =	vmul.f32 $8.000000000e+00, v5;
	_ =	sdelay $0x1  }
0x2b9: {  	[tilespmem:v6+s0+$0x0] =	vst.idx.msk $0xffff, v5  }
0x2ba: {  	v5 =	vld [tilespmem:s18+$0xFFFFFFB0];
	_ =	sdelay $0x1  }
0x2bb: {  	v6 =	vadd.s32 v2, v4;
	_ =	sdelay $0x2  }
0x2bc: {  	v5 =	vmul.f32 $8.000000000e+00, v5;
	_ =	sdelay $0x1  }
0x2bd: {  	[tilespmem:v6+s0+$0x0] =	vst.idx.msk $0xffff, v5  }
0x2be: {  	v5 =	vld [tilespmem:s18+$0xFFFFFFC0];
	_ =	sdelay $0x1  }
0x2bf: {  	v4 =	vadd.s32 v3, v4;
	_ =	sdelay $0x2  }
0x2c0: {  	v5 =	vmul.f32 $8.000000000e+00, v5;
	_ =	sdelay $0x1  }
0x2c1: {  	s10 =	sadd.s32 $0x3, s12;
	[tilespmem:v4+s0+$0x0] =	vst.idx.msk $0xffff, v5  }
0x2c2: {  	v4 =	vmov s10;
	v5 =	vld [tilespmem:s18+$0xFFFFFFD0]  }
0x2c3: {  	v4 =	vand.u32 $0x7F, v4  }
0x2c4: {  	v6 =	vadd.s32 v0, v4;
	_ =	sdelay $0x2  }
0x2c5: {  	v5 =	vmul.f32 $8.000000000e+00, v5;
	_ =	sdelay $0x1  }
0x2c6: {  	[tilespmem:v6+s0+$0x0] =	vst.idx.msk $0xffff, v5  }
0x2c7: {  	v5 =	vld [tilespmem:s18+$0xFFFFFFE0];
	_ =	sdelay $0x1  }
0x2c8: {  	v6 =	vadd.s32 v1, v4;
	_ =	sdelay $0x2  }
0x2c9: {  	v5 =	vmul.f32 $8.000000000e+00, v5;
	_ =	sdelay $0x1  }
0x2ca: {  	[tilespmem:v6+s0+$0x0] =	vst.idx.msk $0xffff, v5  }
0x2cb: {  	v5 =	vld [tilespmem:s18+$0xFFFFFFF0];
	_ =	sdelay $0x1  }
0x2cc: {  	v6 =	vadd.s32 v2, v4;
	_ =	sdelay $0x2  }
0x2cd: {  	v5 =	vmul.f32 $8.000000000e+00, v5;
	_ =	sdelay $0x1  }
0x2ce: {  	[tilespmem:v6+s0+$0x0] =	vst.idx.msk $0xffff, v5  }
0x2cf: {  	v5 =	vld [tilespmem:s18+$0x0]  }
.Ltmp11:
0x2d0: {  	(pc) =	sbr.rel @p0 .LBB2_20-.Ltmp11, $2  }
0x2d1: {  	v4 =	vadd.s32 v3, v4;
	_ =	sdelay $0x2  }
0x2d2: {  	v5 =	vmul.f32 $8.000000000e+00, v5  }
0x2d3: {  	_ = 	snop  }
0x2d4: {  	s7 =	rddreg [dreg:$0x6]  }
0x2d5: {  	s7 =	sadd.s32 s7, s30  }
0x2d6: {  	s7 =	sshrl.u32 s7, $0x3  }
0x2d7: {  	s10 =	simm.s32 $0x10700;
	[tilespmem:v4+s0+$0x0] =	vst.idx.msk $0xffff, v5;
	s11 =	sadd.s32 s2, s7  }
0x2d8: {  	[hbm4b:s11+s3] =	stream.linear.scatter [tilespmem:s10], [sflag:$0x5], $0x80, $0x38;
	[tilespmem:$0x18F00] =	vst v63  }
0x2d9: {  	s13 =	simm.s32 $0x10788;
	s12 =	sadd.s32 $0x10, s11  }
0x2da: {  	[hbm4b:s12+s3] =	stream.linear.scatter [tilespmem:s13], [sflag:$0x5], $0x80, $0x38;
	[tilespmem:$0x18F00] =	vst v63  }
0x2db: {  	s18 =	simm.s32 $0x10810;
	s19 =	sadd.s32 $0x20, s11  }
0x2dc: {  	[hbm4b:s19+s3] =	stream.linear.scatter [tilespmem:s18], [sflag:$0x5], $0x80, $0x38;
	[tilespmem:$0x18F00] =	vst v63  }
0x2dd: {  	s12 =	simm.s32 $0x10898;
	s13 =	sadd.s32 $0x30, s11  }
0x2de: {  	[hbm4b:s13+s3] =	stream.linear.scatter [tilespmem:s12], [sflag:$0x5], $0x80, $0x38;
	[tilespmem:$0x18F00] =	vst v63  }
0x2df: {  	s18 =	simm.s32 $0x10920;
	s19 =	sadd.s32 $0x40, s11  }
0x2e0: {  	[hbm4b:s19+s3] =	stream.linear.scatter [tilespmem:s18], [sflag:$0x5], $0x80, $0x38;
	[tilespmem:$0x18F00] =	vst v63  }
0x2e1: {  	s10 =	sadd.s32 $0x70, s11;
	s12 =	simm.s32 $0x109A8;
	s13 =	sadd.s32 $0x50, s11  }
0x2e2: {  	[hbm4b:s13+s3] =	stream.linear.scatter [tilespmem:s12], [sflag:$0x5], $0x80, $0x38;
	[tilespmem:$0x18F00] =	vst v63  }
0x2e3: {  	s18 =	simm.s32 $0x10A30;
	s19 =	sadd.s32 $0x60, s11;
	s12 =	simm.s32 $0x440  }
0x2e4: {  	[hbm4b:s19+s3] =	stream.linear.scatter [tilespmem:s18], [sflag:$0x5], $0x80, $0x38;
	[tilespmem:$0x18F00] =	vst v63  }
0x2e5: {  	s13 =	simm.s32 $0x10AB8;
	s19 =	simm.s32 $0x2200;
	s18 =	sadd.s32 $0x1000, s11  }
.LBB2_22:
0x2e6: {  	[hbm4b:s10+s3] =	stream.linear.scatter [tilespmem:s13], [sflag:$0x5], $0x80, $0x38;
	[tilespmem:$0x18F00] =	vst v63  }
0x2e7: {  	s10 =	smov.u32 s12;
	s11 =	smov.u32 s19  }
0x2e8: {  	s12 =	sshra.s32 s11, $0x2;
	s11 =	sadd.s32 $0x1100, s19;
	s13 =	sadd.s32 $0x10700, s10  }
0x2e9: {  	[hbm4b:s18+s3] =	stream.linear.scatter [tilespmem:s13], [sflag:$0x5], $0x80, $0x38;
	[tilespmem:$0x18F00] =	vst v63  }
0x2ea: {  	p0 =	sne.s32 s19, $0x7700;
	s19 =	sadd.s32 $0x10, s18;
	s13 =	sadd.s32 $0x10788, s10  }
0x2eb: {  	[hbm4b:s19+s3] =	stream.linear.scatter [tilespmem:s13], [sflag:$0x5], $0x80, $0x38;
	[tilespmem:$0x18F00] =	vst v63  }
0x2ec: {  	s13 =	sadd.s32 $0x10810, s10;
	s19 =	sadd.s32 $0x20, s18  }
0x2ed: {  	[hbm4b:s19+s3] =	stream.linear.scatter [tilespmem:s13], [sflag:$0x5], $0x80, $0x38;
	[tilespmem:$0x18F00] =	vst v63  }
0x2ee: {  	s13 =	sadd.s32 $0x10898, s10;
	s19 =	sadd.s32 $0x30, s18  }
0x2ef: {  	[hbm4b:s19+s3] =	stream.linear.scatter [tilespmem:s13], [sflag:$0x5], $0x80, $0x38;
	[tilespmem:$0x18F00] =	vst v63  }
0x2f0: {  	s13 =	sadd.s32 $0x10920, s10;
	s19 =	sadd.s32 $0x40, s18  }
0x2f1: {  	[hbm4b:s19+s3] =	stream.linear.scatter [tilespmem:s13], [sflag:$0x5], $0x80, $0x38;
	[tilespmem:$0x18F00] =	vst v63  }
0x2f2: {  	s13 =	sadd.s32 $0x109A8, s10;
	s19 =	sadd.s32 $0x50, s18  }
0x2f3: {  	[hbm4b:s19+s3] =	stream.linear.scatter [tilespmem:s13], [sflag:$0x5], $0x80, $0x38;
	[tilespmem:$0x18F00] =	vst v63  }
.Ltmp12:
0x2f4: {  	_ = 	snop;
	(pc) =	sbr.rel @p0 .LBB2_22-.Ltmp12, $4  }
0x2f5: {  	s13 =	sadd.s32 $0x10A30, s10;
	s19 =	sadd.s32 $0x60, s18  }
0x2f6: {  	[hbm4b:s19+s3] =	stream.linear.scatter [tilespmem:s13], [sflag:$0x5], $0x80, $0x38;
	[tilespmem:$0x18F00] =	vst v63  }
0x2f7: {  	s13 =	sadd.s32 $0x10AB8, s10  }
0x2f8: {  	s10 =	sadd.s32 $0x70, s18;
	s18 =	sadd.s32 $0x1000, s18;
	s19 =	smov.u32 s11  }
0x2f9: {  	[hbm4b:s10+s3] =	stream.linear.scatter [tilespmem:s13], [sflag:$0x5], $0x80, $0x38;
	[tilespmem:$0x18F00] =	vst v63  }
0x2fa: {  	s13 =	sadd.s32 $0x10700, s12  }
0x2fb: {  	[hbm4b:s18+s3] =	stream.linear.scatter [tilespmem:s13], [sflag:$0x5], $0x80, $0x38;
	[tilespmem:$0x18F00] =	vst v63  }
0x2fc: {  	s19 =	sadd.s32 $0x10788, s12;
	s11 =	sadd.s32 $0x10, s18  }
0x2fd: {  	[hbm4b:s11+s3] =	stream.linear.scatter [tilespmem:s19], [sflag:$0x5], $0x80, $0x38;
	[tilespmem:$0x18F00] =	vst v63  }
0x2fe: {  	s13 =	sadd.s32 $0x10810, s12;
	s19 =	sadd.s32 $0x20, s18  }
0x2ff: {  	[hbm4b:s19+s3] =	stream.linear.scatter [tilespmem:s13], [sflag:$0x5], $0x80, $0x38;
	[tilespmem:$0x18F00] =	vst v63  }
0x300: {  	s13 =	sadd.s32 $0x10898, s12;
	s19 =	sadd.s32 $0x30, s18  }
0x301: {  	[hbm4b:s19+s3] =	stream.linear.scatter [tilespmem:s13], [sflag:$0x5], $0x80, $0x38;
	[tilespmem:$0x18F00] =	vst v63  }
0x302: {  	s13 =	sadd.s32 $0x10920, s12;
	s19 =	sadd.s32 $0x40, s18  }
0x303: {  	[hbm4b:s19+s3] =	stream.linear.scatter [tilespmem:s13], [sflag:$0x5], $0x80, $0x38;
	[tilespmem:$0x18F00] =	vst v63  }
0x304: {  	s13 =	sadd.s32 $0x109A8, s12;
	s19 =	sadd.s32 $0x50, s18  }
0x305: {  	[hbm4b:s19+s3] =	stream.linear.scatter [tilespmem:s13], [sflag:$0x5], $0x80, $0x38;
	[tilespmem:$0x18F00] =	vst v63  }
0x306: {  	s13 =	sadd.s32 $0x10A30, s12;
	s19 =	sadd.s32 $0x60, s18  }
0x307: {  	[hbm4b:s19+s3] =	stream.linear.scatter [tilespmem:s13], [sflag:$0x5], $0x80, $0x38;
	[tilespmem:$0x18F00] =	vst v63  }
0x308: {  	s13 =	sadd.s32 $0x10AB8, s12;
	s19 =	sadd.s32 $0x70, s18  }
0x309: {  	[hbm4b:s19+s3] =	stream.linear.scatter [tilespmem:s13], [sflag:$0x5], $0x80, $0x38;
	[tilespmem:$0x18F00] =	vst v63  }
0x30a: {  	s10 =	simm.s32 $0x12900;
	s11 =	sadd.s32 s7, s9  }
0x30b: {  	[hbm4b:s11+s3] =	stream.linear.scatter [tilespmem:s10], [sflag:$0x5], $0x80, $0x38;
	[tilespmem:$0x18F00] =	vst v63  }
0x30c: {  	s12 =	simm.s32 $0x12988;
	s13 =	sadd.s32 $0x10, s11  }
0x30d: {  	[hbm4b:s13+s3] =	stream.linear.scatter [tilespmem:s12], [sflag:$0x5], $0x80, $0x38;
	[tilespmem:$0x18F00] =	vst v63  }
0x30e: {  	s18 =	simm.s32 $0x12A10;
	s19 =	sadd.s32 $0x20, s11  }
0x30f: {  	[hbm4b:s19+s3] =	stream.linear.scatter [tilespmem:s18], [sflag:$0x5], $0x80, $0x38;
	[tilespmem:$0x18F00] =	vst v63  }
0x310: {  	s12 =	simm.s32 $0x12A98;
	s13 =	sadd.s32 $0x30, s11  }
0x311: {  	[hbm4b:s13+s3] =	stream.linear.scatter [tilespmem:s12], [sflag:$0x5], $0x80, $0x38;
	[tilespmem:$0x18F00] =	vst v63  }
0x312: {  	s18 =	simm.s32 $0x12B20;
	s19 =	sadd.s32 $0x40, s11  }
0x313: {  	[hbm4b:s19+s3] =	stream.linear.scatter [tilespmem:s18], [sflag:$0x5], $0x80, $0x38;
	[tilespmem:$0x18F00] =	vst v63  }
0x314: {  	s7 =	simm.s32 $0x440;
	s12 =	simm.s32 $0x12BA8;
	s13 =	sadd.s32 $0x50, s11  }
0x315: {  	[hbm4b:s13+s3] =	stream.linear.scatter [tilespmem:s12], [sflag:$0x5], $0x80, $0x38;
	[tilespmem:$0x18F00] =	vst v63  }
0x316: {  	s10 =	sadd.s32 $0x70, s11;
	s18 =	simm.s32 $0x12C30;
	s19 =	sadd.s32 $0x60, s11  }
0x317: {  	[hbm4b:s19+s3] =	stream.linear.scatter [tilespmem:s18], [sflag:$0x5], $0x80, $0x38;
	[tilespmem:$0x18F00] =	vst v63  }
0x318: {  	s13 =	simm.s32 $0x12CB8;
	s12 =	sadd.s32 $0x1000, s11;
	s18 =	simm.s32 $0x2200  }
.LBB2_24:
0x319: {  	[hbm4b:s10+s3] =	stream.linear.scatter [tilespmem:s13], [sflag:$0x5], $0x80, $0x38;
	[tilespmem:$0x18F00] =	vst v63  }
0x31a: {  	s10 =	smov.u32 s7;
	s7 =	smov.u32 s18  }
0x31b: {  	s11 =	sadd.s32 $0x1100, s18;
	s7 =	sshra.s32 s7, $0x2;
	s13 =	sadd.s32 $0x12900, s10  }
0x31c: {  	[hbm4b:s12+s3] =	stream.linear.scatter [tilespmem:s13], [sflag:$0x5], $0x80, $0x38;
	[tilespmem:$0x18F00] =	vst v63  }
0x31d: {  	p0 =	sne.s32 s18, $0x7700;
	s18 =	sadd.s32 $0x10, s12;
	s13 =	sadd.s32 $0x12988, s10  }
0x31e: {  	[hbm4b:s18+s3] =	stream.linear.scatter [tilespmem:s13], [sflag:$0x5], $0x80, $0x38;
	[tilespmem:$0x18F00] =	vst v63  }
0x31f: {  	s13 =	sadd.s32 $0x12A10, s10;
	s18 =	sadd.s32 $0x20, s12  }
0x320: {  	[hbm4b:s18+s3] =	stream.linear.scatter [tilespmem:s13], [sflag:$0x5], $0x80, $0x38;
	[tilespmem:$0x18F00] =	vst v63  }
0x321: {  	s13 =	sadd.s32 $0x12A98, s10;
	s18 =	sadd.s32 $0x30, s12  }
0x322: {  	[hbm4b:s18+s3] =	stream.linear.scatter [tilespmem:s13], [sflag:$0x5], $0x80, $0x38;
	[tilespmem:$0x18F00] =	vst v63  }
0x323: {  	s13 =	sadd.s32 $0x12B20, s10;
	s18 =	sadd.s32 $0x40, s12  }
0x324: {  	[hbm4b:s18+s3] =	stream.linear.scatter [tilespmem:s13], [sflag:$0x5], $0x80, $0x38;
	[tilespmem:$0x18F00] =	vst v63  }
0x325: {  	s13 =	sadd.s32 $0x12BA8, s10;
	s18 =	sadd.s32 $0x50, s12  }
0x326: {  	[hbm4b:s18+s3] =	stream.linear.scatter [tilespmem:s13], [sflag:$0x5], $0x80, $0x38;
	[tilespmem:$0x18F00] =	vst v63  }
.Ltmp13:
0x327: {  	_ = 	snop;
	(pc) =	sbr.rel @p0 .LBB2_24-.Ltmp13, $4  }
0x328: {  	s13 =	sadd.s32 $0x12C30, s10;
	s18 =	sadd.s32 $0x60, s12  }
0x329: {  	[hbm4b:s18+s3] =	stream.linear.scatter [tilespmem:s13], [sflag:$0x5], $0x80, $0x38;
	[tilespmem:$0x18F00] =	vst v63  }
0x32a: {  	s13 =	sadd.s32 $0x12CB8, s10  }
0x32b: {  	s10 =	sadd.s32 $0x70, s12;
	s12 =	sadd.s32 $0x1000, s12;
	s18 =	smov.u32 s11  }
0x32c: {  	[hbm4b:s10+s3] =	stream.linear.scatter [tilespmem:s13], [sflag:$0x5], $0x80, $0x38;
	[tilespmem:$0x18F00] =	vst v63  }
0x32d: {  	s18 =	sadd.s32 $0x12900, s7  }
0x32e: {  	[hbm4b:s12+s3] =	stream.linear.scatter [tilespmem:s18], [sflag:$0x5], $0x80, $0x38;
	[tilespmem:$0x18F00] =	vst v63  }
0x32f: {  	s19 =	sadd.s32 $0x12988, s7;
	s11 =	sadd.s32 $0x10, s12  }
0x330: {  	[hbm4b:s11+s3] =	stream.linear.scatter [tilespmem:s19], [sflag:$0x5], $0x80, $0x38;
	[tilespmem:$0x18F00] =	vst v63  }
0x331: {  	s13 =	sadd.s32 $0x20, s12;
	s11 =	sadd.s32 $0x12A10, s7  }
0x332: {  	[hbm4b:s13+s3] =	stream.linear.scatter [tilespmem:s11], [sflag:$0x5], $0x80, $0x38;
	[tilespmem:$0x18F00] =	vst v63  }
0x333: {  	s18 =	sadd.s32 $0x12A98, s7;
	s19 =	sadd.s32 $0x30, s12  }
0x334: {  	[hbm4b:s19+s3] =	stream.linear.scatter [tilespmem:s18], [sflag:$0x5], $0x80, $0x38;
	[tilespmem:$0x18F00] =	vst v63  }
0x335: {  	s11 =	sadd.s32 $0x12B20, s7;
	s13 =	sadd.s32 $0x40, s12  }
0x336: {  	[hbm4b:s13+s3] =	stream.linear.scatter [tilespmem:s11], [sflag:$0x5], $0x80, $0x38;
	[tilespmem:$0x18F00] =	vst v63  }
0x337: {  	p0 =	seq.s32 s29, $0x21;
	s18 =	sadd.s32 $0x12BA8, s7;
	s19 =	sadd.s32 $0x50, s12  }
0x338: {  	[hbm4b:s19+s3] =	stream.linear.scatter [tilespmem:s18], [sflag:$0x5], $0x80, $0x38;
	[tilespmem:$0x18F00] =	vst v63  }
.Ltmp14:
0x339: {  	_ = 	snop;
	(pc) =	sbr.rel @p0 .LBB2_35-.Ltmp14, $4  }
0x33a: {  	s11 =	sadd.s32 $0x12C30, s7;
	s13 =	sadd.s32 $0x60, s12  }
0x33b: {  	[hbm4b:s13+s3] =	stream.linear.scatter [tilespmem:s11], [sflag:$0x5], $0x80, $0x38;
	[tilespmem:$0x18F00] =	vst v63  }
0x33c: {  	s18 =	sadd.s32 $0x12CB8, s7;
	s19 =	sadd.s32 $0x70, s12  }
0x33d: {  	[hbm4b:s19+s3] =	stream.linear.scatter [tilespmem:s18], [sflag:$0x5], $0x80, $0x38;
	[tilespmem:$0x18F00] =	vst v63  }
0x33e: {  	_ =	swait.ge [sflag:s6], $0x2000  }
0x33f: {  	[sflag:s6] =	ssyncset.done $0x0  }
0x340: {  	[sflag:s6] =	ssyncadd.s32 $0xFFFFE000  }
0x341: {  	_ =	swait.ge [sflag:s6], $0x2000  }
0x342: {  	s7 =	rddreg [dreg:$0x7]  }
0x343: {  	s7 =	sadd.s32 s17, s7  }
0x344: {  	[sflag:s6] =	ssyncset.done $0x0;
	s7 =	sshrl.u32 s7, $0x3  }
0x345: {  	s10 =	simm.s32 $0x0;
	[sflag:s6] =	ssyncadd.s32 $0xFFFFE000;
	s7 =	sadd.s32 s4, s7  }
0x346: {  	[tilespmem:s10], [sflag:$0x7] =	stream.linear.gather [hbm4b:s7+s10], $0x100, $0x38;
	[tilespmem:$0x18F00] =	vst v63  }
0x347: {  	_ =	swait.ge [sflag:s15], $0x100  }
0x348: {  	[sflag:s15] =	ssyncset.done $0x0  }
0x349: {  	s12 =	simm.s32 $0x300;
	[sflag:s15] =	ssyncadd.s32 $0xFFFFFF00  }
0x34a: {  	[tilespmem:s12], [sflag:$0x1] =	stream.indirect.gather [hbm4b:s5+s16], $0x40, s10, s16, $0xb8;
	[tilespmem:$0x18F00] =	vst v63  }
0x34b: {  	s13 =	simm.s32 $0x2300  }
0x34c: {  	[tilespmem:s13], [sflag:$0x1] =	stream.indirect.gather [hbm4b:s5+s16], $0x40, s16, s16, $0xb8;
	[tilespmem:$0x18F00] =	vst v63  }
0x34d: {  	_ =	swait.ge [sflag:s14], $0x2000  }
0x34e: {  	[sflag:s14] =	ssyncset.done $0x0  }
0x34f: {  	[sflag:s14] =	ssyncadd.s32 $0xFFFFE000  }
0x350: {  	_ =	swait.ge [sflag:s14], $0x2000  }
0x351: {  	[sflag:s14] =	ssyncset.done $0x0  }
0x352: {  	s7 =	simm.s32 $0x83F0;
	[sflag:s14] =	ssyncadd.s32 $0xFFFFE000  }
0x353: {  	v4 =	vmov s10;
	v5 =	vld [tilespmem:s7+$0xFFFFFF10]  }
0x354: {  	v7 =	vand.u32 $0x7C, v4  }
0x355: {  	v4 =	vadd.s32 v0, v7;
	_ =	sdelay $0x2  }
0x356: {  	v5 =	vmul.f32 $8.000000000e+00, v5;
	_ =	sdelay $0x1  }
0x357: {  	[tilespmem:v4+s20+$0x0] =	vst.idx.msk $0xffff, v5  }
0x358: {  	v6 =	vld [tilespmem:s7+$0xFFFFFF20];
	_ =	sdelay $0x1  }
0x359: {  	v5 =	vadd.s32 v1, v7;
	_ =	sdelay $0x2  }
0x35a: {  	v6 =	vmul.f32 $8.000000000e+00, v6;
	_ =	sdelay $0x1  }
0x35b: {  	[tilespmem:v5+s20+$0x0] =	vst.idx.msk $0xffff, v6  }
0x35c: {  	v8 =	vld [tilespmem:s7+$0xFFFFFF30];
	_ =	sdelay $0x1  }
0x35d: {  	v6 =	vadd.s32 v2, v7;
	_ =	sdelay $0x2  }
0x35e: {  	v8 =	vmul.f32 $8.000000000e+00, v8;
	_ =	sdelay $0x1  }
0x35f: {  	[tilespmem:v6+s20+$0x0] =	vst.idx.msk $0xffff, v8  }
0x360: {  	v8 =	vld [tilespmem:s7+$0xFFFFFF40];
	_ =	sdelay $0x1  }
0x361: {  	v7 =	vadd.s32 v3, v7;
	_ =	sdelay $0x2  }
0x362: {  	v8 =	vmul.f32 $8.000000000e+00, v8;
	_ =	sdelay $0x1  }
0x363: {  	s17 =	simm.s32 $0x1;
	[tilespmem:v7+s20+$0x0] =	vst.idx.msk $0xffff, v8  }
0x364: {  	v8 =	vmov s17;
	v9 =	vld [tilespmem:s7+$0xFFFFFF50]  }
0x365: {  	v11 =	vand.u32 $0x7D, v8  }
0x366: {  	v8 =	vadd.s32 v0, v11;
	_ =	sdelay $0x2  }
0x367: {  	v9 =	vmul.f32 $8.000000000e+00, v9;
	_ =	sdelay $0x1  }
0x368: {  	[tilespmem:v8+s20+$0x0] =	vst.idx.msk $0xffff, v9  }
0x369: {  	v10 =	vld [tilespmem:s7+$0xFFFFFF60];
	_ =	sdelay $0x1  }
0x36a: {  	v9 =	vadd.s32 v1, v11;
	_ =	sdelay $0x2  }
0x36b: {  	v10 =	vmul.f32 $8.000000000e+00, v10;
	_ =	sdelay $0x1  }
0x36c: {  	[tilespmem:v9+s20+$0x0] =	vst.idx.msk $0xffff, v10  }
0x36d: {  	v12 =	vld [tilespmem:s7+$0xFFFFFF70];
	_ =	sdelay $0x1  }
0x36e: {  	v10 =	vadd.s32 v2, v11;
	_ =	sdelay $0x2  }
0x36f: {  	v12 =	vmul.f32 $8.000000000e+00, v12;
	_ =	sdelay $0x1  }
0x370: {  	[tilespmem:v10+s20+$0x0] =	vst.idx.msk $0xffff, v12  }
0x371: {  	v12 =	vld [tilespmem:s7+$0xFFFFFF80];
	_ =	sdelay $0x1  }
0x372: {  	v11 =	vadd.s32 v3, v11;
	_ =	sdelay $0x2  }
0x373: {  	v12 =	vmul.f32 $8.000000000e+00, v12;
	_ =	sdelay $0x1  }
0x374: {  	s18 =	simm.s32 $0x2;
	[tilespmem:v11+s20+$0x0] =	vst.idx.msk $0xffff, v12  }
0x375: {  	v12 =	vmov s18;
	v14 =	vld [tilespmem:s7+$0xFFFFFF90]  }
0x376: {  	v12 =	vand.u32 $0x7E, v12  }
0x377: {  	v13 =	vadd.s32 v0, v12;
	_ =	sdelay $0x2  }
0x378: {  	v14 =	vmul.f32 $8.000000000e+00, v14;
	_ =	sdelay $0x1  }
0x379: {  	[tilespmem:v13+s20+$0x0] =	vst.idx.msk $0xffff, v14  }
0x37a: {  	v15 =	vld [tilespmem:s7+$0xFFFFFFA0];
	_ =	sdelay $0x1  }
0x37b: {  	v14 =	vadd.s32 v1, v12;
	_ =	sdelay $0x2  }
0x37c: {  	v15 =	vmul.f32 $8.000000000e+00, v15;
	_ =	sdelay $0x1  }
0x37d: {  	[tilespmem:v14+s20+$0x0] =	vst.idx.msk $0xffff, v15  }
0x37e: {  	v16 =	vld [tilespmem:s7+$0xFFFFFFB0];
	_ =	sdelay $0x1  }
0x37f: {  	v15 =	vadd.s32 v2, v12;
	_ =	sdelay $0x2  }
0x380: {  	v16 =	vmul.f32 $8.000000000e+00, v16;
	_ =	sdelay $0x1  }
0x381: {  	[tilespmem:v15+s20+$0x0] =	vst.idx.msk $0xffff, v16  }
0x382: {  	v17 =	vld [tilespmem:s7+$0xFFFFFFC0];
	_ =	sdelay $0x1  }
0x383: {  	v16 =	vadd.s32 v3, v12;
	_ =	sdelay $0x2  }
0x384: {  	v12 =	vmul.f32 $8.000000000e+00, v17;
	_ =	sdelay $0x1  }
0x385: {  	s19 =	simm.s32 $0x3;
	[tilespmem:v16+s20+$0x0] =	vst.idx.msk $0xffff, v12  }
0x386: {  	v12 =	vmov s19;
	v18 =	vld [tilespmem:s7+$0xFFFFFFD0]  }
0x387: {  	v12 =	vand.u32 $0x7F, v12  }
0x388: {  	v17 =	vadd.s32 v0, v12;
	_ =	sdelay $0x2  }
0x389: {  	v18 =	vmul.f32 $8.000000000e+00, v18;
	_ =	sdelay $0x1  }
0x38a: {  	[tilespmem:v17+s20+$0x0] =	vst.idx.msk $0xffff, v18  }
0x38b: {  	v19 =	vld [tilespmem:s7+$0xFFFFFFE0];
	_ =	sdelay $0x1  }
0x38c: {  	v18 =	vadd.s32 v1, v12;
	_ =	sdelay $0x2  }
0x38d: {  	v19 =	vmul.f32 $8.000000000e+00, v19;
	_ =	sdelay $0x1  }
0x38e: {  	[tilespmem:v18+s20+$0x0] =	vst.idx.msk $0xffff, v19  }
0x38f: {  	v20 =	vld [tilespmem:s7+$0xFFFFFFF0];
	_ =	sdelay $0x1  }
0x390: {  	v19 =	vadd.s32 v2, v12;
	_ =	sdelay $0x2  }
0x391: {  	v20 =	vmul.f32 $8.000000000e+00, v20;
	_ =	sdelay $0x1  }
0x392: {  	[tilespmem:v19+s20+$0x0] =	vst.idx.msk $0xffff, v20  }
0x393: {  	v21 =	vld [tilespmem:s7+$0x0];
	_ =	sdelay $0x1  }
0x394: {  	v20 =	vadd.s32 v3, v12;
	_ =	sdelay $0x2  }
0x395: {  	s17 =	simm.s32 $0xA3F0;
	s18 =	simm.s32 $0x4;
	v21 =	vmul.f32 $8.000000000e+00, v21  }
.LBB2_27:
0x396: {  	p0 =	slt.u32 s18, $0x7C  }
0x397: {  	[tilespmem:v20+s20+$0x0] =	vst.idx.msk $0xffff, v21;
	s7 =	sadd.s32 $0x100, s7;
	s12 =	smov.u32 s18;
	s18 =	sadd.s32 $0x4, s18  }
0x398: {  	v20 =	vmov s12;
	v21 =	vld [tilespmem:s7+$0xFFFFFF10]  }
0x399: {  	v20 =	vand.u32 $0x7C, v20  }
0x39a: {  	v22 =	vadd.s32 v0, v20;
	_ =	sdelay $0x2  }
0x39b: {  	v21 =	vmul.f32 $8.000000000e+00, v21;
	_ =	sdelay $0x1  }
0x39c: {  	[tilespmem:v22+s20+$0x0] =	vst.idx.msk $0xffff, v21  }
0x39d: {  	v21 =	vld [tilespmem:s7+$0xFFFFFF20];
	_ =	sdelay $0x1  }
0x39e: {  	v22 =	vadd.s32 v1, v20;
	_ =	sdelay $0x2  }
0x39f: {  	v21 =	vmul.f32 $8.000000000e+00, v21;
	_ =	sdelay $0x1  }
0x3a0: {  	[tilespmem:v22+s20+$0x0] =	vst.idx.msk $0xffff, v21  }
0x3a1: {  	v21 =	vld [tilespmem:s7+$0xFFFFFF30];
	_ =	sdelay $0x1  }
0x3a2: {  	v22 =	vadd.s32 v2, v20;
	_ =	sdelay $0x2  }
0x3a3: {  	v21 =	vmul.f32 $8.000000000e+00, v21;
	_ =	sdelay $0x1  }
0x3a4: {  	[tilespmem:v22+s20+$0x0] =	vst.idx.msk $0xffff, v21  }
0x3a5: {  	v21 =	vld [tilespmem:s7+$0xFFFFFF40];
	_ =	sdelay $0x1  }
0x3a6: {  	v20 =	vadd.s32 v3, v20;
	_ =	sdelay $0x2  }
0x3a7: {  	v21 =	vmul.f32 $8.000000000e+00, v21;
	_ =	sdelay $0x1  }
0x3a8: {  	s10 =	sadd.s32 $0x1, s12;
	[tilespmem:v20+s20+$0x0] =	vst.idx.msk $0xffff, v21  }
0x3a9: {  	v20 =	vmov s10;
	v21 =	vld [tilespmem:s7+$0xFFFFFF50]  }
0x3aa: {  	v20 =	vand.u32 $0x7D, v20  }
0x3ab: {  	v22 =	vadd.s32 v0, v20;
	_ =	sdelay $0x2  }
0x3ac: {  	v21 =	vmul.f32 $8.000000000e+00, v21;
	_ =	sdelay $0x1  }
0x3ad: {  	[tilespmem:v22+s20+$0x0] =	vst.idx.msk $0xffff, v21  }
0x3ae: {  	v21 =	vld [tilespmem:s7+$0xFFFFFF60];
	_ =	sdelay $0x1  }
0x3af: {  	v22 =	vadd.s32 v1, v20;
	_ =	sdelay $0x2  }
0x3b0: {  	v21 =	vmul.f32 $8.000000000e+00, v21;
	_ =	sdelay $0x1  }
0x3b1: {  	[tilespmem:v22+s20+$0x0] =	vst.idx.msk $0xffff, v21  }
0x3b2: {  	v21 =	vld [tilespmem:s7+$0xFFFFFF70];
	_ =	sdelay $0x1  }
0x3b3: {  	v22 =	vadd.s32 v2, v20;
	_ =	sdelay $0x2  }
0x3b4: {  	v21 =	vmul.f32 $8.000000000e+00, v21;
	_ =	sdelay $0x1  }
0x3b5: {  	[tilespmem:v22+s20+$0x0] =	vst.idx.msk $0xffff, v21  }
0x3b6: {  	v21 =	vld [tilespmem:s7+$0xFFFFFF80];
	_ =	sdelay $0x1  }
0x3b7: {  	v20 =	vadd.s32 v3, v20;
	_ =	sdelay $0x2  }
0x3b8: {  	v21 =	vmul.f32 $8.000000000e+00, v21;
	_ =	sdelay $0x1  }
0x3b9: {  	s10 =	sadd.s32 $0x2, s12;
	[tilespmem:v20+s20+$0x0] =	vst.idx.msk $0xffff, v21  }
0x3ba: {  	v20 =	vmov s10;
	v21 =	vld [tilespmem:s7+$0xFFFFFF90]  }
0x3bb: {  	v20 =	vand.u32 $0x7E, v20  }
0x3bc: {  	v22 =	vadd.s32 v0, v20;
	_ =	sdelay $0x2  }
0x3bd: {  	v21 =	vmul.f32 $8.000000000e+00, v21;
	_ =	sdelay $0x1  }
0x3be: {  	[tilespmem:v22+s20+$0x0] =	vst.idx.msk $0xffff, v21  }
0x3bf: {  	v21 =	vld [tilespmem:s7+$0xFFFFFFA0];
	_ =	sdelay $0x1  }
0x3c0: {  	v22 =	vadd.s32 v1, v20;
	_ =	sdelay $0x2  }
0x3c1: {  	v21 =	vmul.f32 $8.000000000e+00, v21;
	_ =	sdelay $0x1  }
0x3c2: {  	[tilespmem:v22+s20+$0x0] =	vst.idx.msk $0xffff, v21  }
0x3c3: {  	v21 =	vld [tilespmem:s7+$0xFFFFFFB0];
	_ =	sdelay $0x1  }
0x3c4: {  	v22 =	vadd.s32 v2, v20;
	_ =	sdelay $0x2  }
0x3c5: {  	v21 =	vmul.f32 $8.000000000e+00, v21;
	_ =	sdelay $0x1  }
0x3c6: {  	[tilespmem:v22+s20+$0x0] =	vst.idx.msk $0xffff, v21  }
0x3c7: {  	v21 =	vld [tilespmem:s7+$0xFFFFFFC0];
	_ =	sdelay $0x1  }
0x3c8: {  	v20 =	vadd.s32 v3, v20;
	_ =	sdelay $0x2  }
0x3c9: {  	v21 =	vmul.f32 $8.000000000e+00, v21;
	_ =	sdelay $0x1  }
0x3ca: {  	s10 =	sadd.s32 $0x3, s12;
	[tilespmem:v20+s20+$0x0] =	vst.idx.msk $0xffff, v21  }
0x3cb: {  	v20 =	vmov s10;
	v21 =	vld [tilespmem:s7+$0xFFFFFFD0]  }
0x3cc: {  	v20 =	vand.u32 $0x7F, v20  }
0x3cd: {  	v22 =	vadd.s32 v0, v20;
	_ =	sdelay $0x2  }
0x3ce: {  	v21 =	vmul.f32 $8.000000000e+00, v21;
	_ =	sdelay $0x1  }
0x3cf: {  	[tilespmem:v22+s20+$0x0] =	vst.idx.msk $0xffff, v21  }
0x3d0: {  	v21 =	vld [tilespmem:s7+$0xFFFFFFE0];
	_ =	sdelay $0x1  }
0x3d1: {  	v22 =	vadd.s32 v1, v20;
	_ =	sdelay $0x2  }
0x3d2: {  	v21 =	vmul.f32 $8.000000000e+00, v21;
	_ =	sdelay $0x1  }
0x3d3: {  	[tilespmem:v22+s20+$0x0] =	vst.idx.msk $0xffff, v21  }
0x3d4: {  	v21 =	vld [tilespmem:s7+$0xFFFFFFF0];
	_ =	sdelay $0x1  }
0x3d5: {  	v22 =	vadd.s32 v2, v20;
	_ =	sdelay $0x2  }
0x3d6: {  	v21 =	vmul.f32 $8.000000000e+00, v21;
	_ =	sdelay $0x1  }
0x3d7: {  	[tilespmem:v22+s20+$0x0] =	vst.idx.msk $0xffff, v21  }
0x3d8: {  	v21 =	vld [tilespmem:s7+$0x0];
	_ =	sdelay $0x1  }
.Ltmp15:
0x3d9: {  	v20 =	vadd.s32 v3, v20;
	(pc) =	sbr.rel @p0 .LBB2_27-.Ltmp15, $2  }
0x3da: {  	_ =	sdelay $0x1  }
0x3db: {  	v21 =	vmul.f32 $8.000000000e+00, v21;
	_ =	sdelay $0x1  }
0x3dc: {  	_ =	sdelay $0x3  }
0x3dd: {  	[tilespmem:v20+s20+$0x0] =	vst.idx.msk $0xffff, v21  }
0x3de: {  	v20 =	vld [tilespmem:s17+$0xFFFFFF10];
	_ =	sdelay $0x4  }
0x3df: {  	v20 =	vmul.f32 $8.000000000e+00, v20;
	_ =	sdelay $0x1  }
0x3e0: {  	[tilespmem:v4+s21+$0x0] =	vst.idx.msk $0xffff, v20  }
0x3e1: {  	v4 =	vld [tilespmem:s17+$0xFFFFFF20];
	_ =	sdelay $0x4  }
0x3e2: {  	v4 =	vmul.f32 $8.000000000e+00, v4;
	_ =	sdelay $0x1  }
0x3e3: {  	[tilespmem:v5+s21+$0x0] =	vst.idx.msk $0xffff, v4  }
0x3e4: {  	v4 =	vld [tilespmem:s17+$0xFFFFFF30];
	_ =	sdelay $0x4  }
0x3e5: {  	v4 =	vmul.f32 $8.000000000e+00, v4;
	_ =	sdelay $0x1  }
0x3e6: {  	[tilespmem:v6+s21+$0x0] =	vst.idx.msk $0xffff, v4  }
0x3e7: {  	v4 =	vld [tilespmem:s17+$0xFFFFFF40];
	_ =	sdelay $0x4  }
0x3e8: {  	v4 =	vmul.f32 $8.000000000e+00, v4;
	_ =	sdelay $0x1  }
0x3e9: {  	[tilespmem:v7+s21+$0x0] =	vst.idx.msk $0xffff, v4  }
0x3ea: {  	v4 =	vld [tilespmem:s17+$0xFFFFFF50];
	_ =	sdelay $0x4  }
0x3eb: {  	v4 =	vmul.f32 $8.000000000e+00, v4;
	_ =	sdelay $0x1  }
0x3ec: {  	[tilespmem:v8+s21+$0x0] =	vst.idx.msk $0xffff, v4  }
0x3ed: {  	v4 =	vld [tilespmem:s17+$0xFFFFFF60];
	_ =	sdelay $0x4  }
0x3ee: {  	v4 =	vmul.f32 $8.000000000e+00, v4;
	_ =	sdelay $0x1  }
0x3ef: {  	[tilespmem:v9+s21+$0x0] =	vst.idx.msk $0xffff, v4  }
0x3f0: {  	v4 =	vld [tilespmem:s17+$0xFFFFFF70];
	_ =	sdelay $0x4  }
0x3f1: {  	v4 =	vmul.f32 $8.000000000e+00, v4;
	_ =	sdelay $0x1  }
0x3f2: {  	[tilespmem:v10+s21+$0x0] =	vst.idx.msk $0xffff, v4  }
0x3f3: {  	v4 =	vld [tilespmem:s17+$0xFFFFFF80];
	_ =	sdelay $0x4  }
0x3f4: {  	v4 =	vmul.f32 $8.000000000e+00, v4;
	_ =	sdelay $0x1  }
0x3f5: {  	[tilespmem:v11+s21+$0x0] =	vst.idx.msk $0xffff, v4  }
0x3f6: {  	v4 =	vld [tilespmem:s17+$0xFFFFFF90];
	_ =	sdelay $0x4  }
0x3f7: {  	v4 =	vmul.f32 $8.000000000e+00, v4;
	_ =	sdelay $0x1  }
0x3f8: {  	[tilespmem:v13+s21+$0x0] =	vst.idx.msk $0xffff, v4  }
0x3f9: {  	v4 =	vld [tilespmem:s17+$0xFFFFFFA0];
	_ =	sdelay $0x4  }
0x3fa: {  	v4 =	vmul.f32 $8.000000000e+00, v4;
	_ =	sdelay $0x1  }
0x3fb: {  	[tilespmem:v14+s21+$0x0] =	vst.idx.msk $0xffff, v4  }
0x3fc: {  	v4 =	vld [tilespmem:s17+$0xFFFFFFB0];
	_ =	sdelay $0x4  }
0x3fd: {  	v4 =	vmul.f32 $8.000000000e+00, v4;
	_ =	sdelay $0x1  }
0x3fe: {  	[tilespmem:v15+s21+$0x0] =	vst.idx.msk $0xffff, v4  }
0x3ff: {  	v4 =	vld [tilespmem:s17+$0xFFFFFFC0];
	_ =	sdelay $0x4  }
0x400: {  	v4 =	vmul.f32 $8.000000000e+00, v4;
	_ =	sdelay $0x1  }
0x401: {  	[tilespmem:v16+s21+$0x0] =	vst.idx.msk $0xffff, v4  }
0x402: {  	v4 =	vld [tilespmem:s17+$0xFFFFFFD0];
	_ =	sdelay $0x4  }
0x403: {  	v4 =	vmul.f32 $8.000000000e+00, v4;
	_ =	sdelay $0x1  }
0x404: {  	[tilespmem:v17+s21+$0x0] =	vst.idx.msk $0xffff, v4  }
0x405: {  	v4 =	vld [tilespmem:s17+$0xFFFFFFE0];
	_ =	sdelay $0x4  }
0x406: {  	v4 =	vmul.f32 $8.000000000e+00, v4;
	_ =	sdelay $0x1  }
0x407: {  	[tilespmem:v18+s21+$0x0] =	vst.idx.msk $0xffff, v4  }
0x408: {  	v4 =	vld [tilespmem:s17+$0xFFFFFFF0];
	_ =	sdelay $0x4  }
0x409: {  	v4 =	vmul.f32 $8.000000000e+00, v4;
	_ =	sdelay $0x1  }
0x40a: {  	[tilespmem:v19+s21+$0x0] =	vst.idx.msk $0xffff, v4  }
0x40b: {  	v5 =	vld [tilespmem:s17+$0x0];
	_ =	sdelay $0x1  }
0x40c: {  	v4 =	vadd.s32 v3, v12;
	_ =	sdelay $0x2  }
0x40d: {  	s7 =	simm.s32 $0x4;
	v5 =	vmul.f32 $8.000000000e+00, v5  }
.LBB2_29:
0x40e: {  	p0 =	slt.u32 s7, $0x7C  }
0x40f: {  	s17 =	sadd.s32 $0x100, s17;
	s12 =	smov.u32 s7;
	s7 =	sadd.s32 $0x4, s7;
	[tilespmem:v4+s21+$0x0] =	vst.idx.msk $0xffff, v5  }
0x410: {  	v4 =	vmov s12;
	v5 =	vld [tilespmem:s17+$0xFFFFFF10]  }
0x411: {  	v4 =	vand.u32 $0x7C, v4  }
0x412: {  	v6 =	vadd.s32 v0, v4;
	_ =	sdelay $0x2  }
0x413: {  	v5 =	vmul.f32 $8.000000000e+00, v5;
	_ =	sdelay $0x1  }
0x414: {  	[tilespmem:v6+s21+$0x0] =	vst.idx.msk $0xffff, v5  }
0x415: {  	v5 =	vld [tilespmem:s17+$0xFFFFFF20];
	_ =	sdelay $0x1  }
0x416: {  	v6 =	vadd.s32 v1, v4;
	_ =	sdelay $0x2  }
0x417: {  	v5 =	vmul.f32 $8.000000000e+00, v5;
	_ =	sdelay $0x1  }
0x418: {  	[tilespmem:v6+s21+$0x0] =	vst.idx.msk $0xffff, v5  }
0x419: {  	v5 =	vld [tilespmem:s17+$0xFFFFFF30];
	_ =	sdelay $0x1  }
0x41a: {  	v6 =	vadd.s32 v2, v4;
	_ =	sdelay $0x2  }
0x41b: {  	v5 =	vmul.f32 $8.000000000e+00, v5;
	_ =	sdelay $0x1  }
0x41c: {  	[tilespmem:v6+s21+$0x0] =	vst.idx.msk $0xffff, v5  }
0x41d: {  	v5 =	vld [tilespmem:s17+$0xFFFFFF40];
	_ =	sdelay $0x1  }
0x41e: {  	v4 =	vadd.s32 v3, v4;
	_ =	sdelay $0x2  }
0x41f: {  	v5 =	vmul.f32 $8.000000000e+00, v5;
	_ =	sdelay $0x1  }
0x420: {  	s10 =	sadd.s32 $0x1, s12;
	[tilespmem:v4+s21+$0x0] =	vst.idx.msk $0xffff, v5  }
0x421: {  	v4 =	vmov s10;
	v5 =	vld [tilespmem:s17+$0xFFFFFF50]  }
0x422: {  	v4 =	vand.u32 $0x7D, v4  }
0x423: {  	v6 =	vadd.s32 v0, v4;
	_ =	sdelay $0x2  }
0x424: {  	v5 =	vmul.f32 $8.000000000e+00, v5;
	_ =	sdelay $0x1  }
0x425: {  	[tilespmem:v6+s21+$0x0] =	vst.idx.msk $0xffff, v5  }
0x426: {  	v5 =	vld [tilespmem:s17+$0xFFFFFF60];
	_ =	sdelay $0x1  }
0x427: {  	v6 =	vadd.s32 v1, v4;
	_ =	sdelay $0x2  }
0x428: {  	v5 =	vmul.f32 $8.000000000e+00, v5;
	_ =	sdelay $0x1  }
0x429: {  	[tilespmem:v6+s21+$0x0] =	vst.idx.msk $0xffff, v5  }
0x42a: {  	v5 =	vld [tilespmem:s17+$0xFFFFFF70];
	_ =	sdelay $0x1  }
0x42b: {  	v6 =	vadd.s32 v2, v4;
	_ =	sdelay $0x2  }
0x42c: {  	v5 =	vmul.f32 $8.000000000e+00, v5;
	_ =	sdelay $0x1  }
0x42d: {  	[tilespmem:v6+s21+$0x0] =	vst.idx.msk $0xffff, v5  }
0x42e: {  	v5 =	vld [tilespmem:s17+$0xFFFFFF80];
	_ =	sdelay $0x1  }
0x42f: {  	v4 =	vadd.s32 v3, v4;
	_ =	sdelay $0x2  }
0x430: {  	v5 =	vmul.f32 $8.000000000e+00, v5;
	_ =	sdelay $0x1  }
0x431: {  	s10 =	sadd.s32 $0x2, s12;
	[tilespmem:v4+s21+$0x0] =	vst.idx.msk $0xffff, v5  }
0x432: {  	v4 =	vmov s10;
	v5 =	vld [tilespmem:s17+$0xFFFFFF90]  }
0x433: {  	v4 =	vand.u32 $0x7E, v4  }
0x434: {  	v6 =	vadd.s32 v0, v4;
	_ =	sdelay $0x2  }
0x435: {  	v5 =	vmul.f32 $8.000000000e+00, v5;
	_ =	sdelay $0x1  }
0x436: {  	[tilespmem:v6+s21+$0x0] =	vst.idx.msk $0xffff, v5  }
0x437: {  	v5 =	vld [tilespmem:s17+$0xFFFFFFA0];
	_ =	sdelay $0x1  }
0x438: {  	v6 =	vadd.s32 v1, v4;
	_ =	sdelay $0x2  }
0x439: {  	v5 =	vmul.f32 $8.000000000e+00, v5;
	_ =	sdelay $0x1  }
0x43a: {  	[tilespmem:v6+s21+$0x0] =	vst.idx.msk $0xffff, v5  }
0x43b: {  	v5 =	vld [tilespmem:s17+$0xFFFFFFB0];
	_ =	sdelay $0x1  }
0x43c: {  	v6 =	vadd.s32 v2, v4;
	_ =	sdelay $0x2  }
0x43d: {  	v5 =	vmul.f32 $8.000000000e+00, v5;
	_ =	sdelay $0x1  }
0x43e: {  	[tilespmem:v6+s21+$0x0] =	vst.idx.msk $0xffff, v5  }
0x43f: {  	v5 =	vld [tilespmem:s17+$0xFFFFFFC0];
	_ =	sdelay $0x1  }
0x440: {  	v4 =	vadd.s32 v3, v4;
	_ =	sdelay $0x2  }
0x441: {  	v5 =	vmul.f32 $8.000000000e+00, v5;
	_ =	sdelay $0x1  }
0x442: {  	s10 =	sadd.s32 $0x3, s12;
	[tilespmem:v4+s21+$0x0] =	vst.idx.msk $0xffff, v5  }
0x443: {  	v4 =	vmov s10;
	v5 =	vld [tilespmem:s17+$0xFFFFFFD0]  }
0x444: {  	v4 =	vand.u32 $0x7F, v4  }
0x445: {  	v6 =	vadd.s32 v0, v4;
	_ =	sdelay $0x2  }
0x446: {  	v5 =	vmul.f32 $8.000000000e+00, v5;
	_ =	sdelay $0x1  }
0x447: {  	[tilespmem:v6+s21+$0x0] =	vst.idx.msk $0xffff, v5  }
0x448: {  	v5 =	vld [tilespmem:s17+$0xFFFFFFE0];
	_ =	sdelay $0x1  }
0x449: {  	v6 =	vadd.s32 v1, v4;
	_ =	sdelay $0x2  }
0x44a: {  	v5 =	vmul.f32 $8.000000000e+00, v5;
	_ =	sdelay $0x1  }
0x44b: {  	[tilespmem:v6+s21+$0x0] =	vst.idx.msk $0xffff, v5  }
0x44c: {  	v5 =	vld [tilespmem:s17+$0xFFFFFFF0];
	_ =	sdelay $0x1  }
0x44d: {  	v6 =	vadd.s32 v2, v4;
	_ =	sdelay $0x2  }
0x44e: {  	v5 =	vmul.f32 $8.000000000e+00, v5;
	_ =	sdelay $0x1  }
0x44f: {  	[tilespmem:v6+s21+$0x0] =	vst.idx.msk $0xffff, v5  }
0x450: {  	v5 =	vld [tilespmem:s17+$0x0]  }
.Ltmp16:
0x451: {  	(pc) =	sbr.rel @p0 .LBB2_29-.Ltmp16, $2  }
0x452: {  	v4 =	vadd.s32 v3, v4;
	_ =	sdelay $0x2  }
0x453: {  	v5 =	vmul.f32 $8.000000000e+00, v5  }
0x454: {  	_ = 	snop  }
0x455: {  	s7 =	rddreg [dreg:$0x8]  }
0x456: {  	s7 =	sadd.s32 s7, s30  }
0x457: {  	s7 =	sshrl.u32 s7, $0x3  }
0x458: {  	s10 =	simm.s32 $0x14B00;
	[tilespmem:v4+s21+$0x0] =	vst.idx.msk $0xffff, v5;
	s11 =	sadd.s32 s2, s7  }
0x459: {  	[hbm4b:s11+s3] =	stream.linear.scatter [tilespmem:s10], [sflag:$0x6], $0x80, $0x38;
	[tilespmem:$0x18F00] =	vst v63  }
0x45a: {  	s13 =	simm.s32 $0x14B88;
	s12 =	sadd.s32 $0x10, s11  }
0x45b: {  	[hbm4b:s12+s3] =	stream.linear.scatter [tilespmem:s13], [sflag:$0x6], $0x80, $0x38;
	[tilespmem:$0x18F00] =	vst v63  }
0x45c: {  	s17 =	simm.s32 $0x14C10;
	s19 =	simm.s32 $0x14C98;
	s18 =	sadd.s32 $0x20, s11  }
0x45d: {  	[hbm4b:s18+s3] =	stream.linear.scatter [tilespmem:s17], [sflag:$0x6], $0x80, $0x38;
	[tilespmem:$0x18F00] =	vst v63  }
0x45e: {  	s30 =	sadd.s32 $0x30, s11;
	s10 =	sadd.s32 $0x70, s11;
	s12 =	simm.s32 $0x14D20  }
0x45f: {  	[hbm4b:s30+s3] =	stream.linear.scatter [tilespmem:s19], [sflag:$0x6], $0x80, $0x38;
	[tilespmem:$0x18F00] =	vst v63  }
0x460: {  	s13 =	sadd.s32 $0x40, s11;
	s17 =	simm.s32 $0x14DA8;
	s18 =	sadd.s32 $0x50, s11  }
0x461: {  	[hbm4b:s13+s3] =	stream.linear.scatter [tilespmem:s12], [sflag:$0x6], $0x80, $0x38;
	[tilespmem:$0x18F00] =	vst v63  }
0x462: {  	s19 =	simm.s32 $0x14E30;
	s30 =	sadd.s32 $0x60, s11;
	s12 =	simm.s32 $0x440  }
0x463: {  	[hbm4b:s18+s3] =	stream.linear.scatter [tilespmem:s17], [sflag:$0x6], $0x80, $0x38;
	[tilespmem:$0x18F00] =	vst v63  }
0x464: {  	s13 =	simm.s32 $0x14EB8;
	s18 =	simm.s32 $0x2200;
	s17 =	sadd.s32 $0x1000, s11  }
0x465: {  	[hbm4b:s30+s3] =	stream.linear.scatter [tilespmem:s19], [sflag:$0x6], $0x80, $0x38;
	[tilespmem:$0x18F00] =	vst v63  }
.LBB2_31:
0x466: {  	[hbm4b:s10+s3] =	stream.linear.scatter [tilespmem:s13], [sflag:$0x6], $0x80, $0x38;
	[tilespmem:$0x18F00] =	vst v63  }
0x467: {  	s10 =	smov.u32 s12;
	s11 =	smov.u32 s18  }
0x468: {  	s12 =	sshra.s32 s11, $0x2;
	s11 =	sadd.s32 $0x1100, s18;
	s13 =	sadd.s32 $0x14B00, s10  }
0x469: {  	[hbm4b:s17+s3] =	stream.linear.scatter [tilespmem:s13], [sflag:$0x6], $0x80, $0x38;
	[tilespmem:$0x18F00] =	vst v63  }
0x46a: {  	p0 =	sne.s32 s18, $0x7700;
	s18 =	sadd.s32 $0x10, s17;
	s13 =	sadd.s32 $0x14B88, s10  }
0x46b: {  	[hbm4b:s18+s3] =	stream.linear.scatter [tilespmem:s13], [sflag:$0x6], $0x80, $0x38;
	[tilespmem:$0x18F00] =	vst v63  }
0x46c: {  	s13 =	sadd.s32 $0x14C10, s10;
	s18 =	sadd.s32 $0x20, s17  }
0x46d: {  	[hbm4b:s18+s3] =	stream.linear.scatter [tilespmem:s13], [sflag:$0x6], $0x80, $0x38;
	[tilespmem:$0x18F00] =	vst v63  }
0x46e: {  	s13 =	sadd.s32 $0x14C98, s10;
	s18 =	sadd.s32 $0x30, s17  }
0x46f: {  	[hbm4b:s18+s3] =	stream.linear.scatter [tilespmem:s13], [sflag:$0x6], $0x80, $0x38;
	[tilespmem:$0x18F00] =	vst v63  }
0x470: {  	s13 =	sadd.s32 $0x14D20, s10;
	s18 =	sadd.s32 $0x40, s17  }
0x471: {  	[hbm4b:s18+s3] =	stream.linear.scatter [tilespmem:s13], [sflag:$0x6], $0x80, $0x38;
	[tilespmem:$0x18F00] =	vst v63  }
0x472: {  	s13 =	sadd.s32 $0x14DA8, s10;
	s18 =	sadd.s32 $0x50, s17  }
0x473: {  	[hbm4b:s18+s3] =	stream.linear.scatter [tilespmem:s13], [sflag:$0x6], $0x80, $0x38;
	[tilespmem:$0x18F00] =	vst v63  }
.Ltmp17:
0x474: {  	_ = 	snop;
	(pc) =	sbr.rel @p0 .LBB2_31-.Ltmp17, $4  }
0x475: {  	s13 =	sadd.s32 $0x14E30, s10;
	s18 =	sadd.s32 $0x60, s17  }
0x476: {  	[hbm4b:s18+s3] =	stream.linear.scatter [tilespmem:s13], [sflag:$0x6], $0x80, $0x38;
	[tilespmem:$0x18F00] =	vst v63  }
0x477: {  	s13 =	sadd.s32 $0x14EB8, s10  }
0x478: {  	s10 =	sadd.s32 $0x70, s17;
	s17 =	sadd.s32 $0x1000, s17;
	s18 =	smov.u32 s11  }
0x479: {  	[hbm4b:s10+s3] =	stream.linear.scatter [tilespmem:s13], [sflag:$0x6], $0x80, $0x38;
	[tilespmem:$0x18F00] =	vst v63  }
0x47a: {  	s19 =	sadd.s32 $0x14B00, s12  }
0x47b: {  	[hbm4b:s17+s3] =	stream.linear.scatter [tilespmem:s19], [sflag:$0x6], $0x80, $0x38;
	[tilespmem:$0x18F00] =	vst v63  }
0x47c: {  	s30 =	sadd.s32 $0x14B88, s12;
	s11 =	sadd.s32 $0x10, s17  }
0x47d: {  	[hbm4b:s11+s3] =	stream.linear.scatter [tilespmem:s30], [sflag:$0x6], $0x80, $0x38;
	[tilespmem:$0x18F00] =	vst v63  }
0x47e: {  	s13 =	sadd.s32 $0x14C10, s12;
	s18 =	sadd.s32 $0x20, s17  }
0x47f: {  	[hbm4b:s18+s3] =	stream.linear.scatter [tilespmem:s13], [sflag:$0x6], $0x80, $0x38;
	[tilespmem:$0x18F00] =	vst v63  }
0x480: {  	s19 =	sadd.s32 $0x14C98, s12;
	s30 =	sadd.s32 $0x30, s17  }
0x481: {  	[hbm4b:s30+s3] =	stream.linear.scatter [tilespmem:s19], [sflag:$0x6], $0x80, $0x38;
	[tilespmem:$0x18F00] =	vst v63  }
0x482: {  	s13 =	sadd.s32 $0x14D20, s12;
	s18 =	sadd.s32 $0x40, s17  }
0x483: {  	[hbm4b:s18+s3] =	stream.linear.scatter [tilespmem:s13], [sflag:$0x6], $0x80, $0x38;
	[tilespmem:$0x18F00] =	vst v63  }
0x484: {  	s19 =	sadd.s32 $0x14DA8, s12;
	s30 =	sadd.s32 $0x50, s17  }
0x485: {  	[hbm4b:s30+s3] =	stream.linear.scatter [tilespmem:s19], [sflag:$0x6], $0x80, $0x38;
	[tilespmem:$0x18F00] =	vst v63  }
0x486: {  	s13 =	sadd.s32 $0x14E30, s12;
	s18 =	sadd.s32 $0x60, s17  }
0x487: {  	[hbm4b:s18+s3] =	stream.linear.scatter [tilespmem:s13], [sflag:$0x6], $0x80, $0x38;
	[tilespmem:$0x18F00] =	vst v63  }
0x488: {  	s19 =	sadd.s32 $0x14EB8, s12;
	s30 =	sadd.s32 $0x70, s17  }
0x489: {  	[hbm4b:s30+s3] =	stream.linear.scatter [tilespmem:s19], [sflag:$0x6], $0x80, $0x38;
	[tilespmem:$0x18F00] =	vst v63  }
0x48a: {  	s10 =	simm.s32 $0x16D00;
	s11 =	sadd.s32 s7, s9  }
0x48b: {  	[hbm4b:s11+s3] =	stream.linear.scatter [tilespmem:s10], [sflag:$0x6], $0x80, $0x38;
	[tilespmem:$0x18F00] =	vst v63  }
0x48c: {  	s12 =	simm.s32 $0x16D88;
	s13 =	sadd.s32 $0x10, s11  }
0x48d: {  	[hbm4b:s13+s3] =	stream.linear.scatter [tilespmem:s12], [sflag:$0x6], $0x80, $0x38;
	[tilespmem:$0x18F00] =	vst v63  }
0x48e: {  	s7 =	simm.s32 $0x440;
	s17 =	simm.s32 $0x16E10;
	s18 =	sadd.s32 $0x20, s11  }
0x48f: {  	[hbm4b:s18+s3] =	stream.linear.scatter [tilespmem:s17], [sflag:$0x6], $0x80, $0x38;
	[tilespmem:$0x18F00] =	vst v63  }
0x490: {  	s19 =	simm.s32 $0x16E98;
	s30 =	sadd.s32 $0x30, s11;
	s10 =	sadd.s32 $0x70, s11  }
0x491: {  	[hbm4b:s30+s3] =	stream.linear.scatter [tilespmem:s19], [sflag:$0x6], $0x80, $0x38;
	[tilespmem:$0x18F00] =	vst v63  }
0x492: {  	s12 =	simm.s32 $0x16F20;
	s13 =	sadd.s32 $0x40, s11;
	s17 =	simm.s32 $0x16FA8  }
0x493: {  	[hbm4b:s13+s3] =	stream.linear.scatter [tilespmem:s12], [sflag:$0x6], $0x80, $0x38;
	[tilespmem:$0x18F00] =	vst v63  }
0x494: {  	s18 =	sadd.s32 $0x50, s11;
	s19 =	simm.s32 $0x17030;
	s30 =	sadd.s32 $0x60, s11  }
0x495: {  	[hbm4b:s18+s3] =	stream.linear.scatter [tilespmem:s17], [sflag:$0x6], $0x80, $0x38;
	[tilespmem:$0x18F00] =	vst v63  }
0x496: {  	s13 =	simm.s32 $0x170B8;
	s12 =	sadd.s32 $0x1000, s11;
	s17 =	simm.s32 $0x2200  }
0x497: {  	[hbm4b:s30+s3] =	stream.linear.scatter [tilespmem:s19], [sflag:$0x6], $0x80, $0x38;
	[tilespmem:$0x18F00] =	vst v63  }
.LBB2_33:
0x498: {  	[hbm4b:s10+s3] =	stream.linear.scatter [tilespmem:s13], [sflag:$0x6], $0x80, $0x38;
	[tilespmem:$0x18F00] =	vst v63  }
0x499: {  	s10 =	smov.u32 s7;
	s7 =	smov.u32 s17  }
0x49a: {  	s11 =	sadd.s32 $0x1100, s17;
	s7 =	sshra.s32 s7, $0x2;
	s13 =	sadd.s32 $0x16D00, s10  }
0x49b: {  	[hbm4b:s12+s3] =	stream.linear.scatter [tilespmem:s13], [sflag:$0x6], $0x80, $0x38;
	[tilespmem:$0x18F00] =	vst v63  }
0x49c: {  	p0 =	sne.s32 s17, $0x7700;
	s17 =	sadd.s32 $0x10, s12;
	s13 =	sadd.s32 $0x16D88, s10  }
0x49d: {  	[hbm4b:s17+s3] =	stream.linear.scatter [tilespmem:s13], [sflag:$0x6], $0x80, $0x38;
	[tilespmem:$0x18F00] =	vst v63  }
0x49e: {  	s13 =	sadd.s32 $0x16E10, s10;
	s17 =	sadd.s32 $0x20, s12  }
0x49f: {  	[hbm4b:s17+s3] =	stream.linear.scatter [tilespmem:s13], [sflag:$0x6], $0x80, $0x38;
	[tilespmem:$0x18F00] =	vst v63  }
0x4a0: {  	s13 =	sadd.s32 $0x16E98, s10;
	s17 =	sadd.s32 $0x30, s12  }
0x4a1: {  	[hbm4b:s17+s3] =	stream.linear.scatter [tilespmem:s13], [sflag:$0x6], $0x80, $0x38;
	[tilespmem:$0x18F00] =	vst v63  }
0x4a2: {  	s13 =	sadd.s32 $0x16F20, s10;
	s17 =	sadd.s32 $0x40, s12  }
0x4a3: {  	[hbm4b:s17+s3] =	stream.linear.scatter [tilespmem:s13], [sflag:$0x6], $0x80, $0x38;
	[tilespmem:$0x18F00] =	vst v63  }
0x4a4: {  	s13 =	sadd.s32 $0x16FA8, s10;
	s17 =	sadd.s32 $0x50, s12  }
0x4a5: {  	[hbm4b:s17+s3] =	stream.linear.scatter [tilespmem:s13], [sflag:$0x6], $0x80, $0x38;
	[tilespmem:$0x18F00] =	vst v63  }
.Ltmp18:
0x4a6: {  	_ = 	snop;
	(pc) =	sbr.rel @p0 .LBB2_33-.Ltmp18, $4  }
0x4a7: {  	s13 =	sadd.s32 $0x17030, s10;
	s17 =	sadd.s32 $0x60, s12  }
0x4a8: {  	[hbm4b:s17+s3] =	stream.linear.scatter [tilespmem:s13], [sflag:$0x6], $0x80, $0x38;
	[tilespmem:$0x18F00] =	vst v63  }
0x4a9: {  	s13 =	sadd.s32 $0x170B8, s10  }
0x4aa: {  	s10 =	sadd.s32 $0x70, s12;
	s12 =	sadd.s32 $0x1000, s12;
	s17 =	smov.u32 s11  }
0x4ab: {  	[hbm4b:s10+s3] =	stream.linear.scatter [tilespmem:s13], [sflag:$0x6], $0x80, $0x38;
	[tilespmem:$0x18F00] =	vst v63  }
0x4ac: {  	s19 =	sadd.s32 $0x16D00, s7  }
0x4ad: {  	[hbm4b:s12+s3] =	stream.linear.scatter [tilespmem:s19], [sflag:$0x6], $0x80, $0x38;
	[tilespmem:$0x18F00] =	vst v63  }
0x4ae: {  	s30 =	sadd.s32 $0x16D88, s7;
	s11 =	sadd.s32 $0x10, s12  }
0x4af: {  	[hbm4b:s11+s3] =	stream.linear.scatter [tilespmem:s30], [sflag:$0x6], $0x80, $0x38;
	[tilespmem:$0x18F00] =	vst v63  }
0x4b0: {  	s13 =	sadd.s32 $0x20, s12;
	s11 =	sadd.s32 $0x16E10, s7  }
0x4b1: {  	[hbm4b:s13+s3] =	stream.linear.scatter [tilespmem:s11], [sflag:$0x6], $0x80, $0x38;
	[tilespmem:$0x18F00] =	vst v63  }
0x4b2: {  	s17 =	sadd.s32 $0x16E98, s7;
	s18 =	sadd.s32 $0x30, s12  }
0x4b3: {  	[hbm4b:s18+s3] =	stream.linear.scatter [tilespmem:s17], [sflag:$0x6], $0x80, $0x38;
	[tilespmem:$0x18F00] =	vst v63  }
0x4b4: {  	s19 =	sadd.s32 $0x16F20, s7;
	s30 =	sadd.s32 $0x40, s12  }
0x4b5: {  	[hbm4b:s30+s3] =	stream.linear.scatter [tilespmem:s19], [sflag:$0x6], $0x80, $0x38;
	[tilespmem:$0x18F00] =	vst v63  }
0x4b6: {  	s11 =	sadd.s32 $0x16FA8, s7;
	s13 =	sadd.s32 $0x50, s12  }
0x4b7: {  	[hbm4b:s13+s3] =	stream.linear.scatter [tilespmem:s11], [sflag:$0x6], $0x80, $0x38;
	[tilespmem:$0x18F00] =	vst v63  }
.Ltmp19:
0x4b8: {  	_ = 	snop;
	(pc) =	sbr.rel .LBB2_2-.Ltmp19, $4  }
0x4b9: {  	s17 =	sadd.s32 $0x17030, s7;
	s18 =	sadd.s32 $0x60, s12  }
0x4ba: {  	[hbm4b:s18+s3] =	stream.linear.scatter [tilespmem:s17], [sflag:$0x6], $0x80, $0x38;
	[tilespmem:$0x18F00] =	vst v63  }
0x4bb: {  	s29 =	sadd.s32 $0x1, s29;
	s19 =	sadd.s32 $0x170B8, s7;
	s30 =	sadd.s32 $0x70, s12  }
0x4bc: {  	[hbm4b:s30+s3] =	stream.linear.scatter [tilespmem:s19], [sflag:$0x6], $0x80, $0x38;
	[tilespmem:$0x18F00] =	vst v63  }
.LBB2_36:
0x4bd: {  	_ =	sfence.sel $0x180000  }
0x4be: {  	[bflag:$0x0] =	sbarrier.arrive $0xFFFF  }
0x4bf: {  	_ =	strace $0x90000047  }
0x4c0: {  	s0 =	stileid.u32;
	[bflag:$0x2] =	sbarrier.arrive $0xFFFF  }
0x4c1: {  	p0 =	sne.s32 s0, $0x0;
	s0 =	rddreg [dreg:$0x2]  }
0x4c2: {  	s0 =	sadd.s32 @!p0 $0x100000, s0  }
0x4c3: {  	[sflag:s0] =	ssyncadd.tile.s32 @!p0 $0x1;
	_ =	shalt  }
.Lfunc_end2:
_tile_overlayer_lowered:
.L_overlay_start_2:
0x4c4: {  	(tag) =	ssettag $0x2  }
0x4c5: {  	s0 =	rddreg [dreg:$0x0];
	s2 =	stileid.u32  }
0x4c6: {  	s1 =	rddreg [dreg:$0x1];
	p0 =	sne.s32 s2, $0x0  }
0x4c7: {  	s3 =	rddreg [dreg:$0x2];
	[bflag:$0x3] =	sbarrier.arrive $0xFFFF;
	s2 =	simm.s32 @!p0 $0x1C07  }
0x4c8: {  	[timem:s3], [sflag:s2] =	dma.local @!p0 [hbm:s0], s1  }
0x4c9: {  	s0 =	simm.s32 @!p0 $0x7  }
0x4ca: {  	_ =	swait.ge @!p0 [sflag:s0], s1  }
0x4cb: {  	s1 =	ssub.s32 @!p0 $0x0, s1;
	[sflag:s0] =	ssyncset.done @!p0 $0x0  }
0x4cc: {  	[sflag:s0] =	ssyncadd.s32 @!p0 s1  }
0x4cd: {  	[bflag:$0x3] =	sbarrier.arrive $0xFFFF  }
0x4ce: {  	_ =	shalt  }

</sc_bundles>
